<compile_context>
chip_gen: v7x
topology: tpu7x:2x2x1
jax: 0.10.2.dev20260603
libtpu: 0.0.44.dev20260713+nightly
codegen_flags: <defaults>
</compile_context>

<pallas_src>
import functools

import numpy as np
import jax
import jax.numpy as jnp
from jax import lax
from jax.experimental import pallas as pl
from jax.experimental.pallas import tpu as pltpu
from jax.experimental.pallas import tpu_sc as plsc

_B = 8
_K = 8192
_C = 3
_H, _W = 512, 512
_L = (_H // _B) * (_W // _B)
_D = _B * _B * _C
_DP = 256
_SLICE = _B * _W * _C
_TSLICE = 64 * _DP

_NC = 2
_NS = 16
_NW = _NC * _NS
_SPW = (_H // _B) // _NW
_BPW = _L // _NW


def _np_blockify(x, B):
    h, w, c = x.shape
    t = x.reshape(h // B, B, w // B, B, c)
    t = np.transpose(t, (0, 2, 4, 1, 3))
    return t.reshape(-1, B * B, c)


def _make_perm_table():
    idx_img = np.arange(_H * _W * _C, dtype=np.int64).reshape(_H, _W, _C)
    perm = _np_blockify(_np_blockify(idx_img, _B), _B).reshape(_L, _D)
    return perm[:64].reshape(-1).astype(np.int32)


_PERM_LOCAL_NP = _make_perm_table()
_BF_SLICE = 64 * _D


@functools.cache
def _make_bf_build():
    @functools.partial(
        pl.kernel,
        mesh=plsc.VectorSubcoreMesh(core_axis_name="c", subcore_axis_name="s"),
        compiler_params=pltpu.CompilerParams(needs_layout_passes=False),
        out_type=jax.ShapeDtypeStruct((_L * _D,), jnp.float32),
        scratch_types=[
            pltpu.VMEM((_SLICE,), jnp.float32),
            pltpu.VMEM((_BF_SLICE,), jnp.int32),
            pltpu.VMEM((_BF_SLICE,), jnp.float32),
        ],
    )
    def _bf_build(img_hbm, perm_hbm, bf_hbm, img_v, perm_v, out_v):
        wid = lax.axis_index("s") * _NC + lax.axis_index("c")
        pltpu.sync_copy(perm_hbm.at[pl.ds(0, _BF_SLICE)], perm_v)
        for t in range(_SPW):
            h4 = wid * _SPW + t
            pltpu.sync_copy(img_hbm.at[pl.ds(h4 * _SLICE, _SLICE)], img_v)

            def body(i, _, t=t):
                for u in range(8):
                    base = i * 128 + u * 16
                    iv = perm_v[pl.ds(base, 16)]
                    out_v[pl.ds(base, 16)] = plsc.load_gather(img_v, [iv])
                return 0

            lax.fori_loop(0, _BF_SLICE // 128, body, 0)
            pltpu.sync_copy(out_v, bf_hbm.at[pl.ds(h4 * _BF_SLICE, _BF_SLICE)])

    return _bf_build


_LT = 512
_RT = 128


def _argmin_body(bf_ref, cf_ref, out_ref, ab_ref, cn_ref):
    @pl.when(pl.program_id(0) == 0)
    def _():
        cfc = cf_ref[:, :]
        cn_ref[:, :] = jnp.sum(cfc * cfc, axis=1, keepdims=True).reshape(1, _K)

    ab_ref[:, :] = lax.dot_general(
        bf_ref[:, :], cf_ref[:, :], (((1,), (1,)), ((), ())),
        preferred_element_type=jnp.float32)

    def row_tile(r):
        bfr = bf_ref[pl.ds(r * _RT, _RT), :]
        bn = jnp.sum(bfr * bfr, axis=1, keepdims=True)
        val = jnp.full((_RT, 128), jnp.inf, jnp.float32)
        blk = jnp.zeros((_RT, 128), jnp.int32)
        for j in range(_K // 128):
            abj = ab_ref[pl.ds(r * _RT, _RT), pl.ds(j * 128, 128)]
            cnj = cn_ref[:, pl.ds(j * 128, 128)]
            dist = jnp.sqrt(jnp.maximum((bn + cnj) - 2.0 * abj, 0.0))
            c = dist < val
            val = jnp.where(c, dist, val)
            blk = jnp.where(c, jnp.int32(j), blk)
        m = jnp.min(val, axis=1, keepdims=True)
        lane = lax.broadcasted_iota(jnp.int32, (_RT, 128), 1)
        cand = jnp.where((val == m), blk * 128 + lane, jnp.int32(2**30))
        out_ref[pl.ds(r * _RT, _RT), :] = jnp.min(cand, axis=1, keepdims=True)

    for r in range(_LT // _RT):
        row_tile(r)


_argmin_call = pl.pallas_call(
    _argmin_body,
    grid=(_L // _LT,),
    in_specs=[
        pl.BlockSpec((_LT, _D), lambda i: (i, 0)),
        pl.BlockSpec((_K, _D), lambda i: (0, 0)),
    ],
    out_specs=pl.BlockSpec((_LT, 1), lambda i: (i, 0)),
    out_shape=jax.ShapeDtypeStruct((_L, 1), jnp.int32),
    scratch_shapes=[
        pltpu.VMEM((_LT, _K), jnp.float32),
        pltpu.VMEM((1, _K), jnp.float32),
    ],
)


@functools.cache
def _make_sc_gather():
    @functools.partial(
        pl.kernel,
        mesh=plsc.VectorSubcoreMesh(core_axis_name="c", subcore_axis_name="s"),
        out_type=jax.ShapeDtypeStruct((_L, _DP), jnp.float32),
        scratch_types=[
            pltpu.VMEM((_BPW,), jnp.int32),
            pltpu.VMEM((_BPW, _DP), jnp.float32),
            pltpu.SemaphoreType.DMA,
        ],
    )
    def _sc_gather(table_hbm, idx_hbm, out_hbm, idx_v, rows_v, sem):
        wid = lax.axis_index("s") * _NC + lax.axis_index("c")
        base = wid * _BPW
        pltpu.sync_copy(idx_hbm.at[pl.ds(base, _BPW)], idx_v)
        pltpu.async_copy(table_hbm.at[idx_v], rows_v, sem).wait()
        pltpu.sync_copy(rows_v, out_hbm.at[pl.ds(base, _BPW)])

    return _sc_gather


def _unblockify(blocks, image_shape, B):
    h, w, c = image_shape
    t = blocks.reshape(h // B, w // B, B, B, c)
    t = jnp.transpose(t, (0, 2, 1, 3, 4))
    return t.reshape(h, w, c)


def kernel(image, codebook):
    cf = codebook.reshape(_K, _D)
    perm = jnp.asarray(_PERM_LOCAL_NP)
    bf = _make_bf_build()(image.reshape(-1), perm).reshape(_L, _D)
    closest = _argmin_call(bf, cf).reshape(_L)
    cf_pad = jnp.pad(cf, ((0, 0), (0, _DP - _D)))
    qrows = _make_sc_gather()(cf_pad, closest)[:, :_D]
    return _unblockify(qrows.reshape(_L, _B * _B, _C), image.shape, _B)

# --- scband reference (transcript-rebuilt; emitter-appended) ---
"""Pipeline reference for scband-vector-quantizer-17145509446289 (READ-ONLY COPY).

The authoritative reference and input builder live on the scoring server;
editing this copy changes nothing except your own understanding.
"""

import jax, jax.numpy as jnp
import numpy as np

BLOCK = 8
CODEBOOK_SIZE = 8192
CHANNELS = 3
H, W = 512, 512


def _blockify(x, B):
    # faithful to torch: x.unfold(0,B,B).unfold(1,B,B).reshape(-1, B*B, C)
    h, w, c = x.shape
    t = x.reshape(h // B, B, w // B, B, c)
    # after two unfolds torch layout is [h//B, w//B, c, B, B]
    t = jnp.transpose(t, (0, 2, 4, 1, 3))
    return t.reshape(-1, B * B, c)


def _unblockify(blocks, image_shape, B):
    h, w, c = image_shape
    t = blocks.reshape(h // B, w // B, B, B, c)
    t = jnp.transpose(t, (0, 2, 1, 3, 4))
    return t.reshape(h, w, c)


def setup_inputs(seed: int = 0) -> dict:
    key = jax.random.key(seed)
    k1, k2 = jax.random.split(key)
    image = jax.random.normal(k1, (H, W, CHANNELS), dtype=jnp.float32)
    # learned codebook parameter [K, B*B, C] (original inits to zeros; use randn as trained values)
    codebook = jax.random.normal(k2, (CODEBOOK_SIZE, BLOCK * BLOCK, CHANNELS), dtype=jnp.float32)
    return {"image": image, "codebook": codebook}


def reference(image, codebook):
    B = BLOCK
    # forward: blocks = blockify(image)
    blocks = _blockify(image, B)  # [L, B*B, C]
    # _quantize is called on `blocks` (treated as an 'image'), so blockify runs again
    blocks2 = _blockify(blocks, B)  # [L, B*B, C] again (element-permuted)
    L = blocks2.shape[0]
    bf = blocks2.reshape(L, -1)
    cf = codebook.reshape(codebook.shape[0], -1)
    # torch.cdist(p=2)
    d2 = (jnp.sum(bf * bf, axis=1)[:, None]
          + jnp.sum(cf * cf, axis=1)[None, :]
          - 2.0 * bf @ cf.T)
    distances = jnp.sqrt(jnp.maximum(d2, 0.0))
    closest = jnp.argmin(distances, axis=1)  # [L]
    quantized_blocks = jnp.take(codebook, closest, axis=0)  # [L, B*B, C]
    return _unblockify(quantized_blocks, image.shape, B)

if __name__ == "__main__":
    import jax
    _d = setup_inputs()
    print(jax.jit(kernel)(*tuple(_d.values())))

</pallas_src>

<mosaic_0001>
#map = affine_map<(d0, d1) -> (0, 0)>
#map1 = affine_map<(d0, d1) -> (0)>
module attributes {stable_mosaic.version = 14 : i64} {
  func.func @_sc_gather(%arg0: i32, %arg1: i32, %arg2: memref<8192x256xf32, #tpu.memory_space<hbm>>, %arg3: memref<4096xi32, #tpu.memory_space<hbm>>, %arg4: memref<4096x256xf32, #tpu.memory_space<hbm>>, %arg5: memref<128xi32, #tpu.memory_space<vmem>>, %arg6: memref<128x256xf32, #tpu.memory_space<vmem>>, %arg7: memref<!tpu.dma_semaphore, #tpu.memory_space<semaphore_mem>>) attributes {dimension_semantics = [#tpu.dimension_semantics<core_parallel>, #tpu.dimension_semantics<subcore_parallel>], iteration_bounds = array<i64: 2, 16>, scalar_prefetch = 0 : i64, scratch_operands = 3 : i64, tpu.core_type = #tpu.core_type<sc_vector_subcore>, window_params = [{transform_indices = #map}, {transform_indices = #map1}, {transform_indices = #map}]} {
    %mul3A = arith.constant 2 : i32
    %mul3A_0 = arith.muli %arg1, %mul3A : i32
    %add3A = arith.addi %mul3A_0, %arg0 : i32
    %mul3A_1 = arith.constant 128 : i32
    %mul3A_2 = arith.muli %add3A, %mul3A_1 : i32
    "tpu.region"() ({
      %run_scoped3A = tpu.sem_alloc : memref<!tpu.dma_semaphore, #tpu.memory_space<semaphore_mem>>
      %dma_start3A_7 = tpu.memref_slice %arg3[%mul3A_2] : memref<4096xi32, #tpu.memory_space<hbm>> -> memref<128xi32, #tpu.memory_space<hbm>>
      %dma_start3A_8 = tpu.memref_slice %arg3[%mul3A_2] : memref<4096xi32, #tpu.memory_space<hbm>> -> memref<128xi32, #tpu.memory_space<hbm>>
      tpu.enqueue_dma source(%dma_start3A_8 : memref<128xi32, #tpu.memory_space<hbm>>) target(%arg5 : memref<128xi32, #tpu.memory_space<vmem>>) target_semaphore(%run_scoped3A : memref<!tpu.dma_semaphore, #tpu.memory_space<semaphore_mem>>)
      %dma_wait3A_9 = tpu.memref_slice %arg3[%mul3A_2] : memref<4096xi32, #tpu.memory_space<hbm>> -> memref<128xi32, #tpu.memory_space<hbm>>
      %dma_wait3A_10 = tpu.memref_slice %arg3[%mul3A_2] : memref<4096xi32, #tpu.memory_space<hbm>> -> memref<128xi32, #tpu.memory_space<hbm>>
      tpu.wait_dma2 semaphore(%run_scoped3A : memref<!tpu.dma_semaphore, #tpu.memory_space<semaphore_mem>>) src(%dma_wait3A_10 : memref<128xi32, #tpu.memory_space<hbm>>) dst(%arg5 : memref<128xi32, #tpu.memory_space<vmem>>)
      tpu.yield
    }) : () -> ()
    %dma_start3A = arith.constant 0 : i32
    %dma_start3A_3 = arith.constant 0 : i32
    %dma_start3A_4 = tpu.memref_slice %arg2[%dma_start3A, %dma_start3A_3] : memref<8192x256xf32, #tpu.memory_space<hbm>> -> memref<8192x256xf32, #tpu.memory_space<hbm>>
    tpu.enqueue_indirect_dma source(%dma_start3A_4 : memref<8192x256xf32, #tpu.memory_space<hbm>>) target(%arg6 : memref<128x256xf32, #tpu.memory_space<vmem>>) offsets(%arg5 : memref<128xi32, #tpu.memory_space<vmem>>) semaphore(%arg7 : memref<!tpu.dma_semaphore, #tpu.memory_space<semaphore_mem>>)
    %dma_wait3A = arith.constant 0 : i32
    %dma_wait3A_5 = arith.constant 0 : i32
    %dma_wait3A_6 = tpu.memref_slice %arg2[%dma_wait3A, %dma_wait3A_5] : memref<8192x256xf32, #tpu.memory_space<hbm>> -> memref<8192x256xf32, #tpu.memory_space<hbm>>
    tpu.wait_indirect_dma semaphore(%arg7 : memref<!tpu.dma_semaphore, #tpu.memory_space<semaphore_mem>>) src(%dma_wait3A_6 : memref<8192x256xf32, #tpu.memory_space<hbm>>) dst(%arg6 : memref<128x256xf32, #tpu.memory_space<vmem>>)
    "tpu.region"() ({
      %run_scoped3A = tpu.sem_alloc : memref<!tpu.dma_semaphore, #tpu.memory_space<semaphore_mem>>
      %dma_start3A_7 = arith.constant 0 : i32
      %dma_start3A_8 = tpu.memref_slice %arg4[%mul3A_2, %dma_start3A_7] : memref<4096x256xf32, #tpu.memory_space<hbm>> -> memref<128x256xf32, #tpu.memory_space<hbm>>
      %dma_start3A_9 = arith.constant 0 : i32
      %dma_start3A_10 = tpu.memref_slice %arg4[%mul3A_2, %dma_start3A_9] : memref<4096x256xf32, #tpu.memory_space<hbm>> -> memref<128x256xf32, #tpu.memory_space<hbm>>
      tpu.enqueue_dma source(%arg6 : memref<128x256xf32, #tpu.memory_space<vmem>>) target(%dma_start3A_10 : memref<128x256xf32, #tpu.memory_space<hbm>>) target_semaphore(%run_scoped3A : memref<!tpu.dma_semaphore, #tpu.memory_space<semaphore_mem>>)
      %dma_wait3A_11 = arith.constant 0 : i32
      %dma_wait3A_12 = tpu.memref_slice %arg4[%mul3A_2, %dma_wait3A_11] : memref<4096x256xf32, #tpu.memory_space<hbm>> -> memref<128x256xf32, #tpu.memory_space<hbm>>
      %dma_wait3A_13 = arith.constant 0 : i32
      %dma_wait3A_14 = tpu.memref_slice %arg4[%mul3A_2, %dma_wait3A_13] : memref<4096x256xf32, #tpu.memory_space<hbm>> -> memref<128x256xf32, #tpu.memory_space<hbm>>
      tpu.wait_dma2 semaphore(%run_scoped3A : memref<!tpu.dma_semaphore, #tpu.memory_space<semaphore_mem>>) src(%arg6 : memref<128x256xf32, #tpu.memory_space<vmem>>) dst(%dma_wait3A_14 : memref<128x256xf32, #tpu.memory_space<hbm>>)
      tpu.yield
    }) : () -> ()
    return
  }
}

#map = affine_map<(d0, d1) -> (0)>
module attributes {stable_mosaic.version = 14 : i64} {
  func.func @_bf_build(%arg0: i32, %arg1: i32, %arg2: memref<786432xf32, #tpu.memory_space<hbm>>, %arg3: memref<12288xi32, #tpu.memory_space<hbm>>, %arg4: memref<786432xf32, #tpu.memory_space<hbm>>, %arg5: memref<12288xf32, #tpu.memory_space<vmem>>, %arg6: memref<12288xi32, #tpu.memory_space<vmem>>, %arg7: memref<12288xf32, #tpu.memory_space<vmem>>) attributes {dimension_semantics = [#tpu.dimension_semantics<core_parallel>, #tpu.dimension_semantics<subcore_parallel>], iteration_bounds = array<i64: 2, 16>, scalar_prefetch = 0 : i64, scratch_operands = 3 : i64, tpu.core_type = #tpu.core_type<sc_vector_subcore>, window_params = [{transform_indices = #map}, {transform_indices = #map}, {transform_indices = #map}]} {
    %mul3A = arith.constant 2 : i32
    %mul3A_0 = arith.muli %arg1, %mul3A : i32
    %add3A = arith.addi %mul3A_0, %arg0 : i32
    "tpu.region"() ({
      %run_scoped3A = tpu.sem_alloc : memref<!tpu.dma_semaphore, #tpu.memory_space<semaphore_mem>>
      %dma_start3A = arith.constant 0 : i32
      %dma_start3A_30 = tpu.memref_slice %arg3[%dma_start3A] : memref<12288xi32, #tpu.memory_space<hbm>> -> memref<12288xi32, #tpu.memory_space<hbm>>
      %dma_start3A_31 = arith.constant 0 : i32
      %dma_start3A_32 = tpu.memref_slice %arg3[%dma_start3A_31] : memref<12288xi32, #tpu.memory_space<hbm>> -> memref<12288xi32, #tpu.memory_space<hbm>>
      tpu.enqueue_dma source(%dma_start3A_32 : memref<12288xi32, #tpu.memory_space<hbm>>) target(%arg6 : memref<12288xi32, #tpu.memory_space<vmem>>) target_semaphore(%run_scoped3A : memref<!tpu.dma_semaphore, #tpu.memory_space<semaphore_mem>>)
      %dma_wait3A = arith.constant 0 : i32
      %dma_wait3A_33 = tpu.memref_slice %arg3[%dma_wait3A] : memref<12288xi32, #tpu.memory_space<hbm>> -> memref<12288xi32, #tpu.memory_space<hbm>>
      %dma_wait3A_34 = arith.constant 0 : i32
      %dma_wait3A_35 = tpu.memref_slice %arg3[%dma_wait3A_34] : memref<12288xi32, #tpu.memory_space<hbm>> -> memref<12288xi32, #tpu.memory_space<hbm>>
      tpu.wait_dma2 semaphore(%run_scoped3A : memref<!tpu.dma_semaphore, #tpu.memory_space<semaphore_mem>>) src(%dma_wait3A_35 : memref<12288xi32, #tpu.memory_space<hbm>>) dst(%arg6 : memref<12288xi32, #tpu.memory_space<vmem>>)
      tpu.yield
    }) : () -> ()
    %mul3A_1 = arith.constant 2 : i32
    %mul3A_2 = arith.muli %add3A, %mul3A_1 : i32
    %add3A_3 = arith.constant 0 : i32
    %add3A_4 = arith.addi %mul3A_2, %add3A_3 : i32
    %mul3A_5 = arith.constant 12288 : i32
    %mul3A_6 = arith.muli %add3A_4, %mul3A_5 : i32
    "tpu.region"() ({
      %run_scoped3A = tpu.sem_alloc : memref<!tpu.dma_semaphore, #tpu.memory_space<semaphore_mem>>
      %dma_start3A = tpu.memref_slice %arg2[%mul3A_6] : memref<786432xf32, #tpu.memory_space<hbm>> -> memref<12288xf32, #tpu.memory_space<hbm>>
      %dma_start3A_30 = tpu.memref_slice %arg2[%mul3A_6] : memref<786432xf32, #tpu.memory_space<hbm>> -> memref<12288xf32, #tpu.memory_space<hbm>>
      tpu.enqueue_dma source(%dma_start3A_30 : memref<12288xf32, #tpu.memory_space<hbm>>) target(%arg5 : memref<12288xf32, #tpu.memory_space<vmem>>) target_semaphore(%run_scoped3A : memref<!tpu.dma_semaphore, #tpu.memory_space<semaphore_mem>>)
      %dma_wait3A = tpu.memref_slice %arg2[%mul3A_6] : memref<786432xf32, #tpu.memory_space<hbm>> -> memref<12288xf32, #tpu.memory_space<hbm>>
      %dma_wait3A_31 = tpu.memref_slice %arg2[%mul3A_6] : memref<786432xf32, #tpu.memory_space<hbm>> -> memref<12288xf32, #tpu.memory_space<hbm>>
      tpu.wait_dma2 semaphore(%run_scoped3A : memref<!tpu.dma_semaphore, #tpu.memory_space<semaphore_mem>>) src(%dma_wait3A_31 : memref<12288xf32, #tpu.memory_space<hbm>>) dst(%arg5 : memref<12288xf32, #tpu.memory_space<vmem>>)
      tpu.yield
    }) : () -> ()
    %scan3A = arith.constant 0 : i32
    %scan3A_7 = arith.constant 0 : i32
    %scan3A_8 = arith.constant 96 : i32
    %scan3A_9 = arith.addi %scan3A_7, %scan3A_8 : i32
    %scan3A_10 = arith.constant 1 : i32
    %scan3A_11 = scf.for %scan3A_30 = %scan3A_7 to %scan3A_9 step %scan3A_10 iter_args(%scan3A_31 = %scan3A) -> (i32)  : i32 {
      %mul3A_32 = arith.constant 128 : i32
      %mul3A_33 = arith.muli %scan3A_30, %mul3A_32 : i32
      %add3A_34 = arith.constant 0 : i32
      %add3A_35 = arith.addi %mul3A_33, %add3A_34 : i32
      %get3A = arith.index_cast %add3A_35 : i32 to index
      %get3A_36 = tpu.vector_load %arg6[%get3A] {strides = array<i32>} : memref<12288xi32, #tpu.memory_space<vmem>>, vector<16xi32>,
      %gather3A = tpu.vector_load_idx %arg5[%get3A_36] : memref<12288xf32, #tpu.memory_space<vmem>>[vector<16xi32>], vector<16xf32>,
      %swap3A = arith.index_cast %add3A_35 : i32 to index
      %swap3A_37 = tpu.vector_load %arg7[%swap3A] {strides = array<i32>} : memref<12288xf32, #tpu.memory_space<vmem>>, vector<16xf32>,
      tpu.vector_store %arg7[%swap3A], %gather3A {strides = array<i32>} : memref<12288xf32, #tpu.memory_space<vmem>>, vector<16xf32>,
      %mul3A_38 = arith.constant 128 : i32
      %mul3A_39 = arith.muli %scan3A_30, %mul3A_38 : i32
      %add3A_40 = arith.constant 16 : i32
      %add3A_41 = arith.addi %mul3A_39, %add3A_40 : i32
      %get3A_42 = arith.index_cast %add3A_41 : i32 to index
      %get3A_43 = tpu.vector_load %arg6[%get3A_42] {strides = array<i32>} : memref<12288xi32, #tpu.memory_space<vmem>>, vector<16xi32>,
      %gather3A_44 = tpu.vector_load_idx %arg5[%get3A_43] : memref<12288xf32, #tpu.memory_space<vmem>>[vector<16xi32>], vector<16xf32>,
      %swap3A_45 = arith.index_cast %add3A_41 : i32 to index
      %swap3A_46 = tpu.vector_load %arg7[%swap3A_45] {strides = array<i32>} : memref<12288xf32, #tpu.memory_space<vmem>>, vector<16xf32>,
      tpu.vector_store %arg7[%swap3A_45], %gather3A_44 {strides = array<i32>} : memref<12288xf32, #tpu.memory_space<vmem>>, vector<16xf32>,
      %mul3A_47 = arith.constant 128 : i32
      %mul3A_48 = arith.muli %scan3A_30, %mul3A_47 : i32
      %add3A_49 = arith.constant 32 : i32
      %add3A_50 = arith.addi %mul3A_48, %add3A_49 : i32
      %get3A_51 = arith.index_cast %add3A_50 : i32 to index
      %get3A_52 = tpu.vector_load %arg6[%get3A_51] {strides = array<i32>} : memref<12288xi32, #tpu.memory_space<vmem>>, vector<16xi32>,
      %gather3A_53 = tpu.vector_load_idx %arg5[%get3A_52] : memref<12288xf32, #tpu.memory_space<vmem>>[vector<16xi32>], vector<16xf32>,
      %swap3A_54 = arith.index_cast %add3A_50 : i32 to index
      %swap3A_55 = tpu.vector_load %arg7[%swap3A_54] {strides = array<i32>} : memref<12288xf32, #tpu.memory_space<vmem>>, vector<16xf32>,
      tpu.vector_store %arg7[%swap3A_54], %gather3A_53 {strides = array<i32>} : memref<12288xf32, #tpu.memory_space<vmem>>, vector<16xf32>,
      %mul3A_56 = arith.constant 128 : i32
      %mul3A_57 = arith.muli %scan3A_30, %mul3A_56 : i32
      %add3A_58 = arith.constant 48 : i32
      %add3A_59 = arith.addi %mul3A_57, %add3A_58 : i32
      %get3A_60 = arith.index_cast %add3A_59 : i32 to index
      %get3A_61 = tpu.vector_load %arg6[%get3A_60] {strides = array<i32>} : memref<12288xi32, #tpu.memory_space<vmem>>, vector<16xi32>,
      %gather3A_62 = tpu.vector_load_idx %arg5[%get3A_61] : memref<12288xf32, #tpu.memory_space<vmem>>[vector<16xi32>], vector<16xf32>,
      %swap3A_63 = arith.index_cast %add3A_59 : i32 to index
      %swap3A_64 = tpu.vector_load %arg7[%swap3A_63] {strides = array<i32>} : memref<12288xf32, #tpu.memory_space<vmem>>, vector<16xf32>,
      tpu.vector_store %arg7[%swap3A_63], %gather3A_62 {strides = array<i32>} : memref<12288xf32, #tpu.memory_space<vmem>>, vector<16xf32>,
      %mul3A_65 = arith.constant 128 : i32
      %mul3A_66 = arith.muli %scan3A_30, %mul3A_65 : i32
      %add3A_67 = arith.constant 64 : i32
      %add3A_68 = arith.addi %mul3A_66, %add3A_67 : i32
      %get3A_69 = arith.index_cast %add3A_68 : i32 to index
      %get3A_70 = tpu.vector_load %arg6[%get3A_69] {strides = array<i32>} : memref<12288xi32, #tpu.memory_space<vmem>>, vector<16xi32>,
      %gather3A_71 = tpu.vector_load_idx %arg5[%get3A_70] : memref<12288xf32, #tpu.memory_space<vmem>>[vector<16xi32>], vector<16xf32>,
      %swap3A_72 = arith.index_cast %add3A_68 : i32 to index
      %swap3A_73 = tpu.vector_load %arg7[%swap3A_72] {strides = array<i32>} : memref<12288xf32, #tpu.memory_space<vmem>>, vector<16xf32>,
      tpu.vector_store %arg7[%swap3A_72], %gather3A_71 {strides = array<i32>} : memref<12288xf32, #tpu.memory_space<vmem>>, vector<16xf32>,
      %mul3A_74 = arith.constant 128 : i32
      %mul3A_75 = arith.muli %scan3A_30, %mul3A_74 : i32
      %add3A_76 = arith.constant 80 : i32
      %add3A_77 = arith.addi %mul3A_75, %add3A_76 : i32
      %get3A_78 = arith.index_cast %add3A_77 : i32 to index
      %get3A_79 = tpu.vector_load %arg6[%get3A_78] {strides = array<i32>} : memref<12288xi32, #tpu.memory_space<vmem>>, vector<16xi32>,
      %gather3A_80 = tpu.vector_load_idx %arg5[%get3A_79] : memref<12288xf32, #tpu.memory_space<vmem>>[vector<16xi32>], vector<16xf32>,
      %swap3A_81 = arith.index_cast %add3A_77 : i32 to index
      %swap3A_82 = tpu.vector_load %arg7[%swap3A_81] {strides = array<i32>} : memref<12288xf32, #tpu.memory_space<vmem>>, vector<16xf32>,
      tpu.vector_store %arg7[%swap3A_81], %gather3A_80 {strides = array<i32>} : memref<12288xf32, #tpu.memory_space<vmem>>, vector<16xf32>,
      %mul3A_83 = arith.constant 128 : i32
      %mul3A_84 = arith.muli %scan3A_30, %mul3A_83 : i32
      %add3A_85 = arith.constant 96 : i32
      %add3A_86 = arith.addi %mul3A_84, %add3A_85 : i32
      %get3A_87 = arith.index_cast %add3A_86 : i32 to index
      %get3A_88 = tpu.vector_load %arg6[%get3A_87] {strides = array<i32>} : memref<12288xi32, #tpu.memory_space<vmem>>, vector<16xi32>,
      %gather3A_89 = tpu.vector_load_idx %arg5[%get3A_88] : memref<12288xf32, #tpu.memory_space<vmem>>[vector<16xi32>], vector<16xf32>,
      %swap3A_90 = arith.index_cast %add3A_86 : i32 to index
      %swap3A_91 = tpu.vector_load %arg7[%swap3A_90] {strides = array<i32>} : memref<12288xf32, #tpu.memory_space<vmem>>, vector<16xf32>,
      tpu.vector_store %arg7[%swap3A_90], %gather3A_89 {strides = array<i32>} : memref<12288xf32, #tpu.memory_space<vmem>>, vector<16xf32>,
      %mul3A_92 = arith.constant 128 : i32
      %mul3A_93 = arith.muli %scan3A_30, %mul3A_92 : i32
      %add3A_94 = arith.constant 112 : i32
      %add3A_95 = arith.addi %mul3A_93, %add3A_94 : i32
      %get3A_96 = arith.index_cast %add3A_95 : i32 to index
      %get3A_97 = tpu.vector_load %arg6[%get3A_96] {strides = array<i32>} : memref<12288xi32, #tpu.memory_space<vmem>>, vector<16xi32>,
      %gather3A_98 = tpu.vector_load_idx %arg5[%get3A_97] : memref<12288xf32, #tpu.memory_space<vmem>>[vector<16xi32>], vector<16xf32>,
      %swap3A_99 = arith.index_cast %add3A_95 : i32 to index
      %swap3A_100 = tpu.vector_load %arg7[%swap3A_99] {strides = array<i32>} : memref<12288xf32, #tpu.memory_space<vmem>>, vector<16xf32>,
      tpu.vector_store %arg7[%swap3A_99], %gather3A_98 {strides = array<i32>} : memref<12288xf32, #tpu.memory_space<vmem>>, vector<16xf32>,
      %scan3A_101 = arith.constant 0 : i32
      scf.yield %scan3A_101 : i32
    }
    %scan3A_12 = arith.constant 96 : i32
    %mul3A_13 = arith.constant 12288 : i32
    %mul3A_14 = arith.muli %add3A_4, %mul3A_13 : i32
    "tpu.region"() ({
      %run_scoped3A = tpu.sem_alloc : memref<!tpu.dma_semaphore, #tpu.memory_space<semaphore_mem>>
      %dma_start3A = tpu.memref_slice %arg4[%mul3A_14] : memref<786432xf32, #tpu.memory_space<hbm>> -> memref<12288xf32, #tpu.memory_space<hbm>>
      %dma_start3A_30 = tpu.memref_slice %arg4[%mul3A_14] : memref<786432xf32, #tpu.memory_space<hbm>> -> memref<12288xf32, #tpu.memory_space<hbm>>
      tpu.enqueue_dma source(%arg7 : memref<12288xf32, #tpu.memory_space<vmem>>) target(%dma_start3A_30 : memref<12288xf32, #tpu.memory_space<hbm>>) target_semaphore(%run_scoped3A : memref<!tpu.dma_semaphore, #tpu.memory_space<semaphore_mem>>)
      %dma_wait3A = tpu.memref_slice %arg4[%mul3A_14] : memref<786432xf32, #tpu.memory_space<hbm>> -> memref<12288xf32, #tpu.memory_space<hbm>>
      %dma_wait3A_31 = tpu.memref_slice %arg4[%mul3A_14] : memref<786432xf32, #tpu.memory_space<hbm>> -> memref<12288xf32, #tpu.memory_space<hbm>>
      tpu.wait_dma2 semaphore(%run_scoped3A : memref<!tpu.dma_semaphore, #tpu.memory_space<semaphore_mem>>) src(%arg7 : memref<12288xf32, #tpu.memory_space<vmem>>) dst(%dma_wait3A_31 : memref<12288xf32, #tpu.memory_space<hbm>>)
      tpu.yield
    }) : () -> ()
    %mul3A_15 = arith.constant 2 : i32
    %mul3A_16 = arith.muli %add3A, %mul3A_15 : i32
    %add3A_17 = arith.constant 1 : i32
    %add3A_18 = arith.addi %mul3A_16, %add3A_17 : i32
    %mul3A_19 = arith.constant 12288 : i32
    %mul3A_20 = arith.muli %add3A_18, %mul3A_19 : i32
    "tpu.region"() ({
      %run_scoped3A = tpu.sem_alloc : memref<!tpu.dma_semaphore, #tpu.memory_space<semaphore_mem>>
      %dma_start3A = tpu.memref_slice %arg2[%mul3A_20] : memref<786432xf32, #tpu.memory_space<hbm>> -> memref<12288xf32, #tpu.memory_space<hbm>>
      %dma_start3A_30 = tpu.memref_slice %arg2[%mul3A_20] : memref<786432xf32, #tpu.memory_space<hbm>> -> memref<12288xf32, #tpu.memory_space<hbm>>
      tpu.enqueue_dma source(%dma_start3A_30 : memref<12288xf32, #tpu.memory_space<hbm>>) target(%arg5 : memref<12288xf32, #tpu.memory_space<vmem>>) target_semaphore(%run_scoped3A : memref<!tpu.dma_semaphore, #tpu.memory_space<semaphore_mem>>)
      %dma_wait3A = tpu.memref_slice %arg2[%mul3A_20] : memref<786432xf32, #tpu.memory_space<hbm>> -> memref<12288xf32, #tpu.memory_space<hbm>>
      %dma_wait3A_31 = tpu.memref_slice %arg2[%mul3A_20] : memref<786432xf32, #tpu.memory_space<hbm>> -> memref<12288xf32, #tpu.memory_space<hbm>>
      tpu.wait_dma2 semaphore(%run_scoped3A : memref<!tpu.dma_semaphore, #tpu.memory_space<semaphore_mem>>) src(%dma_wait3A_31 : memref<12288xf32, #tpu.memory_space<hbm>>) dst(%arg5 : memref<12288xf32, #tpu.memory_space<vmem>>)
      tpu.yield
    }) : () -> ()
    %scan3A_21 = arith.constant 0 : i32
    %scan3A_22 = arith.constant 0 : i32
    %scan3A_23 = arith.constant 96 : i32
    %scan3A_24 = arith.addi %scan3A_22, %scan3A_23 : i32
    %scan3A_25 = arith.constant 1 : i32
    %scan3A_26 = scf.for %scan3A_30 = %scan3A_22 to %scan3A_24 step %scan3A_25 iter_args(%scan3A_31 = %scan3A_21) -> (i32)  : i32 {
      %mul3A_32 = arith.constant 128 : i32
      %mul3A_33 = arith.muli %scan3A_30, %mul3A_32 : i32
      %add3A_34 = arith.constant 0 : i32
      %add3A_35 = arith.addi %mul3A_33, %add3A_34 : i32
      %get3A = arith.index_cast %add3A_35 : i32 to index
      %get3A_36 = tpu.vector_load %arg6[%get3A] {strides = array<i32>} : memref<12288xi32, #tpu.memory_space<vmem>>, vector<16xi32>,
      %gather3A = tpu.vector_load_idx %arg5[%get3A_36] : memref<12288xf32, #tpu.memory_space<vmem>>[vector<16xi32>], vector<16xf32>,
      %swap3A = arith.index_cast %add3A_35 : i32 to index
      %swap3A_37 = tpu.vector_load %arg7[%swap3A] {strides = array<i32>} : memref<12288xf32, #tpu.memory_space<vmem>>, vector<16xf32>,
      tpu.vector_store %arg7[%swap3A], %gather3A {strides = array<i32>} : memref<12288xf32, #tpu.memory_space<vmem>>, vector<16xf32>,
      %mul3A_38 = arith.constant 128 : i32
      %mul3A_39 = arith.muli %scan3A_30, %mul3A_38 : i32
      %add3A_40 = arith.constant 16 : i32
      %add3A_41 = arith.addi %mul3A_39, %add3A_40 : i32
      %get3A_42 = arith.index_cast %add3A_41 : i32 to index
      %get3A_43 = tpu.vector_load %arg6[%get3A_42] {strides = array<i32>} : memref<12288xi32, #tpu.memory_space<vmem>>, vector<16xi32>,
      %gather3A_44 = tpu.vector_load_idx %arg5[%get3A_43] : memref<12288xf32, #tpu.memory_space<vmem>>[vector<16xi32>], vector<16xf32>,
      %swap3A_45 = arith.index_cast %add3A_41 : i32 to index
      %swap3A_46 = tpu.vector_load %arg7[%swap3A_45] {strides = array<i32>} : memref<12288xf32, #tpu.memory_space<vmem>>, vector<16xf32>,
      tpu.vector_store %arg7[%swap3A_45], %gather3A_44 {strides = array<i32>} : memref<12288xf32, #tpu.memory_space<vmem>>, vector<16xf32>,
      %mul3A_47 = arith.constant 128 : i32
      %mul3A_48 = arith.muli %scan3A_30, %mul3A_47 : i32
      %add3A_49 = arith.constant 32 : i32
      %add3A_50 = arith.addi %mul3A_48, %add3A_49 : i32
      %get3A_51 = arith.index_cast %add3A_50 : i32 to index
      %get3A_52 = tpu.vector_load %arg6[%get3A_51] {strides = array<i32>} : memref<12288xi32, #tpu.memory_space<vmem>>, vector<16xi32>,
      %gather3A_53 = tpu.vector_load_idx %arg5[%get3A_52] : memref<12288xf32, #tpu.memory_space<vmem>>[vector<16xi32>], vector<16xf32>,
      %swap3A_54 = arith.index_cast %add3A_50 : i32 to index
      %swap3A_55 = tpu.vector_load %arg7[%swap3A_54] {strides = array<i32>} : memref<12288xf32, #tpu.memory_space<vmem>>, vector<16xf32>,
      tpu.vector_store %arg7[%swap3A_54], %gather3A_53 {strides = array<i32>} : memref<12288xf32, #tpu.memory_space<vmem>>, vector<16xf32>,
      %mul3A_56 = arith.constant 128 : i32
      %mul3A_57 = arith.muli %scan3A_30, %mul3A_56 : i32
      %add3A_58 = arith.constant 48 : i32
      %add3A_59 = arith.addi %mul3A_57, %add3A_58 : i32
      %get3A_60 = arith.index_cast %add3A_59 : i32 to index
      %get3A_61 = tpu.vector_load %arg6[%get3A_60] {strides = array<i32>} : memref<12288xi32, #tpu.memory_space<vmem>>, vector<16xi32>,
      %gather3A_62 = tpu.vector_load_idx %arg5[%get3A_61] : memref<12288xf32, #tpu.memory_space<vmem>>[vector<16xi32>], vector<16xf32>,
      %swap3A_63 = arith.index_cast %add3A_59 : i32 to index
      %swap3A_64 = tpu.vector_load %arg7[%swap3A_63] {strides = array<i32>} : memref<12288xf32, #tpu.memory_space<vmem>>, vector<16xf32>,
      tpu.vector_store %arg7[%swap3A_63], %gather3A_62 {strides = array<i32>} : memref<12288xf32, #tpu.memory_space<vmem>>, vector<16xf32>,
      %mul3A_65 = arith.constant 128 : i32
      %mul3A_66 = arith.muli %scan3A_30, %mul3A_65 : i32
      %add3A_67 = arith.constant 64 : i32
      %add3A_68 = arith.addi %mul3A_66, %add3A_67 : i32
      %get3A_69 = arith.index_cast %add3A_68 : i32 to index
      %get3A_70 = tpu.vector_load %arg6[%get3A_69] {strides = array<i32>} : memref<12288xi32, #tpu.memory_space<vmem>>, vector<16xi32>,
      %gather3A_71 = tpu.vector_load_idx %arg5[%get3A_70] : memref<12288xf32, #tpu.memory_space<vmem>>[vector<16xi32>], vector<16xf32>,
      %swap3A_72 = arith.index_cast %add3A_68 : i32 to index
      %swap3A_73 = tpu.vector_load %arg7[%swap3A_72] {strides = array<i32>} : memref<12288xf32, #tpu.memory_space<vmem>>, vector<16xf32>,
      tpu.vector_store %arg7[%swap3A_72], %gather3A_71 {strides = array<i32>} : memref<12288xf32, #tpu.memory_space<vmem>>, vector<16xf32>,
      %mul3A_74 = arith.constant 128 : i32
      %mul3A_75 = arith.muli %scan3A_30, %mul3A_74 : i32
      %add3A_76 = arith.constant 80 : i32
      %add3A_77 = arith.addi %mul3A_75, %add3A_76 : i32
      %get3A_78 = arith.index_cast %add3A_77 : i32 to index
      %get3A_79 = tpu.vector_load %arg6[%get3A_78] {strides = array<i32>} : memref<12288xi32, #tpu.memory_space<vmem>>, vector<16xi32>,
      %gather3A_80 = tpu.vector_load_idx %arg5[%get3A_79] : memref<12288xf32, #tpu.memory_space<vmem>>[vector<16xi32>], vector<16xf32>,
      %swap3A_81 = arith.index_cast %add3A_77 : i32 to index
      %swap3A_82 = tpu.vector_load %arg7[%swap3A_81] {strides = array<i32>} : memref<12288xf32, #tpu.memory_space<vmem>>, vector<16xf32>,
      tpu.vector_store %arg7[%swap3A_81], %gather3A_80 {strides = array<i32>} : memref<12288xf32, #tpu.memory_space<vmem>>, vector<16xf32>,
      %mul3A_83 = arith.constant 128 : i32
      %mul3A_84 = arith.muli %scan3A_30, %mul3A_83 : i32
      %add3A_85 = arith.constant 96 : i32
      %add3A_86 = arith.addi %mul3A_84, %add3A_85 : i32
      %get3A_87 = arith.index_cast %add3A_86 : i32 to index
      %get3A_88 = tpu.vector_load %arg6[%get3A_87] {strides = array<i32>} : memref<12288xi32, #tpu.memory_space<vmem>>, vector<16xi32>,
      %gather3A_89 = tpu.vector_load_idx %arg5[%get3A_88] : memref<12288xf32, #tpu.memory_space<vmem>>[vector<16xi32>], vector<16xf32>,
      %swap3A_90 = arith.index_cast %add3A_86 : i32 to index
      %swap3A_91 = tpu.vector_load %arg7[%swap3A_90] {strides = array<i32>} : memref<12288xf32, #tpu.memory_space<vmem>>, vector<16xf32>,
      tpu.vector_store %arg7[%swap3A_90], %gather3A_89 {strides = array<i32>} : memref<12288xf32, #tpu.memory_space<vmem>>, vector<16xf32>,
      %mul3A_92 = arith.constant 128 : i32
      %mul3A_93 = arith.muli %scan3A_30, %mul3A_92 : i32
      %add3A_94 = arith.constant 112 : i32
      %add3A_95 = arith.addi %mul3A_93, %add3A_94 : i32
      %get3A_96 = arith.index_cast %add3A_95 : i32 to index
      %get3A_97 = tpu.vector_load %arg6[%get3A_96] {strides = array<i32>} : memref<12288xi32, #tpu.memory_space<vmem>>, vector<16xi32>,
      %gather3A_98 = tpu.vector_load_idx %arg5[%get3A_97] : memref<12288xf32, #tpu.memory_space<vmem>>[vector<16xi32>], vector<16xf32>,
      %swap3A_99 = arith.index_cast %add3A_95 : i32 to index
      %swap3A_100 = tpu.vector_load %arg7[%swap3A_99] {strides = array<i32>} : memref<12288xf32, #tpu.memory_space<vmem>>, vector<16xf32>,
      tpu.vector_store %arg7[%swap3A_99], %gather3A_98 {strides = array<i32>} : memref<12288xf32, #tpu.memory_space<vmem>>, vector<16xf32>,
      %scan3A_101 = arith.constant 0 : i32
      scf.yield %scan3A_101 : i32
    }
    %scan3A_27 = arith.constant 96 : i32
    %mul3A_28 = arith.constant 12288 : i32
    %mul3A_29 = arith.muli %add3A_18, %mul3A_28 : i32
    "tpu.region"() ({
      %run_scoped3A = tpu.sem_alloc : memref<!tpu.dma_semaphore, #tpu.memory_space<semaphore_mem>>
      %dma_start3A = tpu.memref_slice %arg4[%mul3A_29] : memref<786432xf32, #tpu.memory_space<hbm>> -> memref<12288xf32, #tpu.memory_space<hbm>>
      %dma_start3A_30 = tpu.memref_slice %arg4[%mul3A_29] : memref<786432xf32, #tpu.memory_space<hbm>> -> memref<12288xf32, #tpu.memory_space<hbm>>
      tpu.enqueue_dma source(%arg7 : memref<12288xf32, #tpu.memory_space<vmem>>) target(%dma_start3A_30 : memref<12288xf32, #tpu.memory_space<hbm>>) target_semaphore(%run_scoped3A : memref<!tpu.dma_semaphore, #tpu.memory_space<semaphore_mem>>)
      %dma_wait3A = tpu.memref_slice %arg4[%mul3A_29] : memref<786432xf32, #tpu.memory_space<hbm>> -> memref<12288xf32, #tpu.memory_space<hbm>>
      %dma_wait3A_31 = tpu.memref_slice %arg4[%mul3A_29] : memref<786432xf32, #tpu.memory_space<hbm>> -> memref<12288xf32, #tpu.memory_space<hbm>>
      tpu.wait_dma2 semaphore(%run_scoped3A : memref<!tpu.dma_semaphore, #tpu.memory_space<semaphore_mem>>) src(%arg7 : memref<12288xf32, #tpu.memory_space<vmem>>) dst(%dma_wait3A_31 : memref<12288xf32, #tpu.memory_space<hbm>>)
      tpu.yield
    }) : () -> ()
    return
  }
}

module attributes {stable_mosaic.version = 14 : i64} {
  func.func @_argmin_body(%arg0: i32, %arg1: memref<512x192xf32, #tpu.memory_space<vmem>>, %arg2: memref<8192x192xf32, #tpu.memory_space<vmem>>, %arg3: memref<512x1xi32, #tpu.memory_space<vmem>>, %arg4: memref<512x8192xf32, #tpu.memory_space<vmem>>, %arg5: memref<1x8192xf32, #tpu.memory_space<vmem>>) attributes {dimension_semantics = [#tpu.dimension_semantics<arbitrary>], iteration_bounds = array<i64: 8>, scalar_prefetch = 0 : i64, scratch_operands = 2 : i64, tpu.core_type = #tpu.core_type<tc>, window_params = [{transform_indices = @transform_0, window_bounds = array<i64: 512, 192>}, {pipeline_mode = #tpu.pipeline_mode<synchronous>, transform_indices = @transform_1, window_bounds = array<i64: 8192, 192>}, {transform_indices = @transform_2, window_bounds = array<i64: 512, 1>}]} {
    %eq3A = arith.constant 0 : i32
    %eq3A_0 = arith.cmpi eq, %arg0, %eq3A : i32
    %convert_element_type3A = arith.extui %eq3A_0 : i1 to i32
    %cond3A = arith.constant 0 : i32
    %cond3A_1 = arith.cmpi ne, %convert_element_type3A, %cond3A : i32
    scf.if %cond3A_1 {
      %get3A_5750 = arith.constant 0 : index
      %get3A_5751 = arith.constant 0 : index
      %get3A_5752 = vector.load %arg2[%get3A_5750, %get3A_5751] : memref<8192x192xf32, #tpu.memory_space<vmem>>, vector<8192x192xf32>
      %mul3A_5753 = arith.mulf %get3A_5752, %get3A_5752 : vector<8192x192xf32>
      %reduce_sum3A_5754 = arith.constant dense<0.000000e+00> : vector<8192xf32>
      %reduce_sum3A_5755 = vector.multi_reduction <add>, %mul3A_5753, %reduce_sum3A_5754 [1] : vector<8192x192xf32> to vector<8192xf32>
      %broadcast_in_dim3A_5756 = vector.shape_cast %reduce_sum3A_5755 : vector<8192xf32> to vector<8192x1xf32>
      %reshape3A = vector.shape_cast %broadcast_in_dim3A_5756 : vector<8192x1xf32> to vector<1x8192xf32>
      %swap3A_5757 = arith.constant 0 : index
      %swap3A_5758 = arith.constant 0 : index
      %swap3A_5759 = vector.load %arg5[%swap3A_5757, %swap3A_5758] : memref<1x8192xf32, #tpu.memory_space<vmem>>, vector<1x8192xf32>
      tpu.vector_store %arg5[%swap3A_5757, %swap3A_5758], %reshape3A {strides = array<i32>} : memref<1x8192xf32, #tpu.memory_space<vmem>>, vector<1x8192xf32>,
    } else {
    }
    %get3A = arith.constant 0 : index
    %get3A_2 = arith.constant 0 : index
    %get3A_3 = vector.load %arg1[%get3A, %get3A_2] : memref<512x192xf32, #tpu.memory_space<vmem>>, vector<512x192xf32>
    %get3A_4 = arith.constant 0 : index
    %get3A_5 = arith.constant 0 : index
    %get3A_6 = vector.load %arg2[%get3A_4, %get3A_5] : memref<8192x192xf32, #tpu.memory_space<vmem>>, vector<8192x192xf32>
    %dot_general3A = arith.constant dense<0.000000e+00> : vector<512x8192xf32>
    %dot_general3A_7 = tpu.matmul %get3A_3, %get3A_6, %dot_general3A {dimension_numbers = #tpu.dot_dimension_numbers<[1], [1], [0], [0], [0, 0, 1, 0], [], []>, transpose_lhs_hint = false} : vector<512x192xf32>, vector<8192x192xf32>, vector<512x8192xf32> -> vector<512x8192xf32>
    %swap3A = arith.constant 0 : index
    %swap3A_8 = arith.constant 0 : index
    %swap3A_9 = vector.load %arg4[%swap3A, %swap3A_8] : memref<512x8192xf32, #tpu.memory_space<vmem>>, vector<512x8192xf32>
    tpu.vector_store %arg4[%swap3A, %swap3A_8], %dot_general3A_7 {strides = array<i32>} : memref<512x8192xf32, #tpu.memory_space<vmem>>, vector<512x8192xf32>,
    %get3A_10 = arith.constant 0 : index
    %get3A_11 = arith.constant 0 : index
    %get3A_12 = vector.load %arg1[%get3A_10, %get3A_11] : memref<512x192xf32, #tpu.memory_space<vmem>>, vector<128x192xf32>
    %mul3A = arith.mulf %get3A_12, %get3A_12 : vector<128x192xf32>
    %reduce_sum3A = arith.constant dense<0.000000e+00> : vector<128xf32>
    %reduce_sum3A_13 = vector.multi_reduction <add>, %mul3A, %reduce_sum3A [1] : vector<128x192xf32> to vector<128xf32>
    %broadcast_in_dim3A = vector.shape_cast %reduce_sum3A_13 : vector<128xf32> to vector<128x1xf32>
    %broadcast_in_dim3A_14 = arith.constant 0x7F800000 : f32
    %broadcast_in_dim3A_15 = vector.broadcast %broadcast_in_dim3A_14 : f32 to vector<128x128xf32>
    %broadcast_in_dim3A_16 = arith.constant 0 : i32
    %broadcast_in_dim3A_17 = vector.broadcast %broadcast_in_dim3A_16 : i32 to vector<128x128xi32>
    %get3A_18 = arith.constant 0 : index
    %get3A_19 = arith.constant 0 : index
    %get3A_20 = vector.load %arg4[%get3A_18, %get3A_19] : memref<512x8192xf32, #tpu.memory_space<vmem>>, vector<128x128xf32>
    %get3A_21 = arith.constant 0 : index
    %get3A_22 = arith.constant 0 : index
    %get3A_23 = vector.load %arg5[%get3A_21, %get3A_22] : memref<1x8192xf32, #tpu.memory_space<vmem>>, vector<1x128xf32>
    %add3A = vector.broadcast %broadcast_in_dim3A : vector<128x1xf32> to vector<128x128xf32>
    %add3A_24 = vector.broadcast %get3A_23 : vector<1x128xf32> to vector<128x128xf32>
    %add3A_25 = arith.addf %add3A, %add3A_24 : vector<128x128xf32>
    %mul3A_26 = arith.constant 2.000000e+00 : f32
    %mul3A_27 = vector.broadcast %mul3A_26 : f32 to vector<128x128xf32>
    %mul3A_28 = arith.mulf %mul3A_27, %get3A_20 : vector<128x128xf32>
    %sub3A = arith.subf %add3A_25, %mul3A_28 : vector<128x128xf32>
    %max3A = arith.constant 0.000000e+00 : f32
    %max3A_29 = vector.broadcast %max3A : f32 to vector<128x128xf32>
    %max3A_30 = arith.maximumf %sub3A, %max3A_29 : vector<128x128xf32>
    %sqrt3A = math.sqrt %max3A_30 : vector<128x128xf32>
    %lt3A = arith.cmpf olt, %sqrt3A, %broadcast_in_dim3A_15 : vector<128x128xf32>
    %select_n3A = arith.select %lt3A, %sqrt3A, %broadcast_in_dim3A_15 : vector<128x128xi1>, vector<128x128xf32>
    %jit3A = arith.constant 0 : i32
    %broadcast_in_dim3A_31 = vector.broadcast %jit3A : i32 to vector<128x128xi32>
    %select_n3A_32 = arith.select %lt3A, %broadcast_in_dim3A_31, %broadcast_in_dim3A_17 : vector<128x128xi1>, vector<128x128xi32>
    %get3A_33 = arith.constant 0 : index
    %get3A_34 = arith.constant 128 : index
    %get3A_35 = vector.load %arg4[%get3A_33, %get3A_34] : memref<512x8192xf32, #tpu.memory_space<vmem>>, vector<128x128xf32>
    %get3A_36 = arith.constant 0 : index
    %get3A_37 = arith.constant 128 : index
    %get3A_38 = vector.load %arg5[%get3A_36, %get3A_37] : memref<1x8192xf32, #tpu.memory_space<vmem>>, vector<1x128xf32>
    %add3A_39 = vector.broadcast %broadcast_in_dim3A : vector<128x1xf32> to vector<128x128xf32>
    %add3A_40 = vector.broadcast %get3A_38 : vector<1x128xf32> to vector<128x128xf32>
    %add3A_41 = arith.addf %add3A_39, %add3A_40 : vector<128x128xf32>
    %mul3A_42 = arith.constant 2.000000e+00 : f32
    %mul3A_43 = vector.broadcast %mul3A_42 : f32 to vector<128x128xf32>
    %mul3A_44 = arith.mulf %mul3A_43, %get3A_35 : vector<128x128xf32>
    %sub3A_45 = arith.subf %add3A_41, %mul3A_44 : vector<128x128xf32>
    %max3A_46 = arith.constant 0.000000e+00 : f32
    %max3A_47 = vector.broadcast %max3A_46 : f32 to vector<128x128xf32>
    %max3A_48 = arith.maximumf %sub3A_45, %max3A_47 : vector<128x128xf32>
    %sqrt3A_49 = math.sqrt %max3A_48 : vector<128x128xf32>
    %lt3A_50 = arith.cmpf olt, %sqrt3A_49, %select_n3A : vector<128x128xf32>
    %select_n3A_51 = arith.select %lt3A_50, %sqrt3A_49, %select_n3A : vector<128x128xi1>, vector<128x128xf32>
    %jit3A_52 = arith.constant 1 : i32
    %broadcast_in_dim3A_53 = vector.broadcast %jit3A_52 : i32 to vector<128x128xi32>
    %select_n3A_54 = arith.select %lt3A_50, %broadcast_in_dim3A_53, %select_n3A_32 : vector<128x128xi1>, vector<128x128xi32>
    %get3A_55 = arith.constant 0 : index
    %get3A_56 = arith.constant 256 : index
    %get3A_57 = vector.load %arg4[%get3A_55, %get3A_56] : memref<512x8192xf32, #tpu.memory_space<vmem>>, vector<128x128xf32>
    %get3A_58 = arith.constant 0 : index
    %get3A_59 = arith.constant 256 : index
    %get3A_60 = vector.load %arg5[%get3A_58, %get3A_59] : memref<1x8192xf32, #tpu.memory_space<vmem>>, vector<1x128xf32>
    %add3A_61 = vector.broadcast %broadcast_in_dim3A : vector<128x1xf32> to vector<128x128xf32>
    %add3A_62 = vector.broadcast %get3A_60 : vector<1x128xf32> to vector<128x128xf32>
    %add3A_63 = arith.addf %add3A_61, %add3A_62 : vector<128x128xf32>
    %mul3A_64 = arith.constant 2.000000e+00 : f32
    %mul3A_65 = vector.broadcast %mul3A_64 : f32 to vector<128x128xf32>
    %mul3A_66 = arith.mulf %mul3A_65, %get3A_57 : vector<128x128xf32>
    %sub3A_67 = arith.subf %add3A_63, %mul3A_66 : vector<128x128xf32>
    %max3A_68 = arith.constant 0.000000e+00 : f32
    %max3A_69 = vector.broadcast %max3A_68 : f32 to vector<128x128xf32>
    %max3A_70 = arith.maximumf %sub3A_67, %max3A_69 : vector<128x128xf32>
    %sqrt3A_71 = math.sqrt %max3A_70 : vector<128x128xf32>
    %lt3A_72 = arith.cmpf olt, %sqrt3A_71, %select_n3A_51 : vector<128x128xf32>
    %select_n3A_73 = arith.select %lt3A_72, %sqrt3A_71, %select_n3A_51 : vector<128x128xi1>, vector<128x128xf32>
    %jit3A_74 = arith.constant 2 : i32
    %broadcast_in_dim3A_75 = vector.broadcast %jit3A_74 : i32 to vector<128x128xi32>
    %select_n3A_76 = arith.select %lt3A_72, %broadcast_in_dim3A_75, %select_n3A_54 : vector<128x128xi1>, vector<128x128xi32>
    %get3A_77 = arith.constant 0 : index
    %get3A_78 = arith.constant 384 : index
    %get3A_79 = vector.load %arg4[%get3A_77, %get3A_78] : memref<512x8192xf32, #tpu.memory_space<vmem>>, vector<128x128xf32>
    %get3A_80 = arith.constant 0 : index
    %get3A_81 = arith.constant 384 : index
    %get3A_82 = vector.load %arg5[%get3A_80, %get3A_81] : memref<1x8192xf32, #tpu.memory_space<vmem>>, vector<1x128xf32>
    %add3A_83 = vector.broadcast %broadcast_in_dim3A : vector<128x1xf32> to vector<128x128xf32>
    %add3A_84 = vector.broadcast %get3A_82 : vector<1x128xf32> to vector<128x128xf32>
    %add3A_85 = arith.addf %add3A_83, %add3A_84 : vector<128x128xf32>
    %mul3A_86 = arith.constant 2.000000e+00 : f32
    %mul3A_87 = vector.broadcast %mul3A_86 : f32 to vector<128x128xf32>
    %mul3A_88 = arith.mulf %mul3A_87, %get3A_79 : vector<128x128xf32>
    %sub3A_89 = arith.subf %add3A_85, %mul3A_88 : vector<128x128xf32>
    %max3A_90 = arith.constant 0.000000e+00 : f32
    %max3A_91 = vector.broadcast %max3A_90 : f32 to vector<128x128xf32>
    %max3A_92 = arith.maximumf %sub3A_89, %max3A_91 : vector<128x128xf32>
    %sqrt3A_93 = math.sqrt %max3A_92 : vector<128x128xf32>
    %lt3A_94 = arith.cmpf olt, %sqrt3A_93, %select_n3A_73 : vector<128x128xf32>
    %select_n3A_95 = arith.select %lt3A_94, %sqrt3A_93, %select_n3A_73 : vector<128x128xi1>, vector<128x128xf32>
    %jit3A_96 = arith.constant 3 : i32
    %broadcast_in_dim3A_97 = vector.broadcast %jit3A_96 : i32 to vector<128x128xi32>
    %select_n3A_98 = arith.select %lt3A_94, %broadcast_in_dim3A_97, %select_n3A_76 : vector<128x128xi1>, vector<128x128xi32>
    %get3A_99 = arith.constant 0 : index
    %get3A_100 = arith.constant 512 : index
    %get3A_101 = vector.load %arg4[%get3A_99, %get3A_100] : memref<512x8192xf32, #tpu.memory_space<vmem>>, vector<128x128xf32>
    %get3A_102 = arith.constant 0 : index
    %get3A_103 = arith.constant 512 : index
    %get3A_104 = vector.load %arg5[%get3A_102, %get3A_103] : memref<1x8192xf32, #tpu.memory_space<vmem>>, vector<1x128xf32>
    %add3A_105 = vector.broadcast %broadcast_in_dim3A : vector<128x1xf32> to vector<128x128xf32>
    %add3A_106 = vector.broadcast %get3A_104 : vector<1x128xf32> to vector<128x128xf32>
    %add3A_107 = arith.addf %add3A_105, %add3A_106 : vector<128x128xf32>
    %mul3A_108 = arith.constant 2.000000e+00 : f32
    %mul3A_109 = vector.broadcast %mul3A_108 : f32 to vector<128x128xf32>
    %mul3A_110 = arith.mulf %mul3A_109, %get3A_101 : vector<128x128xf32>
    %sub3A_111 = arith.subf %add3A_107, %mul3A_110 : vector<128x128xf32>
    %max3A_112 = arith.constant 0.000000e+00 : f32
    %max3A_113 = vector.broadcast %max3A_112 : f32 to vector<128x128xf32>
    %max3A_114 = arith.maximumf %sub3A_111, %max3A_113 : vector<128x128xf32>
    %sqrt3A_115 = math.sqrt %max3A_114 : vector<128x128xf32>
    %lt3A_116 = arith.cmpf olt, %sqrt3A_115, %select_n3A_95 : vector<128x128xf32>
    %select_n3A_117 = arith.select %lt3A_116, %sqrt3A_115, %select_n3A_95 : vector<128x128xi1>, vector<128x128xf32>
    %jit3A_118 = arith.constant 4 : i32
    %broadcast_in_dim3A_119 = vector.broadcast %jit3A_118 : i32 to vector<128x128xi32>
    %select_n3A_120 = arith.select %lt3A_116, %broadcast_in_dim3A_119, %select_n3A_98 : vector<128x128xi1>, vector<128x128xi32>
    %get3A_121 = arith.constant 0 : index
    %get3A_122 = arith.constant 640 : index
    %get3A_123 = vector.load %arg4[%get3A_121, %get3A_122] : memref<512x8192xf32, #tpu.memory_space<vmem>>, vector<128x128xf32>
    %get3A_124 = arith.constant 0 : index
    %get3A_125 = arith.constant 640 : index
    %get3A_126 = vector.load %arg5[%get3A_124, %get3A_125] : memref<1x8192xf32, #tpu.memory_space<vmem>>, vector<1x128xf32>
    %add3A_127 = vector.broadcast %broadcast_in_dim3A : vector<128x1xf32> to vector<128x128xf32>
    %add3A_128 = vector.broadcast %get3A_126 : vector<1x128xf32> to vector<128x128xf32>
    %add3A_129 = arith.addf %add3A_127, %add3A_128 : vector<128x128xf32>
    %mul3A_130 = arith.constant 2.000000e+00 : f32
    %mul3A_131 = vector.broadcast %mul3A_130 : f32 to vector<128x128xf32>
    %mul3A_132 = arith.mulf %mul3A_131, %get3A_123 : vector<128x128xf32>
    %sub3A_133 = arith.subf %add3A_129, %mul3A_132 : vector<128x128xf32>
    %max3A_134 = arith.constant 0.000000e+00 : f32
    %max3A_135 = vector.broadcast %max3A_134 : f32 to vector<128x128xf32>
    %max3A_136 = arith.maximumf %sub3A_133, %max3A_135 : vector<128x128xf32>
    %sqrt3A_137 = math.sqrt %max3A_136 : vector<128x128xf32>
    %lt3A_138 = arith.cmpf olt, %sqrt3A_137, %select_n3A_117 : vector<128x128xf32>
    %select_n3A_139 = arith.select %lt3A_138, %sqrt3A_137, %select_n3A_117 : vector<128x128xi1>, vector<128x128xf32>
    %jit3A_140 = arith.constant 5 : i32
    %broadcast_in_dim3A_141 = vector.broadcast %jit3A_140 : i32 to vector<128x128xi32>
    %select_n3A_142 = arith.select %lt3A_138, %broadcast_in_dim3A_141, %select_n3A_120 : vector<128x128xi1>, vector<128x128xi32>
    %get3A_143 = arith.constant 0 : index
    %get3A_144 = arith.constant 768 : index
    %get3A_145 = vector.load %arg4[%get3A_143, %get3A_144] : memref<512x8192xf32, #tpu.memory_space<vmem>>, vector<128x128xf32>
    %get3A_146 = arith.constant 0 : index
    %get3A_147 = arith.constant 768 : index
    %get3A_148 = vector.load %arg5[%get3A_146, %get3A_147] : memref<1x8192xf32, #tpu.memory_space<vmem>>, vector<1x128xf32>
    %add3A_149 = vector.broadcast %broadcast_in_dim3A : vector<128x1xf32> to vector<128x128xf32>
    %add3A_150 = vector.broadcast %get3A_148 : vector<1x128xf32> to vector<128x128xf32>
    %add3A_151 = arith.addf %add3A_149, %add3A_150 : vector<128x128xf32>
    %mul3A_152 = arith.constant 2.000000e+00 : f32
    %mul3A_153 = vector.broadcast %mul3A_152 : f32 to vector<128x128xf32>
    %mul3A_154 = arith.mulf %mul3A_153, %get3A_145 : vector<128x128xf32>
    %sub3A_155 = arith.subf %add3A_151, %mul3A_154 : vector<128x128xf32>
    %max3A_156 = arith.constant 0.000000e+00 : f32
    %max3A_157 = vector.broadcast %max3A_156 : f32 to vector<128x128xf32>
    %max3A_158 = arith.maximumf %sub3A_155, %max3A_157 : vector<128x128xf32>
    %sqrt3A_159 = math.sqrt %max3A_158 : vector<128x128xf32>
    %lt3A_160 = arith.cmpf olt, %sqrt3A_159, %select_n3A_139 : vector<128x128xf32>
    %select_n3A_161 = arith.select %lt3A_160, %sqrt3A_159, %select_n3A_139 : vector<128x128xi1>, vector<128x128xf32>
    %jit3A_162 = arith.constant 6 : i32
    %broadcast_in_dim3A_163 = vector.broadcast %jit3A_162 : i32 to vector<128x128xi32>
    %select_n3A_164 = arith.select %lt3A_160, %broadcast_in_dim3A_163, %select_n3A_142 : vector<128x128xi1>, vector<128x128xi32>
    %get3A_165 = arith.constant 0 : index
    %get3A_166 = arith.constant 896 : index
    %get3A_167 = vector.load %arg4[%get3A_165, %get3A_166] : memref<512x8192xf32, #tpu.memory_space<vmem>>, vector<128x128xf32>
    %get3A_168 = arith.constant 0 : index
    %get3A_169 = arith.constant 896 : index
    %get3A_170 = vector.load %arg5[%get3A_168, %get3A_169] : memref<1x8192xf32, #tpu.memory_space<vmem>>, vector<1x128xf32>
    %add3A_171 = vector.broadcast %broadcast_in_dim3A : vector<128x1xf32> to vector<128x128xf32>
    %add3A_172 = vector.broadcast %get3A_170 : vector<1x128xf32> to vector<128x128xf32>
    %add3A_173 = arith.addf %add3A_171, %add3A_172 : vector<128x128xf32>
    %mul3A_174 = arith.constant 2.000000e+00 : f32
    %mul3A_175 = vector.broadcast %mul3A_174 : f32 to vector<128x128xf32>
    %mul3A_176 = arith.mulf %mul3A_175, %get3A_167 : vector<128x128xf32>
    %sub3A_177 = arith.subf %add3A_173, %mul3A_176 : vector<128x128xf32>
    %max3A_178 = arith.constant 0.000000e+00 : f32
    %max3A_179 = vector.broadcast %max3A_178 : f32 to vector<128x128xf32>
    %max3A_180 = arith.maximumf %sub3A_177, %max3A_179 : vector<128x128xf32>
    %sqrt3A_181 = math.sqrt %max3A_180 : vector<128x128xf32>
    %lt3A_182 = arith.cmpf olt, %sqrt3A_181, %select_n3A_161 : vector<128x128xf32>
    %select_n3A_183 = arith.select %lt3A_182, %sqrt3A_181, %select_n3A_161 : vector<128x128xi1>, vector<128x128xf32>
    %jit3A_184 = arith.constant 7 : i32
    %broadcast_in_dim3A_185 = vector.broadcast %jit3A_184 : i32 to vector<128x128xi32>
    %select_n3A_186 = arith.select %lt3A_182, %broadcast_in_dim3A_185, %select_n3A_164 : vector<128x128xi1>, vector<128x128xi32>
    %get3A_187 = arith.constant 0 : index
    %get3A_188 = arith.constant 1024 : index
    %get3A_189 = vector.load %arg4[%get3A_187, %get3A_188] : memref<512x8192xf32, #tpu.memory_space<vmem>>, vector<128x128xf32>
    %get3A_190 = arith.constant 0 : index
    %get3A_191 = arith.constant 1024 : index
    %get3A_192 = vector.load %arg5[%get3A_190, %get3A_191] : memref<1x8192xf32, #tpu.memory_space<vmem>>, vector<1x128xf32>
    %add3A_193 = vector.broadcast %broadcast_in_dim3A : vector<128x1xf32> to vector<128x128xf32>
    %add3A_194 = vector.broadcast %get3A_192 : vector<1x128xf32> to vector<128x128xf32>
    %add3A_195 = arith.addf %add3A_193, %add3A_194 : vector<128x128xf32>
    %mul3A_196 = arith.constant 2.000000e+00 : f32
    %mul3A_197 = vector.broadcast %mul3A_196 : f32 to vector<128x128xf32>
    %mul3A_198 = arith.mulf %mul3A_197, %get3A_189 : vector<128x128xf32>
    %sub3A_199 = arith.subf %add3A_195, %mul3A_198 : vector<128x128xf32>
    %max3A_200 = arith.constant 0.000000e+00 : f32
    %max3A_201 = vector.broadcast %max3A_200 : f32 to vector<128x128xf32>
    %max3A_202 = arith.maximumf %sub3A_199, %max3A_201 : vector<128x128xf32>
    %sqrt3A_203 = math.sqrt %max3A_202 : vector<128x128xf32>
    %lt3A_204 = arith.cmpf olt, %sqrt3A_203, %select_n3A_183 : vector<128x128xf32>
    %select_n3A_205 = arith.select %lt3A_204, %sqrt3A_203, %select_n3A_183 : vector<128x128xi1>, vector<128x128xf32>
    %jit3A_206 = arith.constant 8 : i32
    %broadcast_in_dim3A_207 = vector.broadcast %jit3A_206 : i32 to vector<128x128xi32>
    %select_n3A_208 = arith.select %lt3A_204, %broadcast_in_dim3A_207, %select_n3A_186 : vector<128x128xi1>, vector<128x128xi32>
    %get3A_209 = arith.constant 0 : index
    %get3A_210 = arith.constant 1152 : index
    %get3A_211 = vector.load %arg4[%get3A_209, %get3A_210] : memref<512x8192xf32, #tpu.memory_space<vmem>>, vector<128x128xf32>
    %get3A_212 = arith.constant 0 : index
    %get3A_213 = arith.constant 1152 : index
    %get3A_214 = vector.load %arg5[%get3A_212, %get3A_213] : memref<1x8192xf32, #tpu.memory_space<vmem>>, vector<1x128xf32>
    %add3A_215 = vector.broadcast %broadcast_in_dim3A : vector<128x1xf32> to vector<128x128xf32>
    %add3A_216 = vector.broadcast %get3A_214 : vector<1x128xf32> to vector<128x128xf32>
    %add3A_217 = arith.addf %add3A_215, %add3A_216 : vector<128x128xf32>
    %mul3A_218 = arith.constant 2.000000e+00 : f32
    %mul3A_219 = vector.broadcast %mul3A_218 : f32 to vector<128x128xf32>
    %mul3A_220 = arith.mulf %mul3A_219, %get3A_211 : vector<128x128xf32>
    %sub3A_221 = arith.subf %add3A_217, %mul3A_220 : vector<128x128xf32>
    %max3A_222 = arith.constant 0.000000e+00 : f32
    %max3A_223 = vector.broadcast %max3A_222 : f32 to vector<128x128xf32>
    %max3A_224 = arith.maximumf %sub3A_221, %max3A_223 : vector<128x128xf32>
    %sqrt3A_225 = math.sqrt %max3A_224 : vector<128x128xf32>
    %lt3A_226 = arith.cmpf olt, %sqrt3A_225, %select_n3A_205 : vector<128x128xf32>
    %select_n3A_227 = arith.select %lt3A_226, %sqrt3A_225, %select_n3A_205 : vector<128x128xi1>, vector<128x128xf32>
    %jit3A_228 = arith.constant 9 : i32
    %broadcast_in_dim3A_229 = vector.broadcast %jit3A_228 : i32 to vector<128x128xi32>
    %select_n3A_230 = arith.select %lt3A_226, %broadcast_in_dim3A_229, %select_n3A_208 : vector<128x128xi1>, vector<128x128xi32>
    %get3A_231 = arith.constant 0 : index
    %get3A_232 = arith.constant 1280 : index
    %get3A_233 = vector.load %arg4[%get3A_231, %get3A_232] : memref<512x8192xf32, #tpu.memory_space<vmem>>, vector<128x128xf32>
    %get3A_234 = arith.constant 0 : index
    %get3A_235 = arith.constant 1280 : index
    %get3A_236 = vector.load %arg5[%get3A_234, %get3A_235] : memref<1x8192xf32, #tpu.memory_space<vmem>>, vector<1x128xf32>
    %add3A_237 = vector.broadcast %broadcast_in_dim3A : vector<128x1xf32> to vector<128x128xf32>
    %add3A_238 = vector.broadcast %get3A_236 : vector<1x128xf32> to vector<128x128xf32>
    %add3A_239 = arith.addf %add3A_237, %add3A_238 : vector<128x128xf32>
    %mul3A_240 = arith.constant 2.000000e+00 : f32
    %mul3A_241 = vector.broadcast %mul3A_240 : f32 to vector<128x128xf32>
    %mul3A_242 = arith.mulf %mul3A_241, %get3A_233 : vector<128x128xf32>
    %sub3A_243 = arith.subf %add3A_239, %mul3A_242 : vector<128x128xf32>
    %max3A_244 = arith.constant 0.000000e+00 : f32
    %max3A_245 = vector.broadcast %max3A_244 : f32 to vector<128x128xf32>
    %max3A_246 = arith.maximumf %sub3A_243, %max3A_245 : vector<128x128xf32>
    %sqrt3A_247 = math.sqrt %max3A_246 : vector<128x128xf32>
    %lt3A_248 = arith.cmpf olt, %sqrt3A_247, %select_n3A_227 : vector<128x128xf32>
    %select_n3A_249 = arith.select %lt3A_248, %sqrt3A_247, %select_n3A_227 : vector<128x128xi1>, vector<128x128xf32>
    %jit3A_250 = arith.constant 10 : i32
    %broadcast_in_dim3A_251 = vector.broadcast %jit3A_250 : i32 to vector<128x128xi32>
    %select_n3A_252 = arith.select %lt3A_248, %broadcast_in_dim3A_251, %select_n3A_230 : vector<128x128xi1>, vector<128x128xi32>
    %get3A_253 = arith.constant 0 : index
    %get3A_254 = arith.constant 1408 : index
    %get3A_255 = vector.load %arg4[%get3A_253, %get3A_254] : memref<512x8192xf32, #tpu.memory_space<vmem>>, vector<128x128xf32>
    %get3A_256 = arith.constant 0 : index
    %get3A_257 = arith.constant 1408 : index
    %get3A_258 = vector.load %arg5[%get3A_256, %get3A_257] : memref<1x8192xf32, #tpu.memory_space<vmem>>, vector<1x128xf32>
    %add3A_259 = vector.broadcast %broadcast_in_dim3A : vector<128x1xf32> to vector<128x128xf32>
    %add3A_260 = vector.broadcast %get3A_258 : vector<1x128xf32> to vector<128x128xf32>
    %add3A_261 = arith.addf %add3A_259, %add3A_260 : vector<128x128xf32>
    %mul3A_262 = arith.constant 2.000000e+00 : f32
    %mul3A_263 = vector.broadcast %mul3A_262 : f32 to vector<128x128xf32>
    %mul3A_264 = arith.mulf %mul3A_263, %get3A_255 : vector<128x128xf32>
    %sub3A_265 = arith.subf %add3A_261, %mul3A_264 : vector<128x128xf32>
    %max3A_266 = arith.constant 0.000000e+00 : f32
    %max3A_267 = vector.broadcast %max3A_266 : f32 to vector<128x128xf32>
    %max3A_268 = arith.maximumf %sub3A_265, %max3A_267 : vector<128x128xf32>
    %sqrt3A_269 = math.sqrt %max3A_268 : vector<128x128xf32>
    %lt3A_270 = arith.cmpf olt, %sqrt3A_269, %select_n3A_249 : vector<128x128xf32>
    %select_n3A_271 = arith.select %lt3A_270, %sqrt3A_269, %select_n3A_249 : vector<128x128xi1>, vector<128x128xf32>
    %jit3A_272 = arith.constant 11 : i32
    %broadcast_in_dim3A_273 = vector.broadcast %jit3A_272 : i32 to vector<128x128xi32>
    %select_n3A_274 = arith.select %lt3A_270, %broadcast_in_dim3A_273, %select_n3A_252 : vector<128x128xi1>, vector<128x128xi32>
    %get3A_275 = arith.constant 0 : index
    %get3A_276 = arith.constant 1536 : index
    %get3A_277 = vector.load %arg4[%get3A_275, %get3A_276] : memref<512x8192xf32, #tpu.memory_space<vmem>>, vector<128x128xf32>
    %get3A_278 = arith.constant 0 : index
    %get3A_279 = arith.constant 1536 : index
    %get3A_280 = vector.load %arg5[%get3A_278, %get3A_279] : memref<1x8192xf32, #tpu.memory_space<vmem>>, vector<1x128xf32>
    %add3A_281 = vector.broadcast %broadcast_in_dim3A : vector<128x1xf32> to vector<128x128xf32>
    %add3A_282 = vector.broadcast %get3A_280 : vector<1x128xf32> to vector<128x128xf32>
    %add3A_283 = arith.addf %add3A_281, %add3A_282 : vector<128x128xf32>
    %mul3A_284 = arith.constant 2.000000e+00 : f32
    %mul3A_285 = vector.broadcast %mul3A_284 : f32 to vector<128x128xf32>
    %mul3A_286 = arith.mulf %mul3A_285, %get3A_277 : vector<128x128xf32>
    %sub3A_287 = arith.subf %add3A_283, %mul3A_286 : vector<128x128xf32>
    %max3A_288 = arith.constant 0.000000e+00 : f32
    %max3A_289 = vector.broadcast %max3A_288 : f32 to vector<128x128xf32>
    %max3A_290 = arith.maximumf %sub3A_287, %max3A_289 : vector<128x128xf32>
    %sqrt3A_291 = math.sqrt %max3A_290 : vector<128x128xf32>
    %lt3A_292 = arith.cmpf olt, %sqrt3A_291, %select_n3A_271 : vector<128x128xf32>
    %select_n3A_293 = arith.select %lt3A_292, %sqrt3A_291, %select_n3A_271 : vector<128x128xi1>, vector<128x128xf32>
    %jit3A_294 = arith.constant 12 : i32
    %broadcast_in_dim3A_295 = vector.broadcast %jit3A_294 : i32 to vector<128x128xi32>
    %select_n3A_296 = arith.select %lt3A_292, %broadcast_in_dim3A_295, %select_n3A_274 : vector<128x128xi1>, vector<128x128xi32>
    %get3A_297 = arith.constant 0 : index
    %get3A_298 = arith.constant 1664 : index
    %get3A_299 = vector.load %arg4[%get3A_297, %get3A_298] : memref<512x8192xf32, #tpu.memory_space<vmem>>, vector<128x128xf32>
    %get3A_300 = arith.constant 0 : index
    %get3A_301 = arith.constant 1664 : index
    %get3A_302 = vector.load %arg5[%get3A_300, %get3A_301] : memref<1x8192xf32, #tpu.memory_space<vmem>>, vector<1x128xf32>
    %add3A_303 = vector.broadcast %broadcast_in_dim3A : vector<128x1xf32> to vector<128x128xf32>
    %add3A_304 = vector.broadcast %get3A_302 : vector<1x128xf32> to vector<128x128xf32>
    %add3A_305 = arith.addf %add3A_303, %add3A_304 : vector<128x128xf32>
    %mul3A_306 = arith.constant 2.000000e+00 : f32
    %mul3A_307 = vector.broadcast %mul3A_306 : f32 to vector<128x128xf32>
    %mul3A_308 = arith.mulf %mul3A_307, %get3A_299 : vector<128x128xf32>
    %sub3A_309 = arith.subf %add3A_305, %mul3A_308 : vector<128x128xf32>
    %max3A_310 = arith.constant 0.000000e+00 : f32
    %max3A_311 = vector.broadcast %max3A_310 : f32 to vector<128x128xf32>
    %max3A_312 = arith.maximumf %sub3A_309, %max3A_311 : vector<128x128xf32>
    %sqrt3A_313 = math.sqrt %max3A_312 : vector<128x128xf32>
    %lt3A_314 = arith.cmpf olt, %sqrt3A_313, %select_n3A_293 : vector<128x128xf32>
    %select_n3A_315 = arith.select %lt3A_314, %sqrt3A_313, %select_n3A_293 : vector<128x128xi1>, vector<128x128xf32>
    %jit3A_316 = arith.constant 13 : i32
    %broadcast_in_dim3A_317 = vector.broadcast %jit3A_316 : i32 to vector<128x128xi32>
    %select_n3A_318 = arith.select %lt3A_314, %broadcast_in_dim3A_317, %select_n3A_296 : vector<128x128xi1>, vector<128x128xi32>
    %get3A_319 = arith.constant 0 : index
    %get3A_320 = arith.constant 1792 : index
    %get3A_321 = vector.load %arg4[%get3A_319, %get3A_320] : memref<512x8192xf32, #tpu.memory_space<vmem>>, vector<128x128xf32>
    %get3A_322 = arith.constant 0 : index
    %get3A_323 = arith.constant 1792 : index
    %get3A_324 = vector.load %arg5[%get3A_322, %get3A_323] : memref<1x8192xf32, #tpu.memory_space<vmem>>, vector<1x128xf32>
    %add3A_325 = vector.broadcast %broadcast_in_dim3A : vector<128x1xf32> to vector<128x128xf32>
    %add3A_326 = vector.broadcast %get3A_324 : vector<1x128xf32> to vector<128x128xf32>
    %add3A_327 = arith.addf %add3A_325, %add3A_326 : vector<128x128xf32>
    %mul3A_328 = arith.constant 2.000000e+00 : f32
    %mul3A_329 = vector.broadcast %mul3A_328 : f32 to vector<128x128xf32>
    %mul3A_330 = arith.mulf %mul3A_329, %get3A_321 : vector<128x128xf32>
    %sub3A_331 = arith.subf %add3A_327, %mul3A_330 : vector<128x128xf32>
    %max3A_332 = arith.constant 0.000000e+00 : f32
    %max3A_333 = vector.broadcast %max3A_332 : f32 to vector<128x128xf32>
    %max3A_334 = arith.maximumf %sub3A_331, %max3A_333 : vector<128x128xf32>
    %sqrt3A_335 = math.sqrt %max3A_334 : vector<128x128xf32>
    %lt3A_336 = arith.cmpf olt, %sqrt3A_335, %select_n3A_315 : vector<128x128xf32>
    %select_n3A_337 = arith.select %lt3A_336, %sqrt3A_335, %select_n3A_315 : vector<128x128xi1>, vector<128x128xf32>
    %jit3A_338 = arith.constant 14 : i32
    %broadcast_in_dim3A_339 = vector.broadcast %jit3A_338 : i32 to vector<128x128xi32>
    %select_n3A_340 = arith.select %lt3A_336, %broadcast_in_dim3A_339, %select_n3A_318 : vector<128x128xi1>, vector<128x128xi32>
    %get3A_341 = arith.constant 0 : index
    %get3A_342 = arith.constant 1920 : index
    %get3A_343 = vector.load %arg4[%get3A_341, %get3A_342] : memref<512x8192xf32, #tpu.memory_space<vmem>>, vector<128x128xf32>
    %get3A_344 = arith.constant 0 : index
    %get3A_345 = arith.constant 1920 : index
    %get3A_346 = vector.load %arg5[%get3A_344, %get3A_345] : memref<1x8192xf32, #tpu.memory_space<vmem>>, vector<1x128xf32>
    %add3A_347 = vector.broadcast %broadcast_in_dim3A : vector<128x1xf32> to vector<128x128xf32>
    %add3A_348 = vector.broadcast %get3A_346 : vector<1x128xf32> to vector<128x128xf32>
    %add3A_349 = arith.addf %add3A_347, %add3A_348 : vector<128x128xf32>
    %mul3A_350 = arith.constant 2.000000e+00 : f32
    %mul3A_351 = vector.broadcast %mul3A_350 : f32 to vector<128x128xf32>
    %mul3A_352 = arith.mulf %mul3A_351, %get3A_343 : vector<128x128xf32>
    %sub3A_353 = arith.subf %add3A_349, %mul3A_352 : vector<128x128xf32>
    %max3A_354 = arith.constant 0.000000e+00 : f32
    %max3A_355 = vector.broadcast %max3A_354 : f32 to vector<128x128xf32>
    %max3A_356 = arith.maximumf %sub3A_353, %max3A_355 : vector<128x128xf32>
    %sqrt3A_357 = math.sqrt %max3A_356 : vector<128x128xf32>
    %lt3A_358 = arith.cmpf olt, %sqrt3A_357, %select_n3A_337 : vector<128x128xf32>
    %select_n3A_359 = arith.select %lt3A_358, %sqrt3A_357, %select_n3A_337 : vector<128x128xi1>, vector<128x128xf32>
    %jit3A_360 = arith.constant 15 : i32
    %broadcast_in_dim3A_361 = vector.broadcast %jit3A_360 : i32 to vector<128x128xi32>
    %select_n3A_362 = arith.select %lt3A_358, %broadcast_in_dim3A_361, %select_n3A_340 : vector<128x128xi1>, vector<128x128xi32>
    %get3A_363 = arith.constant 0 : index
    %get3A_364 = arith.constant 2048 : index
    %get3A_365 = vector.load %arg4[%get3A_363, %get3A_364] : memref<512x8192xf32, #tpu.memory_space<vmem>>, vector<128x128xf32>
    %get3A_366 = arith.constant 0 : index
    %get3A_367 = arith.constant 2048 : index
    %get3A_368 = vector.load %arg5[%get3A_366, %get3A_367] : memref<1x8192xf32, #tpu.memory_space<vmem>>, vector<1x128xf32>
    %add3A_369 = vector.broadcast %broadcast_in_dim3A : vector<128x1xf32> to vector<128x128xf32>
    %add3A_370 = vector.broadcast %get3A_368 : vector<1x128xf32> to vector<128x128xf32>
    %add3A_371 = arith.addf %add3A_369, %add3A_370 : vector<128x128xf32>
    %mul3A_372 = arith.constant 2.000000e+00 : f32
    %mul3A_373 = vector.broadcast %mul3A_372 : f32 to vector<128x128xf32>
    %mul3A_374 = arith.mulf %mul3A_373, %get3A_365 : vector<128x128xf32>
    %sub3A_375 = arith.subf %add3A_371, %mul3A_374 : vector<128x128xf32>
    %max3A_376 = arith.constant 0.000000e+00 : f32
    %max3A_377 = vector.broadcast %max3A_376 : f32 to vector<128x128xf32>
    %max3A_378 = arith.maximumf %sub3A_375, %max3A_377 : vector<128x128xf32>
    %sqrt3A_379 = math.sqrt %max3A_378 : vector<128x128xf32>
    %lt3A_380 = arith.cmpf olt, %sqrt3A_379, %select_n3A_359 : vector<128x128xf32>
    %select_n3A_381 = arith.select %lt3A_380, %sqrt3A_379, %select_n3A_359 : vector<128x128xi1>, vector<128x128xf32>
    %jit3A_382 = arith.constant 16 : i32
    %broadcast_in_dim3A_383 = vector.broadcast %jit3A_382 : i32 to vector<128x128xi32>
    %select_n3A_384 = arith.select %lt3A_380, %broadcast_in_dim3A_383, %select_n3A_362 : vector<128x128xi1>, vector<128x128xi32>
    %get3A_385 = arith.constant 0 : index
    %get3A_386 = arith.constant 2176 : index
    %get3A_387 = vector.load %arg4[%get3A_385, %get3A_386] : memref<512x8192xf32, #tpu.memory_space<vmem>>, vector<128x128xf32>
    %get3A_388 = arith.constant 0 : index
    %get3A_389 = arith.constant 2176 : index
    %get3A_390 = vector.load %arg5[%get3A_388, %get3A_389] : memref<1x8192xf32, #tpu.memory_space<vmem>>, vector<1x128xf32>
    %add3A_391 = vector.broadcast %broadcast_in_dim3A : vector<128x1xf32> to vector<128x128xf32>
    %add3A_392 = vector.broadcast %get3A_390 : vector<1x128xf32> to vector<128x128xf32>
    %add3A_393 = arith.addf %add3A_391, %add3A_392 : vector<128x128xf32>
    %mul3A_394 = arith.constant 2.000000e+00 : f32
    %mul3A_395 = vector.broadcast %mul3A_394 : f32 to vector<128x128xf32>
    %mul3A_396 = arith.mulf %mul3A_395, %get3A_387 : vector<128x128xf32>
    %sub3A_397 = arith.subf %add3A_393, %mul3A_396 : vector<128x128xf32>
    %max3A_398 = arith.constant 0.000000e+00 : f32
    %max3A_399 = vector.broadcast %max3A_398 : f32 to vector<128x128xf32>
    %max3A_400 = arith.maximumf %sub3A_397, %max3A_399 : vector<128x128xf32>
    %sqrt3A_401 = math.sqrt %max3A_400 : vector<128x128xf32>
    %lt3A_402 = arith.cmpf olt, %sqrt3A_401, %select_n3A_381 : vector<128x128xf32>
    %select_n3A_403 = arith.select %lt3A_402, %sqrt3A_401, %select_n3A_381 : vector<128x128xi1>, vector<128x128xf32>
    %jit3A_404 = arith.constant 17 : i32
    %broadcast_in_dim3A_405 = vector.broadcast %jit3A_404 : i32 to vector<128x128xi32>
    %select_n3A_406 = arith.select %lt3A_402, %broadcast_in_dim3A_405, %select_n3A_384 : vector<128x128xi1>, vector<128x128xi32>
    %get3A_407 = arith.constant 0 : index
    %get3A_408 = arith.constant 2304 : index
    %get3A_409 = vector.load %arg4[%get3A_407, %get3A_408] : memref<512x8192xf32, #tpu.memory_space<vmem>>, vector<128x128xf32>
    %get3A_410 = arith.constant 0 : index
    %get3A_411 = arith.constant 2304 : index
    %get3A_412 = vector.load %arg5[%get3A_410, %get3A_411] : memref<1x8192xf32, #tpu.memory_space<vmem>>, vector<1x128xf32>
    %add3A_413 = vector.broadcast %broadcast_in_dim3A : vector<128x1xf32> to vector<128x128xf32>
    %add3A_414 = vector.broadcast %get3A_412 : vector<1x128xf32> to vector<128x128xf32>
    %add3A_415 = arith.addf %add3A_413, %add3A_414 : vector<128x128xf32>
    %mul3A_416 = arith.constant 2.000000e+00 : f32
    %mul3A_417 = vector.broadcast %mul3A_416 : f32 to vector<128x128xf32>
    %mul3A_418 = arith.mulf %mul3A_417, %get3A_409 : vector<128x128xf32>
    %sub3A_419 = arith.subf %add3A_415, %mul3A_418 : vector<128x128xf32>
    %max3A_420 = arith.constant 0.000000e+00 : f32
    %max3A_421 = vector.broadcast %max3A_420 : f32 to vector<128x128xf32>
    %max3A_422 = arith.maximumf %sub3A_419, %max3A_421 : vector<128x128xf32>
    %sqrt3A_423 = math.sqrt %max3A_422 : vector<128x128xf32>
    %lt3A_424 = arith.cmpf olt, %sqrt3A_423, %select_n3A_403 : vector<128x128xf32>
    %select_n3A_425 = arith.select %lt3A_424, %sqrt3A_423, %select_n3A_403 : vector<128x128xi1>, vector<128x128xf32>
    %jit3A_426 = arith.constant 18 : i32
    %broadcast_in_dim3A_427 = vector.broadcast %jit3A_426 : i32 to vector<128x128xi32>
    %select_n3A_428 = arith.select %lt3A_424, %broadcast_in_dim3A_427, %select_n3A_406 : vector<128x128xi1>, vector<128x128xi32>
    %get3A_429 = arith.constant 0 : index
    %get3A_430 = arith.constant 2432 : index
    %get3A_431 = vector.load %arg4[%get3A_429, %get3A_430] : memref<512x8192xf32, #tpu.memory_space<vmem>>, vector<128x128xf32>
    %get3A_432 = arith.constant 0 : index
    %get3A_433 = arith.constant 2432 : index
    %get3A_434 = vector.load %arg5[%get3A_432, %get3A_433] : memref<1x8192xf32, #tpu.memory_space<vmem>>, vector<1x128xf32>
    %add3A_435 = vector.broadcast %broadcast_in_dim3A : vector<128x1xf32> to vector<128x128xf32>
    %add3A_436 = vector.broadcast %get3A_434 : vector<1x128xf32> to vector<128x128xf32>
    %add3A_437 = arith.addf %add3A_435, %add3A_436 : vector<128x128xf32>
    %mul3A_438 = arith.constant 2.000000e+00 : f32
    %mul3A_439 = vector.broadcast %mul3A_438 : f32 to vector<128x128xf32>
    %mul3A_440 = arith.mulf %mul3A_439, %get3A_431 : vector<128x128xf32>
    %sub3A_441 = arith.subf %add3A_437, %mul3A_440 : vector<128x128xf32>
    %max3A_442 = arith.constant 0.000000e+00 : f32
    %max3A_443 = vector.broadcast %max3A_442 : f32 to vector<128x128xf32>
    %max3A_444 = arith.maximumf %sub3A_441, %max3A_443 : vector<128x128xf32>
    %sqrt3A_445 = math.sqrt %max3A_444 : vector<128x128xf32>
    %lt3A_446 = arith.cmpf olt, %sqrt3A_445, %select_n3A_425 : vector<128x128xf32>
    %select_n3A_447 = arith.select %lt3A_446, %sqrt3A_445, %select_n3A_425 : vector<128x128xi1>, vector<128x128xf32>
    %jit3A_448 = arith.constant 19 : i32
    %broadcast_in_dim3A_449 = vector.broadcast %jit3A_448 : i32 to vector<128x128xi32>
    %select_n3A_450 = arith.select %lt3A_446, %broadcast_in_dim3A_449, %select_n3A_428 : vector<128x128xi1>, vector<128x128xi32>
    %get3A_451 = arith.constant 0 : index
    %get3A_452 = arith.constant 2560 : index
    %get3A_453 = vector.load %arg4[%get3A_451, %get3A_452] : memref<512x8192xf32, #tpu.memory_space<vmem>>, vector<128x128xf32>
    %get3A_454 = arith.constant 0 : index
    %get3A_455 = arith.constant 2560 : index
    %get3A_456 = vector.load %arg5[%get3A_454, %get3A_455] : memref<1x8192xf32, #tpu.memory_space<vmem>>, vector<1x128xf32>
    %add3A_457 = vector.broadcast %broadcast_in_dim3A : vector<128x1xf32> to vector<128x128xf32>
    %add3A_458 = vector.broadcast %get3A_456 : vector<1x128xf32> to vector<128x128xf32>
    %add3A_459 = arith.addf %add3A_457, %add3A_458 : vector<128x128xf32>
    %mul3A_460 = arith.constant 2.000000e+00 : f32
    %mul3A_461 = vector.broadcast %mul3A_460 : f32 to vector<128x128xf32>
    %mul3A_462 = arith.mulf %mul3A_461, %get3A_453 : vector<128x128xf32>
    %sub3A_463 = arith.subf %add3A_459, %mul3A_462 : vector<128x128xf32>
    %max3A_464 = arith.constant 0.000000e+00 : f32
    %max3A_465 = vector.broadcast %max3A_464 : f32 to vector<128x128xf32>
    %max3A_466 = arith.maximumf %sub3A_463, %max3A_465 : vector<128x128xf32>
    %sqrt3A_467 = math.sqrt %max3A_466 : vector<128x128xf32>
    %lt3A_468 = arith.cmpf olt, %sqrt3A_467, %select_n3A_447 : vector<128x128xf32>
    %select_n3A_469 = arith.select %lt3A_468, %sqrt3A_467, %select_n3A_447 : vector<128x128xi1>, vector<128x128xf32>
    %jit3A_470 = arith.constant 20 : i32
    %broadcast_in_dim3A_471 = vector.broadcast %jit3A_470 : i32 to vector<128x128xi32>
    %select_n3A_472 = arith.select %lt3A_468, %broadcast_in_dim3A_471, %select_n3A_450 : vector<128x128xi1>, vector<128x128xi32>
    %get3A_473 = arith.constant 0 : index
    %get3A_474 = arith.constant 2688 : index
    %get3A_475 = vector.load %arg4[%get3A_473, %get3A_474] : memref<512x8192xf32, #tpu.memory_space<vmem>>, vector<128x128xf32>
    %get3A_476 = arith.constant 0 : index
    %get3A_477 = arith.constant 2688 : index
    %get3A_478 = vector.load %arg5[%get3A_476, %get3A_477] : memref<1x8192xf32, #tpu.memory_space<vmem>>, vector<1x128xf32>
    %add3A_479 = vector.broadcast %broadcast_in_dim3A : vector<128x1xf32> to vector<128x128xf32>
    %add3A_480 = vector.broadcast %get3A_478 : vector<1x128xf32> to vector<128x128xf32>
    %add3A_481 = arith.addf %add3A_479, %add3A_480 : vector<128x128xf32>
    %mul3A_482 = arith.constant 2.000000e+00 : f32
    %mul3A_483 = vector.broadcast %mul3A_482 : f32 to vector<128x128xf32>
    %mul3A_484 = arith.mulf %mul3A_483, %get3A_475 : vector<128x128xf32>
    %sub3A_485 = arith.subf %add3A_481, %mul3A_484 : vector<128x128xf32>
    %max3A_486 = arith.constant 0.000000e+00 : f32
    %max3A_487 = vector.broadcast %max3A_486 : f32 to vector<128x128xf32>
    %max3A_488 = arith.maximumf %sub3A_485, %max3A_487 : vector<128x128xf32>
    %sqrt3A_489 = math.sqrt %max3A_488 : vector<128x128xf32>
    %lt3A_490 = arith.cmpf olt, %sqrt3A_489, %select_n3A_469 : vector<128x128xf32>
    %select_n3A_491 = arith.select %lt3A_490, %sqrt3A_489, %select_n3A_469 : vector<128x128xi1>, vector<128x128xf32>
    %jit3A_492 = arith.constant 21 : i32
    %broadcast_in_dim3A_493 = vector.broadcast %jit3A_492 : i32 to vector<128x128xi32>
    %select_n3A_494 = arith.select %lt3A_490, %broadcast_in_dim3A_493, %select_n3A_472 : vector<128x128xi1>, vector<128x128xi32>
    %get3A_495 = arith.constant 0 : index
    %get3A_496 = arith.constant 2816 : index
    %get3A_497 = vector.load %arg4[%get3A_495, %get3A_496] : memref<512x8192xf32, #tpu.memory_space<vmem>>, vector<128x128xf32>
    %get3A_498 = arith.constant 0 : index
    %get3A_499 = arith.constant 2816 : index
    %get3A_500 = vector.load %arg5[%get3A_498, %get3A_499] : memref<1x8192xf32, #tpu.memory_space<vmem>>, vector<1x128xf32>
    %add3A_501 = vector.broadcast %broadcast_in_dim3A : vector<128x1xf32> to vector<128x128xf32>
    %add3A_502 = vector.broadcast %get3A_500 : vector<1x128xf32> to vector<128x128xf32>
    %add3A_503 = arith.addf %add3A_501, %add3A_502 : vector<128x128xf32>
    %mul3A_504 = arith.constant 2.000000e+00 : f32
    %mul3A_505 = vector.broadcast %mul3A_504 : f32 to vector<128x128xf32>
    %mul3A_506 = arith.mulf %mul3A_505, %get3A_497 : vector<128x128xf32>
    %sub3A_507 = arith.subf %add3A_503, %mul3A_506 : vector<128x128xf32>
    %max3A_508 = arith.constant 0.000000e+00 : f32
    %max3A_509 = vector.broadcast %max3A_508 : f32 to vector<128x128xf32>
    %max3A_510 = arith.maximumf %sub3A_507, %max3A_509 : vector<128x128xf32>
    %sqrt3A_511 = math.sqrt %max3A_510 : vector<128x128xf32>
    %lt3A_512 = arith.cmpf olt, %sqrt3A_511, %select_n3A_491 : vector<128x128xf32>
    %select_n3A_513 = arith.select %lt3A_512, %sqrt3A_511, %select_n3A_491 : vector<128x128xi1>, vector<128x128xf32>
    %jit3A_514 = arith.constant 22 : i32
    %broadcast_in_dim3A_515 = vector.broadcast %jit3A_514 : i32 to vector<128x128xi32>
    %select_n3A_516 = arith.select %lt3A_512, %broadcast_in_dim3A_515, %select_n3A_494 : vector<128x128xi1>, vector<128x128xi32>
    %get3A_517 = arith.constant 0 : index
    %get3A_518 = arith.constant 2944 : index
    %get3A_519 = vector.load %arg4[%get3A_517, %get3A_518] : memref<512x8192xf32, #tpu.memory_space<vmem>>, vector<128x128xf32>
    %get3A_520 = arith.constant 0 : index
    %get3A_521 = arith.constant 2944 : index
    %get3A_522 = vector.load %arg5[%get3A_520, %get3A_521] : memref<1x8192xf32, #tpu.memory_space<vmem>>, vector<1x128xf32>
    %add3A_523 = vector.broadcast %broadcast_in_dim3A : vector<128x1xf32> to vector<128x128xf32>
    %add3A_524 = vector.broadcast %get3A_522 : vector<1x128xf32> to vector<128x128xf32>
    %add3A_525 = arith.addf %add3A_523, %add3A_524 : vector<128x128xf32>
    %mul3A_526 = arith.constant 2.000000e+00 : f32
    %mul3A_527 = vector.broadcast %mul3A_526 : f32 to vector<128x128xf32>
    %mul3A_528 = arith.mulf %mul3A_527, %get3A_519 : vector<128x128xf32>
    %sub3A_529 = arith.subf %add3A_525, %mul3A_528 : vector<128x128xf32>
    %max3A_530 = arith.constant 0.000000e+00 : f32
    %max3A_531 = vector.broadcast %max3A_530 : f32 to vector<128x128xf32>
    %max3A_532 = arith.maximumf %sub3A_529, %max3A_531 : vector<128x128xf32>
    %sqrt3A_533 = math.sqrt %max3A_532 : vector<128x128xf32>
    %lt3A_534 = arith.cmpf olt, %sqrt3A_533, %select_n3A_513 : vector<128x128xf32>
    %select_n3A_535 = arith.select %lt3A_534, %sqrt3A_533, %select_n3A_513 : vector<128x128xi1>, vector<128x128xf32>
    %jit3A_536 = arith.constant 23 : i32
    %broadcast_in_dim3A_537 = vector.broadcast %jit3A_536 : i32 to vector<128x128xi32>
    %select_n3A_538 = arith.select %lt3A_534, %broadcast_in_dim3A_537, %select_n3A_516 : vector<128x128xi1>, vector<128x128xi32>
    %get3A_539 = arith.constant 0 : index
    %get3A_540 = arith.constant 3072 : index
    %get3A_541 = vector.load %arg4[%get3A_539, %get3A_540] : memref<512x8192xf32, #tpu.memory_space<vmem>>, vector<128x128xf32>
    %get3A_542 = arith.constant 0 : index
    %get3A_543 = arith.constant 3072 : index
    %get3A_544 = vector.load %arg5[%get3A_542, %get3A_543] : memref<1x8192xf32, #tpu.memory_space<vmem>>, vector<1x128xf32>
    %add3A_545 = vector.broadcast %broadcast_in_dim3A : vector<128x1xf32> to vector<128x128xf32>
    %add3A_546 = vector.broadcast %get3A_544 : vector<1x128xf32> to vector<128x128xf32>
    %add3A_547 = arith.addf %add3A_545, %add3A_546 : vector<128x128xf32>
    %mul3A_548 = arith.constant 2.000000e+00 : f32
    %mul3A_549 = vector.broadcast %mul3A_548 : f32 to vector<128x128xf32>
    %mul3A_550 = arith.mulf %mul3A_549, %get3A_541 : vector<128x128xf32>
    %sub3A_551 = arith.subf %add3A_547, %mul3A_550 : vector<128x128xf32>
    %max3A_552 = arith.constant 0.000000e+00 : f32
    %max3A_553 = vector.broadcast %max3A_552 : f32 to vector<128x128xf32>
    %max3A_554 = arith.maximumf %sub3A_551, %max3A_553 : vector<128x128xf32>
    %sqrt3A_555 = math.sqrt %max3A_554 : vector<128x128xf32>
    %lt3A_556 = arith.cmpf olt, %sqrt3A_555, %select_n3A_535 : vector<128x128xf32>
    %select_n3A_557 = arith.select %lt3A_556, %sqrt3A_555, %select_n3A_535 : vector<128x128xi1>, vector<128x128xf32>
    %jit3A_558 = arith.constant 24 : i32
    %broadcast_in_dim3A_559 = vector.broadcast %jit3A_558 : i32 to vector<128x128xi32>
    %select_n3A_560 = arith.select %lt3A_556, %broadcast_in_dim3A_559, %select_n3A_538 : vector<128x128xi1>, vector<128x128xi32>
    %get3A_561 = arith.constant 0 : index
    %get3A_562 = arith.constant 3200 : index
    %get3A_563 = vector.load %arg4[%get3A_561, %get3A_562] : memref<512x8192xf32, #tpu.memory_space<vmem>>, vector<128x128xf32>
    %get3A_564 = arith.constant 0 : index
    %get3A_565 = arith.constant 3200 : index
    %get3A_566 = vector.load %arg5[%get3A_564, %get3A_565] : memref<1x8192xf32, #tpu.memory_space<vmem>>, vector<1x128xf32>
    %add3A_567 = vector.broadcast %broadcast_in_dim3A : vector<128x1xf32> to vector<128x128xf32>
    %add3A_568 = vector.broadcast %get3A_566 : vector<1x128xf32> to vector<128x128xf32>
    %add3A_569 = arith.addf %add3A_567, %add3A_568 : vector<128x128xf32>
    %mul3A_570 = arith.constant 2.000000e+00 : f32
    %mul3A_571 = vector.broadcast %mul3A_570 : f32 to vector<128x128xf32>
    %mul3A_572 = arith.mulf %mul3A_571, %get3A_563 : vector<128x128xf32>
    %sub3A_573 = arith.subf %add3A_569, %mul3A_572 : vector<128x128xf32>
    %max3A_574 = arith.constant 0.000000e+00 : f32
    %max3A_575 = vector.broadcast %max3A_574 : f32 to vector<128x128xf32>
    %max3A_576 = arith.maximumf %sub3A_573, %max3A_575 : vector<128x128xf32>
    %sqrt3A_577 = math.sqrt %max3A_576 : vector<128x128xf32>
    %lt3A_578 = arith.cmpf olt, %sqrt3A_577, %select_n3A_557 : vector<128x128xf32>
    %select_n3A_579 = arith.select %lt3A_578, %sqrt3A_577, %select_n3A_557 : vector<128x128xi1>, vector<128x128xf32>
    %jit3A_580 = arith.constant 25 : i32
    %broadcast_in_dim3A_581 = vector.broadcast %jit3A_580 : i32 to vector<128x128xi32>
    %select_n3A_582 = arith.select %lt3A_578, %broadcast_in_dim3A_581, %select_n3A_560 : vector<128x128xi1>, vector<128x128xi32>
    %get3A_583 = arith.constant 0 : index
    %get3A_584 = arith.constant 3328 : index
    %get3A_585 = vector.load %arg4[%get3A_583, %get3A_584] : memref<512x8192xf32, #tpu.memory_space<vmem>>, vector<128x128xf32>
    %get3A_586 = arith.constant 0 : index
    %get3A_587 = arith.constant 3328 : index
    %get3A_588 = vector.load %arg5[%get3A_586, %get3A_587] : memref<1x8192xf32, #tpu.memory_space<vmem>>, vector<1x128xf32>
    %add3A_589 = vector.broadcast %broadcast_in_dim3A : vector<128x1xf32> to vector<128x128xf32>
    %add3A_590 = vector.broadcast %get3A_588 : vector<1x128xf32> to vector<128x128xf32>
    %add3A_591 = arith.addf %add3A_589, %add3A_590 : vector<128x128xf32>
    %mul3A_592 = arith.constant 2.000000e+00 : f32
    %mul3A_593 = vector.broadcast %mul3A_592 : f32 to vector<128x128xf32>
    %mul3A_594 = arith.mulf %mul3A_593, %get3A_585 : vector<128x128xf32>
    %sub3A_595 = arith.subf %add3A_591, %mul3A_594 : vector<128x128xf32>
    %max3A_596 = arith.constant 0.000000e+00 : f32
    %max3A_597 = vector.broadcast %max3A_596 : f32 to vector<128x128xf32>
    %max3A_598 = arith.maximumf %sub3A_595, %max3A_597 : vector<128x128xf32>
    %sqrt3A_599 = math.sqrt %max3A_598 : vector<128x128xf32>
    %lt3A_600 = arith.cmpf olt, %sqrt3A_599, %select_n3A_579 : vector<128x128xf32>
    %select_n3A_601 = arith.select %lt3A_600, %sqrt3A_599, %select_n3A_579 : vector<128x128xi1>, vector<128x128xf32>
    %jit3A_602 = arith.constant 26 : i32
    %broadcast_in_dim3A_603 = vector.broadcast %jit3A_602 : i32 to vector<128x128xi32>
    %select_n3A_604 = arith.select %lt3A_600, %broadcast_in_dim3A_603, %select_n3A_582 : vector<128x128xi1>, vector<128x128xi32>
    %get3A_605 = arith.constant 0 : index
    %get3A_606 = arith.constant 3456 : index
    %get3A_607 = vector.load %arg4[%get3A_605, %get3A_606] : memref<512x8192xf32, #tpu.memory_space<vmem>>, vector<128x128xf32>
    %get3A_608 = arith.constant 0 : index
    %get3A_609 = arith.constant 3456 : index
    %get3A_610 = vector.load %arg5[%get3A_608, %get3A_609] : memref<1x8192xf32, #tpu.memory_space<vmem>>, vector<1x128xf32>
    %add3A_611 = vector.broadcast %broadcast_in_dim3A : vector<128x1xf32> to vector<128x128xf32>
    %add3A_612 = vector.broadcast %get3A_610 : vector<1x128xf32> to vector<128x128xf32>
    %add3A_613 = arith.addf %add3A_611, %add3A_612 : vector<128x128xf32>
    %mul3A_614 = arith.constant 2.000000e+00 : f32
    %mul3A_615 = vector.broadcast %mul3A_614 : f32 to vector<128x128xf32>
    %mul3A_616 = arith.mulf %mul3A_615, %get3A_607 : vector<128x128xf32>
    %sub3A_617 = arith.subf %add3A_613, %mul3A_616 : vector<128x128xf32>
    %max3A_618 = arith.constant 0.000000e+00 : f32
    %max3A_619 = vector.broadcast %max3A_618 : f32 to vector<128x128xf32>
    %max3A_620 = arith.maximumf %sub3A_617, %max3A_619 : vector<128x128xf32>
    %sqrt3A_621 = math.sqrt %max3A_620 : vector<128x128xf32>
    %lt3A_622 = arith.cmpf olt, %sqrt3A_621, %select_n3A_601 : vector<128x128xf32>
    %select_n3A_623 = arith.select %lt3A_622, %sqrt3A_621, %select_n3A_601 : vector<128x128xi1>, vector<128x128xf32>
    %jit3A_624 = arith.constant 27 : i32
    %broadcast_in_dim3A_625 = vector.broadcast %jit3A_624 : i32 to vector<128x128xi32>
    %select_n3A_626 = arith.select %lt3A_622, %broadcast_in_dim3A_625, %select_n3A_604 : vector<128x128xi1>, vector<128x128xi32>
    %get3A_627 = arith.constant 0 : index
    %get3A_628 = arith.constant 3584 : index
    %get3A_629 = vector.load %arg4[%get3A_627, %get3A_628] : memref<512x8192xf32, #tpu.memory_space<vmem>>, vector<128x128xf32>
    %get3A_630 = arith.constant 0 : index
    %get3A_631 = arith.constant 3584 : index
    %get3A_632 = vector.load %arg5[%get3A_630, %get3A_631] : memref<1x8192xf32, #tpu.memory_space<vmem>>, vector<1x128xf32>
    %add3A_633 = vector.broadcast %broadcast_in_dim3A : vector<128x1xf32> to vector<128x128xf32>
    %add3A_634 = vector.broadcast %get3A_632 : vector<1x128xf32> to vector<128x128xf32>
    %add3A_635 = arith.addf %add3A_633, %add3A_634 : vector<128x128xf32>
    %mul3A_636 = arith.constant 2.000000e+00 : f32
    %mul3A_637 = vector.broadcast %mul3A_636 : f32 to vector<128x128xf32>
    %mul3A_638 = arith.mulf %mul3A_637, %get3A_629 : vector<128x128xf32>
    %sub3A_639 = arith.subf %add3A_635, %mul3A_638 : vector<128x128xf32>
    %max3A_640 = arith.constant 0.000000e+00 : f32
    %max3A_641 = vector.broadcast %max3A_640 : f32 to vector<128x128xf32>
    %max3A_642 = arith.maximumf %sub3A_639, %max3A_641 : vector<128x128xf32>
    %sqrt3A_643 = math.sqrt %max3A_642 : vector<128x128xf32>
    %lt3A_644 = arith.cmpf olt, %sqrt3A_643, %select_n3A_623 : vector<128x128xf32>
    %select_n3A_645 = arith.select %lt3A_644, %sqrt3A_643, %select_n3A_623 : vector<128x128xi1>, vector<128x128xf32>
    %jit3A_646 = arith.constant 28 : i32
    %broadcast_in_dim3A_647 = vector.broadcast %jit3A_646 : i32 to vector<128x128xi32>
    %select_n3A_648 = arith.select %lt3A_644, %broadcast_in_dim3A_647, %select_n3A_626 : vector<128x128xi1>, vector<128x128xi32>
    %get3A_649 = arith.constant 0 : index
    %get3A_650 = arith.constant 3712 : index
    %get3A_651 = vector.load %arg4[%get3A_649, %get3A_650] : memref<512x8192xf32, #tpu.memory_space<vmem>>, vector<128x128xf32>
    %get3A_652 = arith.constant 0 : index
    %get3A_653 = arith.constant 3712 : index
    %get3A_654 = vector.load %arg5[%get3A_652, %get3A_653] : memref<1x8192xf32, #tpu.memory_space<vmem>>, vector<1x128xf32>
    %add3A_655 = vector.broadcast %broadcast_in_dim3A : vector<128x1xf32> to vector<128x128xf32>
    %add3A_656 = vector.broadcast %get3A_654 : vector<1x128xf32> to vector<128x128xf32>
    %add3A_657 = arith.addf %add3A_655, %add3A_656 : vector<128x128xf32>
    %mul3A_658 = arith.constant 2.000000e+00 : f32
    %mul3A_659 = vector.broadcast %mul3A_658 : f32 to vector<128x128xf32>
    %mul3A_660 = arith.mulf %mul3A_659, %get3A_651 : vector<128x128xf32>
    %sub3A_661 = arith.subf %add3A_657, %mul3A_660 : vector<128x128xf32>
    %max3A_662 = arith.constant 0.000000e+00 : f32
    %max3A_663 = vector.broadcast %max3A_662 : f32 to vector<128x128xf32>
    %max3A_664 = arith.maximumf %sub3A_661, %max3A_663 : vector<128x128xf32>
    %sqrt3A_665 = math.sqrt %max3A_664 : vector<128x128xf32>
    %lt3A_666 = arith.cmpf olt, %sqrt3A_665, %select_n3A_645 : vector<128x128xf32>
    %select_n3A_667 = arith.select %lt3A_666, %sqrt3A_665, %select_n3A_645 : vector<128x128xi1>, vector<128x128xf32>
    %jit3A_668 = arith.constant 29 : i32
    %broadcast_in_dim3A_669 = vector.broadcast %jit3A_668 : i32 to vector<128x128xi32>
    %select_n3A_670 = arith.select %lt3A_666, %broadcast_in_dim3A_669, %select_n3A_648 : vector<128x128xi1>, vector<128x128xi32>
    %get3A_671 = arith.constant 0 : index
    %get3A_672 = arith.constant 3840 : index
    %get3A_673 = vector.load %arg4[%get3A_671, %get3A_672] : memref<512x8192xf32, #tpu.memory_space<vmem>>, vector<128x128xf32>
    %get3A_674 = arith.constant 0 : index
    %get3A_675 = arith.constant 3840 : index
    %get3A_676 = vector.load %arg5[%get3A_674, %get3A_675] : memref<1x8192xf32, #tpu.memory_space<vmem>>, vector<1x128xf32>
    %add3A_677 = vector.broadcast %broadcast_in_dim3A : vector<128x1xf32> to vector<128x128xf32>
    %add3A_678 = vector.broadcast %get3A_676 : vector<1x128xf32> to vector<128x128xf32>
    %add3A_679 = arith.addf %add3A_677, %add3A_678 : vector<128x128xf32>
    %mul3A_680 = arith.constant 2.000000e+00 : f32
    %mul3A_681 = vector.broadcast %mul3A_680 : f32 to vector<128x128xf32>
    %mul3A_682 = arith.mulf %mul3A_681, %get3A_673 : vector<128x128xf32>
    %sub3A_683 = arith.subf %add3A_679, %mul3A_682 : vector<128x128xf32>
    %max3A_684 = arith.constant 0.000000e+00 : f32
    %max3A_685 = vector.broadcast %max3A_684 : f32 to vector<128x128xf32>
    %max3A_686 = arith.maximumf %sub3A_683, %max3A_685 : vector<128x128xf32>
    %sqrt3A_687 = math.sqrt %max3A_686 : vector<128x128xf32>
    %lt3A_688 = arith.cmpf olt, %sqrt3A_687, %select_n3A_667 : vector<128x128xf32>
    %select_n3A_689 = arith.select %lt3A_688, %sqrt3A_687, %select_n3A_667 : vector<128x128xi1>, vector<128x128xf32>
    %jit3A_690 = arith.constant 30 : i32
    %broadcast_in_dim3A_691 = vector.broadcast %jit3A_690 : i32 to vector<128x128xi32>
    %select_n3A_692 = arith.select %lt3A_688, %broadcast_in_dim3A_691, %select_n3A_670 : vector<128x128xi1>, vector<128x128xi32>
    %get3A_693 = arith.constant 0 : index
    %get3A_694 = arith.constant 3968 : index
    %get3A_695 = vector.load %arg4[%get3A_693, %get3A_694] : memref<512x8192xf32, #tpu.memory_space<vmem>>, vector<128x128xf32>
    %get3A_696 = arith.constant 0 : index
    %get3A_697 = arith.constant 3968 : index
    %get3A_698 = vector.load %arg5[%get3A_696, %get3A_697] : memref<1x8192xf32, #tpu.memory_space<vmem>>, vector<1x128xf32>
    %add3A_699 = vector.broadcast %broadcast_in_dim3A : vector<128x1xf32> to vector<128x128xf32>
    %add3A_700 = vector.broadcast %get3A_698 : vector<1x128xf32> to vector<128x128xf32>
    %add3A_701 = arith.addf %add3A_699, %add3A_700 : vector<128x128xf32>
    %mul3A_702 = arith.constant 2.000000e+00 : f32
    %mul3A_703 = vector.broadcast %mul3A_702 : f32 to vector<128x128xf32>
    %mul3A_704 = arith.mulf %mul3A_703, %get3A_695 : vector<128x128xf32>
    %sub3A_705 = arith.subf %add3A_701, %mul3A_704 : vector<128x128xf32>
    %max3A_706 = arith.constant 0.000000e+00 : f32
    %max3A_707 = vector.broadcast %max3A_706 : f32 to vector<128x128xf32>
    %max3A_708 = arith.maximumf %sub3A_705, %max3A_707 : vector<128x128xf32>
    %sqrt3A_709 = math.sqrt %max3A_708 : vector<128x128xf32>
    %lt3A_710 = arith.cmpf olt, %sqrt3A_709, %select_n3A_689 : vector<128x128xf32>
    %select_n3A_711 = arith.select %lt3A_710, %sqrt3A_709, %select_n3A_689 : vector<128x128xi1>, vector<128x128xf32>
    %jit3A_712 = arith.constant 31 : i32
    %broadcast_in_dim3A_713 = vector.broadcast %jit3A_712 : i32 to vector<128x128xi32>
    %select_n3A_714 = arith.select %lt3A_710, %broadcast_in_dim3A_713, %select_n3A_692 : vector<128x128xi1>, vector<128x128xi32>
    %get3A_715 = arith.constant 0 : index
    %get3A_716 = arith.constant 4096 : index
    %get3A_717 = vector.load %arg4[%get3A_715, %get3A_716] : memref<512x8192xf32, #tpu.memory_space<vmem>>, vector<128x128xf32>
    %get3A_718 = arith.constant 0 : index
    %get3A_719 = arith.constant 4096 : index
    %get3A_720 = vector.load %arg5[%get3A_718, %get3A_719] : memref<1x8192xf32, #tpu.memory_space<vmem>>, vector<1x128xf32>
    %add3A_721 = vector.broadcast %broadcast_in_dim3A : vector<128x1xf32> to vector<128x128xf32>
    %add3A_722 = vector.broadcast %get3A_720 : vector<1x128xf32> to vector<128x128xf32>
    %add3A_723 = arith.addf %add3A_721, %add3A_722 : vector<128x128xf32>
    %mul3A_724 = arith.constant 2.000000e+00 : f32
    %mul3A_725 = vector.broadcast %mul3A_724 : f32 to vector<128x128xf32>
    %mul3A_726 = arith.mulf %mul3A_725, %get3A_717 : vector<128x128xf32>
    %sub3A_727 = arith.subf %add3A_723, %mul3A_726 : vector<128x128xf32>
    %max3A_728 = arith.constant 0.000000e+00 : f32
    %max3A_729 = vector.broadcast %max3A_728 : f32 to vector<128x128xf32>
    %max3A_730 = arith.maximumf %sub3A_727, %max3A_729 : vector<128x128xf32>
    %sqrt3A_731 = math.sqrt %max3A_730 : vector<128x128xf32>
    %lt3A_732 = arith.cmpf olt, %sqrt3A_731, %select_n3A_711 : vector<128x128xf32>
    %select_n3A_733 = arith.select %lt3A_732, %sqrt3A_731, %select_n3A_711 : vector<128x128xi1>, vector<128x128xf32>
    %jit3A_734 = arith.constant 32 : i32
    %broadcast_in_dim3A_735 = vector.broadcast %jit3A_734 : i32 to vector<128x128xi32>
    %select_n3A_736 = arith.select %lt3A_732, %broadcast_in_dim3A_735, %select_n3A_714 : vector<128x128xi1>, vector<128x128xi32>
    %get3A_737 = arith.constant 0 : index
    %get3A_738 = arith.constant 4224 : index
    %get3A_739 = vector.load %arg4[%get3A_737, %get3A_738] : memref<512x8192xf32, #tpu.memory_space<vmem>>, vector<128x128xf32>
    %get3A_740 = arith.constant 0 : index
    %get3A_741 = arith.constant 4224 : index
    %get3A_742 = vector.load %arg5[%get3A_740, %get3A_741] : memref<1x8192xf32, #tpu.memory_space<vmem>>, vector<1x128xf32>
    %add3A_743 = vector.broadcast %broadcast_in_dim3A : vector<128x1xf32> to vector<128x128xf32>
    %add3A_744 = vector.broadcast %get3A_742 : vector<1x128xf32> to vector<128x128xf32>
    %add3A_745 = arith.addf %add3A_743, %add3A_744 : vector<128x128xf32>
    %mul3A_746 = arith.constant 2.000000e+00 : f32
    %mul3A_747 = vector.broadcast %mul3A_746 : f32 to vector<128x128xf32>
    %mul3A_748 = arith.mulf %mul3A_747, %get3A_739 : vector<128x128xf32>
    %sub3A_749 = arith.subf %add3A_745, %mul3A_748 : vector<128x128xf32>
    %max3A_750 = arith.constant 0.000000e+00 : f32
    %max3A_751 = vector.broadcast %max3A_750 : f32 to vector<128x128xf32>
    %max3A_752 = arith.maximumf %sub3A_749, %max3A_751 : vector<128x128xf32>
    %sqrt3A_753 = math.sqrt %max3A_752 : vector<128x128xf32>
    %lt3A_754 = arith.cmpf olt, %sqrt3A_753, %select_n3A_733 : vector<128x128xf32>
    %select_n3A_755 = arith.select %lt3A_754, %sqrt3A_753, %select_n3A_733 : vector<128x128xi1>, vector<128x128xf32>
    %jit3A_756 = arith.constant 33 : i32
    %broadcast_in_dim3A_757 = vector.broadcast %jit3A_756 : i32 to vector<128x128xi32>
    %select_n3A_758 = arith.select %lt3A_754, %broadcast_in_dim3A_757, %select_n3A_736 : vector<128x128xi1>, vector<128x128xi32>
    %get3A_759 = arith.constant 0 : index
    %get3A_760 = arith.constant 4352 : index
    %get3A_761 = vector.load %arg4[%get3A_759, %get3A_760] : memref<512x8192xf32, #tpu.memory_space<vmem>>, vector<128x128xf32>
    %get3A_762 = arith.constant 0 : index
    %get3A_763 = arith.constant 4352 : index
    %get3A_764 = vector.load %arg5[%get3A_762, %get3A_763] : memref<1x8192xf32, #tpu.memory_space<vmem>>, vector<1x128xf32>
    %add3A_765 = vector.broadcast %broadcast_in_dim3A : vector<128x1xf32> to vector<128x128xf32>
    %add3A_766 = vector.broadcast %get3A_764 : vector<1x128xf32> to vector<128x128xf32>
    %add3A_767 = arith.addf %add3A_765, %add3A_766 : vector<128x128xf32>
    %mul3A_768 = arith.constant 2.000000e+00 : f32
    %mul3A_769 = vector.broadcast %mul3A_768 : f32 to vector<128x128xf32>
    %mul3A_770 = arith.mulf %mul3A_769, %get3A_761 : vector<128x128xf32>
    %sub3A_771 = arith.subf %add3A_767, %mul3A_770 : vector<128x128xf32>
    %max3A_772 = arith.constant 0.000000e+00 : f32
    %max3A_773 = vector.broadcast %max3A_772 : f32 to vector<128x128xf32>
    %max3A_774 = arith.maximumf %sub3A_771, %max3A_773 : vector<128x128xf32>
    %sqrt3A_775 = math.sqrt %max3A_774 : vector<128x128xf32>
    %lt3A_776 = arith.cmpf olt, %sqrt3A_775, %select_n3A_755 : vector<128x128xf32>
    %select_n3A_777 = arith.select %lt3A_776, %sqrt3A_775, %select_n3A_755 : vector<128x128xi1>, vector<128x128xf32>
    %jit3A_778 = arith.constant 34 : i32
    %broadcast_in_dim3A_779 = vector.broadcast %jit3A_778 : i32 to vector<128x128xi32>
    %select_n3A_780 = arith.select %lt3A_776, %broadcast_in_dim3A_779, %select_n3A_758 : vector<128x128xi1>, vector<128x128xi32>
    %get3A_781 = arith.constant 0 : index
    %get3A_782 = arith.constant 4480 : index
    %get3A_783 = vector.load %arg4[%get3A_781, %get3A_782] : memref<512x8192xf32, #tpu.memory_space<vmem>>, vector<128x128xf32>
    %get3A_784 = arith.constant 0 : index
    %get3A_785 = arith.constant 4480 : index
    %get3A_786 = vector.load %arg5[%get3A_784, %get3A_785] : memref<1x8192xf32, #tpu.memory_space<vmem>>, vector<1x128xf32>
    %add3A_787 = vector.broadcast %broadcast_in_dim3A : vector<128x1xf32> to vector<128x128xf32>
    %add3A_788 = vector.broadcast %get3A_786 : vector<1x128xf32> to vector<128x128xf32>
    %add3A_789 = arith.addf %add3A_787, %add3A_788 : vector<128x128xf32>
    %mul3A_790 = arith.constant 2.000000e+00 : f32
    %mul3A_791 = vector.broadcast %mul3A_790 : f32 to vector<128x128xf32>
    %mul3A_792 = arith.mulf %mul3A_791, %get3A_783 : vector<128x128xf32>
    %sub3A_793 = arith.subf %add3A_789, %mul3A_792 : vector<128x128xf32>
    %max3A_794 = arith.constant 0.000000e+00 : f32
    %max3A_795 = vector.broadcast %max3A_794 : f32 to vector<128x128xf32>
    %max3A_796 = arith.maximumf %sub3A_793, %max3A_795 : vector<128x128xf32>
    %sqrt3A_797 = math.sqrt %max3A_796 : vector<128x128xf32>
    %lt3A_798 = arith.cmpf olt, %sqrt3A_797, %select_n3A_777 : vector<128x128xf32>
    %select_n3A_799 = arith.select %lt3A_798, %sqrt3A_797, %select_n3A_777 : vector<128x128xi1>, vector<128x128xf32>
    %jit3A_800 = arith.constant 35 : i32
    %broadcast_in_dim3A_801 = vector.broadcast %jit3A_800 : i32 to vector<128x128xi32>
    %select_n3A_802 = arith.select %lt3A_798, %broadcast_in_dim3A_801, %select_n3A_780 : vector<128x128xi1>, vector<128x128xi32>
    %get3A_803 = arith.constant 0 : index
    %get3A_804 = arith.constant 4608 : index
    %get3A_805 = vector.load %arg4[%get3A_803, %get3A_804] : memref<512x8192xf32, #tpu.memory_space<vmem>>, vector<128x128xf32>
    %get3A_806 = arith.constant 0 : index
    %get3A_807 = arith.constant 4608 : index
    %get3A_808 = vector.load %arg5[%get3A_806, %get3A_807] : memref<1x8192xf32, #tpu.memory_space<vmem>>, vector<1x128xf32>
    %add3A_809 = vector.broadcast %broadcast_in_dim3A : vector<128x1xf32> to vector<128x128xf32>
    %add3A_810 = vector.broadcast %get3A_808 : vector<1x128xf32> to vector<128x128xf32>
    %add3A_811 = arith.addf %add3A_809, %add3A_810 : vector<128x128xf32>
    %mul3A_812 = arith.constant 2.000000e+00 : f32
    %mul3A_813 = vector.broadcast %mul3A_812 : f32 to vector<128x128xf32>
    %mul3A_814 = arith.mulf %mul3A_813, %get3A_805 : vector<128x128xf32>
    %sub3A_815 = arith.subf %add3A_811, %mul3A_814 : vector<128x128xf32>
    %max3A_816 = arith.constant 0.000000e+00 : f32
    %max3A_817 = vector.broadcast %max3A_816 : f32 to vector<128x128xf32>
    %max3A_818 = arith.maximumf %sub3A_815, %max3A_817 : vector<128x128xf32>
    %sqrt3A_819 = math.sqrt %max3A_818 : vector<128x128xf32>
    %lt3A_820 = arith.cmpf olt, %sqrt3A_819, %select_n3A_799 : vector<128x128xf32>
    %select_n3A_821 = arith.select %lt3A_820, %sqrt3A_819, %select_n3A_799 : vector<128x128xi1>, vector<128x128xf32>
    %jit3A_822 = arith.constant 36 : i32
    %broadcast_in_dim3A_823 = vector.broadcast %jit3A_822 : i32 to vector<128x128xi32>
    %select_n3A_824 = arith.select %lt3A_820, %broadcast_in_dim3A_823, %select_n3A_802 : vector<128x128xi1>, vector<128x128xi32>
    %get3A_825 = arith.constant 0 : index
    %get3A_826 = arith.constant 4736 : index
    %get3A_827 = vector.load %arg4[%get3A_825, %get3A_826] : memref<512x8192xf32, #tpu.memory_space<vmem>>, vector<128x128xf32>
    %get3A_828 = arith.constant 0 : index
    %get3A_829 = arith.constant 4736 : index
    %get3A_830 = vector.load %arg5[%get3A_828, %get3A_829] : memref<1x8192xf32, #tpu.memory_space<vmem>>, vector<1x128xf32>
    %add3A_831 = vector.broadcast %broadcast_in_dim3A : vector<128x1xf32> to vector<128x128xf32>
    %add3A_832 = vector.broadcast %get3A_830 : vector<1x128xf32> to vector<128x128xf32>
    %add3A_833 = arith.addf %add3A_831, %add3A_832 : vector<128x128xf32>
    %mul3A_834 = arith.constant 2.000000e+00 : f32
    %mul3A_835 = vector.broadcast %mul3A_834 : f32 to vector<128x128xf32>
    %mul3A_836 = arith.mulf %mul3A_835, %get3A_827 : vector<128x128xf32>
    %sub3A_837 = arith.subf %add3A_833, %mul3A_836 : vector<128x128xf32>
    %max3A_838 = arith.constant 0.000000e+00 : f32
    %max3A_839 = vector.broadcast %max3A_838 : f32 to vector<128x128xf32>
    %max3A_840 = arith.maximumf %sub3A_837, %max3A_839 : vector<128x128xf32>
    %sqrt3A_841 = math.sqrt %max3A_840 : vector<128x128xf32>
    %lt3A_842 = arith.cmpf olt, %sqrt3A_841, %select_n3A_821 : vector<128x128xf32>
    %select_n3A_843 = arith.select %lt3A_842, %sqrt3A_841, %select_n3A_821 : vector<128x128xi1>, vector<128x128xf32>
    %jit3A_844 = arith.constant 37 : i32
    %broadcast_in_dim3A_845 = vector.broadcast %jit3A_844 : i32 to vector<128x128xi32>
    %select_n3A_846 = arith.select %lt3A_842, %broadcast_in_dim3A_845, %select_n3A_824 : vector<128x128xi1>, vector<128x128xi32>
    %get3A_847 = arith.constant 0 : index
    %get3A_848 = arith.constant 4864 : index
    %get3A_849 = vector.load %arg4[%get3A_847, %get3A_848] : memref<512x8192xf32, #tpu.memory_space<vmem>>, vector<128x128xf32>
    %get3A_850 = arith.constant 0 : index
    %get3A_851 = arith.constant 4864 : index
    %get3A_852 = vector.load %arg5[%get3A_850, %get3A_851] : memref<1x8192xf32, #tpu.memory_space<vmem>>, vector<1x128xf32>
    %add3A_853 = vector.broadcast %broadcast_in_dim3A : vector<128x1xf32> to vector<128x128xf32>
    %add3A_854 = vector.broadcast %get3A_852 : vector<1x128xf32> to vector<128x128xf32>
    %add3A_855 = arith.addf %add3A_853, %add3A_854 : vector<128x128xf32>
    %mul3A_856 = arith.constant 2.000000e+00 : f32
    %mul3A_857 = vector.broadcast %mul3A_856 : f32 to vector<128x128xf32>
    %mul3A_858 = arith.mulf %mul3A_857, %get3A_849 : vector<128x128xf32>
    %sub3A_859 = arith.subf %add3A_855, %mul3A_858 : vector<128x128xf32>
    %max3A_860 = arith.constant 0.000000e+00 : f32
    %max3A_861 = vector.broadcast %max3A_860 : f32 to vector<128x128xf32>
    %max3A_862 = arith.maximumf %sub3A_859, %max3A_861 : vector<128x128xf32>
    %sqrt3A_863 = math.sqrt %max3A_862 : vector<128x128xf32>
    %lt3A_864 = arith.cmpf olt, %sqrt3A_863, %select_n3A_843 : vector<128x128xf32>
    %select_n3A_865 = arith.select %lt3A_864, %sqrt3A_863, %select_n3A_843 : vector<128x128xi1>, vector<128x128xf32>
    %jit3A_866 = arith.constant 38 : i32
    %broadcast_in_dim3A_867 = vector.broadcast %jit3A_866 : i32 to vector<128x128xi32>
    %select_n3A_868 = arith.select %lt3A_864, %broadcast_in_dim3A_867, %select_n3A_846 : vector<128x128xi1>, vector<128x128xi32>
    %get3A_869 = arith.constant 0 : index
    %get3A_870 = arith.constant 4992 : index
    %get3A_871 = vector.load %arg4[%get3A_869, %get3A_870] : memref<512x8192xf32, #tpu.memory_space<vmem>>, vector<128x128xf32>
    %get3A_872 = arith.constant 0 : index
    %get3A_873 = arith.constant 4992 : index
    %get3A_874 = vector.load %arg5[%get3A_872, %get3A_873] : memref<1x8192xf32, #tpu.memory_space<vmem>>, vector<1x128xf32>
    %add3A_875 = vector.broadcast %broadcast_in_dim3A : vector<128x1xf32> to vector<128x128xf32>
    %add3A_876 = vector.broadcast %get3A_874 : vector<1x128xf32> to vector<128x128xf32>
    %add3A_877 = arith.addf %add3A_875, %add3A_876 : vector<128x128xf32>
    %mul3A_878 = arith.constant 2.000000e+00 : f32
    %mul3A_879 = vector.broadcast %mul3A_878 : f32 to vector<128x128xf32>
    %mul3A_880 = arith.mulf %mul3A_879, %get3A_871 : vector<128x128xf32>
    %sub3A_881 = arith.subf %add3A_877, %mul3A_880 : vector<128x128xf32>
    %max3A_882 = arith.constant 0.000000e+00 : f32
    %max3A_883 = vector.broadcast %max3A_882 : f32 to vector<128x128xf32>
    %max3A_884 = arith.maximumf %sub3A_881, %max3A_883 : vector<128x128xf32>
    %sqrt3A_885 = math.sqrt %max3A_884 : vector<128x128xf32>
    %lt3A_886 = arith.cmpf olt, %sqrt3A_885, %select_n3A_865 : vector<128x128xf32>
    %select_n3A_887 = arith.select %lt3A_886, %sqrt3A_885, %select_n3A_865 : vector<128x128xi1>, vector<128x128xf32>
    %jit3A_888 = arith.constant 39 : i32
    %broadcast_in_dim3A_889 = vector.broadcast %jit3A_888 : i32 to vector<128x128xi32>
    %select_n3A_890 = arith.select %lt3A_886, %broadcast_in_dim3A_889, %select_n3A_868 : vector<128x128xi1>, vector<128x128xi32>
    %get3A_891 = arith.constant 0 : index
    %get3A_892 = arith.constant 5120 : index
    %get3A_893 = vector.load %arg4[%get3A_891, %get3A_892] : memref<512x8192xf32, #tpu.memory_space<vmem>>, vector<128x128xf32>
    %get3A_894 = arith.constant 0 : index
    %get3A_895 = arith.constant 5120 : index
    %get3A_896 = vector.load %arg5[%get3A_894, %get3A_895] : memref<1x8192xf32, #tpu.memory_space<vmem>>, vector<1x128xf32>
    %add3A_897 = vector.broadcast %broadcast_in_dim3A : vector<128x1xf32> to vector<128x128xf32>
    %add3A_898 = vector.broadcast %get3A_896 : vector<1x128xf32> to vector<128x128xf32>
    %add3A_899 = arith.addf %add3A_897, %add3A_898 : vector<128x128xf32>
    %mul3A_900 = arith.constant 2.000000e+00 : f32
    %mul3A_901 = vector.broadcast %mul3A_900 : f32 to vector<128x128xf32>
    %mul3A_902 = arith.mulf %mul3A_901, %get3A_893 : vector<128x128xf32>
    %sub3A_903 = arith.subf %add3A_899, %mul3A_902 : vector<128x128xf32>
    %max3A_904 = arith.constant 0.000000e+00 : f32
    %max3A_905 = vector.broadcast %max3A_904 : f32 to vector<128x128xf32>
    %max3A_906 = arith.maximumf %sub3A_903, %max3A_905 : vector<128x128xf32>
    %sqrt3A_907 = math.sqrt %max3A_906 : vector<128x128xf32>
    %lt3A_908 = arith.cmpf olt, %sqrt3A_907, %select_n3A_887 : vector<128x128xf32>
    %select_n3A_909 = arith.select %lt3A_908, %sqrt3A_907, %select_n3A_887 : vector<128x128xi1>, vector<128x128xf32>
    %jit3A_910 = arith.constant 40 : i32
    %broadcast_in_dim3A_911 = vector.broadcast %jit3A_910 : i32 to vector<128x128xi32>
    %select_n3A_912 = arith.select %lt3A_908, %broadcast_in_dim3A_911, %select_n3A_890 : vector<128x128xi1>, vector<128x128xi32>
    %get3A_913 = arith.constant 0 : index
    %get3A_914 = arith.constant 5248 : index
    %get3A_915 = vector.load %arg4[%get3A_913, %get3A_914] : memref<512x8192xf32, #tpu.memory_space<vmem>>, vector<128x128xf32>
    %get3A_916 = arith.constant 0 : index
    %get3A_917 = arith.constant 5248 : index
    %get3A_918 = vector.load %arg5[%get3A_916, %get3A_917] : memref<1x8192xf32, #tpu.memory_space<vmem>>, vector<1x128xf32>
    %add3A_919 = vector.broadcast %broadcast_in_dim3A : vector<128x1xf32> to vector<128x128xf32>
    %add3A_920 = vector.broadcast %get3A_918 : vector<1x128xf32> to vector<128x128xf32>
    %add3A_921 = arith.addf %add3A_919, %add3A_920 : vector<128x128xf32>
    %mul3A_922 = arith.constant 2.000000e+00 : f32
    %mul3A_923 = vector.broadcast %mul3A_922 : f32 to vector<128x128xf32>
    %mul3A_924 = arith.mulf %mul3A_923, %get3A_915 : vector<128x128xf32>
    %sub3A_925 = arith.subf %add3A_921, %mul3A_924 : vector<128x128xf32>
    %max3A_926 = arith.constant 0.000000e+00 : f32
    %max3A_927 = vector.broadcast %max3A_926 : f32 to vector<128x128xf32>
    %max3A_928 = arith.maximumf %sub3A_925, %max3A_927 : vector<128x128xf32>
    %sqrt3A_929 = math.sqrt %max3A_928 : vector<128x128xf32>
    %lt3A_930 = arith.cmpf olt, %sqrt3A_929, %select_n3A_909 : vector<128x128xf32>
    %select_n3A_931 = arith.select %lt3A_930, %sqrt3A_929, %select_n3A_909 : vector<128x128xi1>, vector<128x128xf32>
    %jit3A_932 = arith.constant 41 : i32
    %broadcast_in_dim3A_933 = vector.broadcast %jit3A_932 : i32 to vector<128x128xi32>
    %select_n3A_934 = arith.select %lt3A_930, %broadcast_in_dim3A_933, %select_n3A_912 : vector<128x128xi1>, vector<128x128xi32>
    %get3A_935 = arith.constant 0 : index
    %get3A_936 = arith.constant 5376 : index
    %get3A_937 = vector.load %arg4[%get3A_935, %get3A_936] : memref<512x8192xf32, #tpu.memory_space<vmem>>, vector<128x128xf32>
    %get3A_938 = arith.constant 0 : index
    %get3A_939 = arith.constant 5376 : index
    %get3A_940 = vector.load %arg5[%get3A_938, %get3A_939] : memref<1x8192xf32, #tpu.memory_space<vmem>>, vector<1x128xf32>
    %add3A_941 = vector.broadcast %broadcast_in_dim3A : vector<128x1xf32> to vector<128x128xf32>
    %add3A_942 = vector.broadcast %get3A_940 : vector<1x128xf32> to vector<128x128xf32>
    %add3A_943 = arith.addf %add3A_941, %add3A_942 : vector<128x128xf32>
    %mul3A_944 = arith.constant 2.000000e+00 : f32
    %mul3A_945 = vector.broadcast %mul3A_944 : f32 to vector<128x128xf32>
    %mul3A_946 = arith.mulf %mul3A_945, %get3A_937 : vector<128x128xf32>
    %sub3A_947 = arith.subf %add3A_943, %mul3A_946 : vector<128x128xf32>
    %max3A_948 = arith.constant 0.000000e+00 : f32
    %max3A_949 = vector.broadcast %max3A_948 : f32 to vector<128x128xf32>
    %max3A_950 = arith.maximumf %sub3A_947, %max3A_949 : vector<128x128xf32>
    %sqrt3A_951 = math.sqrt %max3A_950 : vector<128x128xf32>
    %lt3A_952 = arith.cmpf olt, %sqrt3A_951, %select_n3A_931 : vector<128x128xf32>
    %select_n3A_953 = arith.select %lt3A_952, %sqrt3A_951, %select_n3A_931 : vector<128x128xi1>, vector<128x128xf32>
    %jit3A_954 = arith.constant 42 : i32
    %broadcast_in_dim3A_955 = vector.broadcast %jit3A_954 : i32 to vector<128x128xi32>
    %select_n3A_956 = arith.select %lt3A_952, %broadcast_in_dim3A_955, %select_n3A_934 : vector<128x128xi1>, vector<128x128xi32>
    %get3A_957 = arith.constant 0 : index
    %get3A_958 = arith.constant 5504 : index
    %get3A_959 = vector.load %arg4[%get3A_957, %get3A_958] : memref<512x8192xf32, #tpu.memory_space<vmem>>, vector<128x128xf32>
    %get3A_960 = arith.constant 0 : index
    %get3A_961 = arith.constant 5504 : index
    %get3A_962 = vector.load %arg5[%get3A_960, %get3A_961] : memref<1x8192xf32, #tpu.memory_space<vmem>>, vector<1x128xf32>
    %add3A_963 = vector.broadcast %broadcast_in_dim3A : vector<128x1xf32> to vector<128x128xf32>
    %add3A_964 = vector.broadcast %get3A_962 : vector<1x128xf32> to vector<128x128xf32>
    %add3A_965 = arith.addf %add3A_963, %add3A_964 : vector<128x128xf32>
    %mul3A_966 = arith.constant 2.000000e+00 : f32
    %mul3A_967 = vector.broadcast %mul3A_966 : f32 to vector<128x128xf32>
    %mul3A_968 = arith.mulf %mul3A_967, %get3A_959 : vector<128x128xf32>
    %sub3A_969 = arith.subf %add3A_965, %mul3A_968 : vector<128x128xf32>
    %max3A_970 = arith.constant 0.000000e+00 : f32
    %max3A_971 = vector.broadcast %max3A_970 : f32 to vector<128x128xf32>
    %max3A_972 = arith.maximumf %sub3A_969, %max3A_971 : vector<128x128xf32>
    %sqrt3A_973 = math.sqrt %max3A_972 : vector<128x128xf32>
    %lt3A_974 = arith.cmpf olt, %sqrt3A_973, %select_n3A_953 : vector<128x128xf32>
    %select_n3A_975 = arith.select %lt3A_974, %sqrt3A_973, %select_n3A_953 : vector<128x128xi1>, vector<128x128xf32>
    %jit3A_976 = arith.constant 43 : i32
    %broadcast_in_dim3A_977 = vector.broadcast %jit3A_976 : i32 to vector<128x128xi32>
    %select_n3A_978 = arith.select %lt3A_974, %broadcast_in_dim3A_977, %select_n3A_956 : vector<128x128xi1>, vector<128x128xi32>
    %get3A_979 = arith.constant 0 : index
    %get3A_980 = arith.constant 5632 : index
    %get3A_981 = vector.load %arg4[%get3A_979, %get3A_980] : memref<512x8192xf32, #tpu.memory_space<vmem>>, vector<128x128xf32>
    %get3A_982 = arith.constant 0 : index
    %get3A_983 = arith.constant 5632 : index
    %get3A_984 = vector.load %arg5[%get3A_982, %get3A_983] : memref<1x8192xf32, #tpu.memory_space<vmem>>, vector<1x128xf32>
    %add3A_985 = vector.broadcast %broadcast_in_dim3A : vector<128x1xf32> to vector<128x128xf32>
    %add3A_986 = vector.broadcast %get3A_984 : vector<1x128xf32> to vector<128x128xf32>
    %add3A_987 = arith.addf %add3A_985, %add3A_986 : vector<128x128xf32>
    %mul3A_988 = arith.constant 2.000000e+00 : f32
    %mul3A_989 = vector.broadcast %mul3A_988 : f32 to vector<128x128xf32>
    %mul3A_990 = arith.mulf %mul3A_989, %get3A_981 : vector<128x128xf32>
    %sub3A_991 = arith.subf %add3A_987, %mul3A_990 : vector<128x128xf32>
    %max3A_992 = arith.constant 0.000000e+00 : f32
    %max3A_993 = vector.broadcast %max3A_992 : f32 to vector<128x128xf32>
    %max3A_994 = arith.maximumf %sub3A_991, %max3A_993 : vector<128x128xf32>
    %sqrt3A_995 = math.sqrt %max3A_994 : vector<128x128xf32>
    %lt3A_996 = arith.cmpf olt, %sqrt3A_995, %select_n3A_975 : vector<128x128xf32>
    %select_n3A_997 = arith.select %lt3A_996, %sqrt3A_995, %select_n3A_975 : vector<128x128xi1>, vector<128x128xf32>
    %jit3A_998 = arith.constant 44 : i32
    %broadcast_in_dim3A_999 = vector.broadcast %jit3A_998 : i32 to vector<128x128xi32>
    %select_n3A_1000 = arith.select %lt3A_996, %broadcast_in_dim3A_999, %select_n3A_978 : vector<128x128xi1>, vector<128x128xi32>
    %get3A_1001 = arith.constant 0 : index
    %get3A_1002 = arith.constant 5760 : index
    %get3A_1003 = vector.load %arg4[%get3A_1001, %get3A_1002] : memref<512x8192xf32, #tpu.memory_space<vmem>>, vector<128x128xf32>
    %get3A_1004 = arith.constant 0 : index
    %get3A_1005 = arith.constant 5760 : index
    %get3A_1006 = vector.load %arg5[%get3A_1004, %get3A_1005] : memref<1x8192xf32, #tpu.memory_space<vmem>>, vector<1x128xf32>
    %add3A_1007 = vector.broadcast %broadcast_in_dim3A : vector<128x1xf32> to vector<128x128xf32>
    %add3A_1008 = vector.broadcast %get3A_1006 : vector<1x128xf32> to vector<128x128xf32>
    %add3A_1009 = arith.addf %add3A_1007, %add3A_1008 : vector<128x128xf32>
    %mul3A_1010 = arith.constant 2.000000e+00 : f32
    %mul3A_1011 = vector.broadcast %mul3A_1010 : f32 to vector<128x128xf32>
    %mul3A_1012 = arith.mulf %mul3A_1011, %get3A_1003 : vector<128x128xf32>
    %sub3A_1013 = arith.subf %add3A_1009, %mul3A_1012 : vector<128x128xf32>
    %max3A_1014 = arith.constant 0.000000e+00 : f32
    %max3A_1015 = vector.broadcast %max3A_1014 : f32 to vector<128x128xf32>
    %max3A_1016 = arith.maximumf %sub3A_1013, %max3A_1015 : vector<128x128xf32>
    %sqrt3A_1017 = math.sqrt %max3A_1016 : vector<128x128xf32>
    %lt3A_1018 = arith.cmpf olt, %sqrt3A_1017, %select_n3A_997 : vector<128x128xf32>
    %select_n3A_1019 = arith.select %lt3A_1018, %sqrt3A_1017, %select_n3A_997 : vector<128x128xi1>, vector<128x128xf32>
    %jit3A_1020 = arith.constant 45 : i32
    %broadcast_in_dim3A_1021 = vector.broadcast %jit3A_1020 : i32 to vector<128x128xi32>
    %select_n3A_1022 = arith.select %lt3A_1018, %broadcast_in_dim3A_1021, %select_n3A_1000 : vector<128x128xi1>, vector<128x128xi32>
    %get3A_1023 = arith.constant 0 : index
    %get3A_1024 = arith.constant 5888 : index
    %get3A_1025 = vector.load %arg4[%get3A_1023, %get3A_1024] : memref<512x8192xf32, #tpu.memory_space<vmem>>, vector<128x128xf32>
    %get3A_1026 = arith.constant 0 : index
    %get3A_1027 = arith.constant 5888 : index
    %get3A_1028 = vector.load %arg5[%get3A_1026, %get3A_1027] : memref<1x8192xf32, #tpu.memory_space<vmem>>, vector<1x128xf32>
    %add3A_1029 = vector.broadcast %broadcast_in_dim3A : vector<128x1xf32> to vector<128x128xf32>
    %add3A_1030 = vector.broadcast %get3A_1028 : vector<1x128xf32> to vector<128x128xf32>
    %add3A_1031 = arith.addf %add3A_1029, %add3A_1030 : vector<128x128xf32>
    %mul3A_1032 = arith.constant 2.000000e+00 : f32
    %mul3A_1033 = vector.broadcast %mul3A_1032 : f32 to vector<128x128xf32>
    %mul3A_1034 = arith.mulf %mul3A_1033, %get3A_1025 : vector<128x128xf32>
    %sub3A_1035 = arith.subf %add3A_1031, %mul3A_1034 : vector<128x128xf32>
    %max3A_1036 = arith.constant 0.000000e+00 : f32
    %max3A_1037 = vector.broadcast %max3A_1036 : f32 to vector<128x128xf32>
    %max3A_1038 = arith.maximumf %sub3A_1035, %max3A_1037 : vector<128x128xf32>
    %sqrt3A_1039 = math.sqrt %max3A_1038 : vector<128x128xf32>
    %lt3A_1040 = arith.cmpf olt, %sqrt3A_1039, %select_n3A_1019 : vector<128x128xf32>
    %select_n3A_1041 = arith.select %lt3A_1040, %sqrt3A_1039, %select_n3A_1019 : vector<128x128xi1>, vector<128x128xf32>
    %jit3A_1042 = arith.constant 46 : i32
    %broadcast_in_dim3A_1043 = vector.broadcast %jit3A_1042 : i32 to vector<128x128xi32>
    %select_n3A_1044 = arith.select %lt3A_1040, %broadcast_in_dim3A_1043, %select_n3A_1022 : vector<128x128xi1>, vector<128x128xi32>
    %get3A_1045 = arith.constant 0 : index
    %get3A_1046 = arith.constant 6016 : index
    %get3A_1047 = vector.load %arg4[%get3A_1045, %get3A_1046] : memref<512x8192xf32, #tpu.memory_space<vmem>>, vector<128x128xf32>
    %get3A_1048 = arith.constant 0 : index
    %get3A_1049 = arith.constant 6016 : index
    %get3A_1050 = vector.load %arg5[%get3A_1048, %get3A_1049] : memref<1x8192xf32, #tpu.memory_space<vmem>>, vector<1x128xf32>
    %add3A_1051 = vector.broadcast %broadcast_in_dim3A : vector<128x1xf32> to vector<128x128xf32>
    %add3A_1052 = vector.broadcast %get3A_1050 : vector<1x128xf32> to vector<128x128xf32>
    %add3A_1053 = arith.addf %add3A_1051, %add3A_1052 : vector<128x128xf32>
    %mul3A_1054 = arith.constant 2.000000e+00 : f32
    %mul3A_1055 = vector.broadcast %mul3A_1054 : f32 to vector<128x128xf32>
    %mul3A_1056 = arith.mulf %mul3A_1055, %get3A_1047 : vector<128x128xf32>
    %sub3A_1057 = arith.subf %add3A_1053, %mul3A_1056 : vector<128x128xf32>
    %max3A_1058 = arith.constant 0.000000e+00 : f32
    %max3A_1059 = vector.broadcast %max3A_1058 : f32 to vector<128x128xf32>
    %max3A_1060 = arith.maximumf %sub3A_1057, %max3A_1059 : vector<128x128xf32>
    %sqrt3A_1061 = math.sqrt %max3A_1060 : vector<128x128xf32>
    %lt3A_1062 = arith.cmpf olt, %sqrt3A_1061, %select_n3A_1041 : vector<128x128xf32>
    %select_n3A_1063 = arith.select %lt3A_1062, %sqrt3A_1061, %select_n3A_1041 : vector<128x128xi1>, vector<128x128xf32>
    %jit3A_1064 = arith.constant 47 : i32
    %broadcast_in_dim3A_1065 = vector.broadcast %jit3A_1064 : i32 to vector<128x128xi32>
    %select_n3A_1066 = arith.select %lt3A_1062, %broadcast_in_dim3A_1065, %select_n3A_1044 : vector<128x128xi1>, vector<128x128xi32>
    %get3A_1067 = arith.constant 0 : index
    %get3A_1068 = arith.constant 6144 : index
    %get3A_1069 = vector.load %arg4[%get3A_1067, %get3A_1068] : memref<512x8192xf32, #tpu.memory_space<vmem>>, vector<128x128xf32>
    %get3A_1070 = arith.constant 0 : index
    %get3A_1071 = arith.constant 6144 : index
    %get3A_1072 = vector.load %arg5[%get3A_1070, %get3A_1071] : memref<1x8192xf32, #tpu.memory_space<vmem>>, vector<1x128xf32>
    %add3A_1073 = vector.broadcast %broadcast_in_dim3A : vector<128x1xf32> to vector<128x128xf32>
    %add3A_1074 = vector.broadcast %get3A_1072 : vector<1x128xf32> to vector<128x128xf32>
    %add3A_1075 = arith.addf %add3A_1073, %add3A_1074 : vector<128x128xf32>
    %mul3A_1076 = arith.constant 2.000000e+00 : f32
    %mul3A_1077 = vector.broadcast %mul3A_1076 : f32 to vector<128x128xf32>
    %mul3A_1078 = arith.mulf %mul3A_1077, %get3A_1069 : vector<128x128xf32>
    %sub3A_1079 = arith.subf %add3A_1075, %mul3A_1078 : vector<128x128xf32>
    %max3A_1080 = arith.constant 0.000000e+00 : f32
    %max3A_1081 = vector.broadcast %max3A_1080 : f32 to vector<128x128xf32>
    %max3A_1082 = arith.maximumf %sub3A_1079, %max3A_1081 : vector<128x128xf32>
    %sqrt3A_1083 = math.sqrt %max3A_1082 : vector<128x128xf32>
    %lt3A_1084 = arith.cmpf olt, %sqrt3A_1083, %select_n3A_1063 : vector<128x128xf32>
    %select_n3A_1085 = arith.select %lt3A_1084, %sqrt3A_1083, %select_n3A_1063 : vector<128x128xi1>, vector<128x128xf32>
    %jit3A_1086 = arith.constant 48 : i32
    %broadcast_in_dim3A_1087 = vector.broadcast %jit3A_1086 : i32 to vector<128x128xi32>
    %select_n3A_1088 = arith.select %lt3A_1084, %broadcast_in_dim3A_1087, %select_n3A_1066 : vector<128x128xi1>, vector<128x128xi32>
    %get3A_1089 = arith.constant 0 : index
    %get3A_1090 = arith.constant 6272 : index
    %get3A_1091 = vector.load %arg4[%get3A_1089, %get3A_1090] : memref<512x8192xf32, #tpu.memory_space<vmem>>, vector<128x128xf32>
    %get3A_1092 = arith.constant 0 : index
    %get3A_1093 = arith.constant 6272 : index
    %get3A_1094 = vector.load %arg5[%get3A_1092, %get3A_1093] : memref<1x8192xf32, #tpu.memory_space<vmem>>, vector<1x128xf32>
    %add3A_1095 = vector.broadcast %broadcast_in_dim3A : vector<128x1xf32> to vector<128x128xf32>
    %add3A_1096 = vector.broadcast %get3A_1094 : vector<1x128xf32> to vector<128x128xf32>
    %add3A_1097 = arith.addf %add3A_1095, %add3A_1096 : vector<128x128xf32>
    %mul3A_1098 = arith.constant 2.000000e+00 : f32
    %mul3A_1099 = vector.broadcast %mul3A_1098 : f32 to vector<128x128xf32>
    %mul3A_1100 = arith.mulf %mul3A_1099, %get3A_1091 : vector<128x128xf32>
    %sub3A_1101 = arith.subf %add3A_1097, %mul3A_1100 : vector<128x128xf32>
    %max3A_1102 = arith.constant 0.000000e+00 : f32
    %max3A_1103 = vector.broadcast %max3A_1102 : f32 to vector<128x128xf32>
    %max3A_1104 = arith.maximumf %sub3A_1101, %max3A_1103 : vector<128x128xf32>
    %sqrt3A_1105 = math.sqrt %max3A_1104 : vector<128x128xf32>
    %lt3A_1106 = arith.cmpf olt, %sqrt3A_1105, %select_n3A_1085 : vector<128x128xf32>
    %select_n3A_1107 = arith.select %lt3A_1106, %sqrt3A_1105, %select_n3A_1085 : vector<128x128xi1>, vector<128x128xf32>
    %jit3A_1108 = arith.constant 49 : i32
    %broadcast_in_dim3A_1109 = vector.broadcast %jit3A_1108 : i32 to vector<128x128xi32>
    %select_n3A_1110 = arith.select %lt3A_1106, %broadcast_in_dim3A_1109, %select_n3A_1088 : vector<128x128xi1>, vector<128x128xi32>
    %get3A_1111 = arith.constant 0 : index
    %get3A_1112 = arith.constant 6400 : index
    %get3A_1113 = vector.load %arg4[%get3A_1111, %get3A_1112] : memref<512x8192xf32, #tpu.memory_space<vmem>>, vector<128x128xf32>
    %get3A_1114 = arith.constant 0 : index
    %get3A_1115 = arith.constant 6400 : index
    %get3A_1116 = vector.load %arg5[%get3A_1114, %get3A_1115] : memref<1x8192xf32, #tpu.memory_space<vmem>>, vector<1x128xf32>
    %add3A_1117 = vector.broadcast %broadcast_in_dim3A : vector<128x1xf32> to vector<128x128xf32>
    %add3A_1118 = vector.broadcast %get3A_1116 : vector<1x128xf32> to vector<128x128xf32>
    %add3A_1119 = arith.addf %add3A_1117, %add3A_1118 : vector<128x128xf32>
    %mul3A_1120 = arith.constant 2.000000e+00 : f32
    %mul3A_1121 = vector.broadcast %mul3A_1120 : f32 to vector<128x128xf32>
    %mul3A_1122 = arith.mulf %mul3A_1121, %get3A_1113 : vector<128x128xf32>
    %sub3A_1123 = arith.subf %add3A_1119, %mul3A_1122 : vector<128x128xf32>
    %max3A_1124 = arith.constant 0.000000e+00 : f32
    %max3A_1125 = vector.broadcast %max3A_1124 : f32 to vector<128x128xf32>
    %max3A_1126 = arith.maximumf %sub3A_1123, %max3A_1125 : vector<128x128xf32>
    %sqrt3A_1127 = math.sqrt %max3A_1126 : vector<128x128xf32>
    %lt3A_1128 = arith.cmpf olt, %sqrt3A_1127, %select_n3A_1107 : vector<128x128xf32>
    %select_n3A_1129 = arith.select %lt3A_1128, %sqrt3A_1127, %select_n3A_1107 : vector<128x128xi1>, vector<128x128xf32>
    %jit3A_1130 = arith.constant 50 : i32
    %broadcast_in_dim3A_1131 = vector.broadcast %jit3A_1130 : i32 to vector<128x128xi32>
    %select_n3A_1132 = arith.select %lt3A_1128, %broadcast_in_dim3A_1131, %select_n3A_1110 : vector<128x128xi1>, vector<128x128xi32>
    %get3A_1133 = arith.constant 0 : index
    %get3A_1134 = arith.constant 6528 : index
    %get3A_1135 = vector.load %arg4[%get3A_1133, %get3A_1134] : memref<512x8192xf32, #tpu.memory_space<vmem>>, vector<128x128xf32>
    %get3A_1136 = arith.constant 0 : index
    %get3A_1137 = arith.constant 6528 : index
    %get3A_1138 = vector.load %arg5[%get3A_1136, %get3A_1137] : memref<1x8192xf32, #tpu.memory_space<vmem>>, vector<1x128xf32>
    %add3A_1139 = vector.broadcast %broadcast_in_dim3A : vector<128x1xf32> to vector<128x128xf32>
    %add3A_1140 = vector.broadcast %get3A_1138 : vector<1x128xf32> to vector<128x128xf32>
    %add3A_1141 = arith.addf %add3A_1139, %add3A_1140 : vector<128x128xf32>
    %mul3A_1142 = arith.constant 2.000000e+00 : f32
    %mul3A_1143 = vector.broadcast %mul3A_1142 : f32 to vector<128x128xf32>
    %mul3A_1144 = arith.mulf %mul3A_1143, %get3A_1135 : vector<128x128xf32>
    %sub3A_1145 = arith.subf %add3A_1141, %mul3A_1144 : vector<128x128xf32>
    %max3A_1146 = arith.constant 0.000000e+00 : f32
    %max3A_1147 = vector.broadcast %max3A_1146 : f32 to vector<128x128xf32>
    %max3A_1148 = arith.maximumf %sub3A_1145, %max3A_1147 : vector<128x128xf32>
    %sqrt3A_1149 = math.sqrt %max3A_1148 : vector<128x128xf32>
    %lt3A_1150 = arith.cmpf olt, %sqrt3A_1149, %select_n3A_1129 : vector<128x128xf32>
    %select_n3A_1151 = arith.select %lt3A_1150, %sqrt3A_1149, %select_n3A_1129 : vector<128x128xi1>, vector<128x128xf32>
    %jit3A_1152 = arith.constant 51 : i32
    %broadcast_in_dim3A_1153 = vector.broadcast %jit3A_1152 : i32 to vector<128x128xi32>
    %select_n3A_1154 = arith.select %lt3A_1150, %broadcast_in_dim3A_1153, %select_n3A_1132 : vector<128x128xi1>, vector<128x128xi32>
    %get3A_1155 = arith.constant 0 : index
    %get3A_1156 = arith.constant 6656 : index
    %get3A_1157 = vector.load %arg4[%get3A_1155, %get3A_1156] : memref<512x8192xf32, #tpu.memory_space<vmem>>, vector<128x128xf32>
    %get3A_1158 = arith.constant 0 : index
    %get3A_1159 = arith.constant 6656 : index
    %get3A_1160 = vector.load %arg5[%get3A_1158, %get3A_1159] : memref<1x8192xf32, #tpu.memory_space<vmem>>, vector<1x128xf32>
    %add3A_1161 = vector.broadcast %broadcast_in_dim3A : vector<128x1xf32> to vector<128x128xf32>
    %add3A_1162 = vector.broadcast %get3A_1160 : vector<1x128xf32> to vector<128x128xf32>
    %add3A_1163 = arith.addf %add3A_1161, %add3A_1162 : vector<128x128xf32>
    %mul3A_1164 = arith.constant 2.000000e+00 : f32
    %mul3A_1165 = vector.broadcast %mul3A_1164 : f32 to vector<128x128xf32>
    %mul3A_1166 = arith.mulf %mul3A_1165, %get3A_1157 : vector<128x128xf32>
    %sub3A_1167 = arith.subf %add3A_1163, %mul3A_1166 : vector<128x128xf32>
    %max3A_1168 = arith.constant 0.000000e+00 : f32
    %max3A_1169 = vector.broadcast %max3A_1168 : f32 to vector<128x128xf32>
    %max3A_1170 = arith.maximumf %sub3A_1167, %max3A_1169 : vector<128x128xf32>
    %sqrt3A_1171 = math.sqrt %max3A_1170 : vector<128x128xf32>
    %lt3A_1172 = arith.cmpf olt, %sqrt3A_1171, %select_n3A_1151 : vector<128x128xf32>
    %select_n3A_1173 = arith.select %lt3A_1172, %sqrt3A_1171, %select_n3A_1151 : vector<128x128xi1>, vector<128x128xf32>
    %jit3A_1174 = arith.constant 52 : i32
    %broadcast_in_dim3A_1175 = vector.broadcast %jit3A_1174 : i32 to vector<128x128xi32>
    %select_n3A_1176 = arith.select %lt3A_1172, %broadcast_in_dim3A_1175, %select_n3A_1154 : vector<128x128xi1>, vector<128x128xi32>
    %get3A_1177 = arith.constant 0 : index
    %get3A_1178 = arith.constant 6784 : index
    %get3A_1179 = vector.load %arg4[%get3A_1177, %get3A_1178] : memref<512x8192xf32, #tpu.memory_space<vmem>>, vector<128x128xf32>
    %get3A_1180 = arith.constant 0 : index
    %get3A_1181 = arith.constant 6784 : index
    %get3A_1182 = vector.load %arg5[%get3A_1180, %get3A_1181] : memref<1x8192xf32, #tpu.memory_space<vmem>>, vector<1x128xf32>
    %add3A_1183 = vector.broadcast %broadcast_in_dim3A : vector<128x1xf32> to vector<128x128xf32>
    %add3A_1184 = vector.broadcast %get3A_1182 : vector<1x128xf32> to vector<128x128xf32>
    %add3A_1185 = arith.addf %add3A_1183, %add3A_1184 : vector<128x128xf32>
    %mul3A_1186 = arith.constant 2.000000e+00 : f32
    %mul3A_1187 = vector.broadcast %mul3A_1186 : f32 to vector<128x128xf32>
    %mul3A_1188 = arith.mulf %mul3A_1187, %get3A_1179 : vector<128x128xf32>
    %sub3A_1189 = arith.subf %add3A_1185, %mul3A_1188 : vector<128x128xf32>
    %max3A_1190 = arith.constant 0.000000e+00 : f32
    %max3A_1191 = vector.broadcast %max3A_1190 : f32 to vector<128x128xf32>
    %max3A_1192 = arith.maximumf %sub3A_1189, %max3A_1191 : vector<128x128xf32>
    %sqrt3A_1193 = math.sqrt %max3A_1192 : vector<128x128xf32>
    %lt3A_1194 = arith.cmpf olt, %sqrt3A_1193, %select_n3A_1173 : vector<128x128xf32>
    %select_n3A_1195 = arith.select %lt3A_1194, %sqrt3A_1193, %select_n3A_1173 : vector<128x128xi1>, vector<128x128xf32>
    %jit3A_1196 = arith.constant 53 : i32
    %broadcast_in_dim3A_1197 = vector.broadcast %jit3A_1196 : i32 to vector<128x128xi32>
    %select_n3A_1198 = arith.select %lt3A_1194, %broadcast_in_dim3A_1197, %select_n3A_1176 : vector<128x128xi1>, vector<128x128xi32>
    %get3A_1199 = arith.constant 0 : index
    %get3A_1200 = arith.constant 6912 : index
    %get3A_1201 = vector.load %arg4[%get3A_1199, %get3A_1200] : memref<512x8192xf32, #tpu.memory_space<vmem>>, vector<128x128xf32>
    %get3A_1202 = arith.constant 0 : index
    %get3A_1203 = arith.constant 6912 : index
    %get3A_1204 = vector.load %arg5[%get3A_1202, %get3A_1203] : memref<1x8192xf32, #tpu.memory_space<vmem>>, vector<1x128xf32>
    %add3A_1205 = vector.broadcast %broadcast_in_dim3A : vector<128x1xf32> to vector<128x128xf32>
    %add3A_1206 = vector.broadcast %get3A_1204 : vector<1x128xf32> to vector<128x128xf32>
    %add3A_1207 = arith.addf %add3A_1205, %add3A_1206 : vector<128x128xf32>
    %mul3A_1208 = arith.constant 2.000000e+00 : f32
    %mul3A_1209 = vector.broadcast %mul3A_1208 : f32 to vector<128x128xf32>
    %mul3A_1210 = arith.mulf %mul3A_1209, %get3A_1201 : vector<128x128xf32>
    %sub3A_1211 = arith.subf %add3A_1207, %mul3A_1210 : vector<128x128xf32>
    %max3A_1212 = arith.constant 0.000000e+00 : f32
    %max3A_1213 = vector.broadcast %max3A_1212 : f32 to vector<128x128xf32>
    %max3A_1214 = arith.maximumf %sub3A_1211, %max3A_1213 : vector<128x128xf32>
    %sqrt3A_1215 = math.sqrt %max3A_1214 : vector<128x128xf32>
    %lt3A_1216 = arith.cmpf olt, %sqrt3A_1215, %select_n3A_1195 : vector<128x128xf32>
    %select_n3A_1217 = arith.select %lt3A_1216, %sqrt3A_1215, %select_n3A_1195 : vector<128x128xi1>, vector<128x128xf32>
    %jit3A_1218 = arith.constant 54 : i32
    %broadcast_in_dim3A_1219 = vector.broadcast %jit3A_1218 : i32 to vector<128x128xi32>
    %select_n3A_1220 = arith.select %lt3A_1216, %broadcast_in_dim3A_1219, %select_n3A_1198 : vector<128x128xi1>, vector<128x128xi32>
    %get3A_1221 = arith.constant 0 : index
    %get3A_1222 = arith.constant 7040 : index
    %get3A_1223 = vector.load %arg4[%get3A_1221, %get3A_1222] : memref<512x8192xf32, #tpu.memory_space<vmem>>, vector<128x128xf32>
    %get3A_1224 = arith.constant 0 : index
    %get3A_1225 = arith.constant 7040 : index
    %get3A_1226 = vector.load %arg5[%get3A_1224, %get3A_1225] : memref<1x8192xf32, #tpu.memory_space<vmem>>, vector<1x128xf32>
    %add3A_1227 = vector.broadcast %broadcast_in_dim3A : vector<128x1xf32> to vector<128x128xf32>
    %add3A_1228 = vector.broadcast %get3A_1226 : vector<1x128xf32> to vector<128x128xf32>
    %add3A_1229 = arith.addf %add3A_1227, %add3A_1228 : vector<128x128xf32>
    %mul3A_1230 = arith.constant 2.000000e+00 : f32
    %mul3A_1231 = vector.broadcast %mul3A_1230 : f32 to vector<128x128xf32>
    %mul3A_1232 = arith.mulf %mul3A_1231, %get3A_1223 : vector<128x128xf32>
    %sub3A_1233 = arith.subf %add3A_1229, %mul3A_1232 : vector<128x128xf32>
    %max3A_1234 = arith.constant 0.000000e+00 : f32
    %max3A_1235 = vector.broadcast %max3A_1234 : f32 to vector<128x128xf32>
    %max3A_1236 = arith.maximumf %sub3A_1233, %max3A_1235 : vector<128x128xf32>
    %sqrt3A_1237 = math.sqrt %max3A_1236 : vector<128x128xf32>
    %lt3A_1238 = arith.cmpf olt, %sqrt3A_1237, %select_n3A_1217 : vector<128x128xf32>
    %select_n3A_1239 = arith.select %lt3A_1238, %sqrt3A_1237, %select_n3A_1217 : vector<128x128xi1>, vector<128x128xf32>
    %jit3A_1240 = arith.constant 55 : i32
    %broadcast_in_dim3A_1241 = vector.broadcast %jit3A_1240 : i32 to vector<128x128xi32>
    %select_n3A_1242 = arith.select %lt3A_1238, %broadcast_in_dim3A_1241, %select_n3A_1220 : vector<128x128xi1>, vector<128x128xi32>
    %get3A_1243 = arith.constant 0 : index
    %get3A_1244 = arith.constant 7168 : index
    %get3A_1245 = vector.load %arg4[%get3A_1243, %get3A_1244] : memref<512x8192xf32, #tpu.memory_space<vmem>>, vector<128x128xf32>
    %get3A_1246 = arith.constant 0 : index
    %get3A_1247 = arith.constant 7168 : index
    %get3A_1248 = vector.load %arg5[%get3A_1246, %get3A_1247] : memref<1x8192xf32, #tpu.memory_space<vmem>>, vector<1x128xf32>
    %add3A_1249 = vector.broadcast %broadcast_in_dim3A : vector<128x1xf32> to vector<128x128xf32>
    %add3A_1250 = vector.broadcast %get3A_1248 : vector<1x128xf32> to vector<128x128xf32>
    %add3A_1251 = arith.addf %add3A_1249, %add3A_1250 : vector<128x128xf32>
    %mul3A_1252 = arith.constant 2.000000e+00 : f32
    %mul3A_1253 = vector.broadcast %mul3A_1252 : f32 to vector<128x128xf32>
    %mul3A_1254 = arith.mulf %mul3A_1253, %get3A_1245 : vector<128x128xf32>
    %sub3A_1255 = arith.subf %add3A_1251, %mul3A_1254 : vector<128x128xf32>
    %max3A_1256 = arith.constant 0.000000e+00 : f32
    %max3A_1257 = vector.broadcast %max3A_1256 : f32 to vector<128x128xf32>
    %max3A_1258 = arith.maximumf %sub3A_1255, %max3A_1257 : vector<128x128xf32>
    %sqrt3A_1259 = math.sqrt %max3A_1258 : vector<128x128xf32>
    %lt3A_1260 = arith.cmpf olt, %sqrt3A_1259, %select_n3A_1239 : vector<128x128xf32>
    %select_n3A_1261 = arith.select %lt3A_1260, %sqrt3A_1259, %select_n3A_1239 : vector<128x128xi1>, vector<128x128xf32>
    %jit3A_1262 = arith.constant 56 : i32
    %broadcast_in_dim3A_1263 = vector.broadcast %jit3A_1262 : i32 to vector<128x128xi32>
    %select_n3A_1264 = arith.select %lt3A_1260, %broadcast_in_dim3A_1263, %select_n3A_1242 : vector<128x128xi1>, vector<128x128xi32>
    %get3A_1265 = arith.constant 0 : index
    %get3A_1266 = arith.constant 7296 : index
    %get3A_1267 = vector.load %arg4[%get3A_1265, %get3A_1266] : memref<512x8192xf32, #tpu.memory_space<vmem>>, vector<128x128xf32>
    %get3A_1268 = arith.constant 0 : index
    %get3A_1269 = arith.constant 7296 : index
    %get3A_1270 = vector.load %arg5[%get3A_1268, %get3A_1269] : memref<1x8192xf32, #tpu.memory_space<vmem>>, vector<1x128xf32>
    %add3A_1271 = vector.broadcast %broadcast_in_dim3A : vector<128x1xf32> to vector<128x128xf32>
    %add3A_1272 = vector.broadcast %get3A_1270 : vector<1x128xf32> to vector<128x128xf32>
    %add3A_1273 = arith.addf %add3A_1271, %add3A_1272 : vector<128x128xf32>
    %mul3A_1274 = arith.constant 2.000000e+00 : f32
    %mul3A_1275 = vector.broadcast %mul3A_1274 : f32 to vector<128x128xf32>
    %mul3A_1276 = arith.mulf %mul3A_1275, %get3A_1267 : vector<128x128xf32>
    %sub3A_1277 = arith.subf %add3A_1273, %mul3A_1276 : vector<128x128xf32>
    %max3A_1278 = arith.constant 0.000000e+00 : f32
    %max3A_1279 = vector.broadcast %max3A_1278 : f32 to vector<128x128xf32>
    %max3A_1280 = arith.maximumf %sub3A_1277, %max3A_1279 : vector<128x128xf32>
    %sqrt3A_1281 = math.sqrt %max3A_1280 : vector<128x128xf32>
    %lt3A_1282 = arith.cmpf olt, %sqrt3A_1281, %select_n3A_1261 : vector<128x128xf32>
    %select_n3A_1283 = arith.select %lt3A_1282, %sqrt3A_1281, %select_n3A_1261 : vector<128x128xi1>, vector<128x128xf32>
    %jit3A_1284 = arith.constant 57 : i32
    %broadcast_in_dim3A_1285 = vector.broadcast %jit3A_1284 : i32 to vector<128x128xi32>
    %select_n3A_1286 = arith.select %lt3A_1282, %broadcast_in_dim3A_1285, %select_n3A_1264 : vector<128x128xi1>, vector<128x128xi32>
    %get3A_1287 = arith.constant 0 : index
    %get3A_1288 = arith.constant 7424 : index
    %get3A_1289 = vector.load %arg4[%get3A_1287, %get3A_1288] : memref<512x8192xf32, #tpu.memory_space<vmem>>, vector<128x128xf32>
    %get3A_1290 = arith.constant 0 : index
    %get3A_1291 = arith.constant 7424 : index
    %get3A_1292 = vector.load %arg5[%get3A_1290, %get3A_1291] : memref<1x8192xf32, #tpu.memory_space<vmem>>, vector<1x128xf32>
    %add3A_1293 = vector.broadcast %broadcast_in_dim3A : vector<128x1xf32> to vector<128x128xf32>
    %add3A_1294 = vector.broadcast %get3A_1292 : vector<1x128xf32> to vector<128x128xf32>
    %add3A_1295 = arith.addf %add3A_1293, %add3A_1294 : vector<128x128xf32>
    %mul3A_1296 = arith.constant 2.000000e+00 : f32
    %mul3A_1297 = vector.broadcast %mul3A_1296 : f32 to vector<128x128xf32>
    %mul3A_1298 = arith.mulf %mul3A_1297, %get3A_1289 : vector<128x128xf32>
    %sub3A_1299 = arith.subf %add3A_1295, %mul3A_1298 : vector<128x128xf32>
    %max3A_1300 = arith.constant 0.000000e+00 : f32
    %max3A_1301 = vector.broadcast %max3A_1300 : f32 to vector<128x128xf32>
    %max3A_1302 = arith.maximumf %sub3A_1299, %max3A_1301 : vector<128x128xf32>
    %sqrt3A_1303 = math.sqrt %max3A_1302 : vector<128x128xf32>
    %lt3A_1304 = arith.cmpf olt, %sqrt3A_1303, %select_n3A_1283 : vector<128x128xf32>
    %select_n3A_1305 = arith.select %lt3A_1304, %sqrt3A_1303, %select_n3A_1283 : vector<128x128xi1>, vector<128x128xf32>
    %jit3A_1306 = arith.constant 58 : i32
    %broadcast_in_dim3A_1307 = vector.broadcast %jit3A_1306 : i32 to vector<128x128xi32>
    %select_n3A_1308 = arith.select %lt3A_1304, %broadcast_in_dim3A_1307, %select_n3A_1286 : vector<128x128xi1>, vector<128x128xi32>
    %get3A_1309 = arith.constant 0 : index
    %get3A_1310 = arith.constant 7552 : index
    %get3A_1311 = vector.load %arg4[%get3A_1309, %get3A_1310] : memref<512x8192xf32, #tpu.memory_space<vmem>>, vector<128x128xf32>
    %get3A_1312 = arith.constant 0 : index
    %get3A_1313 = arith.constant 7552 : index
    %get3A_1314 = vector.load %arg5[%get3A_1312, %get3A_1313] : memref<1x8192xf32, #tpu.memory_space<vmem>>, vector<1x128xf32>
    %add3A_1315 = vector.broadcast %broadcast_in_dim3A : vector<128x1xf32> to vector<128x128xf32>
    %add3A_1316 = vector.broadcast %get3A_1314 : vector<1x128xf32> to vector<128x128xf32>
    %add3A_1317 = arith.addf %add3A_1315, %add3A_1316 : vector<128x128xf32>
    %mul3A_1318 = arith.constant 2.000000e+00 : f32
    %mul3A_1319 = vector.broadcast %mul3A_1318 : f32 to vector<128x128xf32>
    %mul3A_1320 = arith.mulf %mul3A_1319, %get3A_1311 : vector<128x128xf32>
    %sub3A_1321 = arith.subf %add3A_1317, %mul3A_1320 : vector<128x128xf32>
    %max3A_1322 = arith.constant 0.000000e+00 : f32
    %max3A_1323 = vector.broadcast %max3A_1322 : f32 to vector<128x128xf32>
    %max3A_1324 = arith.maximumf %sub3A_1321, %max3A_1323 : vector<128x128xf32>
    %sqrt3A_1325 = math.sqrt %max3A_1324 : vector<128x128xf32>
    %lt3A_1326 = arith.cmpf olt, %sqrt3A_1325, %select_n3A_1305 : vector<128x128xf32>
    %select_n3A_1327 = arith.select %lt3A_1326, %sqrt3A_1325, %select_n3A_1305 : vector<128x128xi1>, vector<128x128xf32>
    %jit3A_1328 = arith.constant 59 : i32
    %broadcast_in_dim3A_1329 = vector.broadcast %jit3A_1328 : i32 to vector<128x128xi32>
    %select_n3A_1330 = arith.select %lt3A_1326, %broadcast_in_dim3A_1329, %select_n3A_1308 : vector<128x128xi1>, vector<128x128xi32>
    %get3A_1331 = arith.constant 0 : index
    %get3A_1332 = arith.constant 7680 : index
    %get3A_1333 = vector.load %arg4[%get3A_1331, %get3A_1332] : memref<512x8192xf32, #tpu.memory_space<vmem>>, vector<128x128xf32>
    %get3A_1334 = arith.constant 0 : index
    %get3A_1335 = arith.constant 7680 : index
    %get3A_1336 = vector.load %arg5[%get3A_1334, %get3A_1335] : memref<1x8192xf32, #tpu.memory_space<vmem>>, vector<1x128xf32>
    %add3A_1337 = vector.broadcast %broadcast_in_dim3A : vector<128x1xf32> to vector<128x128xf32>
    %add3A_1338 = vector.broadcast %get3A_1336 : vector<1x128xf32> to vector<128x128xf32>
    %add3A_1339 = arith.addf %add3A_1337, %add3A_1338 : vector<128x128xf32>
    %mul3A_1340 = arith.constant 2.000000e+00 : f32
    %mul3A_1341 = vector.broadcast %mul3A_1340 : f32 to vector<128x128xf32>
    %mul3A_1342 = arith.mulf %mul3A_1341, %get3A_1333 : vector<128x128xf32>
    %sub3A_1343 = arith.subf %add3A_1339, %mul3A_1342 : vector<128x128xf32>
    %max3A_1344 = arith.constant 0.000000e+00 : f32
    %max3A_1345 = vector.broadcast %max3A_1344 : f32 to vector<128x128xf32>
    %max3A_1346 = arith.maximumf %sub3A_1343, %max3A_1345 : vector<128x128xf32>
    %sqrt3A_1347 = math.sqrt %max3A_1346 : vector<128x128xf32>
    %lt3A_1348 = arith.cmpf olt, %sqrt3A_1347, %select_n3A_1327 : vector<128x128xf32>
    %select_n3A_1349 = arith.select %lt3A_1348, %sqrt3A_1347, %select_n3A_1327 : vector<128x128xi1>, vector<128x128xf32>
    %jit3A_1350 = arith.constant 60 : i32
    %broadcast_in_dim3A_1351 = vector.broadcast %jit3A_1350 : i32 to vector<128x128xi32>
    %select_n3A_1352 = arith.select %lt3A_1348, %broadcast_in_dim3A_1351, %select_n3A_1330 : vector<128x128xi1>, vector<128x128xi32>
    %get3A_1353 = arith.constant 0 : index
    %get3A_1354 = arith.constant 7808 : index
    %get3A_1355 = vector.load %arg4[%get3A_1353, %get3A_1354] : memref<512x8192xf32, #tpu.memory_space<vmem>>, vector<128x128xf32>
    %get3A_1356 = arith.constant 0 : index
    %get3A_1357 = arith.constant 7808 : index
    %get3A_1358 = vector.load %arg5[%get3A_1356, %get3A_1357] : memref<1x8192xf32, #tpu.memory_space<vmem>>, vector<1x128xf32>
    %add3A_1359 = vector.broadcast %broadcast_in_dim3A : vector<128x1xf32> to vector<128x128xf32>
    %add3A_1360 = vector.broadcast %get3A_1358 : vector<1x128xf32> to vector<128x128xf32>
    %add3A_1361 = arith.addf %add3A_1359, %add3A_1360 : vector<128x128xf32>
    %mul3A_1362 = arith.constant 2.000000e+00 : f32
    %mul3A_1363 = vector.broadcast %mul3A_1362 : f32 to vector<128x128xf32>
    %mul3A_1364 = arith.mulf %mul3A_1363, %get3A_1355 : vector<128x128xf32>
    %sub3A_1365 = arith.subf %add3A_1361, %mul3A_1364 : vector<128x128xf32>
    %max3A_1366 = arith.constant 0.000000e+00 : f32
    %max3A_1367 = vector.broadcast %max3A_1366 : f32 to vector<128x128xf32>
    %max3A_1368 = arith.maximumf %sub3A_1365, %max3A_1367 : vector<128x128xf32>
    %sqrt3A_1369 = math.sqrt %max3A_1368 : vector<128x128xf32>
    %lt3A_1370 = arith.cmpf olt, %sqrt3A_1369, %select_n3A_1349 : vector<128x128xf32>
    %select_n3A_1371 = arith.select %lt3A_1370, %sqrt3A_1369, %select_n3A_1349 : vector<128x128xi1>, vector<128x128xf32>
    %jit3A_1372 = arith.constant 61 : i32
    %broadcast_in_dim3A_1373 = vector.broadcast %jit3A_1372 : i32 to vector<128x128xi32>
    %select_n3A_1374 = arith.select %lt3A_1370, %broadcast_in_dim3A_1373, %select_n3A_1352 : vector<128x128xi1>, vector<128x128xi32>
    %get3A_1375 = arith.constant 0 : index
    %get3A_1376 = arith.constant 7936 : index
    %get3A_1377 = vector.load %arg4[%get3A_1375, %get3A_1376] : memref<512x8192xf32, #tpu.memory_space<vmem>>, vector<128x128xf32>
    %get3A_1378 = arith.constant 0 : index
    %get3A_1379 = arith.constant 7936 : index
    %get3A_1380 = vector.load %arg5[%get3A_1378, %get3A_1379] : memref<1x8192xf32, #tpu.memory_space<vmem>>, vector<1x128xf32>
    %add3A_1381 = vector.broadcast %broadcast_in_dim3A : vector<128x1xf32> to vector<128x128xf32>
    %add3A_1382 = vector.broadcast %get3A_1380 : vector<1x128xf32> to vector<128x128xf32>
    %add3A_1383 = arith.addf %add3A_1381, %add3A_1382 : vector<128x128xf32>
    %mul3A_1384 = arith.constant 2.000000e+00 : f32
    %mul3A_1385 = vector.broadcast %mul3A_1384 : f32 to vector<128x128xf32>
    %mul3A_1386 = arith.mulf %mul3A_1385, %get3A_1377 : vector<128x128xf32>
    %sub3A_1387 = arith.subf %add3A_1383, %mul3A_1386 : vector<128x128xf32>
    %max3A_1388 = arith.constant 0.000000e+00 : f32
    %max3A_1389 = vector.broadcast %max3A_1388 : f32 to vector<128x128xf32>
    %max3A_1390 = arith.maximumf %sub3A_1387, %max3A_1389 : vector<128x128xf32>
    %sqrt3A_1391 = math.sqrt %max3A_1390 : vector<128x128xf32>
    %lt3A_1392 = arith.cmpf olt, %sqrt3A_1391, %select_n3A_1371 : vector<128x128xf32>
    %select_n3A_1393 = arith.select %lt3A_1392, %sqrt3A_1391, %select_n3A_1371 : vector<128x128xi1>, vector<128x128xf32>
    %jit3A_1394 = arith.constant 62 : i32
    %broadcast_in_dim3A_1395 = vector.broadcast %jit3A_1394 : i32 to vector<128x128xi32>
    %select_n3A_1396 = arith.select %lt3A_1392, %broadcast_in_dim3A_1395, %select_n3A_1374 : vector<128x128xi1>, vector<128x128xi32>
    %get3A_1397 = arith.constant 0 : index
    %get3A_1398 = arith.constant 8064 : index
    %get3A_1399 = vector.load %arg4[%get3A_1397, %get3A_1398] : memref<512x8192xf32, #tpu.memory_space<vmem>>, vector<128x128xf32>
    %get3A_1400 = arith.constant 0 : index
    %get3A_1401 = arith.constant 8064 : index
    %get3A_1402 = vector.load %arg5[%get3A_1400, %get3A_1401] : memref<1x8192xf32, #tpu.memory_space<vmem>>, vector<1x128xf32>
    %add3A_1403 = vector.broadcast %broadcast_in_dim3A : vector<128x1xf32> to vector<128x128xf32>
    %add3A_1404 = vector.broadcast %get3A_1402 : vector<1x128xf32> to vector<128x128xf32>
    %add3A_1405 = arith.addf %add3A_1403, %add3A_1404 : vector<128x128xf32>
    %mul3A_1406 = arith.constant 2.000000e+00 : f32
    %mul3A_1407 = vector.broadcast %mul3A_1406 : f32 to vector<128x128xf32>
    %mul3A_1408 = arith.mulf %mul3A_1407, %get3A_1399 : vector<128x128xf32>
    %sub3A_1409 = arith.subf %add3A_1405, %mul3A_1408 : vector<128x128xf32>
    %max3A_1410 = arith.constant 0.000000e+00 : f32
    %max3A_1411 = vector.broadcast %max3A_1410 : f32 to vector<128x128xf32>
    %max3A_1412 = arith.maximumf %sub3A_1409, %max3A_1411 : vector<128x128xf32>
    %sqrt3A_1413 = math.sqrt %max3A_1412 : vector<128x128xf32>
    %lt3A_1414 = arith.cmpf olt, %sqrt3A_1413, %select_n3A_1393 : vector<128x128xf32>
    %select_n3A_1415 = arith.select %lt3A_1414, %sqrt3A_1413, %select_n3A_1393 : vector<128x128xi1>, vector<128x128xf32>
    %jit3A_1416 = arith.constant 63 : i32
    %broadcast_in_dim3A_1417 = vector.broadcast %jit3A_1416 : i32 to vector<128x128xi32>
    %select_n3A_1418 = arith.select %lt3A_1414, %broadcast_in_dim3A_1417, %select_n3A_1396 : vector<128x128xi1>, vector<128x128xi32>
    %reduce_min3A = arith.constant dense<0x7F800000> : vector<128xf32>
    %reduce_min3A_1419 = vector.multi_reduction <minimumf>, %select_n3A_1415, %reduce_min3A [1] : vector<128x128xf32> to vector<128xf32>
    %broadcast_in_dim3A_1420 = vector.shape_cast %reduce_min3A_1419 : vector<128xf32> to vector<128x1xf32>
    %iota3A = tpu.iota {dimensions = array<i32: 1>} : vector<128x128xi32>
    %eq3A_1421 = vector.broadcast %broadcast_in_dim3A_1420 : vector<128x1xf32> to vector<128x128xf32>
    %eq3A_1422 = arith.cmpf oeq, %select_n3A_1415, %eq3A_1421 : vector<128x128xf32>
    %mul3A_1423 = arith.constant 128 : i32
    %mul3A_1424 = vector.broadcast %mul3A_1423 : i32 to vector<128x128xi32>
    %mul3A_1425 = arith.muli %select_n3A_1418, %mul3A_1424 : vector<128x128xi32>
    %add3A_1426 = arith.addi %mul3A_1425, %iota3A : vector<128x128xi32>
    %jit3A_1427 = arith.constant 1073741824 : i32
    %broadcast_in_dim3A_1428 = vector.broadcast %jit3A_1427 : i32 to vector<128x128xi32>
    %select_n3A_1429 = arith.select %eq3A_1422, %add3A_1426, %broadcast_in_dim3A_1428 : vector<128x128xi1>, vector<128x128xi32>
    %reduce_min3A_1430 = arith.constant dense<2147483647> : vector<128xi32>
    %reduce_min3A_1431 = vector.multi_reduction <minsi>, %select_n3A_1429, %reduce_min3A_1430 [1] : vector<128x128xi32> to vector<128xi32>
    %broadcast_in_dim3A_1432 = vector.shape_cast %reduce_min3A_1431 : vector<128xi32> to vector<128x1xi32>
    %swap3A_1433 = arith.constant 0 : index
    %swap3A_1434 = arith.constant 0 : index
    %swap3A_1435 = vector.load %arg3[%swap3A_1433, %swap3A_1434] : memref<512x1xi32, #tpu.memory_space<vmem>>, vector<128x1xi32>
    tpu.vector_store %arg3[%swap3A_1433, %swap3A_1434], %broadcast_in_dim3A_1432 {strides = array<i32>} : memref<512x1xi32, #tpu.memory_space<vmem>>, vector<128x1xi32>,
    %get3A_1436 = arith.constant 128 : index
    %get3A_1437 = arith.constant 0 : index
    %get3A_1438 = vector.load %arg1[%get3A_1436, %get3A_1437] : memref<512x192xf32, #tpu.memory_space<vmem>>, vector<128x192xf32>
    %mul3A_1439 = arith.mulf %get3A_1438, %get3A_1438 : vector<128x192xf32>
    %reduce_sum3A_1440 = arith.constant dense<0.000000e+00> : vector<128xf32>
    %reduce_sum3A_1441 = vector.multi_reduction <add>, %mul3A_1439, %reduce_sum3A_1440 [1] : vector<128x192xf32> to vector<128xf32>
    %broadcast_in_dim3A_1442 = vector.shape_cast %reduce_sum3A_1441 : vector<128xf32> to vector<128x1xf32>
    %broadcast_in_dim3A_1443 = arith.constant 0x7F800000 : f32
    %broadcast_in_dim3A_1444 = vector.broadcast %broadcast_in_dim3A_1443 : f32 to vector<128x128xf32>
    %broadcast_in_dim3A_1445 = arith.constant 0 : i32
    %broadcast_in_dim3A_1446 = vector.broadcast %broadcast_in_dim3A_1445 : i32 to vector<128x128xi32>
    %get3A_1447 = arith.constant 128 : index
    %get3A_1448 = arith.constant 0 : index
    %get3A_1449 = vector.load %arg4[%get3A_1447, %get3A_1448] : memref<512x8192xf32, #tpu.memory_space<vmem>>, vector<128x128xf32>
    %get3A_1450 = arith.constant 0 : index
    %get3A_1451 = arith.constant 0 : index
    %get3A_1452 = vector.load %arg5[%get3A_1450, %get3A_1451] : memref<1x8192xf32, #tpu.memory_space<vmem>>, vector<1x128xf32>
    %add3A_1453 = vector.broadcast %broadcast_in_dim3A_1442 : vector<128x1xf32> to vector<128x128xf32>
    %add3A_1454 = vector.broadcast %get3A_1452 : vector<1x128xf32> to vector<128x128xf32>
    %add3A_1455 = arith.addf %add3A_1453, %add3A_1454 : vector<128x128xf32>
    %mul3A_1456 = arith.constant 2.000000e+00 : f32
    %mul3A_1457 = vector.broadcast %mul3A_1456 : f32 to vector<128x128xf32>
    %mul3A_1458 = arith.mulf %mul3A_1457, %get3A_1449 : vector<128x128xf32>
    %sub3A_1459 = arith.subf %add3A_1455, %mul3A_1458 : vector<128x128xf32>
    %max3A_1460 = arith.constant 0.000000e+00 : f32
    %max3A_1461 = vector.broadcast %max3A_1460 : f32 to vector<128x128xf32>
    %max3A_1462 = arith.maximumf %sub3A_1459, %max3A_1461 : vector<128x128xf32>
    %sqrt3A_1463 = math.sqrt %max3A_1462 : vector<128x128xf32>
    %lt3A_1464 = arith.cmpf olt, %sqrt3A_1463, %broadcast_in_dim3A_1444 : vector<128x128xf32>
    %select_n3A_1465 = arith.select %lt3A_1464, %sqrt3A_1463, %broadcast_in_dim3A_1444 : vector<128x128xi1>, vector<128x128xf32>
    %jit3A_1466 = arith.constant 0 : i32
    %broadcast_in_dim3A_1467 = vector.broadcast %jit3A_1466 : i32 to vector<128x128xi32>
    %select_n3A_1468 = arith.select %lt3A_1464, %broadcast_in_dim3A_1467, %broadcast_in_dim3A_1446 : vector<128x128xi1>, vector<128x128xi32>
    %get3A_1469 = arith.constant 128 : index
    %get3A_1470 = arith.constant 128 : index
    %get3A_1471 = vector.load %arg4[%get3A_1469, %get3A_1470] : memref<512x8192xf32, #tpu.memory_space<vmem>>, vector<128x128xf32>
    %get3A_1472 = arith.constant 0 : index
    %get3A_1473 = arith.constant 128 : index
    %get3A_1474 = vector.load %arg5[%get3A_1472, %get3A_1473] : memref<1x8192xf32, #tpu.memory_space<vmem>>, vector<1x128xf32>
    %add3A_1475 = vector.broadcast %broadcast_in_dim3A_1442 : vector<128x1xf32> to vector<128x128xf32>
    %add3A_1476 = vector.broadcast %get3A_1474 : vector<1x128xf32> to vector<128x128xf32>
    %add3A_1477 = arith.addf %add3A_1475, %add3A_1476 : vector<128x128xf32>
    %mul3A_1478 = arith.constant 2.000000e+00 : f32
    %mul3A_1479 = vector.broadcast %mul3A_1478 : f32 to vector<128x128xf32>
    %mul3A_1480 = arith.mulf %mul3A_1479, %get3A_1471 : vector<128x128xf32>
    %sub3A_1481 = arith.subf %add3A_1477, %mul3A_1480 : vector<128x128xf32>
    %max3A_1482 = arith.constant 0.000000e+00 : f32
    %max3A_1483 = vector.broadcast %max3A_1482 : f32 to vector<128x128xf32>
    %max3A_1484 = arith.maximumf %sub3A_1481, %max3A_1483 : vector<128x128xf32>
    %sqrt3A_1485 = math.sqrt %max3A_1484 : vector<128x128xf32>
    %lt3A_1486 = arith.cmpf olt, %sqrt3A_1485, %select_n3A_1465 : vector<128x128xf32>
    %select_n3A_1487 = arith.select %lt3A_1486, %sqrt3A_1485, %select_n3A_1465 : vector<128x128xi1>, vector<128x128xf32>
    %jit3A_1488 = arith.constant 1 : i32
    %broadcast_in_dim3A_1489 = vector.broadcast %jit3A_1488 : i32 to vector<128x128xi32>
    %select_n3A_1490 = arith.select %lt3A_1486, %broadcast_in_dim3A_1489, %select_n3A_1468 : vector<128x128xi1>, vector<128x128xi32>
    %get3A_1491 = arith.constant 128 : index
    %get3A_1492 = arith.constant 256 : index
    %get3A_1493 = vector.load %arg4[%get3A_1491, %get3A_1492] : memref<512x8192xf32, #tpu.memory_space<vmem>>, vector<128x128xf32>
    %get3A_1494 = arith.constant 0 : index
    %get3A_1495 = arith.constant 256 : index
    %get3A_1496 = vector.load %arg5[%get3A_1494, %get3A_1495] : memref<1x8192xf32, #tpu.memory_space<vmem>>, vector<1x128xf32>
    %add3A_1497 = vector.broadcast %broadcast_in_dim3A_1442 : vector<128x1xf32> to vector<128x128xf32>
    %add3A_1498 = vector.broadcast %get3A_1496 : vector<1x128xf32> to vector<128x128xf32>
    %add3A_1499 = arith.addf %add3A_1497, %add3A_1498 : vector<128x128xf32>
    %mul3A_1500 = arith.constant 2.000000e+00 : f32
    %mul3A_1501 = vector.broadcast %mul3A_1500 : f32 to vector<128x128xf32>
    %mul3A_1502 = arith.mulf %mul3A_1501, %get3A_1493 : vector<128x128xf32>
    %sub3A_1503 = arith.subf %add3A_1499, %mul3A_1502 : vector<128x128xf32>
    %max3A_1504 = arith.constant 0.000000e+00 : f32
    %max3A_1505 = vector.broadcast %max3A_1504 : f32 to vector<128x128xf32>
    %max3A_1506 = arith.maximumf %sub3A_1503, %max3A_1505 : vector<128x128xf32>
    %sqrt3A_1507 = math.sqrt %max3A_1506 : vector<128x128xf32>
    %lt3A_1508 = arith.cmpf olt, %sqrt3A_1507, %select_n3A_1487 : vector<128x128xf32>
    %select_n3A_1509 = arith.select %lt3A_1508, %sqrt3A_1507, %select_n3A_1487 : vector<128x128xi1>, vector<128x128xf32>
    %jit3A_1510 = arith.constant 2 : i32
    %broadcast_in_dim3A_1511 = vector.broadcast %jit3A_1510 : i32 to vector<128x128xi32>
    %select_n3A_1512 = arith.select %lt3A_1508, %broadcast_in_dim3A_1511, %select_n3A_1490 : vector<128x128xi1>, vector<128x128xi32>
    %get3A_1513 = arith.constant 128 : index
    %get3A_1514 = arith.constant 384 : index
    %get3A_1515 = vector.load %arg4[%get3A_1513, %get3A_1514] : memref<512x8192xf32, #tpu.memory_space<vmem>>, vector<128x128xf32>
    %get3A_1516 = arith.constant 0 : index
    %get3A_1517 = arith.constant 384 : index
    %get3A_1518 = vector.load %arg5[%get3A_1516, %get3A_1517] : memref<1x8192xf32, #tpu.memory_space<vmem>>, vector<1x128xf32>
    %add3A_1519 = vector.broadcast %broadcast_in_dim3A_1442 : vector<128x1xf32> to vector<128x128xf32>
    %add3A_1520 = vector.broadcast %get3A_1518 : vector<1x128xf32> to vector<128x128xf32>
    %add3A_1521 = arith.addf %add3A_1519, %add3A_1520 : vector<128x128xf32>
    %mul3A_1522 = arith.constant 2.000000e+00 : f32
    %mul3A_1523 = vector.broadcast %mul3A_1522 : f32 to vector<128x128xf32>
    %mul3A_1524 = arith.mulf %mul3A_1523, %get3A_1515 : vector<128x128xf32>
    %sub3A_1525 = arith.subf %add3A_1521, %mul3A_1524 : vector<128x128xf32>
    %max3A_1526 = arith.constant 0.000000e+00 : f32
    %max3A_1527 = vector.broadcast %max3A_1526 : f32 to vector<128x128xf32>
    %max3A_1528 = arith.maximumf %sub3A_1525, %max3A_1527 : vector<128x128xf32>
    %sqrt3A_1529 = math.sqrt %max3A_1528 : vector<128x128xf32>
    %lt3A_1530 = arith.cmpf olt, %sqrt3A_1529, %select_n3A_1509 : vector<128x128xf32>
    %select_n3A_1531 = arith.select %lt3A_1530, %sqrt3A_1529, %select_n3A_1509 : vector<128x128xi1>, vector<128x128xf32>
    %jit3A_1532 = arith.constant 3 : i32
    %broadcast_in_dim3A_1533 = vector.broadcast %jit3A_1532 : i32 to vector<128x128xi32>
    %select_n3A_1534 = arith.select %lt3A_1530, %broadcast_in_dim3A_1533, %select_n3A_1512 : vector<128x128xi1>, vector<128x128xi32>
    %get3A_1535 = arith.constant 128 : index
    %get3A_1536 = arith.constant 512 : index
    %get3A_1537 = vector.load %arg4[%get3A_1535, %get3A_1536] : memref<512x8192xf32, #tpu.memory_space<vmem>>, vector<128x128xf32>
    %get3A_1538 = arith.constant 0 : index
    %get3A_1539 = arith.constant 512 : index
    %get3A_1540 = vector.load %arg5[%get3A_1538, %get3A_1539] : memref<1x8192xf32, #tpu.memory_space<vmem>>, vector<1x128xf32>
    %add3A_1541 = vector.broadcast %broadcast_in_dim3A_1442 : vector<128x1xf32> to vector<128x128xf32>
    %add3A_1542 = vector.broadcast %get3A_1540 : vector<1x128xf32> to vector<128x128xf32>
    %add3A_1543 = arith.addf %add3A_1541, %add3A_1542 : vector<128x128xf32>
    %mul3A_1544 = arith.constant 2.000000e+00 : f32
    %mul3A_1545 = vector.broadcast %mul3A_1544 : f32 to vector<128x128xf32>
    %mul3A_1546 = arith.mulf %mul3A_1545, %get3A_1537 : vector<128x128xf32>
    %sub3A_1547 = arith.subf %add3A_1543, %mul3A_1546 : vector<128x128xf32>
    %max3A_1548 = arith.constant 0.000000e+00 : f32
    %max3A_1549 = vector.broadcast %max3A_1548 : f32 to vector<128x128xf32>
    %max3A_1550 = arith.maximumf %sub3A_1547, %max3A_1549 : vector<128x128xf32>
    %sqrt3A_1551 = math.sqrt %max3A_1550 : vector<128x128xf32>
    %lt3A_1552 = arith.cmpf olt, %sqrt3A_1551, %select_n3A_1531 : vector<128x128xf32>
    %select_n3A_1553 = arith.select %lt3A_1552, %sqrt3A_1551, %select_n3A_1531 : vector<128x128xi1>, vector<128x128xf32>
    %jit3A_1554 = arith.constant 4 : i32
    %broadcast_in_dim3A_1555 = vector.broadcast %jit3A_1554 : i32 to vector<128x128xi32>
    %select_n3A_1556 = arith.select %lt3A_1552, %broadcast_in_dim3A_1555, %select_n3A_1534 : vector<128x128xi1>, vector<128x128xi32>
    %get3A_1557 = arith.constant 128 : index
    %get3A_1558 = arith.constant 640 : index
    %get3A_1559 = vector.load %arg4[%get3A_1557, %get3A_1558] : memref<512x8192xf32, #tpu.memory_space<vmem>>, vector<128x128xf32>
    %get3A_1560 = arith.constant 0 : index
    %get3A_1561 = arith.constant 640 : index
    %get3A_1562 = vector.load %arg5[%get3A_1560, %get3A_1561] : memref<1x8192xf32, #tpu.memory_space<vmem>>, vector<1x128xf32>
    %add3A_1563 = vector.broadcast %broadcast_in_dim3A_1442 : vector<128x1xf32> to vector<128x128xf32>
    %add3A_1564 = vector.broadcast %get3A_1562 : vector<1x128xf32> to vector<128x128xf32>
    %add3A_1565 = arith.addf %add3A_1563, %add3A_1564 : vector<128x128xf32>
    %mul3A_1566 = arith.constant 2.000000e+00 : f32
    %mul3A_1567 = vector.broadcast %mul3A_1566 : f32 to vector<128x128xf32>
    %mul3A_1568 = arith.mulf %mul3A_1567, %get3A_1559 : vector<128x128xf32>
    %sub3A_1569 = arith.subf %add3A_1565, %mul3A_1568 : vector<128x128xf32>
    %max3A_1570 = arith.constant 0.000000e+00 : f32
    %max3A_1571 = vector.broadcast %max3A_1570 : f32 to vector<128x128xf32>
    %max3A_1572 = arith.maximumf %sub3A_1569, %max3A_1571 : vector<128x128xf32>
    %sqrt3A_1573 = math.sqrt %max3A_1572 : vector<128x128xf32>
    %lt3A_1574 = arith.cmpf olt, %sqrt3A_1573, %select_n3A_1553 : vector<128x128xf32>
    %select_n3A_1575 = arith.select %lt3A_1574, %sqrt3A_1573, %select_n3A_1553 : vector<128x128xi1>, vector<128x128xf32>
    %jit3A_1576 = arith.constant 5 : i32
    %broadcast_in_dim3A_1577 = vector.broadcast %jit3A_1576 : i32 to vector<128x128xi32>
    %select_n3A_1578 = arith.select %lt3A_1574, %broadcast_in_dim3A_1577, %select_n3A_1556 : vector<128x128xi1>, vector<128x128xi32>
    %get3A_1579 = arith.constant 128 : index
    %get3A_1580 = arith.constant 768 : index
    %get3A_1581 = vector.load %arg4[%get3A_1579, %get3A_1580] : memref<512x8192xf32, #tpu.memory_space<vmem>>, vector<128x128xf32>
    %get3A_1582 = arith.constant 0 : index
    %get3A_1583 = arith.constant 768 : index
    %get3A_1584 = vector.load %arg5[%get3A_1582, %get3A_1583] : memref<1x8192xf32, #tpu.memory_space<vmem>>, vector<1x128xf32>
    %add3A_1585 = vector.broadcast %broadcast_in_dim3A_1442 : vector<128x1xf32> to vector<128x128xf32>
    %add3A_1586 = vector.broadcast %get3A_1584 : vector<1x128xf32> to vector<128x128xf32>
    %add3A_1587 = arith.addf %add3A_1585, %add3A_1586 : vector<128x128xf32>
    %mul3A_1588 = arith.constant 2.000000e+00 : f32
    %mul3A_1589 = vector.broadcast %mul3A_1588 : f32 to vector<128x128xf32>
    %mul3A_1590 = arith.mulf %mul3A_1589, %get3A_1581 : vector<128x128xf32>
    %sub3A_1591 = arith.subf %add3A_1587, %mul3A_1590 : vector<128x128xf32>
    %max3A_1592 = arith.constant 0.000000e+00 : f32
    %max3A_1593 = vector.broadcast %max3A_1592 : f32 to vector<128x128xf32>
    %max3A_1594 = arith.maximumf %sub3A_1591, %max3A_1593 : vector<128x128xf32>
    %sqrt3A_1595 = math.sqrt %max3A_1594 : vector<128x128xf32>
    %lt3A_1596 = arith.cmpf olt, %sqrt3A_1595, %select_n3A_1575 : vector<128x128xf32>
    %select_n3A_1597 = arith.select %lt3A_1596, %sqrt3A_1595, %select_n3A_1575 : vector<128x128xi1>, vector<128x128xf32>
    %jit3A_1598 = arith.constant 6 : i32
    %broadcast_in_dim3A_1599 = vector.broadcast %jit3A_1598 : i32 to vector<128x128xi32>
    %select_n3A_1600 = arith.select %lt3A_1596, %broadcast_in_dim3A_1599, %select_n3A_1578 : vector<128x128xi1>, vector<128x128xi32>
    %get3A_1601 = arith.constant 128 : index
    %get3A_1602 = arith.constant 896 : index
    %get3A_1603 = vector.load %arg4[%get3A_1601, %get3A_1602] : memref<512x8192xf32, #tpu.memory_space<vmem>>, vector<128x128xf32>
    %get3A_1604 = arith.constant 0 : index
    %get3A_1605 = arith.constant 896 : index
    %get3A_1606 = vector.load %arg5[%get3A_1604, %get3A_1605] : memref<1x8192xf32, #tpu.memory_space<vmem>>, vector<1x128xf32>
    %add3A_1607 = vector.broadcast %broadcast_in_dim3A_1442 : vector<128x1xf32> to vector<128x128xf32>
    %add3A_1608 = vector.broadcast %get3A_1606 : vector<1x128xf32> to vector<128x128xf32>
    %add3A_1609 = arith.addf %add3A_1607, %add3A_1608 : vector<128x128xf32>
    %mul3A_1610 = arith.constant 2.000000e+00 : f32
    %mul3A_1611 = vector.broadcast %mul3A_1610 : f32 to vector<128x128xf32>
    %mul3A_1612 = arith.mulf %mul3A_1611, %get3A_1603 : vector<128x128xf32>
    %sub3A_1613 = arith.subf %add3A_1609, %mul3A_1612 : vector<128x128xf32>
    %max3A_1614 = arith.constant 0.000000e+00 : f32
    %max3A_1615 = vector.broadcast %max3A_1614 : f32 to vector<128x128xf32>
    %max3A_1616 = arith.maximumf %sub3A_1613, %max3A_1615 : vector<128x128xf32>
    %sqrt3A_1617 = math.sqrt %max3A_1616 : vector<128x128xf32>
    %lt3A_1618 = arith.cmpf olt, %sqrt3A_1617, %select_n3A_1597 : vector<128x128xf32>
    %select_n3A_1619 = arith.select %lt3A_1618, %sqrt3A_1617, %select_n3A_1597 : vector<128x128xi1>, vector<128x128xf32>
    %jit3A_1620 = arith.constant 7 : i32
    %broadcast_in_dim3A_1621 = vector.broadcast %jit3A_1620 : i32 to vector<128x128xi32>
    %select_n3A_1622 = arith.select %lt3A_1618, %broadcast_in_dim3A_1621, %select_n3A_1600 : vector<128x128xi1>, vector<128x128xi32>
    %get3A_1623 = arith.constant 128 : index
    %get3A_1624 = arith.constant 1024 : index
    %get3A_1625 = vector.load %arg4[%get3A_1623, %get3A_1624] : memref<512x8192xf32, #tpu.memory_space<vmem>>, vector<128x128xf32>
    %get3A_1626 = arith.constant 0 : index
    %get3A_1627 = arith.constant 1024 : index
    %get3A_1628 = vector.load %arg5[%get3A_1626, %get3A_1627] : memref<1x8192xf32, #tpu.memory_space<vmem>>, vector<1x128xf32>
    %add3A_1629 = vector.broadcast %broadcast_in_dim3A_1442 : vector<128x1xf32> to vector<128x128xf32>
    %add3A_1630 = vector.broadcast %get3A_1628 : vector<1x128xf32> to vector<128x128xf32>
    %add3A_1631 = arith.addf %add3A_1629, %add3A_1630 : vector<128x128xf32>
    %mul3A_1632 = arith.constant 2.000000e+00 : f32
    %mul3A_1633 = vector.broadcast %mul3A_1632 : f32 to vector<128x128xf32>
    %mul3A_1634 = arith.mulf %mul3A_1633, %get3A_1625 : vector<128x128xf32>
    %sub3A_1635 = arith.subf %add3A_1631, %mul3A_1634 : vector<128x128xf32>
    %max3A_1636 = arith.constant 0.000000e+00 : f32
    %max3A_1637 = vector.broadcast %max3A_1636 : f32 to vector<128x128xf32>
    %max3A_1638 = arith.maximumf %sub3A_1635, %max3A_1637 : vector<128x128xf32>
    %sqrt3A_1639 = math.sqrt %max3A_1638 : vector<128x128xf32>
    %lt3A_1640 = arith.cmpf olt, %sqrt3A_1639, %select_n3A_1619 : vector<128x128xf32>
    %select_n3A_1641 = arith.select %lt3A_1640, %sqrt3A_1639, %select_n3A_1619 : vector<128x128xi1>, vector<128x128xf32>
    %jit3A_1642 = arith.constant 8 : i32
    %broadcast_in_dim3A_1643 = vector.broadcast %jit3A_1642 : i32 to vector<128x128xi32>
    %select_n3A_1644 = arith.select %lt3A_1640, %broadcast_in_dim3A_1643, %select_n3A_1622 : vector<128x128xi1>, vector<128x128xi32>
    %get3A_1645 = arith.constant 128 : index
    %get3A_1646 = arith.constant 1152 : index
    %get3A_1647 = vector.load %arg4[%get3A_1645, %get3A_1646] : memref<512x8192xf32, #tpu.memory_space<vmem>>, vector<128x128xf32>
    %get3A_1648 = arith.constant 0 : index
    %get3A_1649 = arith.constant 1152 : index
    %get3A_1650 = vector.load %arg5[%get3A_1648, %get3A_1649] : memref<1x8192xf32, #tpu.memory_space<vmem>>, vector<1x128xf32>
    %add3A_1651 = vector.broadcast %broadcast_in_dim3A_1442 : vector<128x1xf32> to vector<128x128xf32>
    %add3A_1652 = vector.broadcast %get3A_1650 : vector<1x128xf32> to vector<128x128xf32>
    %add3A_1653 = arith.addf %add3A_1651, %add3A_1652 : vector<128x128xf32>
    %mul3A_1654 = arith.constant 2.000000e+00 : f32
    %mul3A_1655 = vector.broadcast %mul3A_1654 : f32 to vector<128x128xf32>
    %mul3A_1656 = arith.mulf %mul3A_1655, %get3A_1647 : vector<128x128xf32>
    %sub3A_1657 = arith.subf %add3A_1653, %mul3A_1656 : vector<128x128xf32>
    %max3A_1658 = arith.constant 0.000000e+00 : f32
    %max3A_1659 = vector.broadcast %max3A_1658 : f32 to vector<128x128xf32>
    %max3A_1660 = arith.maximumf %sub3A_1657, %max3A_1659 : vector<128x128xf32>
    %sqrt3A_1661 = math.sqrt %max3A_1660 : vector<128x128xf32>
    %lt3A_1662 = arith.cmpf olt, %sqrt3A_1661, %select_n3A_1641 : vector<128x128xf32>
    %select_n3A_1663 = arith.select %lt3A_1662, %sqrt3A_1661, %select_n3A_1641 : vector<128x128xi1>, vector<128x128xf32>
    %jit3A_1664 = arith.constant 9 : i32
    %broadcast_in_dim3A_1665 = vector.broadcast %jit3A_1664 : i32 to vector<128x128xi32>
    %select_n3A_1666 = arith.select %lt3A_1662, %broadcast_in_dim3A_1665, %select_n3A_1644 : vector<128x128xi1>, vector<128x128xi32>
    %get3A_1667 = arith.constant 128 : index
    %get3A_1668 = arith.constant 1280 : index
    %get3A_1669 = vector.load %arg4[%get3A_1667, %get3A_1668] : memref<512x8192xf32, #tpu.memory_space<vmem>>, vector<128x128xf32>
    %get3A_1670 = arith.constant 0 : index
    %get3A_1671 = arith.constant 1280 : index
    %get3A_1672 = vector.load %arg5[%get3A_1670, %get3A_1671] : memref<1x8192xf32, #tpu.memory_space<vmem>>, vector<1x128xf32>
    %add3A_1673 = vector.broadcast %broadcast_in_dim3A_1442 : vector<128x1xf32> to vector<128x128xf32>
    %add3A_1674 = vector.broadcast %get3A_1672 : vector<1x128xf32> to vector<128x128xf32>
    %add3A_1675 = arith.addf %add3A_1673, %add3A_1674 : vector<128x128xf32>
    %mul3A_1676 = arith.constant 2.000000e+00 : f32
    %mul3A_1677 = vector.broadcast %mul3A_1676 : f32 to vector<128x128xf32>
    %mul3A_1678 = arith.mulf %mul3A_1677, %get3A_1669 : vector<128x128xf32>
    %sub3A_1679 = arith.subf %add3A_1675, %mul3A_1678 : vector<128x128xf32>
    %max3A_1680 = arith.constant 0.000000e+00 : f32
    %max3A_1681 = vector.broadcast %max3A_1680 : f32 to vector<128x128xf32>
    %max3A_1682 = arith.maximumf %sub3A_1679, %max3A_1681 : vector<128x128xf32>
    %sqrt3A_1683 = math.sqrt %max3A_1682 : vector<128x128xf32>
    %lt3A_1684 = arith.cmpf olt, %sqrt3A_1683, %select_n3A_1663 : vector<128x128xf32>
    %select_n3A_1685 = arith.select %lt3A_1684, %sqrt3A_1683, %select_n3A_1663 : vector<128x128xi1>, vector<128x128xf32>
    %jit3A_1686 = arith.constant 10 : i32
    %broadcast_in_dim3A_1687 = vector.broadcast %jit3A_1686 : i32 to vector<128x128xi32>
    %select_n3A_1688 = arith.select %lt3A_1684, %broadcast_in_dim3A_1687, %select_n3A_1666 : vector<128x128xi1>, vector<128x128xi32>
    %get3A_1689 = arith.constant 128 : index
    %get3A_1690 = arith.constant 1408 : index
    %get3A_1691 = vector.load %arg4[%get3A_1689, %get3A_1690] : memref<512x8192xf32, #tpu.memory_space<vmem>>, vector<128x128xf32>
    %get3A_1692 = arith.constant 0 : index
    %get3A_1693 = arith.constant 1408 : index
    %get3A_1694 = vector.load %arg5[%get3A_1692, %get3A_1693] : memref<1x8192xf32, #tpu.memory_space<vmem>>, vector<1x128xf32>
    %add3A_1695 = vector.broadcast %broadcast_in_dim3A_1442 : vector<128x1xf32> to vector<128x128xf32>
    %add3A_1696 = vector.broadcast %get3A_1694 : vector<1x128xf32> to vector<128x128xf32>
    %add3A_1697 = arith.addf %add3A_1695, %add3A_1696 : vector<128x128xf32>
    %mul3A_1698 = arith.constant 2.000000e+00 : f32
    %mul3A_1699 = vector.broadcast %mul3A_1698 : f32 to vector<128x128xf32>
    %mul3A_1700 = arith.mulf %mul3A_1699, %get3A_1691 : vector<128x128xf32>
    %sub3A_1701 = arith.subf %add3A_1697, %mul3A_1700 : vector<128x128xf32>
    %max3A_1702 = arith.constant 0.000000e+00 : f32
    %max3A_1703 = vector.broadcast %max3A_1702 : f32 to vector<128x128xf32>
    %max3A_1704 = arith.maximumf %sub3A_1701, %max3A_1703 : vector<128x128xf32>
    %sqrt3A_1705 = math.sqrt %max3A_1704 : vector<128x128xf32>
    %lt3A_1706 = arith.cmpf olt, %sqrt3A_1705, %select_n3A_1685 : vector<128x128xf32>
    %select_n3A_1707 = arith.select %lt3A_1706, %sqrt3A_1705, %select_n3A_1685 : vector<128x128xi1>, vector<128x128xf32>
    %jit3A_1708 = arith.constant 11 : i32
    %broadcast_in_dim3A_1709 = vector.broadcast %jit3A_1708 : i32 to vector<128x128xi32>
    %select_n3A_1710 = arith.select %lt3A_1706, %broadcast_in_dim3A_1709, %select_n3A_1688 : vector<128x128xi1>, vector<128x128xi32>
    %get3A_1711 = arith.constant 128 : index
    %get3A_1712 = arith.constant 1536 : index
    %get3A_1713 = vector.load %arg4[%get3A_1711, %get3A_1712] : memref<512x8192xf32, #tpu.memory_space<vmem>>, vector<128x128xf32>
    %get3A_1714 = arith.constant 0 : index
    %get3A_1715 = arith.constant 1536 : index
    %get3A_1716 = vector.load %arg5[%get3A_1714, %get3A_1715] : memref<1x8192xf32, #tpu.memory_space<vmem>>, vector<1x128xf32>
    %add3A_1717 = vector.broadcast %broadcast_in_dim3A_1442 : vector<128x1xf32> to vector<128x128xf32>
    %add3A_1718 = vector.broadcast %get3A_1716 : vector<1x128xf32> to vector<128x128xf32>
    %add3A_1719 = arith.addf %add3A_1717, %add3A_1718 : vector<128x128xf32>
    %mul3A_1720 = arith.constant 2.000000e+00 : f32
    %mul3A_1721 = vector.broadcast %mul3A_1720 : f32 to vector<128x128xf32>
    %mul3A_1722 = arith.mulf %mul3A_1721, %get3A_1713 : vector<128x128xf32>
    %sub3A_1723 = arith.subf %add3A_1719, %mul3A_1722 : vector<128x128xf32>
    %max3A_1724 = arith.constant 0.000000e+00 : f32
    %max3A_1725 = vector.broadcast %max3A_1724 : f32 to vector<128x128xf32>
    %max3A_1726 = arith.maximumf %sub3A_1723, %max3A_1725 : vector<128x128xf32>
    %sqrt3A_1727 = math.sqrt %max3A_1726 : vector<128x128xf32>
    %lt3A_1728 = arith.cmpf olt, %sqrt3A_1727, %select_n3A_1707 : vector<128x128xf32>
    %select_n3A_1729 = arith.select %lt3A_1728, %sqrt3A_1727, %select_n3A_1707 : vector<128x128xi1>, vector<128x128xf32>
    %jit3A_1730 = arith.constant 12 : i32
    %broadcast_in_dim3A_1731 = vector.broadcast %jit3A_1730 : i32 to vector<128x128xi32>
    %select_n3A_1732 = arith.select %lt3A_1728, %broadcast_in_dim3A_1731, %select_n3A_1710 : vector<128x128xi1>, vector<128x128xi32>
    %get3A_1733 = arith.constant 128 : index
    %get3A_1734 = arith.constant 1664 : index
    %get3A_1735 = vector.load %arg4[%get3A_1733, %get3A_1734] : memref<512x8192xf32, #tpu.memory_space<vmem>>, vector<128x128xf32>
    %get3A_1736 = arith.constant 0 : index
    %get3A_1737 = arith.constant 1664 : index
    %get3A_1738 = vector.load %arg5[%get3A_1736, %get3A_1737] : memref<1x8192xf32, #tpu.memory_space<vmem>>, vector<1x128xf32>
    %add3A_1739 = vector.broadcast %broadcast_in_dim3A_1442 : vector<128x1xf32> to vector<128x128xf32>
    %add3A_1740 = vector.broadcast %get3A_1738 : vector<1x128xf32> to vector<128x128xf32>
    %add3A_1741 = arith.addf %add3A_1739, %add3A_1740 : vector<128x128xf32>
    %mul3A_1742 = arith.constant 2.000000e+00 : f32
    %mul3A_1743 = vector.broadcast %mul3A_1742 : f32 to vector<128x128xf32>
    %mul3A_1744 = arith.mulf %mul3A_1743, %get3A_1735 : vector<128x128xf32>
    %sub3A_1745 = arith.subf %add3A_1741, %mul3A_1744 : vector<128x128xf32>
    %max3A_1746 = arith.constant 0.000000e+00 : f32
    %max3A_1747 = vector.broadcast %max3A_1746 : f32 to vector<128x128xf32>
    %max3A_1748 = arith.maximumf %sub3A_1745, %max3A_1747 : vector<128x128xf32>
    %sqrt3A_1749 = math.sqrt %max3A_1748 : vector<128x128xf32>
    %lt3A_1750 = arith.cmpf olt, %sqrt3A_1749, %select_n3A_1729 : vector<128x128xf32>
    %select_n3A_1751 = arith.select %lt3A_1750, %sqrt3A_1749, %select_n3A_1729 : vector<128x128xi1>, vector<128x128xf32>
    %jit3A_1752 = arith.constant 13 : i32
    %broadcast_in_dim3A_1753 = vector.broadcast %jit3A_1752 : i32 to vector<128x128xi32>
    %select_n3A_1754 = arith.select %lt3A_1750, %broadcast_in_dim3A_1753, %select_n3A_1732 : vector<128x128xi1>, vector<128x128xi32>
    %get3A_1755 = arith.constant 128 : index
    %get3A_1756 = arith.constant 1792 : index
    %get3A_1757 = vector.load %arg4[%get3A_1755, %get3A_1756] : memref<512x8192xf32, #tpu.memory_space<vmem>>, vector<128x128xf32>
    %get3A_1758 = arith.constant 0 : index
    %get3A_1759 = arith.constant 1792 : index
    %get3A_1760 = vector.load %arg5[%get3A_1758, %get3A_1759] : memref<1x8192xf32, #tpu.memory_space<vmem>>, vector<1x128xf32>
    %add3A_1761 = vector.broadcast %broadcast_in_dim3A_1442 : vector<128x1xf32> to vector<128x128xf32>
    %add3A_1762 = vector.broadcast %get3A_1760 : vector<1x128xf32> to vector<128x128xf32>
    %add3A_1763 = arith.addf %add3A_1761, %add3A_1762 : vector<128x128xf32>
    %mul3A_1764 = arith.constant 2.000000e+00 : f32
    %mul3A_1765 = vector.broadcast %mul3A_1764 : f32 to vector<128x128xf32>
    %mul3A_1766 = arith.mulf %mul3A_1765, %get3A_1757 : vector<128x128xf32>
    %sub3A_1767 = arith.subf %add3A_1763, %mul3A_1766 : vector<128x128xf32>
    %max3A_1768 = arith.constant 0.000000e+00 : f32
    %max3A_1769 = vector.broadcast %max3A_1768 : f32 to vector<128x128xf32>
    %max3A_1770 = arith.maximumf %sub3A_1767, %max3A_1769 : vector<128x128xf32>
    %sqrt3A_1771 = math.sqrt %max3A_1770 : vector<128x128xf32>
    %lt3A_1772 = arith.cmpf olt, %sqrt3A_1771, %select_n3A_1751 : vector<128x128xf32>
    %select_n3A_1773 = arith.select %lt3A_1772, %sqrt3A_1771, %select_n3A_1751 : vector<128x128xi1>, vector<128x128xf32>
    %jit3A_1774 = arith.constant 14 : i32
    %broadcast_in_dim3A_1775 = vector.broadcast %jit3A_1774 : i32 to vector<128x128xi32>
    %select_n3A_1776 = arith.select %lt3A_1772, %broadcast_in_dim3A_1775, %select_n3A_1754 : vector<128x128xi1>, vector<128x128xi32>
    %get3A_1777 = arith.constant 128 : index
    %get3A_1778 = arith.constant 1920 : index
    %get3A_1779 = vector.load %arg4[%get3A_1777, %get3A_1778] : memref<512x8192xf32, #tpu.memory_space<vmem>>, vector<128x128xf32>
    %get3A_1780 = arith.constant 0 : index
    %get3A_1781 = arith.constant 1920 : index
    %get3A_1782 = vector.load %arg5[%get3A_1780, %get3A_1781] : memref<1x8192xf32, #tpu.memory_space<vmem>>, vector<1x128xf32>
    %add3A_1783 = vector.broadcast %broadcast_in_dim3A_1442 : vector<128x1xf32> to vector<128x128xf32>
    %add3A_1784 = vector.broadcast %get3A_1782 : vector<1x128xf32> to vector<128x128xf32>
    %add3A_1785 = arith.addf %add3A_1783, %add3A_1784 : vector<128x128xf32>
    %mul3A_1786 = arith.constant 2.000000e+00 : f32
    %mul3A_1787 = vector.broadcast %mul3A_1786 : f32 to vector<128x128xf32>
    %mul3A_1788 = arith.mulf %mul3A_1787, %get3A_1779 : vector<128x128xf32>
    %sub3A_1789 = arith.subf %add3A_1785, %mul3A_1788 : vector<128x128xf32>
    %max3A_1790 = arith.constant 0.000000e+00 : f32
    %max3A_1791 = vector.broadcast %max3A_1790 : f32 to vector<128x128xf32>
    %max3A_1792 = arith.maximumf %sub3A_1789, %max3A_1791 : vector<128x128xf32>
    %sqrt3A_1793 = math.sqrt %max3A_1792 : vector<128x128xf32>
    %lt3A_1794 = arith.cmpf olt, %sqrt3A_1793, %select_n3A_1773 : vector<128x128xf32>
    %select_n3A_1795 = arith.select %lt3A_1794, %sqrt3A_1793, %select_n3A_1773 : vector<128x128xi1>, vector<128x128xf32>
    %jit3A_1796 = arith.constant 15 : i32
    %broadcast_in_dim3A_1797 = vector.broadcast %jit3A_1796 : i32 to vector<128x128xi32>
    %select_n3A_1798 = arith.select %lt3A_1794, %broadcast_in_dim3A_1797, %select_n3A_1776 : vector<128x128xi1>, vector<128x128xi32>
    %get3A_1799 = arith.constant 128 : index
    %get3A_1800 = arith.constant 2048 : index
    %get3A_1801 = vector.load %arg4[%get3A_1799, %get3A_1800] : memref<512x8192xf32, #tpu.memory_space<vmem>>, vector<128x128xf32>
    %get3A_1802 = arith.constant 0 : index
    %get3A_1803 = arith.constant 2048 : index
    %get3A_1804 = vector.load %arg5[%get3A_1802, %get3A_1803] : memref<1x8192xf32, #tpu.memory_space<vmem>>, vector<1x128xf32>
    %add3A_1805 = vector.broadcast %broadcast_in_dim3A_1442 : vector<128x1xf32> to vector<128x128xf32>
    %add3A_1806 = vector.broadcast %get3A_1804 : vector<1x128xf32> to vector<128x128xf32>
    %add3A_1807 = arith.addf %add3A_1805, %add3A_1806 : vector<128x128xf32>
    %mul3A_1808 = arith.constant 2.000000e+00 : f32
    %mul3A_1809 = vector.broadcast %mul3A_1808 : f32 to vector<128x128xf32>
    %mul3A_1810 = arith.mulf %mul3A_1809, %get3A_1801 : vector<128x128xf32>
    %sub3A_1811 = arith.subf %add3A_1807, %mul3A_1810 : vector<128x128xf32>
    %max3A_1812 = arith.constant 0.000000e+00 : f32
    %max3A_1813 = vector.broadcast %max3A_1812 : f32 to vector<128x128xf32>
    %max3A_1814 = arith.maximumf %sub3A_1811, %max3A_1813 : vector<128x128xf32>
    %sqrt3A_1815 = math.sqrt %max3A_1814 : vector<128x128xf32>
    %lt3A_1816 = arith.cmpf olt, %sqrt3A_1815, %select_n3A_1795 : vector<128x128xf32>
    %select_n3A_1817 = arith.select %lt3A_1816, %sqrt3A_1815, %select_n3A_1795 : vector<128x128xi1>, vector<128x128xf32>
    %jit3A_1818 = arith.constant 16 : i32
    %broadcast_in_dim3A_1819 = vector.broadcast %jit3A_1818 : i32 to vector<128x128xi32>
    %select_n3A_1820 = arith.select %lt3A_1816, %broadcast_in_dim3A_1819, %select_n3A_1798 : vector<128x128xi1>, vector<128x128xi32>
    %get3A_1821 = arith.constant 128 : index
    %get3A_1822 = arith.constant 2176 : index
    %get3A_1823 = vector.load %arg4[%get3A_1821, %get3A_1822] : memref<512x8192xf32, #tpu.memory_space<vmem>>, vector<128x128xf32>
    %get3A_1824 = arith.constant 0 : index
    %get3A_1825 = arith.constant 2176 : index
    %get3A_1826 = vector.load %arg5[%get3A_1824, %get3A_1825] : memref<1x8192xf32, #tpu.memory_space<vmem>>, vector<1x128xf32>
    %add3A_1827 = vector.broadcast %broadcast_in_dim3A_1442 : vector<128x1xf32> to vector<128x128xf32>
    %add3A_1828 = vector.broadcast %get3A_1826 : vector<1x128xf32> to vector<128x128xf32>
    %add3A_1829 = arith.addf %add3A_1827, %add3A_1828 : vector<128x128xf32>
    %mul3A_1830 = arith.constant 2.000000e+00 : f32
    %mul3A_1831 = vector.broadcast %mul3A_1830 : f32 to vector<128x128xf32>
    %mul3A_1832 = arith.mulf %mul3A_1831, %get3A_1823 : vector<128x128xf32>
    %sub3A_1833 = arith.subf %add3A_1829, %mul3A_1832 : vector<128x128xf32>
    %max3A_1834 = arith.constant 0.000000e+00 : f32
    %max3A_1835 = vector.broadcast %max3A_1834 : f32 to vector<128x128xf32>
    %max3A_1836 = arith.maximumf %sub3A_1833, %max3A_1835 : vector<128x128xf32>
    %sqrt3A_1837 = math.sqrt %max3A_1836 : vector<128x128xf32>
    %lt3A_1838 = arith.cmpf olt, %sqrt3A_1837, %select_n3A_1817 : vector<128x128xf32>
    %select_n3A_1839 = arith.select %lt3A_1838, %sqrt3A_1837, %select_n3A_1817 : vector<128x128xi1>, vector<128x128xf32>
    %jit3A_1840 = arith.constant 17 : i32
    %broadcast_in_dim3A_1841 = vector.broadcast %jit3A_1840 : i32 to vector<128x128xi32>
    %select_n3A_1842 = arith.select %lt3A_1838, %broadcast_in_dim3A_1841, %select_n3A_1820 : vector<128x128xi1>, vector<128x128xi32>
    %get3A_1843 = arith.constant 128 : index
    %get3A_1844 = arith.constant 2304 : index
    %get3A_1845 = vector.load %arg4[%get3A_1843, %get3A_1844] : memref<512x8192xf32, #tpu.memory_space<vmem>>, vector<128x128xf32>
    %get3A_1846 = arith.constant 0 : index
    %get3A_1847 = arith.constant 2304 : index
    %get3A_1848 = vector.load %arg5[%get3A_1846, %get3A_1847] : memref<1x8192xf32, #tpu.memory_space<vmem>>, vector<1x128xf32>
    %add3A_1849 = vector.broadcast %broadcast_in_dim3A_1442 : vector<128x1xf32> to vector<128x128xf32>
    %add3A_1850 = vector.broadcast %get3A_1848 : vector<1x128xf32> to vector<128x128xf32>
    %add3A_1851 = arith.addf %add3A_1849, %add3A_1850 : vector<128x128xf32>
    %mul3A_1852 = arith.constant 2.000000e+00 : f32
    %mul3A_1853 = vector.broadcast %mul3A_1852 : f32 to vector<128x128xf32>
    %mul3A_1854 = arith.mulf %mul3A_1853, %get3A_1845 : vector<128x128xf32>
    %sub3A_1855 = arith.subf %add3A_1851, %mul3A_1854 : vector<128x128xf32>
    %max3A_1856 = arith.constant 0.000000e+00 : f32
    %max3A_1857 = vector.broadcast %max3A_1856 : f32 to vector<128x128xf32>
    %max3A_1858 = arith.maximumf %sub3A_1855, %max3A_1857 : vector<128x128xf32>
    %sqrt3A_1859 = math.sqrt %max3A_1858 : vector<128x128xf32>
    %lt3A_1860 = arith.cmpf olt, %sqrt3A_1859, %select_n3A_1839 : vector<128x128xf32>
    %select_n3A_1861 = arith.select %lt3A_1860, %sqrt3A_1859, %select_n3A_1839 : vector<128x128xi1>, vector<128x128xf32>
    %jit3A_1862 = arith.constant 18 : i32
    %broadcast_in_dim3A_1863 = vector.broadcast %jit3A_1862 : i32 to vector<128x128xi32>
    %select_n3A_1864 = arith.select %lt3A_1860, %broadcast_in_dim3A_1863, %select_n3A_1842 : vector<128x128xi1>, vector<128x128xi32>
    %get3A_1865 = arith.constant 128 : index
    %get3A_1866 = arith.constant 2432 : index
    %get3A_1867 = vector.load %arg4[%get3A_1865, %get3A_1866] : memref<512x8192xf32, #tpu.memory_space<vmem>>, vector<128x128xf32>
    %get3A_1868 = arith.constant 0 : index
    %get3A_1869 = arith.constant 2432 : index
    %get3A_1870 = vector.load %arg5[%get3A_1868, %get3A_1869] : memref<1x8192xf32, #tpu.memory_space<vmem>>, vector<1x128xf32>
    %add3A_1871 = vector.broadcast %broadcast_in_dim3A_1442 : vector<128x1xf32> to vector<128x128xf32>
    %add3A_1872 = vector.broadcast %get3A_1870 : vector<1x128xf32> to vector<128x128xf32>
    %add3A_1873 = arith.addf %add3A_1871, %add3A_1872 : vector<128x128xf32>
    %mul3A_1874 = arith.constant 2.000000e+00 : f32
    %mul3A_1875 = vector.broadcast %mul3A_1874 : f32 to vector<128x128xf32>
    %mul3A_1876 = arith.mulf %mul3A_1875, %get3A_1867 : vector<128x128xf32>
    %sub3A_1877 = arith.subf %add3A_1873, %mul3A_1876 : vector<128x128xf32>
    %max3A_1878 = arith.constant 0.000000e+00 : f32
    %max3A_1879 = vector.broadcast %max3A_1878 : f32 to vector<128x128xf32>
    %max3A_1880 = arith.maximumf %sub3A_1877, %max3A_1879 : vector<128x128xf32>
    %sqrt3A_1881 = math.sqrt %max3A_1880 : vector<128x128xf32>
    %lt3A_1882 = arith.cmpf olt, %sqrt3A_1881, %select_n3A_1861 : vector<128x128xf32>
    %select_n3A_1883 = arith.select %lt3A_1882, %sqrt3A_1881, %select_n3A_1861 : vector<128x128xi1>, vector<128x128xf32>
    %jit3A_1884 = arith.constant 19 : i32
    %broadcast_in_dim3A_1885 = vector.broadcast %jit3A_1884 : i32 to vector<128x128xi32>
    %select_n3A_1886 = arith.select %lt3A_1882, %broadcast_in_dim3A_1885, %select_n3A_1864 : vector<128x128xi1>, vector<128x128xi32>
    %get3A_1887 = arith.constant 128 : index
    %get3A_1888 = arith.constant 2560 : index
    %get3A_1889 = vector.load %arg4[%get3A_1887, %get3A_1888] : memref<512x8192xf32, #tpu.memory_space<vmem>>, vector<128x128xf32>
    %get3A_1890 = arith.constant 0 : index
    %get3A_1891 = arith.constant 2560 : index
    %get3A_1892 = vector.load %arg5[%get3A_1890, %get3A_1891] : memref<1x8192xf32, #tpu.memory_space<vmem>>, vector<1x128xf32>
    %add3A_1893 = vector.broadcast %broadcast_in_dim3A_1442 : vector<128x1xf32> to vector<128x128xf32>
    %add3A_1894 = vector.broadcast %get3A_1892 : vector<1x128xf32> to vector<128x128xf32>
    %add3A_1895 = arith.addf %add3A_1893, %add3A_1894 : vector<128x128xf32>
    %mul3A_1896 = arith.constant 2.000000e+00 : f32
    %mul3A_1897 = vector.broadcast %mul3A_1896 : f32 to vector<128x128xf32>
    %mul3A_1898 = arith.mulf %mul3A_1897, %get3A_1889 : vector<128x128xf32>
    %sub3A_1899 = arith.subf %add3A_1895, %mul3A_1898 : vector<128x128xf32>
    %max3A_1900 = arith.constant 0.000000e+00 : f32
    %max3A_1901 = vector.broadcast %max3A_1900 : f32 to vector<128x128xf32>
    %max3A_1902 = arith.maximumf %sub3A_1899, %max3A_1901 : vector<128x128xf32>
    %sqrt3A_1903 = math.sqrt %max3A_1902 : vector<128x128xf32>
    %lt3A_1904 = arith.cmpf olt, %sqrt3A_1903, %select_n3A_1883 : vector<128x128xf32>
    %select_n3A_1905 = arith.select %lt3A_1904, %sqrt3A_1903, %select_n3A_1883 : vector<128x128xi1>, vector<128x128xf32>
    %jit3A_1906 = arith.constant 20 : i32
    %broadcast_in_dim3A_1907 = vector.broadcast %jit3A_1906 : i32 to vector<128x128xi32>
    %select_n3A_1908 = arith.select %lt3A_1904, %broadcast_in_dim3A_1907, %select_n3A_1886 : vector<128x128xi1>, vector<128x128xi32>
    %get3A_1909 = arith.constant 128 : index
    %get3A_1910 = arith.constant 2688 : index
    %get3A_1911 = vector.load %arg4[%get3A_1909, %get3A_1910] : memref<512x8192xf32, #tpu.memory_space<vmem>>, vector<128x128xf32>
    %get3A_1912 = arith.constant 0 : index
    %get3A_1913 = arith.constant 2688 : index
    %get3A_1914 = vector.load %arg5[%get3A_1912, %get3A_1913] : memref<1x8192xf32, #tpu.memory_space<vmem>>, vector<1x128xf32>
    %add3A_1915 = vector.broadcast %broadcast_in_dim3A_1442 : vector<128x1xf32> to vector<128x128xf32>
    %add3A_1916 = vector.broadcast %get3A_1914 : vector<1x128xf32> to vector<128x128xf32>
    %add3A_1917 = arith.addf %add3A_1915, %add3A_1916 : vector<128x128xf32>
    %mul3A_1918 = arith.constant 2.000000e+00 : f32
    %mul3A_1919 = vector.broadcast %mul3A_1918 : f32 to vector<128x128xf32>
    %mul3A_1920 = arith.mulf %mul3A_1919, %get3A_1911 : vector<128x128xf32>
    %sub3A_1921 = arith.subf %add3A_1917, %mul3A_1920 : vector<128x128xf32>
    %max3A_1922 = arith.constant 0.000000e+00 : f32
    %max3A_1923 = vector.broadcast %max3A_1922 : f32 to vector<128x128xf32>
    %max3A_1924 = arith.maximumf %sub3A_1921, %max3A_1923 : vector<128x128xf32>
    %sqrt3A_1925 = math.sqrt %max3A_1924 : vector<128x128xf32>
    %lt3A_1926 = arith.cmpf olt, %sqrt3A_1925, %select_n3A_1905 : vector<128x128xf32>
    %select_n3A_1927 = arith.select %lt3A_1926, %sqrt3A_1925, %select_n3A_1905 : vector<128x128xi1>, vector<128x128xf32>
    %jit3A_1928 = arith.constant 21 : i32
    %broadcast_in_dim3A_1929 = vector.broadcast %jit3A_1928 : i32 to vector<128x128xi32>
    %select_n3A_1930 = arith.select %lt3A_1926, %broadcast_in_dim3A_1929, %select_n3A_1908 : vector<128x128xi1>, vector<128x128xi32>
    %get3A_1931 = arith.constant 128 : index
    %get3A_1932 = arith.constant 2816 : index
    %get3A_1933 = vector.load %arg4[%get3A_1931, %get3A_1932] : memref<512x8192xf32, #tpu.memory_space<vmem>>, vector<128x128xf32>
    %get3A_1934 = arith.constant 0 : index
    %get3A_1935 = arith.constant 2816 : index
    %get3A_1936 = vector.load %arg5[%get3A_1934, %get3A_1935] : memref<1x8192xf32, #tpu.memory_space<vmem>>, vector<1x128xf32>
    %add3A_1937 = vector.broadcast %broadcast_in_dim3A_1442 : vector<128x1xf32> to vector<128x128xf32>
    %add3A_1938 = vector.broadcast %get3A_1936 : vector<1x128xf32> to vector<128x128xf32>
    %add3A_1939 = arith.addf %add3A_1937, %add3A_1938 : vector<128x128xf32>
    %mul3A_1940 = arith.constant 2.000000e+00 : f32
    %mul3A_1941 = vector.broadcast %mul3A_1940 : f32 to vector<128x128xf32>
    %mul3A_1942 = arith.mulf %mul3A_1941, %get3A_1933 : vector<128x128xf32>
    %sub3A_1943 = arith.subf %add3A_1939, %mul3A_1942 : vector<128x128xf32>
    %max3A_1944 = arith.constant 0.000000e+00 : f32
    %max3A_1945 = vector.broadcast %max3A_1944 : f32 to vector<128x128xf32>
    %max3A_1946 = arith.maximumf %sub3A_1943, %max3A_1945 : vector<128x128xf32>
    %sqrt3A_1947 = math.sqrt %max3A_1946 : vector<128x128xf32>
    %lt3A_1948 = arith.cmpf olt, %sqrt3A_1947, %select_n3A_1927 : vector<128x128xf32>
    %select_n3A_1949 = arith.select %lt3A_1948, %sqrt3A_1947, %select_n3A_1927 : vector<128x128xi1>, vector<128x128xf32>
    %jit3A_1950 = arith.constant 22 : i32
    %broadcast_in_dim3A_1951 = vector.broadcast %jit3A_1950 : i32 to vector<128x128xi32>
    %select_n3A_1952 = arith.select %lt3A_1948, %broadcast_in_dim3A_1951, %select_n3A_1930 : vector<128x128xi1>, vector<128x128xi32>
    %get3A_1953 = arith.constant 128 : index
    %get3A_1954 = arith.constant 2944 : index
    %get3A_1955 = vector.load %arg4[%get3A_1953, %get3A_1954] : memref<512x8192xf32, #tpu.memory_space<vmem>>, vector<128x128xf32>
    %get3A_1956 = arith.constant 0 : index
    %get3A_1957 = arith.constant 2944 : index
    %get3A_1958 = vector.load %arg5[%get3A_1956, %get3A_1957] : memref<1x8192xf32, #tpu.memory_space<vmem>>, vector<1x128xf32>
    %add3A_1959 = vector.broadcast %broadcast_in_dim3A_1442 : vector<128x1xf32> to vector<128x128xf32>
    %add3A_1960 = vector.broadcast %get3A_1958 : vector<1x128xf32> to vector<128x128xf32>
    %add3A_1961 = arith.addf %add3A_1959, %add3A_1960 : vector<128x128xf32>
    %mul3A_1962 = arith.constant 2.000000e+00 : f32
    %mul3A_1963 = vector.broadcast %mul3A_1962 : f32 to vector<128x128xf32>
    %mul3A_1964 = arith.mulf %mul3A_1963, %get3A_1955 : vector<128x128xf32>
    %sub3A_1965 = arith.subf %add3A_1961, %mul3A_1964 : vector<128x128xf32>
    %max3A_1966 = arith.constant 0.000000e+00 : f32
    %max3A_1967 = vector.broadcast %max3A_1966 : f32 to vector<128x128xf32>
    %max3A_1968 = arith.maximumf %sub3A_1965, %max3A_1967 : vector<128x128xf32>
    %sqrt3A_1969 = math.sqrt %max3A_1968 : vector<128x128xf32>
    %lt3A_1970 = arith.cmpf olt, %sqrt3A_1969, %select_n3A_1949 : vector<128x128xf32>
    %select_n3A_1971 = arith.select %lt3A_1970, %sqrt3A_1969, %select_n3A_1949 : vector<128x128xi1>, vector<128x128xf32>
    %jit3A_1972 = arith.constant 23 : i32
    %broadcast_in_dim3A_1973 = vector.broadcast %jit3A_1972 : i32 to vector<128x128xi32>
    %select_n3A_1974 = arith.select %lt3A_1970, %broadcast_in_dim3A_1973, %select_n3A_1952 : vector<128x128xi1>, vector<128x128xi32>
    %get3A_1975 = arith.constant 128 : index
    %get3A_1976 = arith.constant 3072 : index
    %get3A_1977 = vector.load %arg4[%get3A_1975, %get3A_1976] : memref<512x8192xf32, #tpu.memory_space<vmem>>, vector<128x128xf32>
    %get3A_1978 = arith.constant 0 : index
    %get3A_1979 = arith.constant 3072 : index
    %get3A_1980 = vector.load %arg5[%get3A_1978, %get3A_1979] : memref<1x8192xf32, #tpu.memory_space<vmem>>, vector<1x128xf32>
    %add3A_1981 = vector.broadcast %broadcast_in_dim3A_1442 : vector<128x1xf32> to vector<128x128xf32>
    %add3A_1982 = vector.broadcast %get3A_1980 : vector<1x128xf32> to vector<128x128xf32>
    %add3A_1983 = arith.addf %add3A_1981, %add3A_1982 : vector<128x128xf32>
    %mul3A_1984 = arith.constant 2.000000e+00 : f32
    %mul3A_1985 = vector.broadcast %mul3A_1984 : f32 to vector<128x128xf32>
    %mul3A_1986 = arith.mulf %mul3A_1985, %get3A_1977 : vector<128x128xf32>
    %sub3A_1987 = arith.subf %add3A_1983, %mul3A_1986 : vector<128x128xf32>
    %max3A_1988 = arith.constant 0.000000e+00 : f32
    %max3A_1989 = vector.broadcast %max3A_1988 : f32 to vector<128x128xf32>
    %max3A_1990 = arith.maximumf %sub3A_1987, %max3A_1989 : vector<128x128xf32>
    %sqrt3A_1991 = math.sqrt %max3A_1990 : vector<128x128xf32>
    %lt3A_1992 = arith.cmpf olt, %sqrt3A_1991, %select_n3A_1971 : vector<128x128xf32>
    %select_n3A_1993 = arith.select %lt3A_1992, %sqrt3A_1991, %select_n3A_1971 : vector<128x128xi1>, vector<128x128xf32>
    %jit3A_1994 = arith.constant 24 : i32
    %broadcast_in_dim3A_1995 = vector.broadcast %jit3A_1994 : i32 to vector<128x128xi32>
    %select_n3A_1996 = arith.select %lt3A_1992, %broadcast_in_dim3A_1995, %select_n3A_1974 : vector<128x128xi1>, vector<128x128xi32>
    %get3A_1997 = arith.constant 128 : index
    %get3A_1998 = arith.constant 3200 : index
    %get3A_1999 = vector.load %arg4[%get3A_1997, %get3A_1998] : memref<512x8192xf32, #tpu.memory_space<vmem>>, vector<128x128xf32>
    %get3A_2000 = arith.constant 0 : index
    %get3A_2001 = arith.constant 3200 : index
    %get3A_2002 = vector.load %arg5[%get3A_2000, %get3A_2001] : memref<1x8192xf32, #tpu.memory_space<vmem>>, vector<1x128xf32>
    %add3A_2003 = vector.broadcast %broadcast_in_dim3A_1442 : vector<128x1xf32> to vector<128x128xf32>
    %add3A_2004 = vector.broadcast %get3A_2002 : vector<1x128xf32> to vector<128x128xf32>
    %add3A_2005 = arith.addf %add3A_2003, %add3A_2004 : vector<128x128xf32>
    %mul3A_2006 = arith.constant 2.000000e+00 : f32
    %mul3A_2007 = vector.broadcast %mul3A_2006 : f32 to vector<128x128xf32>
    %mul3A_2008 = arith.mulf %mul3A_2007, %get3A_1999 : vector<128x128xf32>
    %sub3A_2009 = arith.subf %add3A_2005, %mul3A_2008 : vector<128x128xf32>
    %max3A_2010 = arith.constant 0.000000e+00 : f32
    %max3A_2011 = vector.broadcast %max3A_2010 : f32 to vector<128x128xf32>
    %max3A_2012 = arith.maximumf %sub3A_2009, %max3A_2011 : vector<128x128xf32>
    %sqrt3A_2013 = math.sqrt %max3A_2012 : vector<128x128xf32>
    %lt3A_2014 = arith.cmpf olt, %sqrt3A_2013, %select_n3A_1993 : vector<128x128xf32>
    %select_n3A_2015 = arith.select %lt3A_2014, %sqrt3A_2013, %select_n3A_1993 : vector<128x128xi1>, vector<128x128xf32>
    %jit3A_2016 = arith.constant 25 : i32
    %broadcast_in_dim3A_2017 = vector.broadcast %jit3A_2016 : i32 to vector<128x128xi32>
    %select_n3A_2018 = arith.select %lt3A_2014, %broadcast_in_dim3A_2017, %select_n3A_1996 : vector<128x128xi1>, vector<128x128xi32>
    %get3A_2019 = arith.constant 128 : index
    %get3A_2020 = arith.constant 3328 : index
    %get3A_2021 = vector.load %arg4[%get3A_2019, %get3A_2020] : memref<512x8192xf32, #tpu.memory_space<vmem>>, vector<128x128xf32>
    %get3A_2022 = arith.constant 0 : index
    %get3A_2023 = arith.constant 3328 : index
    %get3A_2024 = vector.load %arg5[%get3A_2022, %get3A_2023] : memref<1x8192xf32, #tpu.memory_space<vmem>>, vector<1x128xf32>
    %add3A_2025 = vector.broadcast %broadcast_in_dim3A_1442 : vector<128x1xf32> to vector<128x128xf32>
    %add3A_2026 = vector.broadcast %get3A_2024 : vector<1x128xf32> to vector<128x128xf32>
    %add3A_2027 = arith.addf %add3A_2025, %add3A_2026 : vector<128x128xf32>
    %mul3A_2028 = arith.constant 2.000000e+00 : f32
    %mul3A_2029 = vector.broadcast %mul3A_2028 : f32 to vector<128x128xf32>
    %mul3A_2030 = arith.mulf %mul3A_2029, %get3A_2021 : vector<128x128xf32>
    %sub3A_2031 = arith.subf %add3A_2027, %mul3A_2030 : vector<128x128xf32>
    %max3A_2032 = arith.constant 0.000000e+00 : f32
    %max3A_2033 = vector.broadcast %max3A_2032 : f32 to vector<128x128xf32>
    %max3A_2034 = arith.maximumf %sub3A_2031, %max3A_2033 : vector<128x128xf32>
    %sqrt3A_2035 = math.sqrt %max3A_2034 : vector<128x128xf32>
    %lt3A_2036 = arith.cmpf olt, %sqrt3A_2035, %select_n3A_2015 : vector<128x128xf32>
    %select_n3A_2037 = arith.select %lt3A_2036, %sqrt3A_2035, %select_n3A_2015 : vector<128x128xi1>, vector<128x128xf32>
    %jit3A_2038 = arith.constant 26 : i32
    %broadcast_in_dim3A_2039 = vector.broadcast %jit3A_2038 : i32 to vector<128x128xi32>
    %select_n3A_2040 = arith.select %lt3A_2036, %broadcast_in_dim3A_2039, %select_n3A_2018 : vector<128x128xi1>, vector<128x128xi32>
    %get3A_2041 = arith.constant 128 : index
    %get3A_2042 = arith.constant 3456 : index
    %get3A_2043 = vector.load %arg4[%get3A_2041, %get3A_2042] : memref<512x8192xf32, #tpu.memory_space<vmem>>, vector<128x128xf32>
    %get3A_2044 = arith.constant 0 : index
    %get3A_2045 = arith.constant 3456 : index
    %get3A_2046 = vector.load %arg5[%get3A_2044, %get3A_2045] : memref<1x8192xf32, #tpu.memory_space<vmem>>, vector<1x128xf32>
    %add3A_2047 = vector.broadcast %broadcast_in_dim3A_1442 : vector<128x1xf32> to vector<128x128xf32>
    %add3A_2048 = vector.broadcast %get3A_2046 : vector<1x128xf32> to vector<128x128xf32>
    %add3A_2049 = arith.addf %add3A_2047, %add3A_2048 : vector<128x128xf32>
    %mul3A_2050 = arith.constant 2.000000e+00 : f32
    %mul3A_2051 = vector.broadcast %mul3A_2050 : f32 to vector<128x128xf32>
    %mul3A_2052 = arith.mulf %mul3A_2051, %get3A_2043 : vector<128x128xf32>
    %sub3A_2053 = arith.subf %add3A_2049, %mul3A_2052 : vector<128x128xf32>
    %max3A_2054 = arith.constant 0.000000e+00 : f32
    %max3A_2055 = vector.broadcast %max3A_2054 : f32 to vector<128x128xf32>
    %max3A_2056 = arith.maximumf %sub3A_2053, %max3A_2055 : vector<128x128xf32>
    %sqrt3A_2057 = math.sqrt %max3A_2056 : vector<128x128xf32>
    %lt3A_2058 = arith.cmpf olt, %sqrt3A_2057, %select_n3A_2037 : vector<128x128xf32>
    %select_n3A_2059 = arith.select %lt3A_2058, %sqrt3A_2057, %select_n3A_2037 : vector<128x128xi1>, vector<128x128xf32>
    %jit3A_2060 = arith.constant 27 : i32
    %broadcast_in_dim3A_2061 = vector.broadcast %jit3A_2060 : i32 to vector<128x128xi32>
    %select_n3A_2062 = arith.select %lt3A_2058, %broadcast_in_dim3A_2061, %select_n3A_2040 : vector<128x128xi1>, vector<128x128xi32>
    %get3A_2063 = arith.constant 128 : index
    %get3A_2064 = arith.constant 3584 : index
    %get3A_2065 = vector.load %arg4[%get3A_2063, %get3A_2064] : memref<512x8192xf32, #tpu.memory_space<vmem>>, vector<128x128xf32>
    %get3A_2066 = arith.constant 0 : index
    %get3A_2067 = arith.constant 3584 : index
    %get3A_2068 = vector.load %arg5[%get3A_2066, %get3A_2067] : memref<1x8192xf32, #tpu.memory_space<vmem>>, vector<1x128xf32>
    %add3A_2069 = vector.broadcast %broadcast_in_dim3A_1442 : vector<128x1xf32> to vector<128x128xf32>
    %add3A_2070 = vector.broadcast %get3A_2068 : vector<1x128xf32> to vector<128x128xf32>
    %add3A_2071 = arith.addf %add3A_2069, %add3A_2070 : vector<128x128xf32>
    %mul3A_2072 = arith.constant 2.000000e+00 : f32
    %mul3A_2073 = vector.broadcast %mul3A_2072 : f32 to vector<128x128xf32>
    %mul3A_2074 = arith.mulf %mul3A_2073, %get3A_2065 : vector<128x128xf32>
    %sub3A_2075 = arith.subf %add3A_2071, %mul3A_2074 : vector<128x128xf32>
    %max3A_2076 = arith.constant 0.000000e+00 : f32
    %max3A_2077 = vector.broadcast %max3A_2076 : f32 to vector<128x128xf32>
    %max3A_2078 = arith.maximumf %sub3A_2075, %max3A_2077 : vector<128x128xf32>
    %sqrt3A_2079 = math.sqrt %max3A_2078 : vector<128x128xf32>
    %lt3A_2080 = arith.cmpf olt, %sqrt3A_2079, %select_n3A_2059 : vector<128x128xf32>
    %select_n3A_2081 = arith.select %lt3A_2080, %sqrt3A_2079, %select_n3A_2059 : vector<128x128xi1>, vector<128x128xf32>
    %jit3A_2082 = arith.constant 28 : i32
    %broadcast_in_dim3A_2083 = vector.broadcast %jit3A_2082 : i32 to vector<128x128xi32>
    %select_n3A_2084 = arith.select %lt3A_2080, %broadcast_in_dim3A_2083, %select_n3A_2062 : vector<128x128xi1>, vector<128x128xi32>
    %get3A_2085 = arith.constant 128 : index
    %get3A_2086 = arith.constant 3712 : index
    %get3A_2087 = vector.load %arg4[%get3A_2085, %get3A_2086] : memref<512x8192xf32, #tpu.memory_space<vmem>>, vector<128x128xf32>
    %get3A_2088 = arith.constant 0 : index
    %get3A_2089 = arith.constant 3712 : index
    %get3A_2090 = vector.load %arg5[%get3A_2088, %get3A_2089] : memref<1x8192xf32, #tpu.memory_space<vmem>>, vector<1x128xf32>
    %add3A_2091 = vector.broadcast %broadcast_in_dim3A_1442 : vector<128x1xf32> to vector<128x128xf32>
    %add3A_2092 = vector.broadcast %get3A_2090 : vector<1x128xf32> to vector<128x128xf32>
    %add3A_2093 = arith.addf %add3A_2091, %add3A_2092 : vector<128x128xf32>
    %mul3A_2094 = arith.constant 2.000000e+00 : f32
    %mul3A_2095 = vector.broadcast %mul3A_2094 : f32 to vector<128x128xf32>
    %mul3A_2096 = arith.mulf %mul3A_2095, %get3A_2087 : vector<128x128xf32>
    %sub3A_2097 = arith.subf %add3A_2093, %mul3A_2096 : vector<128x128xf32>
    %max3A_2098 = arith.constant 0.000000e+00 : f32
    %max3A_2099 = vector.broadcast %max3A_2098 : f32 to vector<128x128xf32>
    %max3A_2100 = arith.maximumf %sub3A_2097, %max3A_2099 : vector<128x128xf32>
    %sqrt3A_2101 = math.sqrt %max3A_2100 : vector<128x128xf32>
    %lt3A_2102 = arith.cmpf olt, %sqrt3A_2101, %select_n3A_2081 : vector<128x128xf32>
    %select_n3A_2103 = arith.select %lt3A_2102, %sqrt3A_2101, %select_n3A_2081 : vector<128x128xi1>, vector<128x128xf32>
    %jit3A_2104 = arith.constant 29 : i32
    %broadcast_in_dim3A_2105 = vector.broadcast %jit3A_2104 : i32 to vector<128x128xi32>
    %select_n3A_2106 = arith.select %lt3A_2102, %broadcast_in_dim3A_2105, %select_n3A_2084 : vector<128x128xi1>, vector<128x128xi32>
    %get3A_2107 = arith.constant 128 : index
    %get3A_2108 = arith.constant 3840 : index
    %get3A_2109 = vector.load %arg4[%get3A_2107, %get3A_2108] : memref<512x8192xf32, #tpu.memory_space<vmem>>, vector<128x128xf32>
    %get3A_2110 = arith.constant 0 : index
    %get3A_2111 = arith.constant 3840 : index
    %get3A_2112 = vector.load %arg5[%get3A_2110, %get3A_2111] : memref<1x8192xf32, #tpu.memory_space<vmem>>, vector<1x128xf32>
    %add3A_2113 = vector.broadcast %broadcast_in_dim3A_1442 : vector<128x1xf32> to vector<128x128xf32>
    %add3A_2114 = vector.broadcast %get3A_2112 : vector<1x128xf32> to vector<128x128xf32>
    %add3A_2115 = arith.addf %add3A_2113, %add3A_2114 : vector<128x128xf32>
    %mul3A_2116 = arith.constant 2.000000e+00 : f32
    %mul3A_2117 = vector.broadcast %mul3A_2116 : f32 to vector<128x128xf32>
    %mul3A_2118 = arith.mulf %mul3A_2117, %get3A_2109 : vector<128x128xf32>
    %sub3A_2119 = arith.subf %add3A_2115, %mul3A_2118 : vector<128x128xf32>
    %max3A_2120 = arith.constant 0.000000e+00 : f32
    %max3A_2121 = vector.broadcast %max3A_2120 : f32 to vector<128x128xf32>
    %max3A_2122 = arith.maximumf %sub3A_2119, %max3A_2121 : vector<128x128xf32>
    %sqrt3A_2123 = math.sqrt %max3A_2122 : vector<128x128xf32>
    %lt3A_2124 = arith.cmpf olt, %sqrt3A_2123, %select_n3A_2103 : vector<128x128xf32>
    %select_n3A_2125 = arith.select %lt3A_2124, %sqrt3A_2123, %select_n3A_2103 : vector<128x128xi1>, vector<128x128xf32>
    %jit3A_2126 = arith.constant 30 : i32
    %broadcast_in_dim3A_2127 = vector.broadcast %jit3A_2126 : i32 to vector<128x128xi32>
    %select_n3A_2128 = arith.select %lt3A_2124, %broadcast_in_dim3A_2127, %select_n3A_2106 : vector<128x128xi1>, vector<128x128xi32>
    %get3A_2129 = arith.constant 128 : index
    %get3A_2130 = arith.constant 3968 : index
    %get3A_2131 = vector.load %arg4[%get3A_2129, %get3A_2130] : memref<512x8192xf32, #tpu.memory_space<vmem>>, vector<128x128xf32>
    %get3A_2132 = arith.constant 0 : index
    %get3A_2133 = arith.constant 3968 : index
    %get3A_2134 = vector.load %arg5[%get3A_2132, %get3A_2133] : memref<1x8192xf32, #tpu.memory_space<vmem>>, vector<1x128xf32>
    %add3A_2135 = vector.broadcast %broadcast_in_dim3A_1442 : vector<128x1xf32> to vector<128x128xf32>
    %add3A_2136 = vector.broadcast %get3A_2134 : vector<1x128xf32> to vector<128x128xf32>
    %add3A_2137 = arith.addf %add3A_2135, %add3A_2136 : vector<128x128xf32>
    %mul3A_2138 = arith.constant 2.000000e+00 : f32
    %mul3A_2139 = vector.broadcast %mul3A_2138 : f32 to vector<128x128xf32>
    %mul3A_2140 = arith.mulf %mul3A_2139, %get3A_2131 : vector<128x128xf32>
    %sub3A_2141 = arith.subf %add3A_2137, %mul3A_2140 : vector<128x128xf32>
    %max3A_2142 = arith.constant 0.000000e+00 : f32
    %max3A_2143 = vector.broadcast %max3A_2142 : f32 to vector<128x128xf32>
    %max3A_2144 = arith.maximumf %sub3A_2141, %max3A_2143 : vector<128x128xf32>
    %sqrt3A_2145 = math.sqrt %max3A_2144 : vector<128x128xf32>
    %lt3A_2146 = arith.cmpf olt, %sqrt3A_2145, %select_n3A_2125 : vector<128x128xf32>
    %select_n3A_2147 = arith.select %lt3A_2146, %sqrt3A_2145, %select_n3A_2125 : vector<128x128xi1>, vector<128x128xf32>
    %jit3A_2148 = arith.constant 31 : i32
    %broadcast_in_dim3A_2149 = vector.broadcast %jit3A_2148 : i32 to vector<128x128xi32>
    %select_n3A_2150 = arith.select %lt3A_2146, %broadcast_in_dim3A_2149, %select_n3A_2128 : vector<128x128xi1>, vector<128x128xi32>
    %get3A_2151 = arith.constant 128 : index
    %get3A_2152 = arith.constant 4096 : index
    %get3A_2153 = vector.load %arg4[%get3A_2151, %get3A_2152] : memref<512x8192xf32, #tpu.memory_space<vmem>>, vector<128x128xf32>
    %get3A_2154 = arith.constant 0 : index
    %get3A_2155 = arith.constant 4096 : index
    %get3A_2156 = vector.load %arg5[%get3A_2154, %get3A_2155] : memref<1x8192xf32, #tpu.memory_space<vmem>>, vector<1x128xf32>
    %add3A_2157 = vector.broadcast %broadcast_in_dim3A_1442 : vector<128x1xf32> to vector<128x128xf32>
    %add3A_2158 = vector.broadcast %get3A_2156 : vector<1x128xf32> to vector<128x128xf32>
    %add3A_2159 = arith.addf %add3A_2157, %add3A_2158 : vector<128x128xf32>
    %mul3A_2160 = arith.constant 2.000000e+00 : f32
    %mul3A_2161 = vector.broadcast %mul3A_2160 : f32 to vector<128x128xf32>
    %mul3A_2162 = arith.mulf %mul3A_2161, %get3A_2153 : vector<128x128xf32>
    %sub3A_2163 = arith.subf %add3A_2159, %mul3A_2162 : vector<128x128xf32>
    %max3A_2164 = arith.constant 0.000000e+00 : f32
    %max3A_2165 = vector.broadcast %max3A_2164 : f32 to vector<128x128xf32>
    %max3A_2166 = arith.maximumf %sub3A_2163, %max3A_2165 : vector<128x128xf32>
    %sqrt3A_2167 = math.sqrt %max3A_2166 : vector<128x128xf32>
    %lt3A_2168 = arith.cmpf olt, %sqrt3A_2167, %select_n3A_2147 : vector<128x128xf32>
    %select_n3A_2169 = arith.select %lt3A_2168, %sqrt3A_2167, %select_n3A_2147 : vector<128x128xi1>, vector<128x128xf32>
    %jit3A_2170 = arith.constant 32 : i32
    %broadcast_in_dim3A_2171 = vector.broadcast %jit3A_2170 : i32 to vector<128x128xi32>
    %select_n3A_2172 = arith.select %lt3A_2168, %broadcast_in_dim3A_2171, %select_n3A_2150 : vector<128x128xi1>, vector<128x128xi32>
    %get3A_2173 = arith.constant 128 : index
    %get3A_2174 = arith.constant 4224 : index
    %get3A_2175 = vector.load %arg4[%get3A_2173, %get3A_2174] : memref<512x8192xf32, #tpu.memory_space<vmem>>, vector<128x128xf32>
    %get3A_2176 = arith.constant 0 : index
    %get3A_2177 = arith.constant 4224 : index
    %get3A_2178 = vector.load %arg5[%get3A_2176, %get3A_2177] : memref<1x8192xf32, #tpu.memory_space<vmem>>, vector<1x128xf32>
    %add3A_2179 = vector.broadcast %broadcast_in_dim3A_1442 : vector<128x1xf32> to vector<128x128xf32>
    %add3A_2180 = vector.broadcast %get3A_2178 : vector<1x128xf32> to vector<128x128xf32>
    %add3A_2181 = arith.addf %add3A_2179, %add3A_2180 : vector<128x128xf32>
    %mul3A_2182 = arith.constant 2.000000e+00 : f32
    %mul3A_2183 = vector.broadcast %mul3A_2182 : f32 to vector<128x128xf32>
    %mul3A_2184 = arith.mulf %mul3A_2183, %get3A_2175 : vector<128x128xf32>
    %sub3A_2185 = arith.subf %add3A_2181, %mul3A_2184 : vector<128x128xf32>
    %max3A_2186 = arith.constant 0.000000e+00 : f32
    %max3A_2187 = vector.broadcast %max3A_2186 : f32 to vector<128x128xf32>
    %max3A_2188 = arith.maximumf %sub3A_2185, %max3A_2187 : vector<128x128xf32>
    %sqrt3A_2189 = math.sqrt %max3A_2188 : vector<128x128xf32>
    %lt3A_2190 = arith.cmpf olt, %sqrt3A_2189, %select_n3A_2169 : vector<128x128xf32>
    %select_n3A_2191 = arith.select %lt3A_2190, %sqrt3A_2189, %select_n3A_2169 : vector<128x128xi1>, vector<128x128xf32>
    %jit3A_2192 = arith.constant 33 : i32
    %broadcast_in_dim3A_2193 = vector.broadcast %jit3A_2192 : i32 to vector<128x128xi32>
    %select_n3A_2194 = arith.select %lt3A_2190, %broadcast_in_dim3A_2193, %select_n3A_2172 : vector<128x128xi1>, vector<128x128xi32>
    %get3A_2195 = arith.constant 128 : index
    %get3A_2196 = arith.constant 4352 : index
    %get3A_2197 = vector.load %arg4[%get3A_2195, %get3A_2196] : memref<512x8192xf32, #tpu.memory_space<vmem>>, vector<128x128xf32>
    %get3A_2198 = arith.constant 0 : index
    %get3A_2199 = arith.constant 4352 : index
    %get3A_2200 = vector.load %arg5[%get3A_2198, %get3A_2199] : memref<1x8192xf32, #tpu.memory_space<vmem>>, vector<1x128xf32>
    %add3A_2201 = vector.broadcast %broadcast_in_dim3A_1442 : vector<128x1xf32> to vector<128x128xf32>
    %add3A_2202 = vector.broadcast %get3A_2200 : vector<1x128xf32> to vector<128x128xf32>
    %add3A_2203 = arith.addf %add3A_2201, %add3A_2202 : vector<128x128xf32>
    %mul3A_2204 = arith.constant 2.000000e+00 : f32
    %mul3A_2205 = vector.broadcast %mul3A_2204 : f32 to vector<128x128xf32>
    %mul3A_2206 = arith.mulf %mul3A_2205, %get3A_2197 : vector<128x128xf32>
    %sub3A_2207 = arith.subf %add3A_2203, %mul3A_2206 : vector<128x128xf32>
    %max3A_2208 = arith.constant 0.000000e+00 : f32
    %max3A_2209 = vector.broadcast %max3A_2208 : f32 to vector<128x128xf32>
    %max3A_2210 = arith.maximumf %sub3A_2207, %max3A_2209 : vector<128x128xf32>
    %sqrt3A_2211 = math.sqrt %max3A_2210 : vector<128x128xf32>
    %lt3A_2212 = arith.cmpf olt, %sqrt3A_2211, %select_n3A_2191 : vector<128x128xf32>
    %select_n3A_2213 = arith.select %lt3A_2212, %sqrt3A_2211, %select_n3A_2191 : vector<128x128xi1>, vector<128x128xf32>
    %jit3A_2214 = arith.constant 34 : i32
    %broadcast_in_dim3A_2215 = vector.broadcast %jit3A_2214 : i32 to vector<128x128xi32>
    %select_n3A_2216 = arith.select %lt3A_2212, %broadcast_in_dim3A_2215, %select_n3A_2194 : vector<128x128xi1>, vector<128x128xi32>
    %get3A_2217 = arith.constant 128 : index
    %get3A_2218 = arith.constant 4480 : index
    %get3A_2219 = vector.load %arg4[%get3A_2217, %get3A_2218] : memref<512x8192xf32, #tpu.memory_space<vmem>>, vector<128x128xf32>
    %get3A_2220 = arith.constant 0 : index
    %get3A_2221 = arith.constant 4480 : index
    %get3A_2222 = vector.load %arg5[%get3A_2220, %get3A_2221] : memref<1x8192xf32, #tpu.memory_space<vmem>>, vector<1x128xf32>
    %add3A_2223 = vector.broadcast %broadcast_in_dim3A_1442 : vector<128x1xf32> to vector<128x128xf32>
    %add3A_2224 = vector.broadcast %get3A_2222 : vector<1x128xf32> to vector<128x128xf32>
    %add3A_2225 = arith.addf %add3A_2223, %add3A_2224 : vector<128x128xf32>
    %mul3A_2226 = arith.constant 2.000000e+00 : f32
    %mul3A_2227 = vector.broadcast %mul3A_2226 : f32 to vector<128x128xf32>
    %mul3A_2228 = arith.mulf %mul3A_2227, %get3A_2219 : vector<128x128xf32>
    %sub3A_2229 = arith.subf %add3A_2225, %mul3A_2228 : vector<128x128xf32>
    %max3A_2230 = arith.constant 0.000000e+00 : f32
    %max3A_2231 = vector.broadcast %max3A_2230 : f32 to vector<128x128xf32>
    %max3A_2232 = arith.maximumf %sub3A_2229, %max3A_2231 : vector<128x128xf32>
    %sqrt3A_2233 = math.sqrt %max3A_2232 : vector<128x128xf32>
    %lt3A_2234 = arith.cmpf olt, %sqrt3A_2233, %select_n3A_2213 : vector<128x128xf32>
    %select_n3A_2235 = arith.select %lt3A_2234, %sqrt3A_2233, %select_n3A_2213 : vector<128x128xi1>, vector<128x128xf32>
    %jit3A_2236 = arith.constant 35 : i32
    %broadcast_in_dim3A_2237 = vector.broadcast %jit3A_2236 : i32 to vector<128x128xi32>
    %select_n3A_2238 = arith.select %lt3A_2234, %broadcast_in_dim3A_2237, %select_n3A_2216 : vector<128x128xi1>, vector<128x128xi32>
    %get3A_2239 = arith.constant 128 : index
    %get3A_2240 = arith.constant 4608 : index
    %get3A_2241 = vector.load %arg4[%get3A_2239, %get3A_2240] : memref<512x8192xf32, #tpu.memory_space<vmem>>, vector<128x128xf32>
    %get3A_2242 = arith.constant 0 : index
    %get3A_2243 = arith.constant 4608 : index
    %get3A_2244 = vector.load %arg5[%get3A_2242, %get3A_2243] : memref<1x8192xf32, #tpu.memory_space<vmem>>, vector<1x128xf32>
    %add3A_2245 = vector.broadcast %broadcast_in_dim3A_1442 : vector<128x1xf32> to vector<128x128xf32>
    %add3A_2246 = vector.broadcast %get3A_2244 : vector<1x128xf32> to vector<128x128xf32>
    %add3A_2247 = arith.addf %add3A_2245, %add3A_2246 : vector<128x128xf32>
    %mul3A_2248 = arith.constant 2.000000e+00 : f32
    %mul3A_2249 = vector.broadcast %mul3A_2248 : f32 to vector<128x128xf32>
    %mul3A_2250 = arith.mulf %mul3A_2249, %get3A_2241 : vector<128x128xf32>
    %sub3A_2251 = arith.subf %add3A_2247, %mul3A_2250 : vector<128x128xf32>
    %max3A_2252 = arith.constant 0.000000e+00 : f32
    %max3A_2253 = vector.broadcast %max3A_2252 : f32 to vector<128x128xf32>
    %max3A_2254 = arith.maximumf %sub3A_2251, %max3A_2253 : vector<128x128xf32>
    %sqrt3A_2255 = math.sqrt %max3A_2254 : vector<128x128xf32>
    %lt3A_2256 = arith.cmpf olt, %sqrt3A_2255, %select_n3A_2235 : vector<128x128xf32>
    %select_n3A_2257 = arith.select %lt3A_2256, %sqrt3A_2255, %select_n3A_2235 : vector<128x128xi1>, vector<128x128xf32>
    %jit3A_2258 = arith.constant 36 : i32
    %broadcast_in_dim3A_2259 = vector.broadcast %jit3A_2258 : i32 to vector<128x128xi32>
    %select_n3A_2260 = arith.select %lt3A_2256, %broadcast_in_dim3A_2259, %select_n3A_2238 : vector<128x128xi1>, vector<128x128xi32>
    %get3A_2261 = arith.constant 128 : index
    %get3A_2262 = arith.constant 4736 : index
    %get3A_2263 = vector.load %arg4[%get3A_2261, %get3A_2262] : memref<512x8192xf32, #tpu.memory_space<vmem>>, vector<128x128xf32>
    %get3A_2264 = arith.constant 0 : index
    %get3A_2265 = arith.constant 4736 : index
    %get3A_2266 = vector.load %arg5[%get3A_2264, %get3A_2265] : memref<1x8192xf32, #tpu.memory_space<vmem>>, vector<1x128xf32>
    %add3A_2267 = vector.broadcast %broadcast_in_dim3A_1442 : vector<128x1xf32> to vector<128x128xf32>
    %add3A_2268 = vector.broadcast %get3A_2266 : vector<1x128xf32> to vector<128x128xf32>
    %add3A_2269 = arith.addf %add3A_2267, %add3A_2268 : vector<128x128xf32>
    %mul3A_2270 = arith.constant 2.000000e+00 : f32
    %mul3A_2271 = vector.broadcast %mul3A_2270 : f32 to vector<128x128xf32>
    %mul3A_2272 = arith.mulf %mul3A_2271, %get3A_2263 : vector<128x128xf32>
    %sub3A_2273 = arith.subf %add3A_2269, %mul3A_2272 : vector<128x128xf32>
    %max3A_2274 = arith.constant 0.000000e+00 : f32
    %max3A_2275 = vector.broadcast %max3A_2274 : f32 to vector<128x128xf32>
    %max3A_2276 = arith.maximumf %sub3A_2273, %max3A_2275 : vector<128x128xf32>
    %sqrt3A_2277 = math.sqrt %max3A_2276 : vector<128x128xf32>
    %lt3A_2278 = arith.cmpf olt, %sqrt3A_2277, %select_n3A_2257 : vector<128x128xf32>
    %select_n3A_2279 = arith.select %lt3A_2278, %sqrt3A_2277, %select_n3A_2257 : vector<128x128xi1>, vector<128x128xf32>
    %jit3A_2280 = arith.constant 37 : i32
    %broadcast_in_dim3A_2281 = vector.broadcast %jit3A_2280 : i32 to vector<128x128xi32>
    %select_n3A_2282 = arith.select %lt3A_2278, %broadcast_in_dim3A_2281, %select_n3A_2260 : vector<128x128xi1>, vector<128x128xi32>
    %get3A_2283 = arith.constant 128 : index
    %get3A_2284 = arith.constant 4864 : index
    %get3A_2285 = vector.load %arg4[%get3A_2283, %get3A_2284] : memref<512x8192xf32, #tpu.memory_space<vmem>>, vector<128x128xf32>
    %get3A_2286 = arith.constant 0 : index
    %get3A_2287 = arith.constant 4864 : index
    %get3A_2288 = vector.load %arg5[%get3A_2286, %get3A_2287] : memref<1x8192xf32, #tpu.memory_space<vmem>>, vector<1x128xf32>
    %add3A_2289 = vector.broadcast %broadcast_in_dim3A_1442 : vector<128x1xf32> to vector<128x128xf32>
    %add3A_2290 = vector.broadcast %get3A_2288 : vector<1x128xf32> to vector<128x128xf32>
    %add3A_2291 = arith.addf %add3A_2289, %add3A_2290 : vector<128x128xf32>
    %mul3A_2292 = arith.constant 2.000000e+00 : f32
    %mul3A_2293 = vector.broadcast %mul3A_2292 : f32 to vector<128x128xf32>
    %mul3A_2294 = arith.mulf %mul3A_2293, %get3A_2285 : vector<128x128xf32>
    %sub3A_2295 = arith.subf %add3A_2291, %mul3A_2294 : vector<128x128xf32>
    %max3A_2296 = arith.constant 0.000000e+00 : f32
    %max3A_2297 = vector.broadcast %max3A_2296 : f32 to vector<128x128xf32>
    %max3A_2298 = arith.maximumf %sub3A_2295, %max3A_2297 : vector<128x128xf32>
    %sqrt3A_2299 = math.sqrt %max3A_2298 : vector<128x128xf32>
    %lt3A_2300 = arith.cmpf olt, %sqrt3A_2299, %select_n3A_2279 : vector<128x128xf32>
    %select_n3A_2301 = arith.select %lt3A_2300, %sqrt3A_2299, %select_n3A_2279 : vector<128x128xi1>, vector<128x128xf32>
    %jit3A_2302 = arith.constant 38 : i32
    %broadcast_in_dim3A_2303 = vector.broadcast %jit3A_2302 : i32 to vector<128x128xi32>
    %select_n3A_2304 = arith.select %lt3A_2300, %broadcast_in_dim3A_2303, %select_n3A_2282 : vector<128x128xi1>, vector<128x128xi32>
    %get3A_2305 = arith.constant 128 : index
    %get3A_2306 = arith.constant 4992 : index
    %get3A_2307 = vector.load %arg4[%get3A_2305, %get3A_2306] : memref<512x8192xf32, #tpu.memory_space<vmem>>, vector<128x128xf32>
    %get3A_2308 = arith.constant 0 : index
    %get3A_2309 = arith.constant 4992 : index
    %get3A_2310 = vector.load %arg5[%get3A_2308, %get3A_2309] : memref<1x8192xf32, #tpu.memory_space<vmem>>, vector<1x128xf32>
    %add3A_2311 = vector.broadcast %broadcast_in_dim3A_1442 : vector<128x1xf32> to vector<128x128xf32>
    %add3A_2312 = vector.broadcast %get3A_2310 : vector<1x128xf32> to vector<128x128xf32>
    %add3A_2313 = arith.addf %add3A_2311, %add3A_2312 : vector<128x128xf32>
    %mul3A_2314 = arith.constant 2.000000e+00 : f32
    %mul3A_2315 = vector.broadcast %mul3A_2314 : f32 to vector<128x128xf32>
    %mul3A_2316 = arith.mulf %mul3A_2315, %get3A_2307 : vector<128x128xf32>
    %sub3A_2317 = arith.subf %add3A_2313, %mul3A_2316 : vector<128x128xf32>
    %max3A_2318 = arith.constant 0.000000e+00 : f32
    %max3A_2319 = vector.broadcast %max3A_2318 : f32 to vector<128x128xf32>
    %max3A_2320 = arith.maximumf %sub3A_2317, %max3A_2319 : vector<128x128xf32>
    %sqrt3A_2321 = math.sqrt %max3A_2320 : vector<128x128xf32>
    %lt3A_2322 = arith.cmpf olt, %sqrt3A_2321, %select_n3A_2301 : vector<128x128xf32>
    %select_n3A_2323 = arith.select %lt3A_2322, %sqrt3A_2321, %select_n3A_2301 : vector<128x128xi1>, vector<128x128xf32>
    %jit3A_2324 = arith.constant 39 : i32
    %broadcast_in_dim3A_2325 = vector.broadcast %jit3A_2324 : i32 to vector<128x128xi32>
    %select_n3A_2326 = arith.select %lt3A_2322, %broadcast_in_dim3A_2325, %select_n3A_2304 : vector<128x128xi1>, vector<128x128xi32>
    %get3A_2327 = arith.constant 128 : index
    %get3A_2328 = arith.constant 5120 : index
    %get3A_2329 = vector.load %arg4[%get3A_2327, %get3A_2328] : memref<512x8192xf32, #tpu.memory_space<vmem>>, vector<128x128xf32>
    %get3A_2330 = arith.constant 0 : index
    %get3A_2331 = arith.constant 5120 : index
    %get3A_2332 = vector.load %arg5[%get3A_2330, %get3A_2331] : memref<1x8192xf32, #tpu.memory_space<vmem>>, vector<1x128xf32>
    %add3A_2333 = vector.broadcast %broadcast_in_dim3A_1442 : vector<128x1xf32> to vector<128x128xf32>
    %add3A_2334 = vector.broadcast %get3A_2332 : vector<1x128xf32> to vector<128x128xf32>
    %add3A_2335 = arith.addf %add3A_2333, %add3A_2334 : vector<128x128xf32>
    %mul3A_2336 = arith.constant 2.000000e+00 : f32
    %mul3A_2337 = vector.broadcast %mul3A_2336 : f32 to vector<128x128xf32>
    %mul3A_2338 = arith.mulf %mul3A_2337, %get3A_2329 : vector<128x128xf32>
    %sub3A_2339 = arith.subf %add3A_2335, %mul3A_2338 : vector<128x128xf32>
    %max3A_2340 = arith.constant 0.000000e+00 : f32
    %max3A_2341 = vector.broadcast %max3A_2340 : f32 to vector<128x128xf32>
    %max3A_2342 = arith.maximumf %sub3A_2339, %max3A_2341 : vector<128x128xf32>
    %sqrt3A_2343 = math.sqrt %max3A_2342 : vector<128x128xf32>
    %lt3A_2344 = arith.cmpf olt, %sqrt3A_2343, %select_n3A_2323 : vector<128x128xf32>
    %select_n3A_2345 = arith.select %lt3A_2344, %sqrt3A_2343, %select_n3A_2323 : vector<128x128xi1>, vector<128x128xf32>
    %jit3A_2346 = arith.constant 40 : i32
    %broadcast_in_dim3A_2347 = vector.broadcast %jit3A_2346 : i32 to vector<128x128xi32>
    %select_n3A_2348 = arith.select %lt3A_2344, %broadcast_in_dim3A_2347, %select_n3A_2326 : vector<128x128xi1>, vector<128x128xi32>
    %get3A_2349 = arith.constant 128 : index
    %get3A_2350 = arith.constant 5248 : index
    %get3A_2351 = vector.load %arg4[%get3A_2349, %get3A_2350] : memref<512x8192xf32, #tpu.memory_space<vmem>>, vector<128x128xf32>
    %get3A_2352 = arith.constant 0 : index
    %get3A_2353 = arith.constant 5248 : index
    %get3A_2354 = vector.load %arg5[%get3A_2352, %get3A_2353] : memref<1x8192xf32, #tpu.memory_space<vmem>>, vector<1x128xf32>
    %add3A_2355 = vector.broadcast %broadcast_in_dim3A_1442 : vector<128x1xf32> to vector<128x128xf32>
    %add3A_2356 = vector.broadcast %get3A_2354 : vector<1x128xf32> to vector<128x128xf32>
    %add3A_2357 = arith.addf %add3A_2355, %add3A_2356 : vector<128x128xf32>
    %mul3A_2358 = arith.constant 2.000000e+00 : f32
    %mul3A_2359 = vector.broadcast %mul3A_2358 : f32 to vector<128x128xf32>
    %mul3A_2360 = arith.mulf %mul3A_2359, %get3A_2351 : vector<128x128xf32>
    %sub3A_2361 = arith.subf %add3A_2357, %mul3A_2360 : vector<128x128xf32>
    %max3A_2362 = arith.constant 0.000000e+00 : f32
    %max3A_2363 = vector.broadcast %max3A_2362 : f32 to vector<128x128xf32>
    %max3A_2364 = arith.maximumf %sub3A_2361, %max3A_2363 : vector<128x128xf32>
    %sqrt3A_2365 = math.sqrt %max3A_2364 : vector<128x128xf32>
    %lt3A_2366 = arith.cmpf olt, %sqrt3A_2365, %select_n3A_2345 : vector<128x128xf32>
    %select_n3A_2367 = arith.select %lt3A_2366, %sqrt3A_2365, %select_n3A_2345 : vector<128x128xi1>, vector<128x128xf32>
    %jit3A_2368 = arith.constant 41 : i32
    %broadcast_in_dim3A_2369 = vector.broadcast %jit3A_2368 : i32 to vector<128x128xi32>
    %select_n3A_2370 = arith.select %lt3A_2366, %broadcast_in_dim3A_2369, %select_n3A_2348 : vector<128x128xi1>, vector<128x128xi32>
    %get3A_2371 = arith.constant 128 : index
    %get3A_2372 = arith.constant 5376 : index
    %get3A_2373 = vector.load %arg4[%get3A_2371, %get3A_2372] : memref<512x8192xf32, #tpu.memory_space<vmem>>, vector<128x128xf32>
    %get3A_2374 = arith.constant 0 : index
    %get3A_2375 = arith.constant 5376 : index
    %get3A_2376 = vector.load %arg5[%get3A_2374, %get3A_2375] : memref<1x8192xf32, #tpu.memory_space<vmem>>, vector<1x128xf32>
    %add3A_2377 = vector.broadcast %broadcast_in_dim3A_1442 : vector<128x1xf32> to vector<128x128xf32>
    %add3A_2378 = vector.broadcast %get3A_2376 : vector<1x128xf32> to vector<128x128xf32>
    %add3A_2379 = arith.addf %add3A_2377, %add3A_2378 : vector<128x128xf32>
    %mul3A_2380 = arith.constant 2.000000e+00 : f32
    %mul3A_2381 = vector.broadcast %mul3A_2380 : f32 to vector<128x128xf32>
    %mul3A_2382 = arith.mulf %mul3A_2381, %get3A_2373 : vector<128x128xf32>
    %sub3A_2383 = arith.subf %add3A_2379, %mul3A_2382 : vector<128x128xf32>
    %max3A_2384 = arith.constant 0.000000e+00 : f32
    %max3A_2385 = vector.broadcast %max3A_2384 : f32 to vector<128x128xf32>
    %max3A_2386 = arith.maximumf %sub3A_2383, %max3A_2385 : vector<128x128xf32>
    %sqrt3A_2387 = math.sqrt %max3A_2386 : vector<128x128xf32>
    %lt3A_2388 = arith.cmpf olt, %sqrt3A_2387, %select_n3A_2367 : vector<128x128xf32>
    %select_n3A_2389 = arith.select %lt3A_2388, %sqrt3A_2387, %select_n3A_2367 : vector<128x128xi1>, vector<128x128xf32>
    %jit3A_2390 = arith.constant 42 : i32
    %broadcast_in_dim3A_2391 = vector.broadcast %jit3A_2390 : i32 to vector<128x128xi32>
    %select_n3A_2392 = arith.select %lt3A_2388, %broadcast_in_dim3A_2391, %select_n3A_2370 : vector<128x128xi1>, vector<128x128xi32>
    %get3A_2393 = arith.constant 128 : index
    %get3A_2394 = arith.constant 5504 : index
    %get3A_2395 = vector.load %arg4[%get3A_2393, %get3A_2394] : memref<512x8192xf32, #tpu.memory_space<vmem>>, vector<128x128xf32>
    %get3A_2396 = arith.constant 0 : index
    %get3A_2397 = arith.constant 5504 : index
    %get3A_2398 = vector.load %arg5[%get3A_2396, %get3A_2397] : memref<1x8192xf32, #tpu.memory_space<vmem>>, vector<1x128xf32>
    %add3A_2399 = vector.broadcast %broadcast_in_dim3A_1442 : vector<128x1xf32> to vector<128x128xf32>
    %add3A_2400 = vector.broadcast %get3A_2398 : vector<1x128xf32> to vector<128x128xf32>
    %add3A_2401 = arith.addf %add3A_2399, %add3A_2400 : vector<128x128xf32>
    %mul3A_2402 = arith.constant 2.000000e+00 : f32
    %mul3A_2403 = vector.broadcast %mul3A_2402 : f32 to vector<128x128xf32>
    %mul3A_2404 = arith.mulf %mul3A_2403, %get3A_2395 : vector<128x128xf32>
    %sub3A_2405 = arith.subf %add3A_2401, %mul3A_2404 : vector<128x128xf32>
    %max3A_2406 = arith.constant 0.000000e+00 : f32
    %max3A_2407 = vector.broadcast %max3A_2406 : f32 to vector<128x128xf32>
    %max3A_2408 = arith.maximumf %sub3A_2405, %max3A_2407 : vector<128x128xf32>
    %sqrt3A_2409 = math.sqrt %max3A_2408 : vector<128x128xf32>
    %lt3A_2410 = arith.cmpf olt, %sqrt3A_2409, %select_n3A_2389 : vector<128x128xf32>
    %select_n3A_2411 = arith.select %lt3A_2410, %sqrt3A_2409, %select_n3A_2389 : vector<128x128xi1>, vector<128x128xf32>
    %jit3A_2412 = arith.constant 43 : i32
    %broadcast_in_dim3A_2413 = vector.broadcast %jit3A_2412 : i32 to vector<128x128xi32>
    %select_n3A_2414 = arith.select %lt3A_2410, %broadcast_in_dim3A_2413, %select_n3A_2392 : vector<128x128xi1>, vector<128x128xi32>
    %get3A_2415 = arith.constant 128 : index
    %get3A_2416 = arith.constant 5632 : index
    %get3A_2417 = vector.load %arg4[%get3A_2415, %get3A_2416] : memref<512x8192xf32, #tpu.memory_space<vmem>>, vector<128x128xf32>
    %get3A_2418 = arith.constant 0 : index
    %get3A_2419 = arith.constant 5632 : index
    %get3A_2420 = vector.load %arg5[%get3A_2418, %get3A_2419] : memref<1x8192xf32, #tpu.memory_space<vmem>>, vector<1x128xf32>
    %add3A_2421 = vector.broadcast %broadcast_in_dim3A_1442 : vector<128x1xf32> to vector<128x128xf32>
    %add3A_2422 = vector.broadcast %get3A_2420 : vector<1x128xf32> to vector<128x128xf32>
    %add3A_2423 = arith.addf %add3A_2421, %add3A_2422 : vector<128x128xf32>
    %mul3A_2424 = arith.constant 2.000000e+00 : f32
    %mul3A_2425 = vector.broadcast %mul3A_2424 : f32 to vector<128x128xf32>
    %mul3A_2426 = arith.mulf %mul3A_2425, %get3A_2417 : vector<128x128xf32>
    %sub3A_2427 = arith.subf %add3A_2423, %mul3A_2426 : vector<128x128xf32>
    %max3A_2428 = arith.constant 0.000000e+00 : f32
    %max3A_2429 = vector.broadcast %max3A_2428 : f32 to vector<128x128xf32>
    %max3A_2430 = arith.maximumf %sub3A_2427, %max3A_2429 : vector<128x128xf32>
    %sqrt3A_2431 = math.sqrt %max3A_2430 : vector<128x128xf32>
    %lt3A_2432 = arith.cmpf olt, %sqrt3A_2431, %select_n3A_2411 : vector<128x128xf32>
    %select_n3A_2433 = arith.select %lt3A_2432, %sqrt3A_2431, %select_n3A_2411 : vector<128x128xi1>, vector<128x128xf32>
    %jit3A_2434 = arith.constant 44 : i32
    %broadcast_in_dim3A_2435 = vector.broadcast %jit3A_2434 : i32 to vector<128x128xi32>
    %select_n3A_2436 = arith.select %lt3A_2432, %broadcast_in_dim3A_2435, %select_n3A_2414 : vector<128x128xi1>, vector<128x128xi32>
    %get3A_2437 = arith.constant 128 : index
    %get3A_2438 = arith.constant 5760 : index
    %get3A_2439 = vector.load %arg4[%get3A_2437, %get3A_2438] : memref<512x8192xf32, #tpu.memory_space<vmem>>, vector<128x128xf32>
    %get3A_2440 = arith.constant 0 : index
    %get3A_2441 = arith.constant 5760 : index
    %get3A_2442 = vector.load %arg5[%get3A_2440, %get3A_2441] : memref<1x8192xf32, #tpu.memory_space<vmem>>, vector<1x128xf32>
    %add3A_2443 = vector.broadcast %broadcast_in_dim3A_1442 : vector<128x1xf32> to vector<128x128xf32>
    %add3A_2444 = vector.broadcast %get3A_2442 : vector<1x128xf32> to vector<128x128xf32>
    %add3A_2445 = arith.addf %add3A_2443, %add3A_2444 : vector<128x128xf32>
    %mul3A_2446 = arith.constant 2.000000e+00 : f32
    %mul3A_2447 = vector.broadcast %mul3A_2446 : f32 to vector<128x128xf32>
    %mul3A_2448 = arith.mulf %mul3A_2447, %get3A_2439 : vector<128x128xf32>
    %sub3A_2449 = arith.subf %add3A_2445, %mul3A_2448 : vector<128x128xf32>
    %max3A_2450 = arith.constant 0.000000e+00 : f32
    %max3A_2451 = vector.broadcast %max3A_2450 : f32 to vector<128x128xf32>
    %max3A_2452 = arith.maximumf %sub3A_2449, %max3A_2451 : vector<128x128xf32>
    %sqrt3A_2453 = math.sqrt %max3A_2452 : vector<128x128xf32>
    %lt3A_2454 = arith.cmpf olt, %sqrt3A_2453, %select_n3A_2433 : vector<128x128xf32>
    %select_n3A_2455 = arith.select %lt3A_2454, %sqrt3A_2453, %select_n3A_2433 : vector<128x128xi1>, vector<128x128xf32>
    %jit3A_2456 = arith.constant 45 : i32
    %broadcast_in_dim3A_2457 = vector.broadcast %jit3A_2456 : i32 to vector<128x128xi32>
    %select_n3A_2458 = arith.select %lt3A_2454, %broadcast_in_dim3A_2457, %select_n3A_2436 : vector<128x128xi1>, vector<128x128xi32>
    %get3A_2459 = arith.constant 128 : index
    %get3A_2460 = arith.constant 5888 : index
    %get3A_2461 = vector.load %arg4[%get3A_2459, %get3A_2460] : memref<512x8192xf32, #tpu.memory_space<vmem>>, vector<128x128xf32>
    %get3A_2462 = arith.constant 0 : index
    %get3A_2463 = arith.constant 5888 : index
    %get3A_2464 = vector.load %arg5[%get3A_2462, %get3A_2463] : memref<1x8192xf32, #tpu.memory_space<vmem>>, vector<1x128xf32>
    %add3A_2465 = vector.broadcast %broadcast_in_dim3A_1442 : vector<128x1xf32> to vector<128x128xf32>
    %add3A_2466 = vector.broadcast %get3A_2464 : vector<1x128xf32> to vector<128x128xf32>
    %add3A_2467 = arith.addf %add3A_2465, %add3A_2466 : vector<128x128xf32>
    %mul3A_2468 = arith.constant 2.000000e+00 : f32
    %mul3A_2469 = vector.broadcast %mul3A_2468 : f32 to vector<128x128xf32>
    %mul3A_2470 = arith.mulf %mul3A_2469, %get3A_2461 : vector<128x128xf32>
    %sub3A_2471 = arith.subf %add3A_2467, %mul3A_2470 : vector<128x128xf32>
    %max3A_2472 = arith.constant 0.000000e+00 : f32
    %max3A_2473 = vector.broadcast %max3A_2472 : f32 to vector<128x128xf32>
    %max3A_2474 = arith.maximumf %sub3A_2471, %max3A_2473 : vector<128x128xf32>
    %sqrt3A_2475 = math.sqrt %max3A_2474 : vector<128x128xf32>
    %lt3A_2476 = arith.cmpf olt, %sqrt3A_2475, %select_n3A_2455 : vector<128x128xf32>
    %select_n3A_2477 = arith.select %lt3A_2476, %sqrt3A_2475, %select_n3A_2455 : vector<128x128xi1>, vector<128x128xf32>
    %jit3A_2478 = arith.constant 46 : i32
    %broadcast_in_dim3A_2479 = vector.broadcast %jit3A_2478 : i32 to vector<128x128xi32>
    %select_n3A_2480 = arith.select %lt3A_2476, %broadcast_in_dim3A_2479, %select_n3A_2458 : vector<128x128xi1>, vector<128x128xi32>
    %get3A_2481 = arith.constant 128 : index
    %get3A_2482 = arith.constant 6016 : index
    %get3A_2483 = vector.load %arg4[%get3A_2481, %get3A_2482] : memref<512x8192xf32, #tpu.memory_space<vmem>>, vector<128x128xf32>
    %get3A_2484 = arith.constant 0 : index
    %get3A_2485 = arith.constant 6016 : index
    %get3A_2486 = vector.load %arg5[%get3A_2484, %get3A_2485] : memref<1x8192xf32, #tpu.memory_space<vmem>>, vector<1x128xf32>
    %add3A_2487 = vector.broadcast %broadcast_in_dim3A_1442 : vector<128x1xf32> to vector<128x128xf32>
    %add3A_2488 = vector.broadcast %get3A_2486 : vector<1x128xf32> to vector<128x128xf32>
    %add3A_2489 = arith.addf %add3A_2487, %add3A_2488 : vector<128x128xf32>
    %mul3A_2490 = arith.constant 2.000000e+00 : f32
    %mul3A_2491 = vector.broadcast %mul3A_2490 : f32 to vector<128x128xf32>
    %mul3A_2492 = arith.mulf %mul3A_2491, %get3A_2483 : vector<128x128xf32>
    %sub3A_2493 = arith.subf %add3A_2489, %mul3A_2492 : vector<128x128xf32>
    %max3A_2494 = arith.constant 0.000000e+00 : f32
    %max3A_2495 = vector.broadcast %max3A_2494 : f32 to vector<128x128xf32>
    %max3A_2496 = arith.maximumf %sub3A_2493, %max3A_2495 : vector<128x128xf32>
    %sqrt3A_2497 = math.sqrt %max3A_2496 : vector<128x128xf32>
    %lt3A_2498 = arith.cmpf olt, %sqrt3A_2497, %select_n3A_2477 : vector<128x128xf32>
    %select_n3A_2499 = arith.select %lt3A_2498, %sqrt3A_2497, %select_n3A_2477 : vector<128x128xi1>, vector<128x128xf32>
    %jit3A_2500 = arith.constant 47 : i32
    %broadcast_in_dim3A_2501 = vector.broadcast %jit3A_2500 : i32 to vector<128x128xi32>
    %select_n3A_2502 = arith.select %lt3A_2498, %broadcast_in_dim3A_2501, %select_n3A_2480 : vector<128x128xi1>, vector<128x128xi32>
    %get3A_2503 = arith.constant 128 : index
    %get3A_2504 = arith.constant 6144 : index
    %get3A_2505 = vector.load %arg4[%get3A_2503, %get3A_2504] : memref<512x8192xf32, #tpu.memory_space<vmem>>, vector<128x128xf32>
    %get3A_2506 = arith.constant 0 : index
    %get3A_2507 = arith.constant 6144 : index
    %get3A_2508 = vector.load %arg5[%get3A_2506, %get3A_2507] : memref<1x8192xf32, #tpu.memory_space<vmem>>, vector<1x128xf32>
    %add3A_2509 = vector.broadcast %broadcast_in_dim3A_1442 : vector<128x1xf32> to vector<128x128xf32>
    %add3A_2510 = vector.broadcast %get3A_2508 : vector<1x128xf32> to vector<128x128xf32>
    %add3A_2511 = arith.addf %add3A_2509, %add3A_2510 : vector<128x128xf32>
    %mul3A_2512 = arith.constant 2.000000e+00 : f32
    %mul3A_2513 = vector.broadcast %mul3A_2512 : f32 to vector<128x128xf32>
    %mul3A_2514 = arith.mulf %mul3A_2513, %get3A_2505 : vector<128x128xf32>
    %sub3A_2515 = arith.subf %add3A_2511, %mul3A_2514 : vector<128x128xf32>
    %max3A_2516 = arith.constant 0.000000e+00 : f32
    %max3A_2517 = vector.broadcast %max3A_2516 : f32 to vector<128x128xf32>
    %max3A_2518 = arith.maximumf %sub3A_2515, %max3A_2517 : vector<128x128xf32>
    %sqrt3A_2519 = math.sqrt %max3A_2518 : vector<128x128xf32>
    %lt3A_2520 = arith.cmpf olt, %sqrt3A_2519, %select_n3A_2499 : vector<128x128xf32>
    %select_n3A_2521 = arith.select %lt3A_2520, %sqrt3A_2519, %select_n3A_2499 : vector<128x128xi1>, vector<128x128xf32>
    %jit3A_2522 = arith.constant 48 : i32
    %broadcast_in_dim3A_2523 = vector.broadcast %jit3A_2522 : i32 to vector<128x128xi32>
    %select_n3A_2524 = arith.select %lt3A_2520, %broadcast_in_dim3A_2523, %select_n3A_2502 : vector<128x128xi1>, vector<128x128xi32>
    %get3A_2525 = arith.constant 128 : index
    %get3A_2526 = arith.constant 6272 : index
    %get3A_2527 = vector.load %arg4[%get3A_2525, %get3A_2526] : memref<512x8192xf32, #tpu.memory_space<vmem>>, vector<128x128xf32>
    %get3A_2528 = arith.constant 0 : index
    %get3A_2529 = arith.constant 6272 : index
    %get3A_2530 = vector.load %arg5[%get3A_2528, %get3A_2529] : memref<1x8192xf32, #tpu.memory_space<vmem>>, vector<1x128xf32>
    %add3A_2531 = vector.broadcast %broadcast_in_dim3A_1442 : vector<128x1xf32> to vector<128x128xf32>
    %add3A_2532 = vector.broadcast %get3A_2530 : vector<1x128xf32> to vector<128x128xf32>
    %add3A_2533 = arith.addf %add3A_2531, %add3A_2532 : vector<128x128xf32>
    %mul3A_2534 = arith.constant 2.000000e+00 : f32
    %mul3A_2535 = vector.broadcast %mul3A_2534 : f32 to vector<128x128xf32>
    %mul3A_2536 = arith.mulf %mul3A_2535, %get3A_2527 : vector<128x128xf32>
    %sub3A_2537 = arith.subf %add3A_2533, %mul3A_2536 : vector<128x128xf32>
    %max3A_2538 = arith.constant 0.000000e+00 : f32
    %max3A_2539 = vector.broadcast %max3A_2538 : f32 to vector<128x128xf32>
    %max3A_2540 = arith.maximumf %sub3A_2537, %max3A_2539 : vector<128x128xf32>
    %sqrt3A_2541 = math.sqrt %max3A_2540 : vector<128x128xf32>
    %lt3A_2542 = arith.cmpf olt, %sqrt3A_2541, %select_n3A_2521 : vector<128x128xf32>
    %select_n3A_2543 = arith.select %lt3A_2542, %sqrt3A_2541, %select_n3A_2521 : vector<128x128xi1>, vector<128x128xf32>
    %jit3A_2544 = arith.constant 49 : i32
    %broadcast_in_dim3A_2545 = vector.broadcast %jit3A_2544 : i32 to vector<128x128xi32>
    %select_n3A_2546 = arith.select %lt3A_2542, %broadcast_in_dim3A_2545, %select_n3A_2524 : vector<128x128xi1>, vector<128x128xi32>
    %get3A_2547 = arith.constant 128 : index
    %get3A_2548 = arith.constant 6400 : index
    %get3A_2549 = vector.load %arg4[%get3A_2547, %get3A_2548] : memref<512x8192xf32, #tpu.memory_space<vmem>>, vector<128x128xf32>
    %get3A_2550 = arith.constant 0 : index
    %get3A_2551 = arith.constant 6400 : index
    %get3A_2552 = vector.load %arg5[%get3A_2550, %get3A_2551] : memref<1x8192xf32, #tpu.memory_space<vmem>>, vector<1x128xf32>
    %add3A_2553 = vector.broadcast %broadcast_in_dim3A_1442 : vector<128x1xf32> to vector<128x128xf32>
    %add3A_2554 = vector.broadcast %get3A_2552 : vector<1x128xf32> to vector<128x128xf32>
    %add3A_2555 = arith.addf %add3A_2553, %add3A_2554 : vector<128x128xf32>
    %mul3A_2556 = arith.constant 2.000000e+00 : f32
    %mul3A_2557 = vector.broadcast %mul3A_2556 : f32 to vector<128x128xf32>
    %mul3A_2558 = arith.mulf %mul3A_2557, %get3A_2549 : vector<128x128xf32>
    %sub3A_2559 = arith.subf %add3A_2555, %mul3A_2558 : vector<128x128xf32>
    %max3A_2560 = arith.constant 0.000000e+00 : f32
    %max3A_2561 = vector.broadcast %max3A_2560 : f32 to vector<128x128xf32>
    %max3A_2562 = arith.maximumf %sub3A_2559, %max3A_2561 : vector<128x128xf32>
    %sqrt3A_2563 = math.sqrt %max3A_2562 : vector<128x128xf32>
    %lt3A_2564 = arith.cmpf olt, %sqrt3A_2563, %select_n3A_2543 : vector<128x128xf32>
    %select_n3A_2565 = arith.select %lt3A_2564, %sqrt3A_2563, %select_n3A_2543 : vector<128x128xi1>, vector<128x128xf32>
    %jit3A_2566 = arith.constant 50 : i32
    %broadcast_in_dim3A_2567 = vector.broadcast %jit3A_2566 : i32 to vector<128x128xi32>
    %select_n3A_2568 = arith.select %lt3A_2564, %broadcast_in_dim3A_2567, %select_n3A_2546 : vector<128x128xi1>, vector<128x128xi32>
    %get3A_2569 = arith.constant 128 : index
    %get3A_2570 = arith.constant 6528 : index
    %get3A_2571 = vector.load %arg4[%get3A_2569, %get3A_2570] : memref<512x8192xf32, #tpu.memory_space<vmem>>, vector<128x128xf32>
    %get3A_2572 = arith.constant 0 : index
    %get3A_2573 = arith.constant 6528 : index
    %get3A_2574 = vector.load %arg5[%get3A_2572, %get3A_2573] : memref<1x8192xf32, #tpu.memory_space<vmem>>, vector<1x128xf32>
    %add3A_2575 = vector.broadcast %broadcast_in_dim3A_1442 : vector<128x1xf32> to vector<128x128xf32>
    %add3A_2576 = vector.broadcast %get3A_2574 : vector<1x128xf32> to vector<128x128xf32>
    %add3A_2577 = arith.addf %add3A_2575, %add3A_2576 : vector<128x128xf32>
    %mul3A_2578 = arith.constant 2.000000e+00 : f32
    %mul3A_2579 = vector.broadcast %mul3A_2578 : f32 to vector<128x128xf32>
    %mul3A_2580 = arith.mulf %mul3A_2579, %get3A_2571 : vector<128x128xf32>
    %sub3A_2581 = arith.subf %add3A_2577, %mul3A_2580 : vector<128x128xf32>
    %max3A_2582 = arith.constant 0.000000e+00 : f32
    %max3A_2583 = vector.broadcast %max3A_2582 : f32 to vector<128x128xf32>
    %max3A_2584 = arith.maximumf %sub3A_2581, %max3A_2583 : vector<128x128xf32>
    %sqrt3A_2585 = math.sqrt %max3A_2584 : vector<128x128xf32>
    %lt3A_2586 = arith.cmpf olt, %sqrt3A_2585, %select_n3A_2565 : vector<128x128xf32>
    %select_n3A_2587 = arith.select %lt3A_2586, %sqrt3A_2585, %select_n3A_2565 : vector<128x128xi1>, vector<128x128xf32>
    %jit3A_2588 = arith.constant 51 : i32
    %broadcast_in_dim3A_2589 = vector.broadcast %jit3A_2588 : i32 to vector<128x128xi32>
    %select_n3A_2590 = arith.select %lt3A_2586, %broadcast_in_dim3A_2589, %select_n3A_2568 : vector<128x128xi1>, vector<128x128xi32>
    %get3A_2591 = arith.constant 128 : index
    %get3A_2592 = arith.constant 6656 : index
    %get3A_2593 = vector.load %arg4[%get3A_2591, %get3A_2592] : memref<512x8192xf32, #tpu.memory_space<vmem>>, vector<128x128xf32>
    %get3A_2594 = arith.constant 0 : index
    %get3A_2595 = arith.constant 6656 : index
    %get3A_2596 = vector.load %arg5[%get3A_2594, %get3A_2595] : memref<1x8192xf32, #tpu.memory_space<vmem>>, vector<1x128xf32>
    %add3A_2597 = vector.broadcast %broadcast_in_dim3A_1442 : vector<128x1xf32> to vector<128x128xf32>
    %add3A_2598 = vector.broadcast %get3A_2596 : vector<1x128xf32> to vector<128x128xf32>
    %add3A_2599 = arith.addf %add3A_2597, %add3A_2598 : vector<128x128xf32>
    %mul3A_2600 = arith.constant 2.000000e+00 : f32
    %mul3A_2601 = vector.broadcast %mul3A_2600 : f32 to vector<128x128xf32>
    %mul3A_2602 = arith.mulf %mul3A_2601, %get3A_2593 : vector<128x128xf32>
    %sub3A_2603 = arith.subf %add3A_2599, %mul3A_2602 : vector<128x128xf32>
    %max3A_2604 = arith.constant 0.000000e+00 : f32
    %max3A_2605 = vector.broadcast %max3A_2604 : f32 to vector<128x128xf32>
    %max3A_2606 = arith.maximumf %sub3A_2603, %max3A_2605 : vector<128x128xf32>
    %sqrt3A_2607 = math.sqrt %max3A_2606 : vector<128x128xf32>
    %lt3A_2608 = arith.cmpf olt, %sqrt3A_2607, %select_n3A_2587 : vector<128x128xf32>
    %select_n3A_2609 = arith.select %lt3A_2608, %sqrt3A_2607, %select_n3A_2587 : vector<128x128xi1>, vector<128x128xf32>
    %jit3A_2610 = arith.constant 52 : i32
    %broadcast_in_dim3A_2611 = vector.broadcast %jit3A_2610 : i32 to vector<128x128xi32>
    %select_n3A_2612 = arith.select %lt3A_2608, %broadcast_in_dim3A_2611, %select_n3A_2590 : vector<128x128xi1>, vector<128x128xi32>
    %get3A_2613 = arith.constant 128 : index
    %get3A_2614 = arith.constant 6784 : index
    %get3A_2615 = vector.load %arg4[%get3A_2613, %get3A_2614] : memref<512x8192xf32, #tpu.memory_space<vmem>>, vector<128x128xf32>
    %get3A_2616 = arith.constant 0 : index
    %get3A_2617 = arith.constant 6784 : index
    %get3A_2618 = vector.load %arg5[%get3A_2616, %get3A_2617] : memref<1x8192xf32, #tpu.memory_space<vmem>>, vector<1x128xf32>
    %add3A_2619 = vector.broadcast %broadcast_in_dim3A_1442 : vector<128x1xf32> to vector<128x128xf32>
    %add3A_2620 = vector.broadcast %get3A_2618 : vector<1x128xf32> to vector<128x128xf32>
    %add3A_2621 = arith.addf %add3A_2619, %add3A_2620 : vector<128x128xf32>
    %mul3A_2622 = arith.constant 2.000000e+00 : f32
    %mul3A_2623 = vector.broadcast %mul3A_2622 : f32 to vector<128x128xf32>
    %mul3A_2624 = arith.mulf %mul3A_2623, %get3A_2615 : vector<128x128xf32>
    %sub3A_2625 = arith.subf %add3A_2621, %mul3A_2624 : vector<128x128xf32>
    %max3A_2626 = arith.constant 0.000000e+00 : f32
    %max3A_2627 = vector.broadcast %max3A_2626 : f32 to vector<128x128xf32>
    %max3A_2628 = arith.maximumf %sub3A_2625, %max3A_2627 : vector<128x128xf32>
    %sqrt3A_2629 = math.sqrt %max3A_2628 : vector<128x128xf32>
    %lt3A_2630 = arith.cmpf olt, %sqrt3A_2629, %select_n3A_2609 : vector<128x128xf32>
    %select_n3A_2631 = arith.select %lt3A_2630, %sqrt3A_2629, %select_n3A_2609 : vector<128x128xi1>, vector<128x128xf32>
    %jit3A_2632 = arith.constant 53 : i32
    %broadcast_in_dim3A_2633 = vector.broadcast %jit3A_2632 : i32 to vector<128x128xi32>
    %select_n3A_2634 = arith.select %lt3A_2630, %broadcast_in_dim3A_2633, %select_n3A_2612 : vector<128x128xi1>, vector<128x128xi32>
    %get3A_2635 = arith.constant 128 : index
    %get3A_2636 = arith.constant 6912 : index
    %get3A_2637 = vector.load %arg4[%get3A_2635, %get3A_2636] : memref<512x8192xf32, #tpu.memory_space<vmem>>, vector<128x128xf32>
    %get3A_2638 = arith.constant 0 : index
    %get3A_2639 = arith.constant 6912 : index
    %get3A_2640 = vector.load %arg5[%get3A_2638, %get3A_2639] : memref<1x8192xf32, #tpu.memory_space<vmem>>, vector<1x128xf32>
    %add3A_2641 = vector.broadcast %broadcast_in_dim3A_1442 : vector<128x1xf32> to vector<128x128xf32>
    %add3A_2642 = vector.broadcast %get3A_2640 : vector<1x128xf32> to vector<128x128xf32>
    %add3A_2643 = arith.addf %add3A_2641, %add3A_2642 : vector<128x128xf32>
    %mul3A_2644 = arith.constant 2.000000e+00 : f32
    %mul3A_2645 = vector.broadcast %mul3A_2644 : f32 to vector<128x128xf32>
    %mul3A_2646 = arith.mulf %mul3A_2645, %get3A_2637 : vector<128x128xf32>
    %sub3A_2647 = arith.subf %add3A_2643, %mul3A_2646 : vector<128x128xf32>
    %max3A_2648 = arith.constant 0.000000e+00 : f32
    %max3A_2649 = vector.broadcast %max3A_2648 : f32 to vector<128x128xf32>
    %max3A_2650 = arith.maximumf %sub3A_2647, %max3A_2649 : vector<128x128xf32>
    %sqrt3A_2651 = math.sqrt %max3A_2650 : vector<128x128xf32>
    %lt3A_2652 = arith.cmpf olt, %sqrt3A_2651, %select_n3A_2631 : vector<128x128xf32>
    %select_n3A_2653 = arith.select %lt3A_2652, %sqrt3A_2651, %select_n3A_2631 : vector<128x128xi1>, vector<128x128xf32>
    %jit3A_2654 = arith.constant 54 : i32
    %broadcast_in_dim3A_2655 = vector.broadcast %jit3A_2654 : i32 to vector<128x128xi32>
    %select_n3A_2656 = arith.select %lt3A_2652, %broadcast_in_dim3A_2655, %select_n3A_2634 : vector<128x128xi1>, vector<128x128xi32>
    %get3A_2657 = arith.constant 128 : index
    %get3A_2658 = arith.constant 7040 : index
    %get3A_2659 = vector.load %arg4[%get3A_2657, %get3A_2658] : memref<512x8192xf32, #tpu.memory_space<vmem>>, vector<128x128xf32>
    %get3A_2660 = arith.constant 0 : index
    %get3A_2661 = arith.constant 7040 : index
    %get3A_2662 = vector.load %arg5[%get3A_2660, %get3A_2661] : memref<1x8192xf32, #tpu.memory_space<vmem>>, vector<1x128xf32>
    %add3A_2663 = vector.broadcast %broadcast_in_dim3A_1442 : vector<128x1xf32> to vector<128x128xf32>
    %add3A_2664 = vector.broadcast %get3A_2662 : vector<1x128xf32> to vector<128x128xf32>
    %add3A_2665 = arith.addf %add3A_2663, %add3A_2664 : vector<128x128xf32>
    %mul3A_2666 = arith.constant 2.000000e+00 : f32
    %mul3A_2667 = vector.broadcast %mul3A_2666 : f32 to vector<128x128xf32>
    %mul3A_2668 = arith.mulf %mul3A_2667, %get3A_2659 : vector<128x128xf32>
    %sub3A_2669 = arith.subf %add3A_2665, %mul3A_2668 : vector<128x128xf32>
    %max3A_2670 = arith.constant 0.000000e+00 : f32
    %max3A_2671 = vector.broadcast %max3A_2670 : f32 to vector<128x128xf32>
    %max3A_2672 = arith.maximumf %sub3A_2669, %max3A_2671 : vector<128x128xf32>
    %sqrt3A_2673 = math.sqrt %max3A_2672 : vector<128x128xf32>
    %lt3A_2674 = arith.cmpf olt, %sqrt3A_2673, %select_n3A_2653 : vector<128x128xf32>
    %select_n3A_2675 = arith.select %lt3A_2674, %sqrt3A_2673, %select_n3A_2653 : vector<128x128xi1>, vector<128x128xf32>
    %jit3A_2676 = arith.constant 55 : i32
    %broadcast_in_dim3A_2677 = vector.broadcast %jit3A_2676 : i32 to vector<128x128xi32>
    %select_n3A_2678 = arith.select %lt3A_2674, %broadcast_in_dim3A_2677, %select_n3A_2656 : vector<128x128xi1>, vector<128x128xi32>
    %get3A_2679 = arith.constant 128 : index
    %get3A_2680 = arith.constant 7168 : index
    %get3A_2681 = vector.load %arg4[%get3A_2679, %get3A_2680] : memref<512x8192xf32, #tpu.memory_space<vmem>>, vector<128x128xf32>
    %get3A_2682 = arith.constant 0 : index
    %get3A_2683 = arith.constant 7168 : index
    %get3A_2684 = vector.load %arg5[%get3A_2682, %get3A_2683] : memref<1x8192xf32, #tpu.memory_space<vmem>>, vector<1x128xf32>
    %add3A_2685 = vector.broadcast %broadcast_in_dim3A_1442 : vector<128x1xf32> to vector<128x128xf32>
    %add3A_2686 = vector.broadcast %get3A_2684 : vector<1x128xf32> to vector<128x128xf32>
    %add3A_2687 = arith.addf %add3A_2685, %add3A_2686 : vector<128x128xf32>
    %mul3A_2688 = arith.constant 2.000000e+00 : f32
    %mul3A_2689 = vector.broadcast %mul3A_2688 : f32 to vector<128x128xf32>
    %mul3A_2690 = arith.mulf %mul3A_2689, %get3A_2681 : vector<128x128xf32>
    %sub3A_2691 = arith.subf %add3A_2687, %mul3A_2690 : vector<128x128xf32>
    %max3A_2692 = arith.constant 0.000000e+00 : f32
    %max3A_2693 = vector.broadcast %max3A_2692 : f32 to vector<128x128xf32>
    %max3A_2694 = arith.maximumf %sub3A_2691, %max3A_2693 : vector<128x128xf32>
    %sqrt3A_2695 = math.sqrt %max3A_2694 : vector<128x128xf32>
    %lt3A_2696 = arith.cmpf olt, %sqrt3A_2695, %select_n3A_2675 : vector<128x128xf32>
    %select_n3A_2697 = arith.select %lt3A_2696, %sqrt3A_2695, %select_n3A_2675 : vector<128x128xi1>, vector<128x128xf32>
    %jit3A_2698 = arith.constant 56 : i32
    %broadcast_in_dim3A_2699 = vector.broadcast %jit3A_2698 : i32 to vector<128x128xi32>
    %select_n3A_2700 = arith.select %lt3A_2696, %broadcast_in_dim3A_2699, %select_n3A_2678 : vector<128x128xi1>, vector<128x128xi32>
    %get3A_2701 = arith.constant 128 : index
    %get3A_2702 = arith.constant 7296 : index
    %get3A_2703 = vector.load %arg4[%get3A_2701, %get3A_2702] : memref<512x8192xf32, #tpu.memory_space<vmem>>, vector<128x128xf32>
    %get3A_2704 = arith.constant 0 : index
    %get3A_2705 = arith.constant 7296 : index
    %get3A_2706 = vector.load %arg5[%get3A_2704, %get3A_2705] : memref<1x8192xf32, #tpu.memory_space<vmem>>, vector<1x128xf32>
    %add3A_2707 = vector.broadcast %broadcast_in_dim3A_1442 : vector<128x1xf32> to vector<128x128xf32>
    %add3A_2708 = vector.broadcast %get3A_2706 : vector<1x128xf32> to vector<128x128xf32>
    %add3A_2709 = arith.addf %add3A_2707, %add3A_2708 : vector<128x128xf32>
    %mul3A_2710 = arith.constant 2.000000e+00 : f32
    %mul3A_2711 = vector.broadcast %mul3A_2710 : f32 to vector<128x128xf32>
    %mul3A_2712 = arith.mulf %mul3A_2711, %get3A_2703 : vector<128x128xf32>
    %sub3A_2713 = arith.subf %add3A_2709, %mul3A_2712 : vector<128x128xf32>
    %max3A_2714 = arith.constant 0.000000e+00 : f32
    %max3A_2715 = vector.broadcast %max3A_2714 : f32 to vector<128x128xf32>
    %max3A_2716 = arith.maximumf %sub3A_2713, %max3A_2715 : vector<128x128xf32>
    %sqrt3A_2717 = math.sqrt %max3A_2716 : vector<128x128xf32>
    %lt3A_2718 = arith.cmpf olt, %sqrt3A_2717, %select_n3A_2697 : vector<128x128xf32>
    %select_n3A_2719 = arith.select %lt3A_2718, %sqrt3A_2717, %select_n3A_2697 : vector<128x128xi1>, vector<128x128xf32>
    %jit3A_2720 = arith.constant 57 : i32
    %broadcast_in_dim3A_2721 = vector.broadcast %jit3A_2720 : i32 to vector<128x128xi32>
    %select_n3A_2722 = arith.select %lt3A_2718, %broadcast_in_dim3A_2721, %select_n3A_2700 : vector<128x128xi1>, vector<128x128xi32>
    %get3A_2723 = arith.constant 128 : index
    %get3A_2724 = arith.constant 7424 : index
    %get3A_2725 = vector.load %arg4[%get3A_2723, %get3A_2724] : memref<512x8192xf32, #tpu.memory_space<vmem>>, vector<128x128xf32>
    %get3A_2726 = arith.constant 0 : index
    %get3A_2727 = arith.constant 7424 : index
    %get3A_2728 = vector.load %arg5[%get3A_2726, %get3A_2727] : memref<1x8192xf32, #tpu.memory_space<vmem>>, vector<1x128xf32>
    %add3A_2729 = vector.broadcast %broadcast_in_dim3A_1442 : vector<128x1xf32> to vector<128x128xf32>
    %add3A_2730 = vector.broadcast %get3A_2728 : vector<1x128xf32> to vector<128x128xf32>
    %add3A_2731 = arith.addf %add3A_2729, %add3A_2730 : vector<128x128xf32>
    %mul3A_2732 = arith.constant 2.000000e+00 : f32
    %mul3A_2733 = vector.broadcast %mul3A_2732 : f32 to vector<128x128xf32>
    %mul3A_2734 = arith.mulf %mul3A_2733, %get3A_2725 : vector<128x128xf32>
    %sub3A_2735 = arith.subf %add3A_2731, %mul3A_2734 : vector<128x128xf32>
    %max3A_2736 = arith.constant 0.000000e+00 : f32
    %max3A_2737 = vector.broadcast %max3A_2736 : f32 to vector<128x128xf32>
    %max3A_2738 = arith.maximumf %sub3A_2735, %max3A_2737 : vector<128x128xf32>
    %sqrt3A_2739 = math.sqrt %max3A_2738 : vector<128x128xf32>
    %lt3A_2740 = arith.cmpf olt, %sqrt3A_2739, %select_n3A_2719 : vector<128x128xf32>
    %select_n3A_2741 = arith.select %lt3A_2740, %sqrt3A_2739, %select_n3A_2719 : vector<128x128xi1>, vector<128x128xf32>
    %jit3A_2742 = arith.constant 58 : i32
    %broadcast_in_dim3A_2743 = vector.broadcast %jit3A_2742 : i32 to vector<128x128xi32>
    %select_n3A_2744 = arith.select %lt3A_2740, %broadcast_in_dim3A_2743, %select_n3A_2722 : vector<128x128xi1>, vector<128x128xi32>
    %get3A_2745 = arith.constant 128 : index
    %get3A_2746 = arith.constant 7552 : index
    %get3A_2747 = vector.load %arg4[%get3A_2745, %get3A_2746] : memref<512x8192xf32, #tpu.memory_space<vmem>>, vector<128x128xf32>
    %get3A_2748 = arith.constant 0 : index
    %get3A_2749 = arith.constant 7552 : index
    %get3A_2750 = vector.load %arg5[%get3A_2748, %get3A_2749] : memref<1x8192xf32, #tpu.memory_space<vmem>>, vector<1x128xf32>
    %add3A_2751 = vector.broadcast %broadcast_in_dim3A_1442 : vector<128x1xf32> to vector<128x128xf32>
    %add3A_2752 = vector.broadcast %get3A_2750 : vector<1x128xf32> to vector<128x128xf32>
    %add3A_2753 = arith.addf %add3A_2751, %add3A_2752 : vector<128x128xf32>
    %mul3A_2754 = arith.constant 2.000000e+00 : f32
    %mul3A_2755 = vector.broadcast %mul3A_2754 : f32 to vector<128x128xf32>
    %mul3A_2756 = arith.mulf %mul3A_2755, %get3A_2747 : vector<128x128xf32>
    %sub3A_2757 = arith.subf %add3A_2753, %mul3A_2756 : vector<128x128xf32>
    %max3A_2758 = arith.constant 0.000000e+00 : f32
    %max3A_2759 = vector.broadcast %max3A_2758 : f32 to vector<128x128xf32>
    %max3A_2760 = arith.maximumf %sub3A_2757, %max3A_2759 : vector<128x128xf32>
    %sqrt3A_2761 = math.sqrt %max3A_2760 : vector<128x128xf32>
    %lt3A_2762 = arith.cmpf olt, %sqrt3A_2761, %select_n3A_2741 : vector<128x128xf32>
    %select_n3A_2763 = arith.select %lt3A_2762, %sqrt3A_2761, %select_n3A_2741 : vector<128x128xi1>, vector<128x128xf32>
    %jit3A_2764 = arith.constant 59 : i32
    %broadcast_in_dim3A_2765 = vector.broadcast %jit3A_2764 : i32 to vector<128x128xi32>
    %select_n3A_2766 = arith.select %lt3A_2762, %broadcast_in_dim3A_2765, %select_n3A_2744 : vector<128x128xi1>, vector<128x128xi32>
    %get3A_2767 = arith.constant 128 : index
    %get3A_2768 = arith.constant 7680 : index
    %get3A_2769 = vector.load %arg4[%get3A_2767, %get3A_2768] : memref<512x8192xf32, #tpu.memory_space<vmem>>, vector<128x128xf32>
    %get3A_2770 = arith.constant 0 : index
    %get3A_2771 = arith.constant 7680 : index
    %get3A_2772 = vector.load %arg5[%get3A_2770, %get3A_2771] : memref<1x8192xf32, #tpu.memory_space<vmem>>, vector<1x128xf32>
    %add3A_2773 = vector.broadcast %broadcast_in_dim3A_1442 : vector<128x1xf32> to vector<128x128xf32>
    %add3A_2774 = vector.broadcast %get3A_2772 : vector<1x128xf32> to vector<128x128xf32>
    %add3A_2775 = arith.addf %add3A_2773, %add3A_2774 : vector<128x128xf32>
    %mul3A_2776 = arith.constant 2.000000e+00 : f32
    %mul3A_2777 = vector.broadcast %mul3A_2776 : f32 to vector<128x128xf32>
    %mul3A_2778 = arith.mulf %mul3A_2777, %get3A_2769 : vector<128x128xf32>
    %sub3A_2779 = arith.subf %add3A_2775, %mul3A_2778 : vector<128x128xf32>
    %max3A_2780 = arith.constant 0.000000e+00 : f32
    %max3A_2781 = vector.broadcast %max3A_2780 : f32 to vector<128x128xf32>
    %max3A_2782 = arith.maximumf %sub3A_2779, %max3A_2781 : vector<128x128xf32>
    %sqrt3A_2783 = math.sqrt %max3A_2782 : vector<128x128xf32>
    %lt3A_2784 = arith.cmpf olt, %sqrt3A_2783, %select_n3A_2763 : vector<128x128xf32>
    %select_n3A_2785 = arith.select %lt3A_2784, %sqrt3A_2783, %select_n3A_2763 : vector<128x128xi1>, vector<128x128xf32>
    %jit3A_2786 = arith.constant 60 : i32
    %broadcast_in_dim3A_2787 = vector.broadcast %jit3A_2786 : i32 to vector<128x128xi32>
    %select_n3A_2788 = arith.select %lt3A_2784, %broadcast_in_dim3A_2787, %select_n3A_2766 : vector<128x128xi1>, vector<128x128xi32>
    %get3A_2789 = arith.constant 128 : index
    %get3A_2790 = arith.constant 7808 : index
    %get3A_2791 = vector.load %arg4[%get3A_2789, %get3A_2790] : memref<512x8192xf32, #tpu.memory_space<vmem>>, vector<128x128xf32>
    %get3A_2792 = arith.constant 0 : index
    %get3A_2793 = arith.constant 7808 : index
    %get3A_2794 = vector.load %arg5[%get3A_2792, %get3A_2793] : memref<1x8192xf32, #tpu.memory_space<vmem>>, vector<1x128xf32>
    %add3A_2795 = vector.broadcast %broadcast_in_dim3A_1442 : vector<128x1xf32> to vector<128x128xf32>
    %add3A_2796 = vector.broadcast %get3A_2794 : vector<1x128xf32> to vector<128x128xf32>
    %add3A_2797 = arith.addf %add3A_2795, %add3A_2796 : vector<128x128xf32>
    %mul3A_2798 = arith.constant 2.000000e+00 : f32
    %mul3A_2799 = vector.broadcast %mul3A_2798 : f32 to vector<128x128xf32>
    %mul3A_2800 = arith.mulf %mul3A_2799, %get3A_2791 : vector<128x128xf32>
    %sub3A_2801 = arith.subf %add3A_2797, %mul3A_2800 : vector<128x128xf32>
    %max3A_2802 = arith.constant 0.000000e+00 : f32
    %max3A_2803 = vector.broadcast %max3A_2802 : f32 to vector<128x128xf32>
    %max3A_2804 = arith.maximumf %sub3A_2801, %max3A_2803 : vector<128x128xf32>
    %sqrt3A_2805 = math.sqrt %max3A_2804 : vector<128x128xf32>
    %lt3A_2806 = arith.cmpf olt, %sqrt3A_2805, %select_n3A_2785 : vector<128x128xf32>
    %select_n3A_2807 = arith.select %lt3A_2806, %sqrt3A_2805, %select_n3A_2785 : vector<128x128xi1>, vector<128x128xf32>
    %jit3A_2808 = arith.constant 61 : i32
    %broadcast_in_dim3A_2809 = vector.broadcast %jit3A_2808 : i32 to vector<128x128xi32>
    %select_n3A_2810 = arith.select %lt3A_2806, %broadcast_in_dim3A_2809, %select_n3A_2788 : vector<128x128xi1>, vector<128x128xi32>
    %get3A_2811 = arith.constant 128 : index
    %get3A_2812 = arith.constant 7936 : index
    %get3A_2813 = vector.load %arg4[%get3A_2811, %get3A_2812] : memref<512x8192xf32, #tpu.memory_space<vmem>>, vector<128x128xf32>
    %get3A_2814 = arith.constant 0 : index
    %get3A_2815 = arith.constant 7936 : index
    %get3A_2816 = vector.load %arg5[%get3A_2814, %get3A_2815] : memref<1x8192xf32, #tpu.memory_space<vmem>>, vector<1x128xf32>
    %add3A_2817 = vector.broadcast %broadcast_in_dim3A_1442 : vector<128x1xf32> to vector<128x128xf32>
    %add3A_2818 = vector.broadcast %get3A_2816 : vector<1x128xf32> to vector<128x128xf32>
    %add3A_2819 = arith.addf %add3A_2817, %add3A_2818 : vector<128x128xf32>
    %mul3A_2820 = arith.constant 2.000000e+00 : f32
    %mul3A_2821 = vector.broadcast %mul3A_2820 : f32 to vector<128x128xf32>
    %mul3A_2822 = arith.mulf %mul3A_2821, %get3A_2813 : vector<128x128xf32>
    %sub3A_2823 = arith.subf %add3A_2819, %mul3A_2822 : vector<128x128xf32>
    %max3A_2824 = arith.constant 0.000000e+00 : f32
    %max3A_2825 = vector.broadcast %max3A_2824 : f32 to vector<128x128xf32>
    %max3A_2826 = arith.maximumf %sub3A_2823, %max3A_2825 : vector<128x128xf32>
    %sqrt3A_2827 = math.sqrt %max3A_2826 : vector<128x128xf32>
    %lt3A_2828 = arith.cmpf olt, %sqrt3A_2827, %select_n3A_2807 : vector<128x128xf32>
    %select_n3A_2829 = arith.select %lt3A_2828, %sqrt3A_2827, %select_n3A_2807 : vector<128x128xi1>, vector<128x128xf32>
    %jit3A_2830 = arith.constant 62 : i32
    %broadcast_in_dim3A_2831 = vector.broadcast %jit3A_2830 : i32 to vector<128x128xi32>
    %select_n3A_2832 = arith.select %lt3A_2828, %broadcast_in_dim3A_2831, %select_n3A_2810 : vector<128x128xi1>, vector<128x128xi32>
    %get3A_2833 = arith.constant 128 : index
    %get3A_2834 = arith.constant 8064 : index
    %get3A_2835 = vector.load %arg4[%get3A_2833, %get3A_2834] : memref<512x8192xf32, #tpu.memory_space<vmem>>, vector<128x128xf32>
    %get3A_2836 = arith.constant 0 : index
    %get3A_2837 = arith.constant 8064 : index
    %get3A_2838 = vector.load %arg5[%get3A_2836, %get3A_2837] : memref<1x8192xf32, #tpu.memory_space<vmem>>, vector<1x128xf32>
    %add3A_2839 = vector.broadcast %broadcast_in_dim3A_1442 : vector<128x1xf32> to vector<128x128xf32>
    %add3A_2840 = vector.broadcast %get3A_2838 : vector<1x128xf32> to vector<128x128xf32>
    %add3A_2841 = arith.addf %add3A_2839, %add3A_2840 : vector<128x128xf32>
    %mul3A_2842 = arith.constant 2.000000e+00 : f32
    %mul3A_2843 = vector.broadcast %mul3A_2842 : f32 to vector<128x128xf32>
    %mul3A_2844 = arith.mulf %mul3A_2843, %get3A_2835 : vector<128x128xf32>
    %sub3A_2845 = arith.subf %add3A_2841, %mul3A_2844 : vector<128x128xf32>
    %max3A_2846 = arith.constant 0.000000e+00 : f32
    %max3A_2847 = vector.broadcast %max3A_2846 : f32 to vector<128x128xf32>
    %max3A_2848 = arith.maximumf %sub3A_2845, %max3A_2847 : vector<128x128xf32>
    %sqrt3A_2849 = math.sqrt %max3A_2848 : vector<128x128xf32>
    %lt3A_2850 = arith.cmpf olt, %sqrt3A_2849, %select_n3A_2829 : vector<128x128xf32>
    %select_n3A_2851 = arith.select %lt3A_2850, %sqrt3A_2849, %select_n3A_2829 : vector<128x128xi1>, vector<128x128xf32>
    %jit3A_2852 = arith.constant 63 : i32
    %broadcast_in_dim3A_2853 = vector.broadcast %jit3A_2852 : i32 to vector<128x128xi32>
    %select_n3A_2854 = arith.select %lt3A_2850, %broadcast_in_dim3A_2853, %select_n3A_2832 : vector<128x128xi1>, vector<128x128xi32>
    %reduce_min3A_2855 = arith.constant dense<0x7F800000> : vector<128xf32>
    %reduce_min3A_2856 = vector.multi_reduction <minimumf>, %select_n3A_2851, %reduce_min3A_2855 [1] : vector<128x128xf32> to vector<128xf32>
    %broadcast_in_dim3A_2857 = vector.shape_cast %reduce_min3A_2856 : vector<128xf32> to vector<128x1xf32>
    %iota3A_2858 = tpu.iota {dimensions = array<i32: 1>} : vector<128x128xi32>
    %eq3A_2859 = vector.broadcast %broadcast_in_dim3A_2857 : vector<128x1xf32> to vector<128x128xf32>
    %eq3A_2860 = arith.cmpf oeq, %select_n3A_2851, %eq3A_2859 : vector<128x128xf32>
    %mul3A_2861 = arith.constant 128 : i32
    %mul3A_2862 = vector.broadcast %mul3A_2861 : i32 to vector<128x128xi32>
    %mul3A_2863 = arith.muli %select_n3A_2854, %mul3A_2862 : vector<128x128xi32>
    %add3A_2864 = arith.addi %mul3A_2863, %iota3A_2858 : vector<128x128xi32>
    %jit3A_2865 = arith.constant 1073741824 : i32
    %broadcast_in_dim3A_2866 = vector.broadcast %jit3A_2865 : i32 to vector<128x128xi32>
    %select_n3A_2867 = arith.select %eq3A_2860, %add3A_2864, %broadcast_in_dim3A_2866 : vector<128x128xi1>, vector<128x128xi32>
    %reduce_min3A_2868 = arith.constant dense<2147483647> : vector<128xi32>
    %reduce_min3A_2869 = vector.multi_reduction <minsi>, %select_n3A_2867, %reduce_min3A_2868 [1] : vector<128x128xi32> to vector<128xi32>
    %broadcast_in_dim3A_2870 = vector.shape_cast %reduce_min3A_2869 : vector<128xi32> to vector<128x1xi32>
    %swap3A_2871 = arith.constant 128 : index
    %swap3A_2872 = arith.constant 0 : index
    %swap3A_2873 = vector.load %arg3[%swap3A_2871, %swap3A_2872] : memref<512x1xi32, #tpu.memory_space<vmem>>, vector<128x1xi32>
    tpu.vector_store %arg3[%swap3A_2871, %swap3A_2872], %broadcast_in_dim3A_2870 {strides = array<i32>} : memref<512x1xi32, #tpu.memory_space<vmem>>, vector<128x1xi32>,
    %get3A_2874 = arith.constant 256 : index
    %get3A_2875 = arith.constant 0 : index
    %get3A_2876 = vector.load %arg1[%get3A_2874, %get3A_2875] : memref<512x192xf32, #tpu.memory_space<vmem>>, vector<128x192xf32>
    %mul3A_2877 = arith.mulf %get3A_2876, %get3A_2876 : vector<128x192xf32>
    %reduce_sum3A_2878 = arith.constant dense<0.000000e+00> : vector<128xf32>
    %reduce_sum3A_2879 = vector.multi_reduction <add>, %mul3A_2877, %reduce_sum3A_2878 [1] : vector<128x192xf32> to vector<128xf32>
    %broadcast_in_dim3A_2880 = vector.shape_cast %reduce_sum3A_2879 : vector<128xf32> to vector<128x1xf32>
    %broadcast_in_dim3A_2881 = arith.constant 0x7F800000 : f32
    %broadcast_in_dim3A_2882 = vector.broadcast %broadcast_in_dim3A_2881 : f32 to vector<128x128xf32>
    %broadcast_in_dim3A_2883 = arith.constant 0 : i32
    %broadcast_in_dim3A_2884 = vector.broadcast %broadcast_in_dim3A_2883 : i32 to vector<128x128xi32>
    %get3A_2885 = arith.constant 256 : index
    %get3A_2886 = arith.constant 0 : index
    %get3A_2887 = vector.load %arg4[%get3A_2885, %get3A_2886] : memref<512x8192xf32, #tpu.memory_space<vmem>>, vector<128x128xf32>
    %get3A_2888 = arith.constant 0 : index
    %get3A_2889 = arith.constant 0 : index
    %get3A_2890 = vector.load %arg5[%get3A_2888, %get3A_2889] : memref<1x8192xf32, #tpu.memory_space<vmem>>, vector<1x128xf32>
    %add3A_2891 = vector.broadcast %broadcast_in_dim3A_2880 : vector<128x1xf32> to vector<128x128xf32>
    %add3A_2892 = vector.broadcast %get3A_2890 : vector<1x128xf32> to vector<128x128xf32>
    %add3A_2893 = arith.addf %add3A_2891, %add3A_2892 : vector<128x128xf32>
    %mul3A_2894 = arith.constant 2.000000e+00 : f32
    %mul3A_2895 = vector.broadcast %mul3A_2894 : f32 to vector<128x128xf32>
    %mul3A_2896 = arith.mulf %mul3A_2895, %get3A_2887 : vector<128x128xf32>
    %sub3A_2897 = arith.subf %add3A_2893, %mul3A_2896 : vector<128x128xf32>
    %max3A_2898 = arith.constant 0.000000e+00 : f32
    %max3A_2899 = vector.broadcast %max3A_2898 : f32 to vector<128x128xf32>
    %max3A_2900 = arith.maximumf %sub3A_2897, %max3A_2899 : vector<128x128xf32>
    %sqrt3A_2901 = math.sqrt %max3A_2900 : vector<128x128xf32>
    %lt3A_2902 = arith.cmpf olt, %sqrt3A_2901, %broadcast_in_dim3A_2882 : vector<128x128xf32>
    %select_n3A_2903 = arith.select %lt3A_2902, %sqrt3A_2901, %broadcast_in_dim3A_2882 : vector<128x128xi1>, vector<128x128xf32>
    %jit3A_2904 = arith.constant 0 : i32
    %broadcast_in_dim3A_2905 = vector.broadcast %jit3A_2904 : i32 to vector<128x128xi32>
    %select_n3A_2906 = arith.select %lt3A_2902, %broadcast_in_dim3A_2905, %broadcast_in_dim3A_2884 : vector<128x128xi1>, vector<128x128xi32>
    %get3A_2907 = arith.constant 256 : index
    %get3A_2908 = arith.constant 128 : index
    %get3A_2909 = vector.load %arg4[%get3A_2907, %get3A_2908] : memref<512x8192xf32, #tpu.memory_space<vmem>>, vector<128x128xf32>
    %get3A_2910 = arith.constant 0 : index
    %get3A_2911 = arith.constant 128 : index
    %get3A_2912 = vector.load %arg5[%get3A_2910, %get3A_2911] : memref<1x8192xf32, #tpu.memory_space<vmem>>, vector<1x128xf32>
    %add3A_2913 = vector.broadcast %broadcast_in_dim3A_2880 : vector<128x1xf32> to vector<128x128xf32>
    %add3A_2914 = vector.broadcast %get3A_2912 : vector<1x128xf32> to vector<128x128xf32>
    %add3A_2915 = arith.addf %add3A_2913, %add3A_2914 : vector<128x128xf32>
    %mul3A_2916 = arith.constant 2.000000e+00 : f32
    %mul3A_2917 = vector.broadcast %mul3A_2916 : f32 to vector<128x128xf32>
    %mul3A_2918 = arith.mulf %mul3A_2917, %get3A_2909 : vector<128x128xf32>
    %sub3A_2919 = arith.subf %add3A_2915, %mul3A_2918 : vector<128x128xf32>
    %max3A_2920 = arith.constant 0.000000e+00 : f32
    %max3A_2921 = vector.broadcast %max3A_2920 : f32 to vector<128x128xf32>
    %max3A_2922 = arith.maximumf %sub3A_2919, %max3A_2921 : vector<128x128xf32>
    %sqrt3A_2923 = math.sqrt %max3A_2922 : vector<128x128xf32>
    %lt3A_2924 = arith.cmpf olt, %sqrt3A_2923, %select_n3A_2903 : vector<128x128xf32>
    %select_n3A_2925 = arith.select %lt3A_2924, %sqrt3A_2923, %select_n3A_2903 : vector<128x128xi1>, vector<128x128xf32>
    %jit3A_2926 = arith.constant 1 : i32
    %broadcast_in_dim3A_2927 = vector.broadcast %jit3A_2926 : i32 to vector<128x128xi32>
    %select_n3A_2928 = arith.select %lt3A_2924, %broadcast_in_dim3A_2927, %select_n3A_2906 : vector<128x128xi1>, vector<128x128xi32>
    %get3A_2929 = arith.constant 256 : index
    %get3A_2930 = arith.constant 256 : index
    %get3A_2931 = vector.load %arg4[%get3A_2929, %get3A_2930] : memref<512x8192xf32, #tpu.memory_space<vmem>>, vector<128x128xf32>
    %get3A_2932 = arith.constant 0 : index
    %get3A_2933 = arith.constant 256 : index
    %get3A_2934 = vector.load %arg5[%get3A_2932, %get3A_2933] : memref<1x8192xf32, #tpu.memory_space<vmem>>, vector<1x128xf32>
    %add3A_2935 = vector.broadcast %broadcast_in_dim3A_2880 : vector<128x1xf32> to vector<128x128xf32>
    %add3A_2936 = vector.broadcast %get3A_2934 : vector<1x128xf32> to vector<128x128xf32>
    %add3A_2937 = arith.addf %add3A_2935, %add3A_2936 : vector<128x128xf32>
    %mul3A_2938 = arith.constant 2.000000e+00 : f32
    %mul3A_2939 = vector.broadcast %mul3A_2938 : f32 to vector<128x128xf32>
    %mul3A_2940 = arith.mulf %mul3A_2939, %get3A_2931 : vector<128x128xf32>
    %sub3A_2941 = arith.subf %add3A_2937, %mul3A_2940 : vector<128x128xf32>
    %max3A_2942 = arith.constant 0.000000e+00 : f32
    %max3A_2943 = vector.broadcast %max3A_2942 : f32 to vector<128x128xf32>
    %max3A_2944 = arith.maximumf %sub3A_2941, %max3A_2943 : vector<128x128xf32>
    %sqrt3A_2945 = math.sqrt %max3A_2944 : vector<128x128xf32>
    %lt3A_2946 = arith.cmpf olt, %sqrt3A_2945, %select_n3A_2925 : vector<128x128xf32>
    %select_n3A_2947 = arith.select %lt3A_2946, %sqrt3A_2945, %select_n3A_2925 : vector<128x128xi1>, vector<128x128xf32>
    %jit3A_2948 = arith.constant 2 : i32
    %broadcast_in_dim3A_2949 = vector.broadcast %jit3A_2948 : i32 to vector<128x128xi32>
    %select_n3A_2950 = arith.select %lt3A_2946, %broadcast_in_dim3A_2949, %select_n3A_2928 : vector<128x128xi1>, vector<128x128xi32>
    %get3A_2951 = arith.constant 256 : index
    %get3A_2952 = arith.constant 384 : index
    %get3A_2953 = vector.load %arg4[%get3A_2951, %get3A_2952] : memref<512x8192xf32, #tpu.memory_space<vmem>>, vector<128x128xf32>
    %get3A_2954 = arith.constant 0 : index
    %get3A_2955 = arith.constant 384 : index
    %get3A_2956 = vector.load %arg5[%get3A_2954, %get3A_2955] : memref<1x8192xf32, #tpu.memory_space<vmem>>, vector<1x128xf32>
    %add3A_2957 = vector.broadcast %broadcast_in_dim3A_2880 : vector<128x1xf32> to vector<128x128xf32>
    %add3A_2958 = vector.broadcast %get3A_2956 : vector<1x128xf32> to vector<128x128xf32>
    %add3A_2959 = arith.addf %add3A_2957, %add3A_2958 : vector<128x128xf32>
    %mul3A_2960 = arith.constant 2.000000e+00 : f32
    %mul3A_2961 = vector.broadcast %mul3A_2960 : f32 to vector<128x128xf32>
    %mul3A_2962 = arith.mulf %mul3A_2961, %get3A_2953 : vector<128x128xf32>
    %sub3A_2963 = arith.subf %add3A_2959, %mul3A_2962 : vector<128x128xf32>
    %max3A_2964 = arith.constant 0.000000e+00 : f32
    %max3A_2965 = vector.broadcast %max3A_2964 : f32 to vector<128x128xf32>
    %max3A_2966 = arith.maximumf %sub3A_2963, %max3A_2965 : vector<128x128xf32>
    %sqrt3A_2967 = math.sqrt %max3A_2966 : vector<128x128xf32>
    %lt3A_2968 = arith.cmpf olt, %sqrt3A_2967, %select_n3A_2947 : vector<128x128xf32>
    %select_n3A_2969 = arith.select %lt3A_2968, %sqrt3A_2967, %select_n3A_2947 : vector<128x128xi1>, vector<128x128xf32>
    %jit3A_2970 = arith.constant 3 : i32
    %broadcast_in_dim3A_2971 = vector.broadcast %jit3A_2970 : i32 to vector<128x128xi32>
    %select_n3A_2972 = arith.select %lt3A_2968, %broadcast_in_dim3A_2971, %select_n3A_2950 : vector<128x128xi1>, vector<128x128xi32>
    %get3A_2973 = arith.constant 256 : index
    %get3A_2974 = arith.constant 512 : index
    %get3A_2975 = vector.load %arg4[%get3A_2973, %get3A_2974] : memref<512x8192xf32, #tpu.memory_space<vmem>>, vector<128x128xf32>
    %get3A_2976 = arith.constant 0 : index
    %get3A_2977 = arith.constant 512 : index
    %get3A_2978 = vector.load %arg5[%get3A_2976, %get3A_2977] : memref<1x8192xf32, #tpu.memory_space<vmem>>, vector<1x128xf32>
    %add3A_2979 = vector.broadcast %broadcast_in_dim3A_2880 : vector<128x1xf32> to vector<128x128xf32>
    %add3A_2980 = vector.broadcast %get3A_2978 : vector<1x128xf32> to vector<128x128xf32>
    %add3A_2981 = arith.addf %add3A_2979, %add3A_2980 : vector<128x128xf32>
    %mul3A_2982 = arith.constant 2.000000e+00 : f32
    %mul3A_2983 = vector.broadcast %mul3A_2982 : f32 to vector<128x128xf32>
    %mul3A_2984 = arith.mulf %mul3A_2983, %get3A_2975 : vector<128x128xf32>
    %sub3A_2985 = arith.subf %add3A_2981, %mul3A_2984 : vector<128x128xf32>
    %max3A_2986 = arith.constant 0.000000e+00 : f32
    %max3A_2987 = vector.broadcast %max3A_2986 : f32 to vector<128x128xf32>
    %max3A_2988 = arith.maximumf %sub3A_2985, %max3A_2987 : vector<128x128xf32>
    %sqrt3A_2989 = math.sqrt %max3A_2988 : vector<128x128xf32>
    %lt3A_2990 = arith.cmpf olt, %sqrt3A_2989, %select_n3A_2969 : vector<128x128xf32>
    %select_n3A_2991 = arith.select %lt3A_2990, %sqrt3A_2989, %select_n3A_2969 : vector<128x128xi1>, vector<128x128xf32>
    %jit3A_2992 = arith.constant 4 : i32
    %broadcast_in_dim3A_2993 = vector.broadcast %jit3A_2992 : i32 to vector<128x128xi32>
    %select_n3A_2994 = arith.select %lt3A_2990, %broadcast_in_dim3A_2993, %select_n3A_2972 : vector<128x128xi1>, vector<128x128xi32>
    %get3A_2995 = arith.constant 256 : index
    %get3A_2996 = arith.constant 640 : index
    %get3A_2997 = vector.load %arg4[%get3A_2995, %get3A_2996] : memref<512x8192xf32, #tpu.memory_space<vmem>>, vector<128x128xf32>
    %get3A_2998 = arith.constant 0 : index
    %get3A_2999 = arith.constant 640 : index
    %get3A_3000 = vector.load %arg5[%get3A_2998, %get3A_2999] : memref<1x8192xf32, #tpu.memory_space<vmem>>, vector<1x128xf32>
    %add3A_3001 = vector.broadcast %broadcast_in_dim3A_2880 : vector<128x1xf32> to vector<128x128xf32>
    %add3A_3002 = vector.broadcast %get3A_3000 : vector<1x128xf32> to vector<128x128xf32>
    %add3A_3003 = arith.addf %add3A_3001, %add3A_3002 : vector<128x128xf32>
    %mul3A_3004 = arith.constant 2.000000e+00 : f32
    %mul3A_3005 = vector.broadcast %mul3A_3004 : f32 to vector<128x128xf32>
    %mul3A_3006 = arith.mulf %mul3A_3005, %get3A_2997 : vector<128x128xf32>
    %sub3A_3007 = arith.subf %add3A_3003, %mul3A_3006 : vector<128x128xf32>
    %max3A_3008 = arith.constant 0.000000e+00 : f32
    %max3A_3009 = vector.broadcast %max3A_3008 : f32 to vector<128x128xf32>
    %max3A_3010 = arith.maximumf %sub3A_3007, %max3A_3009 : vector<128x128xf32>
    %sqrt3A_3011 = math.sqrt %max3A_3010 : vector<128x128xf32>
    %lt3A_3012 = arith.cmpf olt, %sqrt3A_3011, %select_n3A_2991 : vector<128x128xf32>
    %select_n3A_3013 = arith.select %lt3A_3012, %sqrt3A_3011, %select_n3A_2991 : vector<128x128xi1>, vector<128x128xf32>
    %jit3A_3014 = arith.constant 5 : i32
    %broadcast_in_dim3A_3015 = vector.broadcast %jit3A_3014 : i32 to vector<128x128xi32>
    %select_n3A_3016 = arith.select %lt3A_3012, %broadcast_in_dim3A_3015, %select_n3A_2994 : vector<128x128xi1>, vector<128x128xi32>
    %get3A_3017 = arith.constant 256 : index
    %get3A_3018 = arith.constant 768 : index
    %get3A_3019 = vector.load %arg4[%get3A_3017, %get3A_3018] : memref<512x8192xf32, #tpu.memory_space<vmem>>, vector<128x128xf32>
    %get3A_3020 = arith.constant 0 : index
    %get3A_3021 = arith.constant 768 : index
    %get3A_3022 = vector.load %arg5[%get3A_3020, %get3A_3021] : memref<1x8192xf32, #tpu.memory_space<vmem>>, vector<1x128xf32>
    %add3A_3023 = vector.broadcast %broadcast_in_dim3A_2880 : vector<128x1xf32> to vector<128x128xf32>
    %add3A_3024 = vector.broadcast %get3A_3022 : vector<1x128xf32> to vector<128x128xf32>
    %add3A_3025 = arith.addf %add3A_3023, %add3A_3024 : vector<128x128xf32>
    %mul3A_3026 = arith.constant 2.000000e+00 : f32
    %mul3A_3027 = vector.broadcast %mul3A_3026 : f32 to vector<128x128xf32>
    %mul3A_3028 = arith.mulf %mul3A_3027, %get3A_3019 : vector<128x128xf32>
    %sub3A_3029 = arith.subf %add3A_3025, %mul3A_3028 : vector<128x128xf32>
    %max3A_3030 = arith.constant 0.000000e+00 : f32
    %max3A_3031 = vector.broadcast %max3A_3030 : f32 to vector<128x128xf32>
    %max3A_3032 = arith.maximumf %sub3A_3029, %max3A_3031 : vector<128x128xf32>
    %sqrt3A_3033 = math.sqrt %max3A_3032 : vector<128x128xf32>
    %lt3A_3034 = arith.cmpf olt, %sqrt3A_3033, %select_n3A_3013 : vector<128x128xf32>
    %select_n3A_3035 = arith.select %lt3A_3034, %sqrt3A_3033, %select_n3A_3013 : vector<128x128xi1>, vector<128x128xf32>
    %jit3A_3036 = arith.constant 6 : i32
    %broadcast_in_dim3A_3037 = vector.broadcast %jit3A_3036 : i32 to vector<128x128xi32>
    %select_n3A_3038 = arith.select %lt3A_3034, %broadcast_in_dim3A_3037, %select_n3A_3016 : vector<128x128xi1>, vector<128x128xi32>
    %get3A_3039 = arith.constant 256 : index
    %get3A_3040 = arith.constant 896 : index
    %get3A_3041 = vector.load %arg4[%get3A_3039, %get3A_3040] : memref<512x8192xf32, #tpu.memory_space<vmem>>, vector<128x128xf32>
    %get3A_3042 = arith.constant 0 : index
    %get3A_3043 = arith.constant 896 : index
    %get3A_3044 = vector.load %arg5[%get3A_3042, %get3A_3043] : memref<1x8192xf32, #tpu.memory_space<vmem>>, vector<1x128xf32>
    %add3A_3045 = vector.broadcast %broadcast_in_dim3A_2880 : vector<128x1xf32> to vector<128x128xf32>
    %add3A_3046 = vector.broadcast %get3A_3044 : vector<1x128xf32> to vector<128x128xf32>
    %add3A_3047 = arith.addf %add3A_3045, %add3A_3046 : vector<128x128xf32>
    %mul3A_3048 = arith.constant 2.000000e+00 : f32
    %mul3A_3049 = vector.broadcast %mul3A_3048 : f32 to vector<128x128xf32>
    %mul3A_3050 = arith.mulf %mul3A_3049, %get3A_3041 : vector<128x128xf32>
    %sub3A_3051 = arith.subf %add3A_3047, %mul3A_3050 : vector<128x128xf32>
    %max3A_3052 = arith.constant 0.000000e+00 : f32
    %max3A_3053 = vector.broadcast %max3A_3052 : f32 to vector<128x128xf32>
    %max3A_3054 = arith.maximumf %sub3A_3051, %max3A_3053 : vector<128x128xf32>
    %sqrt3A_3055 = math.sqrt %max3A_3054 : vector<128x128xf32>
    %lt3A_3056 = arith.cmpf olt, %sqrt3A_3055, %select_n3A_3035 : vector<128x128xf32>
    %select_n3A_3057 = arith.select %lt3A_3056, %sqrt3A_3055, %select_n3A_3035 : vector<128x128xi1>, vector<128x128xf32>
    %jit3A_3058 = arith.constant 7 : i32
    %broadcast_in_dim3A_3059 = vector.broadcast %jit3A_3058 : i32 to vector<128x128xi32>
    %select_n3A_3060 = arith.select %lt3A_3056, %broadcast_in_dim3A_3059, %select_n3A_3038 : vector<128x128xi1>, vector<128x128xi32>
    %get3A_3061 = arith.constant 256 : index
    %get3A_3062 = arith.constant 1024 : index
    %get3A_3063 = vector.load %arg4[%get3A_3061, %get3A_3062] : memref<512x8192xf32, #tpu.memory_space<vmem>>, vector<128x128xf32>
    %get3A_3064 = arith.constant 0 : index
    %get3A_3065 = arith.constant 1024 : index
    %get3A_3066 = vector.load %arg5[%get3A_3064, %get3A_3065] : memref<1x8192xf32, #tpu.memory_space<vmem>>, vector<1x128xf32>
    %add3A_3067 = vector.broadcast %broadcast_in_dim3A_2880 : vector<128x1xf32> to vector<128x128xf32>
    %add3A_3068 = vector.broadcast %get3A_3066 : vector<1x128xf32> to vector<128x128xf32>
    %add3A_3069 = arith.addf %add3A_3067, %add3A_3068 : vector<128x128xf32>
    %mul3A_3070 = arith.constant 2.000000e+00 : f32
    %mul3A_3071 = vector.broadcast %mul3A_3070 : f32 to vector<128x128xf32>
    %mul3A_3072 = arith.mulf %mul3A_3071, %get3A_3063 : vector<128x128xf32>
    %sub3A_3073 = arith.subf %add3A_3069, %mul3A_3072 : vector<128x128xf32>
    %max3A_3074 = arith.constant 0.000000e+00 : f32
    %max3A_3075 = vector.broadcast %max3A_3074 : f32 to vector<128x128xf32>
    %max3A_3076 = arith.maximumf %sub3A_3073, %max3A_3075 : vector<128x128xf32>
    %sqrt3A_3077 = math.sqrt %max3A_3076 : vector<128x128xf32>
    %lt3A_3078 = arith.cmpf olt, %sqrt3A_3077, %select_n3A_3057 : vector<128x128xf32>
    %select_n3A_3079 = arith.select %lt3A_3078, %sqrt3A_3077, %select_n3A_3057 : vector<128x128xi1>, vector<128x128xf32>
    %jit3A_3080 = arith.constant 8 : i32
    %broadcast_in_dim3A_3081 = vector.broadcast %jit3A_3080 : i32 to vector<128x128xi32>
    %select_n3A_3082 = arith.select %lt3A_3078, %broadcast_in_dim3A_3081, %select_n3A_3060 : vector<128x128xi1>, vector<128x128xi32>
    %get3A_3083 = arith.constant 256 : index
    %get3A_3084 = arith.constant 1152 : index
    %get3A_3085 = vector.load %arg4[%get3A_3083, %get3A_3084] : memref<512x8192xf32, #tpu.memory_space<vmem>>, vector<128x128xf32>
    %get3A_3086 = arith.constant 0 : index
    %get3A_3087 = arith.constant 1152 : index
    %get3A_3088 = vector.load %arg5[%get3A_3086, %get3A_3087] : memref<1x8192xf32, #tpu.memory_space<vmem>>, vector<1x128xf32>
    %add3A_3089 = vector.broadcast %broadcast_in_dim3A_2880 : vector<128x1xf32> to vector<128x128xf32>
    %add3A_3090 = vector.broadcast %get3A_3088 : vector<1x128xf32> to vector<128x128xf32>
    %add3A_3091 = arith.addf %add3A_3089, %add3A_3090 : vector<128x128xf32>
    %mul3A_3092 = arith.constant 2.000000e+00 : f32
    %mul3A_3093 = vector.broadcast %mul3A_3092 : f32 to vector<128x128xf32>
    %mul3A_3094 = arith.mulf %mul3A_3093, %get3A_3085 : vector<128x128xf32>
    %sub3A_3095 = arith.subf %add3A_3091, %mul3A_3094 : vector<128x128xf32>
    %max3A_3096 = arith.constant 0.000000e+00 : f32
    %max3A_3097 = vector.broadcast %max3A_3096 : f32 to vector<128x128xf32>
    %max3A_3098 = arith.maximumf %sub3A_3095, %max3A_3097 : vector<128x128xf32>
    %sqrt3A_3099 = math.sqrt %max3A_3098 : vector<128x128xf32>
    %lt3A_3100 = arith.cmpf olt, %sqrt3A_3099, %select_n3A_3079 : vector<128x128xf32>
    %select_n3A_3101 = arith.select %lt3A_3100, %sqrt3A_3099, %select_n3A_3079 : vector<128x128xi1>, vector<128x128xf32>
    %jit3A_3102 = arith.constant 9 : i32
    %broadcast_in_dim3A_3103 = vector.broadcast %jit3A_3102 : i32 to vector<128x128xi32>
    %select_n3A_3104 = arith.select %lt3A_3100, %broadcast_in_dim3A_3103, %select_n3A_3082 : vector<128x128xi1>, vector<128x128xi32>
    %get3A_3105 = arith.constant 256 : index
    %get3A_3106 = arith.constant 1280 : index
    %get3A_3107 = vector.load %arg4[%get3A_3105, %get3A_3106] : memref<512x8192xf32, #tpu.memory_space<vmem>>, vector<128x128xf32>
    %get3A_3108 = arith.constant 0 : index
    %get3A_3109 = arith.constant 1280 : index
    %get3A_3110 = vector.load %arg5[%get3A_3108, %get3A_3109] : memref<1x8192xf32, #tpu.memory_space<vmem>>, vector<1x128xf32>
    %add3A_3111 = vector.broadcast %broadcast_in_dim3A_2880 : vector<128x1xf32> to vector<128x128xf32>
    %add3A_3112 = vector.broadcast %get3A_3110 : vector<1x128xf32> to vector<128x128xf32>
    %add3A_3113 = arith.addf %add3A_3111, %add3A_3112 : vector<128x128xf32>
    %mul3A_3114 = arith.constant 2.000000e+00 : f32
    %mul3A_3115 = vector.broadcast %mul3A_3114 : f32 to vector<128x128xf32>
    %mul3A_3116 = arith.mulf %mul3A_3115, %get3A_3107 : vector<128x128xf32>
    %sub3A_3117 = arith.subf %add3A_3113, %mul3A_3116 : vector<128x128xf32>
    %max3A_3118 = arith.constant 0.000000e+00 : f32
    %max3A_3119 = vector.broadcast %max3A_3118 : f32 to vector<128x128xf32>
    %max3A_3120 = arith.maximumf %sub3A_3117, %max3A_3119 : vector<128x128xf32>
    %sqrt3A_3121 = math.sqrt %max3A_3120 : vector<128x128xf32>
    %lt3A_3122 = arith.cmpf olt, %sqrt3A_3121, %select_n3A_3101 : vector<128x128xf32>
    %select_n3A_3123 = arith.select %lt3A_3122, %sqrt3A_3121, %select_n3A_3101 : vector<128x128xi1>, vector<128x128xf32>
    %jit3A_3124 = arith.constant 10 : i32
    %broadcast_in_dim3A_3125 = vector.broadcast %jit3A_3124 : i32 to vector<128x128xi32>
    %select_n3A_3126 = arith.select %lt3A_3122, %broadcast_in_dim3A_3125, %select_n3A_3104 : vector<128x128xi1>, vector<128x128xi32>
    %get3A_3127 = arith.constant 256 : index
    %get3A_3128 = arith.constant 1408 : index
    %get3A_3129 = vector.load %arg4[%get3A_3127, %get3A_3128] : memref<512x8192xf32, #tpu.memory_space<vmem>>, vector<128x128xf32>
    %get3A_3130 = arith.constant 0 : index
    %get3A_3131 = arith.constant 1408 : index
    %get3A_3132 = vector.load %arg5[%get3A_3130, %get3A_3131] : memref<1x8192xf32, #tpu.memory_space<vmem>>, vector<1x128xf32>
    %add3A_3133 = vector.broadcast %broadcast_in_dim3A_2880 : vector<128x1xf32> to vector<128x128xf32>
    %add3A_3134 = vector.broadcast %get3A_3132 : vector<1x128xf32> to vector<128x128xf32>
    %add3A_3135 = arith.addf %add3A_3133, %add3A_3134 : vector<128x128xf32>
    %mul3A_3136 = arith.constant 2.000000e+00 : f32
    %mul3A_3137 = vector.broadcast %mul3A_3136 : f32 to vector<128x128xf32>
    %mul3A_3138 = arith.mulf %mul3A_3137, %get3A_3129 : vector<128x128xf32>
    %sub3A_3139 = arith.subf %add3A_3135, %mul3A_3138 : vector<128x128xf32>
    %max3A_3140 = arith.constant 0.000000e+00 : f32
    %max3A_3141 = vector.broadcast %max3A_3140 : f32 to vector<128x128xf32>
    %max3A_3142 = arith.maximumf %sub3A_3139, %max3A_3141 : vector<128x128xf32>
    %sqrt3A_3143 = math.sqrt %max3A_3142 : vector<128x128xf32>
    %lt3A_3144 = arith.cmpf olt, %sqrt3A_3143, %select_n3A_3123 : vector<128x128xf32>
    %select_n3A_3145 = arith.select %lt3A_3144, %sqrt3A_3143, %select_n3A_3123 : vector<128x128xi1>, vector<128x128xf32>
    %jit3A_3146 = arith.constant 11 : i32
    %broadcast_in_dim3A_3147 = vector.broadcast %jit3A_3146 : i32 to vector<128x128xi32>
    %select_n3A_3148 = arith.select %lt3A_3144, %broadcast_in_dim3A_3147, %select_n3A_3126 : vector<128x128xi1>, vector<128x128xi32>
    %get3A_3149 = arith.constant 256 : index
    %get3A_3150 = arith.constant 1536 : index
    %get3A_3151 = vector.load %arg4[%get3A_3149, %get3A_3150] : memref<512x8192xf32, #tpu.memory_space<vmem>>, vector<128x128xf32>
    %get3A_3152 = arith.constant 0 : index
    %get3A_3153 = arith.constant 1536 : index
    %get3A_3154 = vector.load %arg5[%get3A_3152, %get3A_3153] : memref<1x8192xf32, #tpu.memory_space<vmem>>, vector<1x128xf32>
    %add3A_3155 = vector.broadcast %broadcast_in_dim3A_2880 : vector<128x1xf32> to vector<128x128xf32>
    %add3A_3156 = vector.broadcast %get3A_3154 : vector<1x128xf32> to vector<128x128xf32>
    %add3A_3157 = arith.addf %add3A_3155, %add3A_3156 : vector<128x128xf32>
    %mul3A_3158 = arith.constant 2.000000e+00 : f32
    %mul3A_3159 = vector.broadcast %mul3A_3158 : f32 to vector<128x128xf32>
    %mul3A_3160 = arith.mulf %mul3A_3159, %get3A_3151 : vector<128x128xf32>
    %sub3A_3161 = arith.subf %add3A_3157, %mul3A_3160 : vector<128x128xf32>
    %max3A_3162 = arith.constant 0.000000e+00 : f32
    %max3A_3163 = vector.broadcast %max3A_3162 : f32 to vector<128x128xf32>
    %max3A_3164 = arith.maximumf %sub3A_3161, %max3A_3163 : vector<128x128xf32>
    %sqrt3A_3165 = math.sqrt %max3A_3164 : vector<128x128xf32>
    %lt3A_3166 = arith.cmpf olt, %sqrt3A_3165, %select_n3A_3145 : vector<128x128xf32>
    %select_n3A_3167 = arith.select %lt3A_3166, %sqrt3A_3165, %select_n3A_3145 : vector<128x128xi1>, vector<128x128xf32>
    %jit3A_3168 = arith.constant 12 : i32
    %broadcast_in_dim3A_3169 = vector.broadcast %jit3A_3168 : i32 to vector<128x128xi32>
    %select_n3A_3170 = arith.select %lt3A_3166, %broadcast_in_dim3A_3169, %select_n3A_3148 : vector<128x128xi1>, vector<128x128xi32>
    %get3A_3171 = arith.constant 256 : index
    %get3A_3172 = arith.constant 1664 : index
    %get3A_3173 = vector.load %arg4[%get3A_3171, %get3A_3172] : memref<512x8192xf32, #tpu.memory_space<vmem>>, vector<128x128xf32>
    %get3A_3174 = arith.constant 0 : index
    %get3A_3175 = arith.constant 1664 : index
    %get3A_3176 = vector.load %arg5[%get3A_3174, %get3A_3175] : memref<1x8192xf32, #tpu.memory_space<vmem>>, vector<1x128xf32>
    %add3A_3177 = vector.broadcast %broadcast_in_dim3A_2880 : vector<128x1xf32> to vector<128x128xf32>
    %add3A_3178 = vector.broadcast %get3A_3176 : vector<1x128xf32> to vector<128x128xf32>
    %add3A_3179 = arith.addf %add3A_3177, %add3A_3178 : vector<128x128xf32>
    %mul3A_3180 = arith.constant 2.000000e+00 : f32
    %mul3A_3181 = vector.broadcast %mul3A_3180 : f32 to vector<128x128xf32>
    %mul3A_3182 = arith.mulf %mul3A_3181, %get3A_3173 : vector<128x128xf32>
    %sub3A_3183 = arith.subf %add3A_3179, %mul3A_3182 : vector<128x128xf32>
    %max3A_3184 = arith.constant 0.000000e+00 : f32
    %max3A_3185 = vector.broadcast %max3A_3184 : f32 to vector<128x128xf32>
    %max3A_3186 = arith.maximumf %sub3A_3183, %max3A_3185 : vector<128x128xf32>
    %sqrt3A_3187 = math.sqrt %max3A_3186 : vector<128x128xf32>
    %lt3A_3188 = arith.cmpf olt, %sqrt3A_3187, %select_n3A_3167 : vector<128x128xf32>
    %select_n3A_3189 = arith.select %lt3A_3188, %sqrt3A_3187, %select_n3A_3167 : vector<128x128xi1>, vector<128x128xf32>
    %jit3A_3190 = arith.constant 13 : i32
    %broadcast_in_dim3A_3191 = vector.broadcast %jit3A_3190 : i32 to vector<128x128xi32>
    %select_n3A_3192 = arith.select %lt3A_3188, %broadcast_in_dim3A_3191, %select_n3A_3170 : vector<128x128xi1>, vector<128x128xi32>
    %get3A_3193 = arith.constant 256 : index
    %get3A_3194 = arith.constant 1792 : index
    %get3A_3195 = vector.load %arg4[%get3A_3193, %get3A_3194] : memref<512x8192xf32, #tpu.memory_space<vmem>>, vector<128x128xf32>
    %get3A_3196 = arith.constant 0 : index
    %get3A_3197 = arith.constant 1792 : index
    %get3A_3198 = vector.load %arg5[%get3A_3196, %get3A_3197] : memref<1x8192xf32, #tpu.memory_space<vmem>>, vector<1x128xf32>
    %add3A_3199 = vector.broadcast %broadcast_in_dim3A_2880 : vector<128x1xf32> to vector<128x128xf32>
    %add3A_3200 = vector.broadcast %get3A_3198 : vector<1x128xf32> to vector<128x128xf32>
    %add3A_3201 = arith.addf %add3A_3199, %add3A_3200 : vector<128x128xf32>
    %mul3A_3202 = arith.constant 2.000000e+00 : f32
    %mul3A_3203 = vector.broadcast %mul3A_3202 : f32 to vector<128x128xf32>
    %mul3A_3204 = arith.mulf %mul3A_3203, %get3A_3195 : vector<128x128xf32>
    %sub3A_3205 = arith.subf %add3A_3201, %mul3A_3204 : vector<128x128xf32>
    %max3A_3206 = arith.constant 0.000000e+00 : f32
    %max3A_3207 = vector.broadcast %max3A_3206 : f32 to vector<128x128xf32>
    %max3A_3208 = arith.maximumf %sub3A_3205, %max3A_3207 : vector<128x128xf32>
    %sqrt3A_3209 = math.sqrt %max3A_3208 : vector<128x128xf32>
    %lt3A_3210 = arith.cmpf olt, %sqrt3A_3209, %select_n3A_3189 : vector<128x128xf32>
    %select_n3A_3211 = arith.select %lt3A_3210, %sqrt3A_3209, %select_n3A_3189 : vector<128x128xi1>, vector<128x128xf32>
    %jit3A_3212 = arith.constant 14 : i32
    %broadcast_in_dim3A_3213 = vector.broadcast %jit3A_3212 : i32 to vector<128x128xi32>
    %select_n3A_3214 = arith.select %lt3A_3210, %broadcast_in_dim3A_3213, %select_n3A_3192 : vector<128x128xi1>, vector<128x128xi32>
    %get3A_3215 = arith.constant 256 : index
    %get3A_3216 = arith.constant 1920 : index
    %get3A_3217 = vector.load %arg4[%get3A_3215, %get3A_3216] : memref<512x8192xf32, #tpu.memory_space<vmem>>, vector<128x128xf32>
    %get3A_3218 = arith.constant 0 : index
    %get3A_3219 = arith.constant 1920 : index
    %get3A_3220 = vector.load %arg5[%get3A_3218, %get3A_3219] : memref<1x8192xf32, #tpu.memory_space<vmem>>, vector<1x128xf32>
    %add3A_3221 = vector.broadcast %broadcast_in_dim3A_2880 : vector<128x1xf32> to vector<128x128xf32>
    %add3A_3222 = vector.broadcast %get3A_3220 : vector<1x128xf32> to vector<128x128xf32>
    %add3A_3223 = arith.addf %add3A_3221, %add3A_3222 : vector<128x128xf32>
    %mul3A_3224 = arith.constant 2.000000e+00 : f32
    %mul3A_3225 = vector.broadcast %mul3A_3224 : f32 to vector<128x128xf32>
    %mul3A_3226 = arith.mulf %mul3A_3225, %get3A_3217 : vector<128x128xf32>
    %sub3A_3227 = arith.subf %add3A_3223, %mul3A_3226 : vector<128x128xf32>
    %max3A_3228 = arith.constant 0.000000e+00 : f32
    %max3A_3229 = vector.broadcast %max3A_3228 : f32 to vector<128x128xf32>
    %max3A_3230 = arith.maximumf %sub3A_3227, %max3A_3229 : vector<128x128xf32>
    %sqrt3A_3231 = math.sqrt %max3A_3230 : vector<128x128xf32>
    %lt3A_3232 = arith.cmpf olt, %sqrt3A_3231, %select_n3A_3211 : vector<128x128xf32>
    %select_n3A_3233 = arith.select %lt3A_3232, %sqrt3A_3231, %select_n3A_3211 : vector<128x128xi1>, vector<128x128xf32>
    %jit3A_3234 = arith.constant 15 : i32
    %broadcast_in_dim3A_3235 = vector.broadcast %jit3A_3234 : i32 to vector<128x128xi32>
    %select_n3A_3236 = arith.select %lt3A_3232, %broadcast_in_dim3A_3235, %select_n3A_3214 : vector<128x128xi1>, vector<128x128xi32>
    %get3A_3237 = arith.constant 256 : index
    %get3A_3238 = arith.constant 2048 : index
    %get3A_3239 = vector.load %arg4[%get3A_3237, %get3A_3238] : memref<512x8192xf32, #tpu.memory_space<vmem>>, vector<128x128xf32>
    %get3A_3240 = arith.constant 0 : index
    %get3A_3241 = arith.constant 2048 : index
    %get3A_3242 = vector.load %arg5[%get3A_3240, %get3A_3241] : memref<1x8192xf32, #tpu.memory_space<vmem>>, vector<1x128xf32>
    %add3A_3243 = vector.broadcast %broadcast_in_dim3A_2880 : vector<128x1xf32> to vector<128x128xf32>
    %add3A_3244 = vector.broadcast %get3A_3242 : vector<1x128xf32> to vector<128x128xf32>
    %add3A_3245 = arith.addf %add3A_3243, %add3A_3244 : vector<128x128xf32>
    %mul3A_3246 = arith.constant 2.000000e+00 : f32
    %mul3A_3247 = vector.broadcast %mul3A_3246 : f32 to vector<128x128xf32>
    %mul3A_3248 = arith.mulf %mul3A_3247, %get3A_3239 : vector<128x128xf32>
    %sub3A_3249 = arith.subf %add3A_3245, %mul3A_3248 : vector<128x128xf32>
    %max3A_3250 = arith.constant 0.000000e+00 : f32
    %max3A_3251 = vector.broadcast %max3A_3250 : f32 to vector<128x128xf32>
    %max3A_3252 = arith.maximumf %sub3A_3249, %max3A_3251 : vector<128x128xf32>
    %sqrt3A_3253 = math.sqrt %max3A_3252 : vector<128x128xf32>
    %lt3A_3254 = arith.cmpf olt, %sqrt3A_3253, %select_n3A_3233 : vector<128x128xf32>
    %select_n3A_3255 = arith.select %lt3A_3254, %sqrt3A_3253, %select_n3A_3233 : vector<128x128xi1>, vector<128x128xf32>
    %jit3A_3256 = arith.constant 16 : i32
    %broadcast_in_dim3A_3257 = vector.broadcast %jit3A_3256 : i32 to vector<128x128xi32>
    %select_n3A_3258 = arith.select %lt3A_3254, %broadcast_in_dim3A_3257, %select_n3A_3236 : vector<128x128xi1>, vector<128x128xi32>
    %get3A_3259 = arith.constant 256 : index
    %get3A_3260 = arith.constant 2176 : index
    %get3A_3261 = vector.load %arg4[%get3A_3259, %get3A_3260] : memref<512x8192xf32, #tpu.memory_space<vmem>>, vector<128x128xf32>
    %get3A_3262 = arith.constant 0 : index
    %get3A_3263 = arith.constant 2176 : index
    %get3A_3264 = vector.load %arg5[%get3A_3262, %get3A_3263] : memref<1x8192xf32, #tpu.memory_space<vmem>>, vector<1x128xf32>
    %add3A_3265 = vector.broadcast %broadcast_in_dim3A_2880 : vector<128x1xf32> to vector<128x128xf32>
    %add3A_3266 = vector.broadcast %get3A_3264 : vector<1x128xf32> to vector<128x128xf32>
    %add3A_3267 = arith.addf %add3A_3265, %add3A_3266 : vector<128x128xf32>
    %mul3A_3268 = arith.constant 2.000000e+00 : f32
    %mul3A_3269 = vector.broadcast %mul3A_3268 : f32 to vector<128x128xf32>
    %mul3A_3270 = arith.mulf %mul3A_3269, %get3A_3261 : vector<128x128xf32>
    %sub3A_3271 = arith.subf %add3A_3267, %mul3A_3270 : vector<128x128xf32>
    %max3A_3272 = arith.constant 0.000000e+00 : f32
    %max3A_3273 = vector.broadcast %max3A_3272 : f32 to vector<128x128xf32>
    %max3A_3274 = arith.maximumf %sub3A_3271, %max3A_3273 : vector<128x128xf32>
    %sqrt3A_3275 = math.sqrt %max3A_3274 : vector<128x128xf32>
    %lt3A_3276 = arith.cmpf olt, %sqrt3A_3275, %select_n3A_3255 : vector<128x128xf32>
    %select_n3A_3277 = arith.select %lt3A_3276, %sqrt3A_3275, %select_n3A_3255 : vector<128x128xi1>, vector<128x128xf32>
    %jit3A_3278 = arith.constant 17 : i32
    %broadcast_in_dim3A_3279 = vector.broadcast %jit3A_3278 : i32 to vector<128x128xi32>
    %select_n3A_3280 = arith.select %lt3A_3276, %broadcast_in_dim3A_3279, %select_n3A_3258 : vector<128x128xi1>, vector<128x128xi32>
    %get3A_3281 = arith.constant 256 : index
    %get3A_3282 = arith.constant 2304 : index
    %get3A_3283 = vector.load %arg4[%get3A_3281, %get3A_3282] : memref<512x8192xf32, #tpu.memory_space<vmem>>, vector<128x128xf32>
    %get3A_3284 = arith.constant 0 : index
    %get3A_3285 = arith.constant 2304 : index
    %get3A_3286 = vector.load %arg5[%get3A_3284, %get3A_3285] : memref<1x8192xf32, #tpu.memory_space<vmem>>, vector<1x128xf32>
    %add3A_3287 = vector.broadcast %broadcast_in_dim3A_2880 : vector<128x1xf32> to vector<128x128xf32>
    %add3A_3288 = vector.broadcast %get3A_3286 : vector<1x128xf32> to vector<128x128xf32>
    %add3A_3289 = arith.addf %add3A_3287, %add3A_3288 : vector<128x128xf32>
    %mul3A_3290 = arith.constant 2.000000e+00 : f32
    %mul3A_3291 = vector.broadcast %mul3A_3290 : f32 to vector<128x128xf32>
    %mul3A_3292 = arith.mulf %mul3A_3291, %get3A_3283 : vector<128x128xf32>
    %sub3A_3293 = arith.subf %add3A_3289, %mul3A_3292 : vector<128x128xf32>
    %max3A_3294 = arith.constant 0.000000e+00 : f32
    %max3A_3295 = vector.broadcast %max3A_3294 : f32 to vector<128x128xf32>
    %max3A_3296 = arith.maximumf %sub3A_3293, %max3A_3295 : vector<128x128xf32>
    %sqrt3A_3297 = math.sqrt %max3A_3296 : vector<128x128xf32>
    %lt3A_3298 = arith.cmpf olt, %sqrt3A_3297, %select_n3A_3277 : vector<128x128xf32>
    %select_n3A_3299 = arith.select %lt3A_3298, %sqrt3A_3297, %select_n3A_3277 : vector<128x128xi1>, vector<128x128xf32>
    %jit3A_3300 = arith.constant 18 : i32
    %broadcast_in_dim3A_3301 = vector.broadcast %jit3A_3300 : i32 to vector<128x128xi32>
    %select_n3A_3302 = arith.select %lt3A_3298, %broadcast_in_dim3A_3301, %select_n3A_3280 : vector<128x128xi1>, vector<128x128xi32>
    %get3A_3303 = arith.constant 256 : index
    %get3A_3304 = arith.constant 2432 : index
    %get3A_3305 = vector.load %arg4[%get3A_3303, %get3A_3304] : memref<512x8192xf32, #tpu.memory_space<vmem>>, vector<128x128xf32>
    %get3A_3306 = arith.constant 0 : index
    %get3A_3307 = arith.constant 2432 : index
    %get3A_3308 = vector.load %arg5[%get3A_3306, %get3A_3307] : memref<1x8192xf32, #tpu.memory_space<vmem>>, vector<1x128xf32>
    %add3A_3309 = vector.broadcast %broadcast_in_dim3A_2880 : vector<128x1xf32> to vector<128x128xf32>
    %add3A_3310 = vector.broadcast %get3A_3308 : vector<1x128xf32> to vector<128x128xf32>
    %add3A_3311 = arith.addf %add3A_3309, %add3A_3310 : vector<128x128xf32>
    %mul3A_3312 = arith.constant 2.000000e+00 : f32
    %mul3A_3313 = vector.broadcast %mul3A_3312 : f32 to vector<128x128xf32>
    %mul3A_3314 = arith.mulf %mul3A_3313, %get3A_3305 : vector<128x128xf32>
    %sub3A_3315 = arith.subf %add3A_3311, %mul3A_3314 : vector<128x128xf32>
    %max3A_3316 = arith.constant 0.000000e+00 : f32
    %max3A_3317 = vector.broadcast %max3A_3316 : f32 to vector<128x128xf32>
    %max3A_3318 = arith.maximumf %sub3A_3315, %max3A_3317 : vector<128x128xf32>
    %sqrt3A_3319 = math.sqrt %max3A_3318 : vector<128x128xf32>
    %lt3A_3320 = arith.cmpf olt, %sqrt3A_3319, %select_n3A_3299 : vector<128x128xf32>
    %select_n3A_3321 = arith.select %lt3A_3320, %sqrt3A_3319, %select_n3A_3299 : vector<128x128xi1>, vector<128x128xf32>
    %jit3A_3322 = arith.constant 19 : i32
    %broadcast_in_dim3A_3323 = vector.broadcast %jit3A_3322 : i32 to vector<128x128xi32>
    %select_n3A_3324 = arith.select %lt3A_3320, %broadcast_in_dim3A_3323, %select_n3A_3302 : vector<128x128xi1>, vector<128x128xi32>
    %get3A_3325 = arith.constant 256 : index
    %get3A_3326 = arith.constant 2560 : index
    %get3A_3327 = vector.load %arg4[%get3A_3325, %get3A_3326] : memref<512x8192xf32, #tpu.memory_space<vmem>>, vector<128x128xf32>
    %get3A_3328 = arith.constant 0 : index
    %get3A_3329 = arith.constant 2560 : index
    %get3A_3330 = vector.load %arg5[%get3A_3328, %get3A_3329] : memref<1x8192xf32, #tpu.memory_space<vmem>>, vector<1x128xf32>
    %add3A_3331 = vector.broadcast %broadcast_in_dim3A_2880 : vector<128x1xf32> to vector<128x128xf32>
    %add3A_3332 = vector.broadcast %get3A_3330 : vector<1x128xf32> to vector<128x128xf32>
    %add3A_3333 = arith.addf %add3A_3331, %add3A_3332 : vector<128x128xf32>
    %mul3A_3334 = arith.constant 2.000000e+00 : f32
    %mul3A_3335 = vector.broadcast %mul3A_3334 : f32 to vector<128x128xf32>
    %mul3A_3336 = arith.mulf %mul3A_3335, %get3A_3327 : vector<128x128xf32>
    %sub3A_3337 = arith.subf %add3A_3333, %mul3A_3336 : vector<128x128xf32>
    %max3A_3338 = arith.constant 0.000000e+00 : f32
    %max3A_3339 = vector.broadcast %max3A_3338 : f32 to vector<128x128xf32>
    %max3A_3340 = arith.maximumf %sub3A_3337, %max3A_3339 : vector<128x128xf32>
    %sqrt3A_3341 = math.sqrt %max3A_3340 : vector<128x128xf32>
    %lt3A_3342 = arith.cmpf olt, %sqrt3A_3341, %select_n3A_3321 : vector<128x128xf32>
    %select_n3A_3343 = arith.select %lt3A_3342, %sqrt3A_3341, %select_n3A_3321 : vector<128x128xi1>, vector<128x128xf32>
    %jit3A_3344 = arith.constant 20 : i32
    %broadcast_in_dim3A_3345 = vector.broadcast %jit3A_3344 : i32 to vector<128x128xi32>
    %select_n3A_3346 = arith.select %lt3A_3342, %broadcast_in_dim3A_3345, %select_n3A_3324 : vector<128x128xi1>, vector<128x128xi32>
    %get3A_3347 = arith.constant 256 : index
    %get3A_3348 = arith.constant 2688 : index
    %get3A_3349 = vector.load %arg4[%get3A_3347, %get3A_3348] : memref<512x8192xf32, #tpu.memory_space<vmem>>, vector<128x128xf32>
    %get3A_3350 = arith.constant 0 : index
    %get3A_3351 = arith.constant 2688 : index
    %get3A_3352 = vector.load %arg5[%get3A_3350, %get3A_3351] : memref<1x8192xf32, #tpu.memory_space<vmem>>, vector<1x128xf32>
    %add3A_3353 = vector.broadcast %broadcast_in_dim3A_2880 : vector<128x1xf32> to vector<128x128xf32>
    %add3A_3354 = vector.broadcast %get3A_3352 : vector<1x128xf32> to vector<128x128xf32>
    %add3A_3355 = arith.addf %add3A_3353, %add3A_3354 : vector<128x128xf32>
    %mul3A_3356 = arith.constant 2.000000e+00 : f32
    %mul3A_3357 = vector.broadcast %mul3A_3356 : f32 to vector<128x128xf32>
    %mul3A_3358 = arith.mulf %mul3A_3357, %get3A_3349 : vector<128x128xf32>
    %sub3A_3359 = arith.subf %add3A_3355, %mul3A_3358 : vector<128x128xf32>
    %max3A_3360 = arith.constant 0.000000e+00 : f32
    %max3A_3361 = vector.broadcast %max3A_3360 : f32 to vector<128x128xf32>
    %max3A_3362 = arith.maximumf %sub3A_3359, %max3A_3361 : vector<128x128xf32>
    %sqrt3A_3363 = math.sqrt %max3A_3362 : vector<128x128xf32>
    %lt3A_3364 = arith.cmpf olt, %sqrt3A_3363, %select_n3A_3343 : vector<128x128xf32>
    %select_n3A_3365 = arith.select %lt3A_3364, %sqrt3A_3363, %select_n3A_3343 : vector<128x128xi1>, vector<128x128xf32>
    %jit3A_3366 = arith.constant 21 : i32
    %broadcast_in_dim3A_3367 = vector.broadcast %jit3A_3366 : i32 to vector<128x128xi32>
    %select_n3A_3368 = arith.select %lt3A_3364, %broadcast_in_dim3A_3367, %select_n3A_3346 : vector<128x128xi1>, vector<128x128xi32>
    %get3A_3369 = arith.constant 256 : index
    %get3A_3370 = arith.constant 2816 : index
    %get3A_3371 = vector.load %arg4[%get3A_3369, %get3A_3370] : memref<512x8192xf32, #tpu.memory_space<vmem>>, vector<128x128xf32>
    %get3A_3372 = arith.constant 0 : index
    %get3A_3373 = arith.constant 2816 : index
    %get3A_3374 = vector.load %arg5[%get3A_3372, %get3A_3373] : memref<1x8192xf32, #tpu.memory_space<vmem>>, vector<1x128xf32>
    %add3A_3375 = vector.broadcast %broadcast_in_dim3A_2880 : vector<128x1xf32> to vector<128x128xf32>
    %add3A_3376 = vector.broadcast %get3A_3374 : vector<1x128xf32> to vector<128x128xf32>
    %add3A_3377 = arith.addf %add3A_3375, %add3A_3376 : vector<128x128xf32>
    %mul3A_3378 = arith.constant 2.000000e+00 : f32
    %mul3A_3379 = vector.broadcast %mul3A_3378 : f32 to vector<128x128xf32>
    %mul3A_3380 = arith.mulf %mul3A_3379, %get3A_3371 : vector<128x128xf32>
    %sub3A_3381 = arith.subf %add3A_3377, %mul3A_3380 : vector<128x128xf32>
    %max3A_3382 = arith.constant 0.000000e+00 : f32
    %max3A_3383 = vector.broadcast %max3A_3382 : f32 to vector<128x128xf32>
    %max3A_3384 = arith.maximumf %sub3A_3381, %max3A_3383 : vector<128x128xf32>
    %sqrt3A_3385 = math.sqrt %max3A_3384 : vector<128x128xf32>
    %lt3A_3386 = arith.cmpf olt, %sqrt3A_3385, %select_n3A_3365 : vector<128x128xf32>
    %select_n3A_3387 = arith.select %lt3A_3386, %sqrt3A_3385, %select_n3A_3365 : vector<128x128xi1>, vector<128x128xf32>
    %jit3A_3388 = arith.constant 22 : i32
    %broadcast_in_dim3A_3389 = vector.broadcast %jit3A_3388 : i32 to vector<128x128xi32>
    %select_n3A_3390 = arith.select %lt3A_3386, %broadcast_in_dim3A_3389, %select_n3A_3368 : vector<128x128xi1>, vector<128x128xi32>
    %get3A_3391 = arith.constant 256 : index
    %get3A_3392 = arith.constant 2944 : index
    %get3A_3393 = vector.load %arg4[%get3A_3391, %get3A_3392] : memref<512x8192xf32, #tpu.memory_space<vmem>>, vector<128x128xf32>
    %get3A_3394 = arith.constant 0 : index
    %get3A_3395 = arith.constant 2944 : index
    %get3A_3396 = vector.load %arg5[%get3A_3394, %get3A_3395] : memref<1x8192xf32, #tpu.memory_space<vmem>>, vector<1x128xf32>
    %add3A_3397 = vector.broadcast %broadcast_in_dim3A_2880 : vector<128x1xf32> to vector<128x128xf32>
    %add3A_3398 = vector.broadcast %get3A_3396 : vector<1x128xf32> to vector<128x128xf32>
    %add3A_3399 = arith.addf %add3A_3397, %add3A_3398 : vector<128x128xf32>
    %mul3A_3400 = arith.constant 2.000000e+00 : f32
    %mul3A_3401 = vector.broadcast %mul3A_3400 : f32 to vector<128x128xf32>
    %mul3A_3402 = arith.mulf %mul3A_3401, %get3A_3393 : vector<128x128xf32>
    %sub3A_3403 = arith.subf %add3A_3399, %mul3A_3402 : vector<128x128xf32>
    %max3A_3404 = arith.constant 0.000000e+00 : f32
    %max3A_3405 = vector.broadcast %max3A_3404 : f32 to vector<128x128xf32>
    %max3A_3406 = arith.maximumf %sub3A_3403, %max3A_3405 : vector<128x128xf32>
    %sqrt3A_3407 = math.sqrt %max3A_3406 : vector<128x128xf32>
    %lt3A_3408 = arith.cmpf olt, %sqrt3A_3407, %select_n3A_3387 : vector<128x128xf32>
    %select_n3A_3409 = arith.select %lt3A_3408, %sqrt3A_3407, %select_n3A_3387 : vector<128x128xi1>, vector<128x128xf32>
    %jit3A_3410 = arith.constant 23 : i32
    %broadcast_in_dim3A_3411 = vector.broadcast %jit3A_3410 : i32 to vector<128x128xi32>
    %select_n3A_3412 = arith.select %lt3A_3408, %broadcast_in_dim3A_3411, %select_n3A_3390 : vector<128x128xi1>, vector<128x128xi32>
    %get3A_3413 = arith.constant 256 : index
    %get3A_3414 = arith.constant 3072 : index
    %get3A_3415 = vector.load %arg4[%get3A_3413, %get3A_3414] : memref<512x8192xf32, #tpu.memory_space<vmem>>, vector<128x128xf32>
    %get3A_3416 = arith.constant 0 : index
    %get3A_3417 = arith.constant 3072 : index
    %get3A_3418 = vector.load %arg5[%get3A_3416, %get3A_3417] : memref<1x8192xf32, #tpu.memory_space<vmem>>, vector<1x128xf32>
    %add3A_3419 = vector.broadcast %broadcast_in_dim3A_2880 : vector<128x1xf32> to vector<128x128xf32>
    %add3A_3420 = vector.broadcast %get3A_3418 : vector<1x128xf32> to vector<128x128xf32>
    %add3A_3421 = arith.addf %add3A_3419, %add3A_3420 : vector<128x128xf32>
    %mul3A_3422 = arith.constant 2.000000e+00 : f32
    %mul3A_3423 = vector.broadcast %mul3A_3422 : f32 to vector<128x128xf32>
    %mul3A_3424 = arith.mulf %mul3A_3423, %get3A_3415 : vector<128x128xf32>
    %sub3A_3425 = arith.subf %add3A_3421, %mul3A_3424 : vector<128x128xf32>
    %max3A_3426 = arith.constant 0.000000e+00 : f32
    %max3A_3427 = vector.broadcast %max3A_3426 : f32 to vector<128x128xf32>
    %max3A_3428 = arith.maximumf %sub3A_3425, %max3A_3427 : vector<128x128xf32>
    %sqrt3A_3429 = math.sqrt %max3A_3428 : vector<128x128xf32>
    %lt3A_3430 = arith.cmpf olt, %sqrt3A_3429, %select_n3A_3409 : vector<128x128xf32>
    %select_n3A_3431 = arith.select %lt3A_3430, %sqrt3A_3429, %select_n3A_3409 : vector<128x128xi1>, vector<128x128xf32>
    %jit3A_3432 = arith.constant 24 : i32
    %broadcast_in_dim3A_3433 = vector.broadcast %jit3A_3432 : i32 to vector<128x128xi32>
    %select_n3A_3434 = arith.select %lt3A_3430, %broadcast_in_dim3A_3433, %select_n3A_3412 : vector<128x128xi1>, vector<128x128xi32>
    %get3A_3435 = arith.constant 256 : index
    %get3A_3436 = arith.constant 3200 : index
    %get3A_3437 = vector.load %arg4[%get3A_3435, %get3A_3436] : memref<512x8192xf32, #tpu.memory_space<vmem>>, vector<128x128xf32>
    %get3A_3438 = arith.constant 0 : index
    %get3A_3439 = arith.constant 3200 : index
    %get3A_3440 = vector.load %arg5[%get3A_3438, %get3A_3439] : memref<1x8192xf32, #tpu.memory_space<vmem>>, vector<1x128xf32>
    %add3A_3441 = vector.broadcast %broadcast_in_dim3A_2880 : vector<128x1xf32> to vector<128x128xf32>
    %add3A_3442 = vector.broadcast %get3A_3440 : vector<1x128xf32> to vector<128x128xf32>
    %add3A_3443 = arith.addf %add3A_3441, %add3A_3442 : vector<128x128xf32>
    %mul3A_3444 = arith.constant 2.000000e+00 : f32
    %mul3A_3445 = vector.broadcast %mul3A_3444 : f32 to vector<128x128xf32>
    %mul3A_3446 = arith.mulf %mul3A_3445, %get3A_3437 : vector<128x128xf32>
    %sub3A_3447 = arith.subf %add3A_3443, %mul3A_3446 : vector<128x128xf32>
    %max3A_3448 = arith.constant 0.000000e+00 : f32
    %max3A_3449 = vector.broadcast %max3A_3448 : f32 to vector<128x128xf32>
    %max3A_3450 = arith.maximumf %sub3A_3447, %max3A_3449 : vector<128x128xf32>
    %sqrt3A_3451 = math.sqrt %max3A_3450 : vector<128x128xf32>
    %lt3A_3452 = arith.cmpf olt, %sqrt3A_3451, %select_n3A_3431 : vector<128x128xf32>
    %select_n3A_3453 = arith.select %lt3A_3452, %sqrt3A_3451, %select_n3A_3431 : vector<128x128xi1>, vector<128x128xf32>
    %jit3A_3454 = arith.constant 25 : i32
    %broadcast_in_dim3A_3455 = vector.broadcast %jit3A_3454 : i32 to vector<128x128xi32>
    %select_n3A_3456 = arith.select %lt3A_3452, %broadcast_in_dim3A_3455, %select_n3A_3434 : vector<128x128xi1>, vector<128x128xi32>
    %get3A_3457 = arith.constant 256 : index
    %get3A_3458 = arith.constant 3328 : index
    %get3A_3459 = vector.load %arg4[%get3A_3457, %get3A_3458] : memref<512x8192xf32, #tpu.memory_space<vmem>>, vector<128x128xf32>
    %get3A_3460 = arith.constant 0 : index
    %get3A_3461 = arith.constant 3328 : index
    %get3A_3462 = vector.load %arg5[%get3A_3460, %get3A_3461] : memref<1x8192xf32, #tpu.memory_space<vmem>>, vector<1x128xf32>
    %add3A_3463 = vector.broadcast %broadcast_in_dim3A_2880 : vector<128x1xf32> to vector<128x128xf32>
    %add3A_3464 = vector.broadcast %get3A_3462 : vector<1x128xf32> to vector<128x128xf32>
    %add3A_3465 = arith.addf %add3A_3463, %add3A_3464 : vector<128x128xf32>
    %mul3A_3466 = arith.constant 2.000000e+00 : f32
    %mul3A_3467 = vector.broadcast %mul3A_3466 : f32 to vector<128x128xf32>
    %mul3A_3468 = arith.mulf %mul3A_3467, %get3A_3459 : vector<128x128xf32>
    %sub3A_3469 = arith.subf %add3A_3465, %mul3A_3468 : vector<128x128xf32>
    %max3A_3470 = arith.constant 0.000000e+00 : f32
    %max3A_3471 = vector.broadcast %max3A_3470 : f32 to vector<128x128xf32>
    %max3A_3472 = arith.maximumf %sub3A_3469, %max3A_3471 : vector<128x128xf32>
    %sqrt3A_3473 = math.sqrt %max3A_3472 : vector<128x128xf32>
    %lt3A_3474 = arith.cmpf olt, %sqrt3A_3473, %select_n3A_3453 : vector<128x128xf32>
    %select_n3A_3475 = arith.select %lt3A_3474, %sqrt3A_3473, %select_n3A_3453 : vector<128x128xi1>, vector<128x128xf32>
    %jit3A_3476 = arith.constant 26 : i32
    %broadcast_in_dim3A_3477 = vector.broadcast %jit3A_3476 : i32 to vector<128x128xi32>
    %select_n3A_3478 = arith.select %lt3A_3474, %broadcast_in_dim3A_3477, %select_n3A_3456 : vector<128x128xi1>, vector<128x128xi32>
    %get3A_3479 = arith.constant 256 : index
    %get3A_3480 = arith.constant 3456 : index
    %get3A_3481 = vector.load %arg4[%get3A_3479, %get3A_3480] : memref<512x8192xf32, #tpu.memory_space<vmem>>, vector<128x128xf32>
    %get3A_3482 = arith.constant 0 : index
    %get3A_3483 = arith.constant 3456 : index
    %get3A_3484 = vector.load %arg5[%get3A_3482, %get3A_3483] : memref<1x8192xf32, #tpu.memory_space<vmem>>, vector<1x128xf32>
    %add3A_3485 = vector.broadcast %broadcast_in_dim3A_2880 : vector<128x1xf32> to vector<128x128xf32>
    %add3A_3486 = vector.broadcast %get3A_3484 : vector<1x128xf32> to vector<128x128xf32>
    %add3A_3487 = arith.addf %add3A_3485, %add3A_3486 : vector<128x128xf32>
    %mul3A_3488 = arith.constant 2.000000e+00 : f32
    %mul3A_3489 = vector.broadcast %mul3A_3488 : f32 to vector<128x128xf32>
    %mul3A_3490 = arith.mulf %mul3A_3489, %get3A_3481 : vector<128x128xf32>
    %sub3A_3491 = arith.subf %add3A_3487, %mul3A_3490 : vector<128x128xf32>
    %max3A_3492 = arith.constant 0.000000e+00 : f32
    %max3A_3493 = vector.broadcast %max3A_3492 : f32 to vector<128x128xf32>
    %max3A_3494 = arith.maximumf %sub3A_3491, %max3A_3493 : vector<128x128xf32>
    %sqrt3A_3495 = math.sqrt %max3A_3494 : vector<128x128xf32>
    %lt3A_3496 = arith.cmpf olt, %sqrt3A_3495, %select_n3A_3475 : vector<128x128xf32>
    %select_n3A_3497 = arith.select %lt3A_3496, %sqrt3A_3495, %select_n3A_3475 : vector<128x128xi1>, vector<128x128xf32>
    %jit3A_3498 = arith.constant 27 : i32
    %broadcast_in_dim3A_3499 = vector.broadcast %jit3A_3498 : i32 to vector<128x128xi32>
    %select_n3A_3500 = arith.select %lt3A_3496, %broadcast_in_dim3A_3499, %select_n3A_3478 : vector<128x128xi1>, vector<128x128xi32>
    %get3A_3501 = arith.constant 256 : index
    %get3A_3502 = arith.constant 3584 : index
    %get3A_3503 = vector.load %arg4[%get3A_3501, %get3A_3502] : memref<512x8192xf32, #tpu.memory_space<vmem>>, vector<128x128xf32>
    %get3A_3504 = arith.constant 0 : index
    %get3A_3505 = arith.constant 3584 : index
    %get3A_3506 = vector.load %arg5[%get3A_3504, %get3A_3505] : memref<1x8192xf32, #tpu.memory_space<vmem>>, vector<1x128xf32>
    %add3A_3507 = vector.broadcast %broadcast_in_dim3A_2880 : vector<128x1xf32> to vector<128x128xf32>
    %add3A_3508 = vector.broadcast %get3A_3506 : vector<1x128xf32> to vector<128x128xf32>
    %add3A_3509 = arith.addf %add3A_3507, %add3A_3508 : vector<128x128xf32>
    %mul3A_3510 = arith.constant 2.000000e+00 : f32
    %mul3A_3511 = vector.broadcast %mul3A_3510 : f32 to vector<128x128xf32>
    %mul3A_3512 = arith.mulf %mul3A_3511, %get3A_3503 : vector<128x128xf32>
    %sub3A_3513 = arith.subf %add3A_3509, %mul3A_3512 : vector<128x128xf32>
    %max3A_3514 = arith.constant 0.000000e+00 : f32
    %max3A_3515 = vector.broadcast %max3A_3514 : f32 to vector<128x128xf32>
    %max3A_3516 = arith.maximumf %sub3A_3513, %max3A_3515 : vector<128x128xf32>
    %sqrt3A_3517 = math.sqrt %max3A_3516 : vector<128x128xf32>
    %lt3A_3518 = arith.cmpf olt, %sqrt3A_3517, %select_n3A_3497 : vector<128x128xf32>
    %select_n3A_3519 = arith.select %lt3A_3518, %sqrt3A_3517, %select_n3A_3497 : vector<128x128xi1>, vector<128x128xf32>
    %jit3A_3520 = arith.constant 28 : i32
    %broadcast_in_dim3A_3521 = vector.broadcast %jit3A_3520 : i32 to vector<128x128xi32>
    %select_n3A_3522 = arith.select %lt3A_3518, %broadcast_in_dim3A_3521, %select_n3A_3500 : vector<128x128xi1>, vector<128x128xi32>
    %get3A_3523 = arith.constant 256 : index
    %get3A_3524 = arith.constant 3712 : index
    %get3A_3525 = vector.load %arg4[%get3A_3523, %get3A_3524] : memref<512x8192xf32, #tpu.memory_space<vmem>>, vector<128x128xf32>
    %get3A_3526 = arith.constant 0 : index
    %get3A_3527 = arith.constant 3712 : index
    %get3A_3528 = vector.load %arg5[%get3A_3526, %get3A_3527] : memref<1x8192xf32, #tpu.memory_space<vmem>>, vector<1x128xf32>
    %add3A_3529 = vector.broadcast %broadcast_in_dim3A_2880 : vector<128x1xf32> to vector<128x128xf32>
    %add3A_3530 = vector.broadcast %get3A_3528 : vector<1x128xf32> to vector<128x128xf32>
    %add3A_3531 = arith.addf %add3A_3529, %add3A_3530 : vector<128x128xf32>
    %mul3A_3532 = arith.constant 2.000000e+00 : f32
    %mul3A_3533 = vector.broadcast %mul3A_3532 : f32 to vector<128x128xf32>
    %mul3A_3534 = arith.mulf %mul3A_3533, %get3A_3525 : vector<128x128xf32>
    %sub3A_3535 = arith.subf %add3A_3531, %mul3A_3534 : vector<128x128xf32>
    %max3A_3536 = arith.constant 0.000000e+00 : f32
    %max3A_3537 = vector.broadcast %max3A_3536 : f32 to vector<128x128xf32>
    %max3A_3538 = arith.maximumf %sub3A_3535, %max3A_3537 : vector<128x128xf32>
    %sqrt3A_3539 = math.sqrt %max3A_3538 : vector<128x128xf32>
    %lt3A_3540 = arith.cmpf olt, %sqrt3A_3539, %select_n3A_3519 : vector<128x128xf32>
    %select_n3A_3541 = arith.select %lt3A_3540, %sqrt3A_3539, %select_n3A_3519 : vector<128x128xi1>, vector<128x128xf32>
    %jit3A_3542 = arith.constant 29 : i32
    %broadcast_in_dim3A_3543 = vector.broadcast %jit3A_3542 : i32 to vector<128x128xi32>
    %select_n3A_3544 = arith.select %lt3A_3540, %broadcast_in_dim3A_3543, %select_n3A_3522 : vector<128x128xi1>, vector<128x128xi32>
    %get3A_3545 = arith.constant 256 : index
    %get3A_3546 = arith.constant 3840 : index
    %get3A_3547 = vector.load %arg4[%get3A_3545, %get3A_3546] : memref<512x8192xf32, #tpu.memory_space<vmem>>, vector<128x128xf32>
    %get3A_3548 = arith.constant 0 : index
    %get3A_3549 = arith.constant 3840 : index
    %get3A_3550 = vector.load %arg5[%get3A_3548, %get3A_3549] : memref<1x8192xf32, #tpu.memory_space<vmem>>, vector<1x128xf32>
    %add3A_3551 = vector.broadcast %broadcast_in_dim3A_2880 : vector<128x1xf32> to vector<128x128xf32>
    %add3A_3552 = vector.broadcast %get3A_3550 : vector<1x128xf32> to vector<128x128xf32>
    %add3A_3553 = arith.addf %add3A_3551, %add3A_3552 : vector<128x128xf32>
    %mul3A_3554 = arith.constant 2.000000e+00 : f32
    %mul3A_3555 = vector.broadcast %mul3A_3554 : f32 to vector<128x128xf32>
    %mul3A_3556 = arith.mulf %mul3A_3555, %get3A_3547 : vector<128x128xf32>
    %sub3A_3557 = arith.subf %add3A_3553, %mul3A_3556 : vector<128x128xf32>
    %max3A_3558 = arith.constant 0.000000e+00 : f32
    %max3A_3559 = vector.broadcast %max3A_3558 : f32 to vector<128x128xf32>
    %max3A_3560 = arith.maximumf %sub3A_3557, %max3A_3559 : vector<128x128xf32>
    %sqrt3A_3561 = math.sqrt %max3A_3560 : vector<128x128xf32>
    %lt3A_3562 = arith.cmpf olt, %sqrt3A_3561, %select_n3A_3541 : vector<128x128xf32>
    %select_n3A_3563 = arith.select %lt3A_3562, %sqrt3A_3561, %select_n3A_3541 : vector<128x128xi1>, vector<128x128xf32>
    %jit3A_3564 = arith.constant 30 : i32
    %broadcast_in_dim3A_3565 = vector.broadcast %jit3A_3564 : i32 to vector<128x128xi32>
    %select_n3A_3566 = arith.select %lt3A_3562, %broadcast_in_dim3A_3565, %select_n3A_3544 : vector<128x128xi1>, vector<128x128xi32>
    %get3A_3567 = arith.constant 256 : index
    %get3A_3568 = arith.constant 3968 : index
    %get3A_3569 = vector.load %arg4[%get3A_3567, %get3A_3568] : memref<512x8192xf32, #tpu.memory_space<vmem>>, vector<128x128xf32>
    %get3A_3570 = arith.constant 0 : index
    %get3A_3571 = arith.constant 3968 : index
    %get3A_3572 = vector.load %arg5[%get3A_3570, %get3A_3571] : memref<1x8192xf32, #tpu.memory_space<vmem>>, vector<1x128xf32>
    %add3A_3573 = vector.broadcast %broadcast_in_dim3A_2880 : vector<128x1xf32> to vector<128x128xf32>
    %add3A_3574 = vector.broadcast %get3A_3572 : vector<1x128xf32> to vector<128x128xf32>
    %add3A_3575 = arith.addf %add3A_3573, %add3A_3574 : vector<128x128xf32>
    %mul3A_3576 = arith.constant 2.000000e+00 : f32
    %mul3A_3577 = vector.broadcast %mul3A_3576 : f32 to vector<128x128xf32>
    %mul3A_3578 = arith.mulf %mul3A_3577, %get3A_3569 : vector<128x128xf32>
    %sub3A_3579 = arith.subf %add3A_3575, %mul3A_3578 : vector<128x128xf32>
    %max3A_3580 = arith.constant 0.000000e+00 : f32
    %max3A_3581 = vector.broadcast %max3A_3580 : f32 to vector<128x128xf32>
    %max3A_3582 = arith.maximumf %sub3A_3579, %max3A_3581 : vector<128x128xf32>
    %sqrt3A_3583 = math.sqrt %max3A_3582 : vector<128x128xf32>
    %lt3A_3584 = arith.cmpf olt, %sqrt3A_3583, %select_n3A_3563 : vector<128x128xf32>
    %select_n3A_3585 = arith.select %lt3A_3584, %sqrt3A_3583, %select_n3A_3563 : vector<128x128xi1>, vector<128x128xf32>
    %jit3A_3586 = arith.constant 31 : i32
    %broadcast_in_dim3A_3587 = vector.broadcast %jit3A_3586 : i32 to vector<128x128xi32>
    %select_n3A_3588 = arith.select %lt3A_3584, %broadcast_in_dim3A_3587, %select_n3A_3566 : vector<128x128xi1>, vector<128x128xi32>
    %get3A_3589 = arith.constant 256 : index
    %get3A_3590 = arith.constant 4096 : index
    %get3A_3591 = vector.load %arg4[%get3A_3589, %get3A_3590] : memref<512x8192xf32, #tpu.memory_space<vmem>>, vector<128x128xf32>
    %get3A_3592 = arith.constant 0 : index
    %get3A_3593 = arith.constant 4096 : index
    %get3A_3594 = vector.load %arg5[%get3A_3592, %get3A_3593] : memref<1x8192xf32, #tpu.memory_space<vmem>>, vector<1x128xf32>
    %add3A_3595 = vector.broadcast %broadcast_in_dim3A_2880 : vector<128x1xf32> to vector<128x128xf32>
    %add3A_3596 = vector.broadcast %get3A_3594 : vector<1x128xf32> to vector<128x128xf32>
    %add3A_3597 = arith.addf %add3A_3595, %add3A_3596 : vector<128x128xf32>
    %mul3A_3598 = arith.constant 2.000000e+00 : f32
    %mul3A_3599 = vector.broadcast %mul3A_3598 : f32 to vector<128x128xf32>
    %mul3A_3600 = arith.mulf %mul3A_3599, %get3A_3591 : vector<128x128xf32>
    %sub3A_3601 = arith.subf %add3A_3597, %mul3A_3600 : vector<128x128xf32>
    %max3A_3602 = arith.constant 0.000000e+00 : f32
    %max3A_3603 = vector.broadcast %max3A_3602 : f32 to vector<128x128xf32>
    %max3A_3604 = arith.maximumf %sub3A_3601, %max3A_3603 : vector<128x128xf32>
    %sqrt3A_3605 = math.sqrt %max3A_3604 : vector<128x128xf32>
    %lt3A_3606 = arith.cmpf olt, %sqrt3A_3605, %select_n3A_3585 : vector<128x128xf32>
    %select_n3A_3607 = arith.select %lt3A_3606, %sqrt3A_3605, %select_n3A_3585 : vector<128x128xi1>, vector<128x128xf32>
    %jit3A_3608 = arith.constant 32 : i32
    %broadcast_in_dim3A_3609 = vector.broadcast %jit3A_3608 : i32 to vector<128x128xi32>
    %select_n3A_3610 = arith.select %lt3A_3606, %broadcast_in_dim3A_3609, %select_n3A_3588 : vector<128x128xi1>, vector<128x128xi32>
    %get3A_3611 = arith.constant 256 : index
    %get3A_3612 = arith.constant 4224 : index
    %get3A_3613 = vector.load %arg4[%get3A_3611, %get3A_3612] : memref<512x8192xf32, #tpu.memory_space<vmem>>, vector<128x128xf32>
    %get3A_3614 = arith.constant 0 : index
    %get3A_3615 = arith.constant 4224 : index
    %get3A_3616 = vector.load %arg5[%get3A_3614, %get3A_3615] : memref<1x8192xf32, #tpu.memory_space<vmem>>, vector<1x128xf32>
    %add3A_3617 = vector.broadcast %broadcast_in_dim3A_2880 : vector<128x1xf32> to vector<128x128xf32>
    %add3A_3618 = vector.broadcast %get3A_3616 : vector<1x128xf32> to vector<128x128xf32>
    %add3A_3619 = arith.addf %add3A_3617, %add3A_3618 : vector<128x128xf32>
    %mul3A_3620 = arith.constant 2.000000e+00 : f32
    %mul3A_3621 = vector.broadcast %mul3A_3620 : f32 to vector<128x128xf32>
    %mul3A_3622 = arith.mulf %mul3A_3621, %get3A_3613 : vector<128x128xf32>
    %sub3A_3623 = arith.subf %add3A_3619, %mul3A_3622 : vector<128x128xf32>
    %max3A_3624 = arith.constant 0.000000e+00 : f32
    %max3A_3625 = vector.broadcast %max3A_3624 : f32 to vector<128x128xf32>
    %max3A_3626 = arith.maximumf %sub3A_3623, %max3A_3625 : vector<128x128xf32>
    %sqrt3A_3627 = math.sqrt %max3A_3626 : vector<128x128xf32>
    %lt3A_3628 = arith.cmpf olt, %sqrt3A_3627, %select_n3A_3607 : vector<128x128xf32>
    %select_n3A_3629 = arith.select %lt3A_3628, %sqrt3A_3627, %select_n3A_3607 : vector<128x128xi1>, vector<128x128xf32>
    %jit3A_3630 = arith.constant 33 : i32
    %broadcast_in_dim3A_3631 = vector.broadcast %jit3A_3630 : i32 to vector<128x128xi32>
    %select_n3A_3632 = arith.select %lt3A_3628, %broadcast_in_dim3A_3631, %select_n3A_3610 : vector<128x128xi1>, vector<128x128xi32>
    %get3A_3633 = arith.constant 256 : index
    %get3A_3634 = arith.constant 4352 : index
    %get3A_3635 = vector.load %arg4[%get3A_3633, %get3A_3634] : memref<512x8192xf32, #tpu.memory_space<vmem>>, vector<128x128xf32>
    %get3A_3636 = arith.constant 0 : index
    %get3A_3637 = arith.constant 4352 : index
    %get3A_3638 = vector.load %arg5[%get3A_3636, %get3A_3637] : memref<1x8192xf32, #tpu.memory_space<vmem>>, vector<1x128xf32>
    %add3A_3639 = vector.broadcast %broadcast_in_dim3A_2880 : vector<128x1xf32> to vector<128x128xf32>
    %add3A_3640 = vector.broadcast %get3A_3638 : vector<1x128xf32> to vector<128x128xf32>
    %add3A_3641 = arith.addf %add3A_3639, %add3A_3640 : vector<128x128xf32>
    %mul3A_3642 = arith.constant 2.000000e+00 : f32
    %mul3A_3643 = vector.broadcast %mul3A_3642 : f32 to vector<128x128xf32>
    %mul3A_3644 = arith.mulf %mul3A_3643, %get3A_3635 : vector<128x128xf32>
    %sub3A_3645 = arith.subf %add3A_3641, %mul3A_3644 : vector<128x128xf32>
    %max3A_3646 = arith.constant 0.000000e+00 : f32
    %max3A_3647 = vector.broadcast %max3A_3646 : f32 to vector<128x128xf32>
    %max3A_3648 = arith.maximumf %sub3A_3645, %max3A_3647 : vector<128x128xf32>
    %sqrt3A_3649 = math.sqrt %max3A_3648 : vector<128x128xf32>
    %lt3A_3650 = arith.cmpf olt, %sqrt3A_3649, %select_n3A_3629 : vector<128x128xf32>
    %select_n3A_3651 = arith.select %lt3A_3650, %sqrt3A_3649, %select_n3A_3629 : vector<128x128xi1>, vector<128x128xf32>
    %jit3A_3652 = arith.constant 34 : i32
    %broadcast_in_dim3A_3653 = vector.broadcast %jit3A_3652 : i32 to vector<128x128xi32>
    %select_n3A_3654 = arith.select %lt3A_3650, %broadcast_in_dim3A_3653, %select_n3A_3632 : vector<128x128xi1>, vector<128x128xi32>
    %get3A_3655 = arith.constant 256 : index
    %get3A_3656 = arith.constant 4480 : index
    %get3A_3657 = vector.load %arg4[%get3A_3655, %get3A_3656] : memref<512x8192xf32, #tpu.memory_space<vmem>>, vector<128x128xf32>
    %get3A_3658 = arith.constant 0 : index
    %get3A_3659 = arith.constant 4480 : index
    %get3A_3660 = vector.load %arg5[%get3A_3658, %get3A_3659] : memref<1x8192xf32, #tpu.memory_space<vmem>>, vector<1x128xf32>
    %add3A_3661 = vector.broadcast %broadcast_in_dim3A_2880 : vector<128x1xf32> to vector<128x128xf32>
    %add3A_3662 = vector.broadcast %get3A_3660 : vector<1x128xf32> to vector<128x128xf32>
    %add3A_3663 = arith.addf %add3A_3661, %add3A_3662 : vector<128x128xf32>
    %mul3A_3664 = arith.constant 2.000000e+00 : f32
    %mul3A_3665 = vector.broadcast %mul3A_3664 : f32 to vector<128x128xf32>
    %mul3A_3666 = arith.mulf %mul3A_3665, %get3A_3657 : vector<128x128xf32>
    %sub3A_3667 = arith.subf %add3A_3663, %mul3A_3666 : vector<128x128xf32>
    %max3A_3668 = arith.constant 0.000000e+00 : f32
    %max3A_3669 = vector.broadcast %max3A_3668 : f32 to vector<128x128xf32>
    %max3A_3670 = arith.maximumf %sub3A_3667, %max3A_3669 : vector<128x128xf32>
    %sqrt3A_3671 = math.sqrt %max3A_3670 : vector<128x128xf32>
    %lt3A_3672 = arith.cmpf olt, %sqrt3A_3671, %select_n3A_3651 : vector<128x128xf32>
    %select_n3A_3673 = arith.select %lt3A_3672, %sqrt3A_3671, %select_n3A_3651 : vector<128x128xi1>, vector<128x128xf32>
    %jit3A_3674 = arith.constant 35 : i32
    %broadcast_in_dim3A_3675 = vector.broadcast %jit3A_3674 : i32 to vector<128x128xi32>
    %select_n3A_3676 = arith.select %lt3A_3672, %broadcast_in_dim3A_3675, %select_n3A_3654 : vector<128x128xi1>, vector<128x128xi32>
    %get3A_3677 = arith.constant 256 : index
    %get3A_3678 = arith.constant 4608 : index
    %get3A_3679 = vector.load %arg4[%get3A_3677, %get3A_3678] : memref<512x8192xf32, #tpu.memory_space<vmem>>, vector<128x128xf32>
    %get3A_3680 = arith.constant 0 : index
    %get3A_3681 = arith.constant 4608 : index
    %get3A_3682 = vector.load %arg5[%get3A_3680, %get3A_3681] : memref<1x8192xf32, #tpu.memory_space<vmem>>, vector<1x128xf32>
    %add3A_3683 = vector.broadcast %broadcast_in_dim3A_2880 : vector<128x1xf32> to vector<128x128xf32>
    %add3A_3684 = vector.broadcast %get3A_3682 : vector<1x128xf32> to vector<128x128xf32>
    %add3A_3685 = arith.addf %add3A_3683, %add3A_3684 : vector<128x128xf32>
    %mul3A_3686 = arith.constant 2.000000e+00 : f32
    %mul3A_3687 = vector.broadcast %mul3A_3686 : f32 to vector<128x128xf32>
    %mul3A_3688 = arith.mulf %mul3A_3687, %get3A_3679 : vector<128x128xf32>
    %sub3A_3689 = arith.subf %add3A_3685, %mul3A_3688 : vector<128x128xf32>
    %max3A_3690 = arith.constant 0.000000e+00 : f32
    %max3A_3691 = vector.broadcast %max3A_3690 : f32 to vector<128x128xf32>
    %max3A_3692 = arith.maximumf %sub3A_3689, %max3A_3691 : vector<128x128xf32>
    %sqrt3A_3693 = math.sqrt %max3A_3692 : vector<128x128xf32>
    %lt3A_3694 = arith.cmpf olt, %sqrt3A_3693, %select_n3A_3673 : vector<128x128xf32>
    %select_n3A_3695 = arith.select %lt3A_3694, %sqrt3A_3693, %select_n3A_3673 : vector<128x128xi1>, vector<128x128xf32>
    %jit3A_3696 = arith.constant 36 : i32
    %broadcast_in_dim3A_3697 = vector.broadcast %jit3A_3696 : i32 to vector<128x128xi32>
    %select_n3A_3698 = arith.select %lt3A_3694, %broadcast_in_dim3A_3697, %select_n3A_3676 : vector<128x128xi1>, vector<128x128xi32>
    %get3A_3699 = arith.constant 256 : index
    %get3A_3700 = arith.constant 4736 : index
    %get3A_3701 = vector.load %arg4[%get3A_3699, %get3A_3700] : memref<512x8192xf32, #tpu.memory_space<vmem>>, vector<128x128xf32>
    %get3A_3702 = arith.constant 0 : index
    %get3A_3703 = arith.constant 4736 : index
    %get3A_3704 = vector.load %arg5[%get3A_3702, %get3A_3703] : memref<1x8192xf32, #tpu.memory_space<vmem>>, vector<1x128xf32>
    %add3A_3705 = vector.broadcast %broadcast_in_dim3A_2880 : vector<128x1xf32> to vector<128x128xf32>
    %add3A_3706 = vector.broadcast %get3A_3704 : vector<1x128xf32> to vector<128x128xf32>
    %add3A_3707 = arith.addf %add3A_3705, %add3A_3706 : vector<128x128xf32>
    %mul3A_3708 = arith.constant 2.000000e+00 : f32
    %mul3A_3709 = vector.broadcast %mul3A_3708 : f32 to vector<128x128xf32>
    %mul3A_3710 = arith.mulf %mul3A_3709, %get3A_3701 : vector<128x128xf32>
    %sub3A_3711 = arith.subf %add3A_3707, %mul3A_3710 : vector<128x128xf32>
    %max3A_3712 = arith.constant 0.000000e+00 : f32
    %max3A_3713 = vector.broadcast %max3A_3712 : f32 to vector<128x128xf32>
    %max3A_3714 = arith.maximumf %sub3A_3711, %max3A_3713 : vector<128x128xf32>
    %sqrt3A_3715 = math.sqrt %max3A_3714 : vector<128x128xf32>
    %lt3A_3716 = arith.cmpf olt, %sqrt3A_3715, %select_n3A_3695 : vector<128x128xf32>
    %select_n3A_3717 = arith.select %lt3A_3716, %sqrt3A_3715, %select_n3A_3695 : vector<128x128xi1>, vector<128x128xf32>
    %jit3A_3718 = arith.constant 37 : i32
    %broadcast_in_dim3A_3719 = vector.broadcast %jit3A_3718 : i32 to vector<128x128xi32>
    %select_n3A_3720 = arith.select %lt3A_3716, %broadcast_in_dim3A_3719, %select_n3A_3698 : vector<128x128xi1>, vector<128x128xi32>
    %get3A_3721 = arith.constant 256 : index
    %get3A_3722 = arith.constant 4864 : index
    %get3A_3723 = vector.load %arg4[%get3A_3721, %get3A_3722] : memref<512x8192xf32, #tpu.memory_space<vmem>>, vector<128x128xf32>
    %get3A_3724 = arith.constant 0 : index
    %get3A_3725 = arith.constant 4864 : index
    %get3A_3726 = vector.load %arg5[%get3A_3724, %get3A_3725] : memref<1x8192xf32, #tpu.memory_space<vmem>>, vector<1x128xf32>
    %add3A_3727 = vector.broadcast %broadcast_in_dim3A_2880 : vector<128x1xf32> to vector<128x128xf32>
    %add3A_3728 = vector.broadcast %get3A_3726 : vector<1x128xf32> to vector<128x128xf32>
    %add3A_3729 = arith.addf %add3A_3727, %add3A_3728 : vector<128x128xf32>
    %mul3A_3730 = arith.constant 2.000000e+00 : f32
    %mul3A_3731 = vector.broadcast %mul3A_3730 : f32 to vector<128x128xf32>
    %mul3A_3732 = arith.mulf %mul3A_3731, %get3A_3723 : vector<128x128xf32>
    %sub3A_3733 = arith.subf %add3A_3729, %mul3A_3732 : vector<128x128xf32>
    %max3A_3734 = arith.constant 0.000000e+00 : f32
    %max3A_3735 = vector.broadcast %max3A_3734 : f32 to vector<128x128xf32>
    %max3A_3736 = arith.maximumf %sub3A_3733, %max3A_3735 : vector<128x128xf32>
    %sqrt3A_3737 = math.sqrt %max3A_3736 : vector<128x128xf32>
    %lt3A_3738 = arith.cmpf olt, %sqrt3A_3737, %select_n3A_3717 : vector<128x128xf32>
    %select_n3A_3739 = arith.select %lt3A_3738, %sqrt3A_3737, %select_n3A_3717 : vector<128x128xi1>, vector<128x128xf32>
    %jit3A_3740 = arith.constant 38 : i32
    %broadcast_in_dim3A_3741 = vector.broadcast %jit3A_3740 : i32 to vector<128x128xi32>
    %select_n3A_3742 = arith.select %lt3A_3738, %broadcast_in_dim3A_3741, %select_n3A_3720 : vector<128x128xi1>, vector<128x128xi32>
    %get3A_3743 = arith.constant 256 : index
    %get3A_3744 = arith.constant 4992 : index
    %get3A_3745 = vector.load %arg4[%get3A_3743, %get3A_3744] : memref<512x8192xf32, #tpu.memory_space<vmem>>, vector<128x128xf32>
    %get3A_3746 = arith.constant 0 : index
    %get3A_3747 = arith.constant 4992 : index
    %get3A_3748 = vector.load %arg5[%get3A_3746, %get3A_3747] : memref<1x8192xf32, #tpu.memory_space<vmem>>, vector<1x128xf32>
    %add3A_3749 = vector.broadcast %broadcast_in_dim3A_2880 : vector<128x1xf32> to vector<128x128xf32>
    %add3A_3750 = vector.broadcast %get3A_3748 : vector<1x128xf32> to vector<128x128xf32>
    %add3A_3751 = arith.addf %add3A_3749, %add3A_3750 : vector<128x128xf32>
    %mul3A_3752 = arith.constant 2.000000e+00 : f32
    %mul3A_3753 = vector.broadcast %mul3A_3752 : f32 to vector<128x128xf32>
    %mul3A_3754 = arith.mulf %mul3A_3753, %get3A_3745 : vector<128x128xf32>
    %sub3A_3755 = arith.subf %add3A_3751, %mul3A_3754 : vector<128x128xf32>
    %max3A_3756 = arith.constant 0.000000e+00 : f32
    %max3A_3757 = vector.broadcast %max3A_3756 : f32 to vector<128x128xf32>
    %max3A_3758 = arith.maximumf %sub3A_3755, %max3A_3757 : vector<128x128xf32>
    %sqrt3A_3759 = math.sqrt %max3A_3758 : vector<128x128xf32>
    %lt3A_3760 = arith.cmpf olt, %sqrt3A_3759, %select_n3A_3739 : vector<128x128xf32>
    %select_n3A_3761 = arith.select %lt3A_3760, %sqrt3A_3759, %select_n3A_3739 : vector<128x128xi1>, vector<128x128xf32>
    %jit3A_3762 = arith.constant 39 : i32
    %broadcast_in_dim3A_3763 = vector.broadcast %jit3A_3762 : i32 to vector<128x128xi32>
    %select_n3A_3764 = arith.select %lt3A_3760, %broadcast_in_dim3A_3763, %select_n3A_3742 : vector<128x128xi1>, vector<128x128xi32>
    %get3A_3765 = arith.constant 256 : index
    %get3A_3766 = arith.constant 5120 : index
    %get3A_3767 = vector.load %arg4[%get3A_3765, %get3A_3766] : memref<512x8192xf32, #tpu.memory_space<vmem>>, vector<128x128xf32>
    %get3A_3768 = arith.constant 0 : index
    %get3A_3769 = arith.constant 5120 : index
    %get3A_3770 = vector.load %arg5[%get3A_3768, %get3A_3769] : memref<1x8192xf32, #tpu.memory_space<vmem>>, vector<1x128xf32>
    %add3A_3771 = vector.broadcast %broadcast_in_dim3A_2880 : vector<128x1xf32> to vector<128x128xf32>
    %add3A_3772 = vector.broadcast %get3A_3770 : vector<1x128xf32> to vector<128x128xf32>
    %add3A_3773 = arith.addf %add3A_3771, %add3A_3772 : vector<128x128xf32>
    %mul3A_3774 = arith.constant 2.000000e+00 : f32
    %mul3A_3775 = vector.broadcast %mul3A_3774 : f32 to vector<128x128xf32>
    %mul3A_3776 = arith.mulf %mul3A_3775, %get3A_3767 : vector<128x128xf32>
    %sub3A_3777 = arith.subf %add3A_3773, %mul3A_3776 : vector<128x128xf32>
    %max3A_3778 = arith.constant 0.000000e+00 : f32
    %max3A_3779 = vector.broadcast %max3A_3778 : f32 to vector<128x128xf32>
    %max3A_3780 = arith.maximumf %sub3A_3777, %max3A_3779 : vector<128x128xf32>
    %sqrt3A_3781 = math.sqrt %max3A_3780 : vector<128x128xf32>
    %lt3A_3782 = arith.cmpf olt, %sqrt3A_3781, %select_n3A_3761 : vector<128x128xf32>
    %select_n3A_3783 = arith.select %lt3A_3782, %sqrt3A_3781, %select_n3A_3761 : vector<128x128xi1>, vector<128x128xf32>
    %jit3A_3784 = arith.constant 40 : i32
    %broadcast_in_dim3A_3785 = vector.broadcast %jit3A_3784 : i32 to vector<128x128xi32>
    %select_n3A_3786 = arith.select %lt3A_3782, %broadcast_in_dim3A_3785, %select_n3A_3764 : vector<128x128xi1>, vector<128x128xi32>
    %get3A_3787 = arith.constant 256 : index
    %get3A_3788 = arith.constant 5248 : index
    %get3A_3789 = vector.load %arg4[%get3A_3787, %get3A_3788] : memref<512x8192xf32, #tpu.memory_space<vmem>>, vector<128x128xf32>
    %get3A_3790 = arith.constant 0 : index
    %get3A_3791 = arith.constant 5248 : index
    %get3A_3792 = vector.load %arg5[%get3A_3790, %get3A_3791] : memref<1x8192xf32, #tpu.memory_space<vmem>>, vector<1x128xf32>
    %add3A_3793 = vector.broadcast %broadcast_in_dim3A_2880 : vector<128x1xf32> to vector<128x128xf32>
    %add3A_3794 = vector.broadcast %get3A_3792 : vector<1x128xf32> to vector<128x128xf32>
    %add3A_3795 = arith.addf %add3A_3793, %add3A_3794 : vector<128x128xf32>
    %mul3A_3796 = arith.constant 2.000000e+00 : f32
    %mul3A_3797 = vector.broadcast %mul3A_3796 : f32 to vector<128x128xf32>
    %mul3A_3798 = arith.mulf %mul3A_3797, %get3A_3789 : vector<128x128xf32>
    %sub3A_3799 = arith.subf %add3A_3795, %mul3A_3798 : vector<128x128xf32>
    %max3A_3800 = arith.constant 0.000000e+00 : f32
    %max3A_3801 = vector.broadcast %max3A_3800 : f32 to vector<128x128xf32>
    %max3A_3802 = arith.maximumf %sub3A_3799, %max3A_3801 : vector<128x128xf32>
    %sqrt3A_3803 = math.sqrt %max3A_3802 : vector<128x128xf32>
    %lt3A_3804 = arith.cmpf olt, %sqrt3A_3803, %select_n3A_3783 : vector<128x128xf32>
    %select_n3A_3805 = arith.select %lt3A_3804, %sqrt3A_3803, %select_n3A_3783 : vector<128x128xi1>, vector<128x128xf32>
    %jit3A_3806 = arith.constant 41 : i32
    %broadcast_in_dim3A_3807 = vector.broadcast %jit3A_3806 : i32 to vector<128x128xi32>
    %select_n3A_3808 = arith.select %lt3A_3804, %broadcast_in_dim3A_3807, %select_n3A_3786 : vector<128x128xi1>, vector<128x128xi32>
    %get3A_3809 = arith.constant 256 : index
    %get3A_3810 = arith.constant 5376 : index
    %get3A_3811 = vector.load %arg4[%get3A_3809, %get3A_3810] : memref<512x8192xf32, #tpu.memory_space<vmem>>, vector<128x128xf32>
    %get3A_3812 = arith.constant 0 : index
    %get3A_3813 = arith.constant 5376 : index
    %get3A_3814 = vector.load %arg5[%get3A_3812, %get3A_3813] : memref<1x8192xf32, #tpu.memory_space<vmem>>, vector<1x128xf32>
    %add3A_3815 = vector.broadcast %broadcast_in_dim3A_2880 : vector<128x1xf32> to vector<128x128xf32>
    %add3A_3816 = vector.broadcast %get3A_3814 : vector<1x128xf32> to vector<128x128xf32>
    %add3A_3817 = arith.addf %add3A_3815, %add3A_3816 : vector<128x128xf32>
    %mul3A_3818 = arith.constant 2.000000e+00 : f32
    %mul3A_3819 = vector.broadcast %mul3A_3818 : f32 to vector<128x128xf32>
    %mul3A_3820 = arith.mulf %mul3A_3819, %get3A_3811 : vector<128x128xf32>
    %sub3A_3821 = arith.subf %add3A_3817, %mul3A_3820 : vector<128x128xf32>
    %max3A_3822 = arith.constant 0.000000e+00 : f32
    %max3A_3823 = vector.broadcast %max3A_3822 : f32 to vector<128x128xf32>
    %max3A_3824 = arith.maximumf %sub3A_3821, %max3A_3823 : vector<128x128xf32>
    %sqrt3A_3825 = math.sqrt %max3A_3824 : vector<128x128xf32>
    %lt3A_3826 = arith.cmpf olt, %sqrt3A_3825, %select_n3A_3805 : vector<128x128xf32>
    %select_n3A_3827 = arith.select %lt3A_3826, %sqrt3A_3825, %select_n3A_3805 : vector<128x128xi1>, vector<128x128xf32>
    %jit3A_3828 = arith.constant 42 : i32
    %broadcast_in_dim3A_3829 = vector.broadcast %jit3A_3828 : i32 to vector<128x128xi32>
    %select_n3A_3830 = arith.select %lt3A_3826, %broadcast_in_dim3A_3829, %select_n3A_3808 : vector<128x128xi1>, vector<128x128xi32>
    %get3A_3831 = arith.constant 256 : index
    %get3A_3832 = arith.constant 5504 : index
    %get3A_3833 = vector.load %arg4[%get3A_3831, %get3A_3832] : memref<512x8192xf32, #tpu.memory_space<vmem>>, vector<128x128xf32>
    %get3A_3834 = arith.constant 0 : index
    %get3A_3835 = arith.constant 5504 : index
    %get3A_3836 = vector.load %arg5[%get3A_3834, %get3A_3835] : memref<1x8192xf32, #tpu.memory_space<vmem>>, vector<1x128xf32>
    %add3A_3837 = vector.broadcast %broadcast_in_dim3A_2880 : vector<128x1xf32> to vector<128x128xf32>
    %add3A_3838 = vector.broadcast %get3A_3836 : vector<1x128xf32> to vector<128x128xf32>
    %add3A_3839 = arith.addf %add3A_3837, %add3A_3838 : vector<128x128xf32>
    %mul3A_3840 = arith.constant 2.000000e+00 : f32
    %mul3A_3841 = vector.broadcast %mul3A_3840 : f32 to vector<128x128xf32>
    %mul3A_3842 = arith.mulf %mul3A_3841, %get3A_3833 : vector<128x128xf32>
    %sub3A_3843 = arith.subf %add3A_3839, %mul3A_3842 : vector<128x128xf32>
    %max3A_3844 = arith.constant 0.000000e+00 : f32
    %max3A_3845 = vector.broadcast %max3A_3844 : f32 to vector<128x128xf32>
    %max3A_3846 = arith.maximumf %sub3A_3843, %max3A_3845 : vector<128x128xf32>
    %sqrt3A_3847 = math.sqrt %max3A_3846 : vector<128x128xf32>
    %lt3A_3848 = arith.cmpf olt, %sqrt3A_3847, %select_n3A_3827 : vector<128x128xf32>
    %select_n3A_3849 = arith.select %lt3A_3848, %sqrt3A_3847, %select_n3A_3827 : vector<128x128xi1>, vector<128x128xf32>
    %jit3A_3850 = arith.constant 43 : i32
    %broadcast_in_dim3A_3851 = vector.broadcast %jit3A_3850 : i32 to vector<128x128xi32>
    %select_n3A_3852 = arith.select %lt3A_3848, %broadcast_in_dim3A_3851, %select_n3A_3830 : vector<128x128xi1>, vector<128x128xi32>
    %get3A_3853 = arith.constant 256 : index
    %get3A_3854 = arith.constant 5632 : index
    %get3A_3855 = vector.load %arg4[%get3A_3853, %get3A_3854] : memref<512x8192xf32, #tpu.memory_space<vmem>>, vector<128x128xf32>
    %get3A_3856 = arith.constant 0 : index
    %get3A_3857 = arith.constant 5632 : index
    %get3A_3858 = vector.load %arg5[%get3A_3856, %get3A_3857] : memref<1x8192xf32, #tpu.memory_space<vmem>>, vector<1x128xf32>
    %add3A_3859 = vector.broadcast %broadcast_in_dim3A_2880 : vector<128x1xf32> to vector<128x128xf32>
    %add3A_3860 = vector.broadcast %get3A_3858 : vector<1x128xf32> to vector<128x128xf32>
    %add3A_3861 = arith.addf %add3A_3859, %add3A_3860 : vector<128x128xf32>
    %mul3A_3862 = arith.constant 2.000000e+00 : f32
    %mul3A_3863 = vector.broadcast %mul3A_3862 : f32 to vector<128x128xf32>
    %mul3A_3864 = arith.mulf %mul3A_3863, %get3A_3855 : vector<128x128xf32>
    %sub3A_3865 = arith.subf %add3A_3861, %mul3A_3864 : vector<128x128xf32>
    %max3A_3866 = arith.constant 0.000000e+00 : f32
    %max3A_3867 = vector.broadcast %max3A_3866 : f32 to vector<128x128xf32>
    %max3A_3868 = arith.maximumf %sub3A_3865, %max3A_3867 : vector<128x128xf32>
    %sqrt3A_3869 = math.sqrt %max3A_3868 : vector<128x128xf32>
    %lt3A_3870 = arith.cmpf olt, %sqrt3A_3869, %select_n3A_3849 : vector<128x128xf32>
    %select_n3A_3871 = arith.select %lt3A_3870, %sqrt3A_3869, %select_n3A_3849 : vector<128x128xi1>, vector<128x128xf32>
    %jit3A_3872 = arith.constant 44 : i32
    %broadcast_in_dim3A_3873 = vector.broadcast %jit3A_3872 : i32 to vector<128x128xi32>
    %select_n3A_3874 = arith.select %lt3A_3870, %broadcast_in_dim3A_3873, %select_n3A_3852 : vector<128x128xi1>, vector<128x128xi32>
    %get3A_3875 = arith.constant 256 : index
    %get3A_3876 = arith.constant 5760 : index
    %get3A_3877 = vector.load %arg4[%get3A_3875, %get3A_3876] : memref<512x8192xf32, #tpu.memory_space<vmem>>, vector<128x128xf32>
    %get3A_3878 = arith.constant 0 : index
    %get3A_3879 = arith.constant 5760 : index
    %get3A_3880 = vector.load %arg5[%get3A_3878, %get3A_3879] : memref<1x8192xf32, #tpu.memory_space<vmem>>, vector<1x128xf32>
    %add3A_3881 = vector.broadcast %broadcast_in_dim3A_2880 : vector<128x1xf32> to vector<128x128xf32>
    %add3A_3882 = vector.broadcast %get3A_3880 : vector<1x128xf32> to vector<128x128xf32>
    %add3A_3883 = arith.addf %add3A_3881, %add3A_3882 : vector<128x128xf32>
    %mul3A_3884 = arith.constant 2.000000e+00 : f32
    %mul3A_3885 = vector.broadcast %mul3A_3884 : f32 to vector<128x128xf32>
    %mul3A_3886 = arith.mulf %mul3A_3885, %get3A_3877 : vector<128x128xf32>
    %sub3A_3887 = arith.subf %add3A_3883, %mul3A_3886 : vector<128x128xf32>
    %max3A_3888 = arith.constant 0.000000e+00 : f32
    %max3A_3889 = vector.broadcast %max3A_3888 : f32 to vector<128x128xf32>
    %max3A_3890 = arith.maximumf %sub3A_3887, %max3A_3889 : vector<128x128xf32>
    %sqrt3A_3891 = math.sqrt %max3A_3890 : vector<128x128xf32>
    %lt3A_3892 = arith.cmpf olt, %sqrt3A_3891, %select_n3A_3871 : vector<128x128xf32>
    %select_n3A_3893 = arith.select %lt3A_3892, %sqrt3A_3891, %select_n3A_3871 : vector<128x128xi1>, vector<128x128xf32>
    %jit3A_3894 = arith.constant 45 : i32
    %broadcast_in_dim3A_3895 = vector.broadcast %jit3A_3894 : i32 to vector<128x128xi32>
    %select_n3A_3896 = arith.select %lt3A_3892, %broadcast_in_dim3A_3895, %select_n3A_3874 : vector<128x128xi1>, vector<128x128xi32>
    %get3A_3897 = arith.constant 256 : index
    %get3A_3898 = arith.constant 5888 : index
    %get3A_3899 = vector.load %arg4[%get3A_3897, %get3A_3898] : memref<512x8192xf32, #tpu.memory_space<vmem>>, vector<128x128xf32>
    %get3A_3900 = arith.constant 0 : index
    %get3A_3901 = arith.constant 5888 : index
    %get3A_3902 = vector.load %arg5[%get3A_3900, %get3A_3901] : memref<1x8192xf32, #tpu.memory_space<vmem>>, vector<1x128xf32>
    %add3A_3903 = vector.broadcast %broadcast_in_dim3A_2880 : vector<128x1xf32> to vector<128x128xf32>
    %add3A_3904 = vector.broadcast %get3A_3902 : vector<1x128xf32> to vector<128x128xf32>
    %add3A_3905 = arith.addf %add3A_3903, %add3A_3904 : vector<128x128xf32>
    %mul3A_3906 = arith.constant 2.000000e+00 : f32
    %mul3A_3907 = vector.broadcast %mul3A_3906 : f32 to vector<128x128xf32>
    %mul3A_3908 = arith.mulf %mul3A_3907, %get3A_3899 : vector<128x128xf32>
    %sub3A_3909 = arith.subf %add3A_3905, %mul3A_3908 : vector<128x128xf32>
    %max3A_3910 = arith.constant 0.000000e+00 : f32
    %max3A_3911 = vector.broadcast %max3A_3910 : f32 to vector<128x128xf32>
    %max3A_3912 = arith.maximumf %sub3A_3909, %max3A_3911 : vector<128x128xf32>
    %sqrt3A_3913 = math.sqrt %max3A_3912 : vector<128x128xf32>
    %lt3A_3914 = arith.cmpf olt, %sqrt3A_3913, %select_n3A_3893 : vector<128x128xf32>
    %select_n3A_3915 = arith.select %lt3A_3914, %sqrt3A_3913, %select_n3A_3893 : vector<128x128xi1>, vector<128x128xf32>
    %jit3A_3916 = arith.constant 46 : i32
    %broadcast_in_dim3A_3917 = vector.broadcast %jit3A_3916 : i32 to vector<128x128xi32>
    %select_n3A_3918 = arith.select %lt3A_3914, %broadcast_in_dim3A_3917, %select_n3A_3896 : vector<128x128xi1>, vector<128x128xi32>
    %get3A_3919 = arith.constant 256 : index
    %get3A_3920 = arith.constant 6016 : index
    %get3A_3921 = vector.load %arg4[%get3A_3919, %get3A_3920] : memref<512x8192xf32, #tpu.memory_space<vmem>>, vector<128x128xf32>
    %get3A_3922 = arith.constant 0 : index
    %get3A_3923 = arith.constant 6016 : index
    %get3A_3924 = vector.load %arg5[%get3A_3922, %get3A_3923] : memref<1x8192xf32, #tpu.memory_space<vmem>>, vector<1x128xf32>
    %add3A_3925 = vector.broadcast %broadcast_in_dim3A_2880 : vector<128x1xf32> to vector<128x128xf32>
    %add3A_3926 = vector.broadcast %get3A_3924 : vector<1x128xf32> to vector<128x128xf32>
    %add3A_3927 = arith.addf %add3A_3925, %add3A_3926 : vector<128x128xf32>
    %mul3A_3928 = arith.constant 2.000000e+00 : f32
    %mul3A_3929 = vector.broadcast %mul3A_3928 : f32 to vector<128x128xf32>
    %mul3A_3930 = arith.mulf %mul3A_3929, %get3A_3921 : vector<128x128xf32>
    %sub3A_3931 = arith.subf %add3A_3927, %mul3A_3930 : vector<128x128xf32>
    %max3A_3932 = arith.constant 0.000000e+00 : f32
    %max3A_3933 = vector.broadcast %max3A_3932 : f32 to vector<128x128xf32>
    %max3A_3934 = arith.maximumf %sub3A_3931, %max3A_3933 : vector<128x128xf32>
    %sqrt3A_3935 = math.sqrt %max3A_3934 : vector<128x128xf32>
    %lt3A_3936 = arith.cmpf olt, %sqrt3A_3935, %select_n3A_3915 : vector<128x128xf32>
    %select_n3A_3937 = arith.select %lt3A_3936, %sqrt3A_3935, %select_n3A_3915 : vector<128x128xi1>, vector<128x128xf32>
    %jit3A_3938 = arith.constant 47 : i32
    %broadcast_in_dim3A_3939 = vector.broadcast %jit3A_3938 : i32 to vector<128x128xi32>
    %select_n3A_3940 = arith.select %lt3A_3936, %broadcast_in_dim3A_3939, %select_n3A_3918 : vector<128x128xi1>, vector<128x128xi32>
    %get3A_3941 = arith.constant 256 : index
    %get3A_3942 = arith.constant 6144 : index
    %get3A_3943 = vector.load %arg4[%get3A_3941, %get3A_3942] : memref<512x8192xf32, #tpu.memory_space<vmem>>, vector<128x128xf32>
    %get3A_3944 = arith.constant 0 : index
    %get3A_3945 = arith.constant 6144 : index
    %get3A_3946 = vector.load %arg5[%get3A_3944, %get3A_3945] : memref<1x8192xf32, #tpu.memory_space<vmem>>, vector<1x128xf32>
    %add3A_3947 = vector.broadcast %broadcast_in_dim3A_2880 : vector<128x1xf32> to vector<128x128xf32>
    %add3A_3948 = vector.broadcast %get3A_3946 : vector<1x128xf32> to vector<128x128xf32>
    %add3A_3949 = arith.addf %add3A_3947, %add3A_3948 : vector<128x128xf32>
    %mul3A_3950 = arith.constant 2.000000e+00 : f32
    %mul3A_3951 = vector.broadcast %mul3A_3950 : f32 to vector<128x128xf32>
    %mul3A_3952 = arith.mulf %mul3A_3951, %get3A_3943 : vector<128x128xf32>
    %sub3A_3953 = arith.subf %add3A_3949, %mul3A_3952 : vector<128x128xf32>
    %max3A_3954 = arith.constant 0.000000e+00 : f32
    %max3A_3955 = vector.broadcast %max3A_3954 : f32 to vector<128x128xf32>
    %max3A_3956 = arith.maximumf %sub3A_3953, %max3A_3955 : vector<128x128xf32>
    %sqrt3A_3957 = math.sqrt %max3A_3956 : vector<128x128xf32>
    %lt3A_3958 = arith.cmpf olt, %sqrt3A_3957, %select_n3A_3937 : vector<128x128xf32>
    %select_n3A_3959 = arith.select %lt3A_3958, %sqrt3A_3957, %select_n3A_3937 : vector<128x128xi1>, vector<128x128xf32>
    %jit3A_3960 = arith.constant 48 : i32
    %broadcast_in_dim3A_3961 = vector.broadcast %jit3A_3960 : i32 to vector<128x128xi32>
    %select_n3A_3962 = arith.select %lt3A_3958, %broadcast_in_dim3A_3961, %select_n3A_3940 : vector<128x128xi1>, vector<128x128xi32>
    %get3A_3963 = arith.constant 256 : index
    %get3A_3964 = arith.constant 6272 : index
    %get3A_3965 = vector.load %arg4[%get3A_3963, %get3A_3964] : memref<512x8192xf32, #tpu.memory_space<vmem>>, vector<128x128xf32>
    %get3A_3966 = arith.constant 0 : index
    %get3A_3967 = arith.constant 6272 : index
    %get3A_3968 = vector.load %arg5[%get3A_3966, %get3A_3967] : memref<1x8192xf32, #tpu.memory_space<vmem>>, vector<1x128xf32>
    %add3A_3969 = vector.broadcast %broadcast_in_dim3A_2880 : vector<128x1xf32> to vector<128x128xf32>
    %add3A_3970 = vector.broadcast %get3A_3968 : vector<1x128xf32> to vector<128x128xf32>
    %add3A_3971 = arith.addf %add3A_3969, %add3A_3970 : vector<128x128xf32>
    %mul3A_3972 = arith.constant 2.000000e+00 : f32
    %mul3A_3973 = vector.broadcast %mul3A_3972 : f32 to vector<128x128xf32>
    %mul3A_3974 = arith.mulf %mul3A_3973, %get3A_3965 : vector<128x128xf32>
    %sub3A_3975 = arith.subf %add3A_3971, %mul3A_3974 : vector<128x128xf32>
    %max3A_3976 = arith.constant 0.000000e+00 : f32
    %max3A_3977 = vector.broadcast %max3A_3976 : f32 to vector<128x128xf32>
    %max3A_3978 = arith.maximumf %sub3A_3975, %max3A_3977 : vector<128x128xf32>
    %sqrt3A_3979 = math.sqrt %max3A_3978 : vector<128x128xf32>
    %lt3A_3980 = arith.cmpf olt, %sqrt3A_3979, %select_n3A_3959 : vector<128x128xf32>
    %select_n3A_3981 = arith.select %lt3A_3980, %sqrt3A_3979, %select_n3A_3959 : vector<128x128xi1>, vector<128x128xf32>
    %jit3A_3982 = arith.constant 49 : i32
    %broadcast_in_dim3A_3983 = vector.broadcast %jit3A_3982 : i32 to vector<128x128xi32>
    %select_n3A_3984 = arith.select %lt3A_3980, %broadcast_in_dim3A_3983, %select_n3A_3962 : vector<128x128xi1>, vector<128x128xi32>
    %get3A_3985 = arith.constant 256 : index
    %get3A_3986 = arith.constant 6400 : index
    %get3A_3987 = vector.load %arg4[%get3A_3985, %get3A_3986] : memref<512x8192xf32, #tpu.memory_space<vmem>>, vector<128x128xf32>
    %get3A_3988 = arith.constant 0 : index
    %get3A_3989 = arith.constant 6400 : index
    %get3A_3990 = vector.load %arg5[%get3A_3988, %get3A_3989] : memref<1x8192xf32, #tpu.memory_space<vmem>>, vector<1x128xf32>
    %add3A_3991 = vector.broadcast %broadcast_in_dim3A_2880 : vector<128x1xf32> to vector<128x128xf32>
    %add3A_3992 = vector.broadcast %get3A_3990 : vector<1x128xf32> to vector<128x128xf32>
    %add3A_3993 = arith.addf %add3A_3991, %add3A_3992 : vector<128x128xf32>
    %mul3A_3994 = arith.constant 2.000000e+00 : f32
    %mul3A_3995 = vector.broadcast %mul3A_3994 : f32 to vector<128x128xf32>
    %mul3A_3996 = arith.mulf %mul3A_3995, %get3A_3987 : vector<128x128xf32>
    %sub3A_3997 = arith.subf %add3A_3993, %mul3A_3996 : vector<128x128xf32>
    %max3A_3998 = arith.constant 0.000000e+00 : f32
    %max3A_3999 = vector.broadcast %max3A_3998 : f32 to vector<128x128xf32>
    %max3A_4000 = arith.maximumf %sub3A_3997, %max3A_3999 : vector<128x128xf32>
    %sqrt3A_4001 = math.sqrt %max3A_4000 : vector<128x128xf32>
    %lt3A_4002 = arith.cmpf olt, %sqrt3A_4001, %select_n3A_3981 : vector<128x128xf32>
    %select_n3A_4003 = arith.select %lt3A_4002, %sqrt3A_4001, %select_n3A_3981 : vector<128x128xi1>, vector<128x128xf32>
    %jit3A_4004 = arith.constant 50 : i32
    %broadcast_in_dim3A_4005 = vector.broadcast %jit3A_4004 : i32 to vector<128x128xi32>
    %select_n3A_4006 = arith.select %lt3A_4002, %broadcast_in_dim3A_4005, %select_n3A_3984 : vector<128x128xi1>, vector<128x128xi32>
    %get3A_4007 = arith.constant 256 : index
    %get3A_4008 = arith.constant 6528 : index
    %get3A_4009 = vector.load %arg4[%get3A_4007, %get3A_4008] : memref<512x8192xf32, #tpu.memory_space<vmem>>, vector<128x128xf32>
    %get3A_4010 = arith.constant 0 : index
    %get3A_4011 = arith.constant 6528 : index
    %get3A_4012 = vector.load %arg5[%get3A_4010, %get3A_4011] : memref<1x8192xf32, #tpu.memory_space<vmem>>, vector<1x128xf32>
    %add3A_4013 = vector.broadcast %broadcast_in_dim3A_2880 : vector<128x1xf32> to vector<128x128xf32>
    %add3A_4014 = vector.broadcast %get3A_4012 : vector<1x128xf32> to vector<128x128xf32>
    %add3A_4015 = arith.addf %add3A_4013, %add3A_4014 : vector<128x128xf32>
    %mul3A_4016 = arith.constant 2.000000e+00 : f32
    %mul3A_4017 = vector.broadcast %mul3A_4016 : f32 to vector<128x128xf32>
    %mul3A_4018 = arith.mulf %mul3A_4017, %get3A_4009 : vector<128x128xf32>
    %sub3A_4019 = arith.subf %add3A_4015, %mul3A_4018 : vector<128x128xf32>
    %max3A_4020 = arith.constant 0.000000e+00 : f32
    %max3A_4021 = vector.broadcast %max3A_4020 : f32 to vector<128x128xf32>
    %max3A_4022 = arith.maximumf %sub3A_4019, %max3A_4021 : vector<128x128xf32>
    %sqrt3A_4023 = math.sqrt %max3A_4022 : vector<128x128xf32>
    %lt3A_4024 = arith.cmpf olt, %sqrt3A_4023, %select_n3A_4003 : vector<128x128xf32>
    %select_n3A_4025 = arith.select %lt3A_4024, %sqrt3A_4023, %select_n3A_4003 : vector<128x128xi1>, vector<128x128xf32>
    %jit3A_4026 = arith.constant 51 : i32
    %broadcast_in_dim3A_4027 = vector.broadcast %jit3A_4026 : i32 to vector<128x128xi32>
    %select_n3A_4028 = arith.select %lt3A_4024, %broadcast_in_dim3A_4027, %select_n3A_4006 : vector<128x128xi1>, vector<128x128xi32>
    %get3A_4029 = arith.constant 256 : index
    %get3A_4030 = arith.constant 6656 : index
    %get3A_4031 = vector.load %arg4[%get3A_4029, %get3A_4030] : memref<512x8192xf32, #tpu.memory_space<vmem>>, vector<128x128xf32>
    %get3A_4032 = arith.constant 0 : index
    %get3A_4033 = arith.constant 6656 : index
    %get3A_4034 = vector.load %arg5[%get3A_4032, %get3A_4033] : memref<1x8192xf32, #tpu.memory_space<vmem>>, vector<1x128xf32>
    %add3A_4035 = vector.broadcast %broadcast_in_dim3A_2880 : vector<128x1xf32> to vector<128x128xf32>
    %add3A_4036 = vector.broadcast %get3A_4034 : vector<1x128xf32> to vector<128x128xf32>
    %add3A_4037 = arith.addf %add3A_4035, %add3A_4036 : vector<128x128xf32>
    %mul3A_4038 = arith.constant 2.000000e+00 : f32
    %mul3A_4039 = vector.broadcast %mul3A_4038 : f32 to vector<128x128xf32>
    %mul3A_4040 = arith.mulf %mul3A_4039, %get3A_4031 : vector<128x128xf32>
    %sub3A_4041 = arith.subf %add3A_4037, %mul3A_4040 : vector<128x128xf32>
    %max3A_4042 = arith.constant 0.000000e+00 : f32
    %max3A_4043 = vector.broadcast %max3A_4042 : f32 to vector<128x128xf32>
    %max3A_4044 = arith.maximumf %sub3A_4041, %max3A_4043 : vector<128x128xf32>
    %sqrt3A_4045 = math.sqrt %max3A_4044 : vector<128x128xf32>
    %lt3A_4046 = arith.cmpf olt, %sqrt3A_4045, %select_n3A_4025 : vector<128x128xf32>
    %select_n3A_4047 = arith.select %lt3A_4046, %sqrt3A_4045, %select_n3A_4025 : vector<128x128xi1>, vector<128x128xf32>
    %jit3A_4048 = arith.constant 52 : i32
    %broadcast_in_dim3A_4049 = vector.broadcast %jit3A_4048 : i32 to vector<128x128xi32>
    %select_n3A_4050 = arith.select %lt3A_4046, %broadcast_in_dim3A_4049, %select_n3A_4028 : vector<128x128xi1>, vector<128x128xi32>
    %get3A_4051 = arith.constant 256 : index
    %get3A_4052 = arith.constant 6784 : index
    %get3A_4053 = vector.load %arg4[%get3A_4051, %get3A_4052] : memref<512x8192xf32, #tpu.memory_space<vmem>>, vector<128x128xf32>
    %get3A_4054 = arith.constant 0 : index
    %get3A_4055 = arith.constant 6784 : index
    %get3A_4056 = vector.load %arg5[%get3A_4054, %get3A_4055] : memref<1x8192xf32, #tpu.memory_space<vmem>>, vector<1x128xf32>
    %add3A_4057 = vector.broadcast %broadcast_in_dim3A_2880 : vector<128x1xf32> to vector<128x128xf32>
    %add3A_4058 = vector.broadcast %get3A_4056 : vector<1x128xf32> to vector<128x128xf32>
    %add3A_4059 = arith.addf %add3A_4057, %add3A_4058 : vector<128x128xf32>
    %mul3A_4060 = arith.constant 2.000000e+00 : f32
    %mul3A_4061 = vector.broadcast %mul3A_4060 : f32 to vector<128x128xf32>
    %mul3A_4062 = arith.mulf %mul3A_4061, %get3A_4053 : vector<128x128xf32>
    %sub3A_4063 = arith.subf %add3A_4059, %mul3A_4062 : vector<128x128xf32>
    %max3A_4064 = arith.constant 0.000000e+00 : f32
    %max3A_4065 = vector.broadcast %max3A_4064 : f32 to vector<128x128xf32>
    %max3A_4066 = arith.maximumf %sub3A_4063, %max3A_4065 : vector<128x128xf32>
    %sqrt3A_4067 = math.sqrt %max3A_4066 : vector<128x128xf32>
    %lt3A_4068 = arith.cmpf olt, %sqrt3A_4067, %select_n3A_4047 : vector<128x128xf32>
    %select_n3A_4069 = arith.select %lt3A_4068, %sqrt3A_4067, %select_n3A_4047 : vector<128x128xi1>, vector<128x128xf32>
    %jit3A_4070 = arith.constant 53 : i32
    %broadcast_in_dim3A_4071 = vector.broadcast %jit3A_4070 : i32 to vector<128x128xi32>
    %select_n3A_4072 = arith.select %lt3A_4068, %broadcast_in_dim3A_4071, %select_n3A_4050 : vector<128x128xi1>, vector<128x128xi32>
    %get3A_4073 = arith.constant 256 : index
    %get3A_4074 = arith.constant 6912 : index
    %get3A_4075 = vector.load %arg4[%get3A_4073, %get3A_4074] : memref<512x8192xf32, #tpu.memory_space<vmem>>, vector<128x128xf32>
    %get3A_4076 = arith.constant 0 : index
    %get3A_4077 = arith.constant 6912 : index
    %get3A_4078 = vector.load %arg5[%get3A_4076, %get3A_4077] : memref<1x8192xf32, #tpu.memory_space<vmem>>, vector<1x128xf32>
    %add3A_4079 = vector.broadcast %broadcast_in_dim3A_2880 : vector<128x1xf32> to vector<128x128xf32>
    %add3A_4080 = vector.broadcast %get3A_4078 : vector<1x128xf32> to vector<128x128xf32>
    %add3A_4081 = arith.addf %add3A_4079, %add3A_4080 : vector<128x128xf32>
    %mul3A_4082 = arith.constant 2.000000e+00 : f32
    %mul3A_4083 = vector.broadcast %mul3A_4082 : f32 to vector<128x128xf32>
    %mul3A_4084 = arith.mulf %mul3A_4083, %get3A_4075 : vector<128x128xf32>
    %sub3A_4085 = arith.subf %add3A_4081, %mul3A_4084 : vector<128x128xf32>
    %max3A_4086 = arith.constant 0.000000e+00 : f32
    %max3A_4087 = vector.broadcast %max3A_4086 : f32 to vector<128x128xf32>
    %max3A_4088 = arith.maximumf %sub3A_4085, %max3A_4087 : vector<128x128xf32>
    %sqrt3A_4089 = math.sqrt %max3A_4088 : vector<128x128xf32>
    %lt3A_4090 = arith.cmpf olt, %sqrt3A_4089, %select_n3A_4069 : vector<128x128xf32>
    %select_n3A_4091 = arith.select %lt3A_4090, %sqrt3A_4089, %select_n3A_4069 : vector<128x128xi1>, vector<128x128xf32>
    %jit3A_4092 = arith.constant 54 : i32
    %broadcast_in_dim3A_4093 = vector.broadcast %jit3A_4092 : i32 to vector<128x128xi32>
    %select_n3A_4094 = arith.select %lt3A_4090, %broadcast_in_dim3A_4093, %select_n3A_4072 : vector<128x128xi1>, vector<128x128xi32>
    %get3A_4095 = arith.constant 256 : index
    %get3A_4096 = arith.constant 7040 : index
    %get3A_4097 = vector.load %arg4[%get3A_4095, %get3A_4096] : memref<512x8192xf32, #tpu.memory_space<vmem>>, vector<128x128xf32>
    %get3A_4098 = arith.constant 0 : index
    %get3A_4099 = arith.constant 7040 : index
    %get3A_4100 = vector.load %arg5[%get3A_4098, %get3A_4099] : memref<1x8192xf32, #tpu.memory_space<vmem>>, vector<1x128xf32>
    %add3A_4101 = vector.broadcast %broadcast_in_dim3A_2880 : vector<128x1xf32> to vector<128x128xf32>
    %add3A_4102 = vector.broadcast %get3A_4100 : vector<1x128xf32> to vector<128x128xf32>
    %add3A_4103 = arith.addf %add3A_4101, %add3A_4102 : vector<128x128xf32>
    %mul3A_4104 = arith.constant 2.000000e+00 : f32
    %mul3A_4105 = vector.broadcast %mul3A_4104 : f32 to vector<128x128xf32>
    %mul3A_4106 = arith.mulf %mul3A_4105, %get3A_4097 : vector<128x128xf32>
    %sub3A_4107 = arith.subf %add3A_4103, %mul3A_4106 : vector<128x128xf32>
    %max3A_4108 = arith.constant 0.000000e+00 : f32
    %max3A_4109 = vector.broadcast %max3A_4108 : f32 to vector<128x128xf32>
    %max3A_4110 = arith.maximumf %sub3A_4107, %max3A_4109 : vector<128x128xf32>
    %sqrt3A_4111 = math.sqrt %max3A_4110 : vector<128x128xf32>
    %lt3A_4112 = arith.cmpf olt, %sqrt3A_4111, %select_n3A_4091 : vector<128x128xf32>
    %select_n3A_4113 = arith.select %lt3A_4112, %sqrt3A_4111, %select_n3A_4091 : vector<128x128xi1>, vector<128x128xf32>
    %jit3A_4114 = arith.constant 55 : i32
    %broadcast_in_dim3A_4115 = vector.broadcast %jit3A_4114 : i32 to vector<128x128xi32>
    %select_n3A_4116 = arith.select %lt3A_4112, %broadcast_in_dim3A_4115, %select_n3A_4094 : vector<128x128xi1>, vector<128x128xi32>
    %get3A_4117 = arith.constant 256 : index
    %get3A_4118 = arith.constant 7168 : index
    %get3A_4119 = vector.load %arg4[%get3A_4117, %get3A_4118] : memref<512x8192xf32, #tpu.memory_space<vmem>>, vector<128x128xf32>
    %get3A_4120 = arith.constant 0 : index
    %get3A_4121 = arith.constant 7168 : index
    %get3A_4122 = vector.load %arg5[%get3A_4120, %get3A_4121] : memref<1x8192xf32, #tpu.memory_space<vmem>>, vector<1x128xf32>
    %add3A_4123 = vector.broadcast %broadcast_in_dim3A_2880 : vector<128x1xf32> to vector<128x128xf32>
    %add3A_4124 = vector.broadcast %get3A_4122 : vector<1x128xf32> to vector<128x128xf32>
    %add3A_4125 = arith.addf %add3A_4123, %add3A_4124 : vector<128x128xf32>
    %mul3A_4126 = arith.constant 2.000000e+00 : f32
    %mul3A_4127 = vector.broadcast %mul3A_4126 : f32 to vector<128x128xf32>
    %mul3A_4128 = arith.mulf %mul3A_4127, %get3A_4119 : vector<128x128xf32>
    %sub3A_4129 = arith.subf %add3A_4125, %mul3A_4128 : vector<128x128xf32>
    %max3A_4130 = arith.constant 0.000000e+00 : f32
    %max3A_4131 = vector.broadcast %max3A_4130 : f32 to vector<128x128xf32>
    %max3A_4132 = arith.maximumf %sub3A_4129, %max3A_4131 : vector<128x128xf32>
    %sqrt3A_4133 = math.sqrt %max3A_4132 : vector<128x128xf32>
    %lt3A_4134 = arith.cmpf olt, %sqrt3A_4133, %select_n3A_4113 : vector<128x128xf32>
    %select_n3A_4135 = arith.select %lt3A_4134, %sqrt3A_4133, %select_n3A_4113 : vector<128x128xi1>, vector<128x128xf32>
    %jit3A_4136 = arith.constant 56 : i32
    %broadcast_in_dim3A_4137 = vector.broadcast %jit3A_4136 : i32 to vector<128x128xi32>
    %select_n3A_4138 = arith.select %lt3A_4134, %broadcast_in_dim3A_4137, %select_n3A_4116 : vector<128x128xi1>, vector<128x128xi32>
    %get3A_4139 = arith.constant 256 : index
    %get3A_4140 = arith.constant 7296 : index
    %get3A_4141 = vector.load %arg4[%get3A_4139, %get3A_4140] : memref<512x8192xf32, #tpu.memory_space<vmem>>, vector<128x128xf32>
    %get3A_4142 = arith.constant 0 : index
    %get3A_4143 = arith.constant 7296 : index
    %get3A_4144 = vector.load %arg5[%get3A_4142, %get3A_4143] : memref<1x8192xf32, #tpu.memory_space<vmem>>, vector<1x128xf32>
    %add3A_4145 = vector.broadcast %broadcast_in_dim3A_2880 : vector<128x1xf32> to vector<128x128xf32>
    %add3A_4146 = vector.broadcast %get3A_4144 : vector<1x128xf32> to vector<128x128xf32>
    %add3A_4147 = arith.addf %add3A_4145, %add3A_4146 : vector<128x128xf32>
    %mul3A_4148 = arith.constant 2.000000e+00 : f32
    %mul3A_4149 = vector.broadcast %mul3A_4148 : f32 to vector<128x128xf32>
    %mul3A_4150 = arith.mulf %mul3A_4149, %get3A_4141 : vector<128x128xf32>
    %sub3A_4151 = arith.subf %add3A_4147, %mul3A_4150 : vector<128x128xf32>
    %max3A_4152 = arith.constant 0.000000e+00 : f32
    %max3A_4153 = vector.broadcast %max3A_4152 : f32 to vector<128x128xf32>
    %max3A_4154 = arith.maximumf %sub3A_4151, %max3A_4153 : vector<128x128xf32>
    %sqrt3A_4155 = math.sqrt %max3A_4154 : vector<128x128xf32>
    %lt3A_4156 = arith.cmpf olt, %sqrt3A_4155, %select_n3A_4135 : vector<128x128xf32>
    %select_n3A_4157 = arith.select %lt3A_4156, %sqrt3A_4155, %select_n3A_4135 : vector<128x128xi1>, vector<128x128xf32>
    %jit3A_4158 = arith.constant 57 : i32
    %broadcast_in_dim3A_4159 = vector.broadcast %jit3A_4158 : i32 to vector<128x128xi32>
    %select_n3A_4160 = arith.select %lt3A_4156, %broadcast_in_dim3A_4159, %select_n3A_4138 : vector<128x128xi1>, vector<128x128xi32>
    %get3A_4161 = arith.constant 256 : index
    %get3A_4162 = arith.constant 7424 : index
    %get3A_4163 = vector.load %arg4[%get3A_4161, %get3A_4162] : memref<512x8192xf32, #tpu.memory_space<vmem>>, vector<128x128xf32>
    %get3A_4164 = arith.constant 0 : index
    %get3A_4165 = arith.constant 7424 : index
    %get3A_4166 = vector.load %arg5[%get3A_4164, %get3A_4165] : memref<1x8192xf32, #tpu.memory_space<vmem>>, vector<1x128xf32>
    %add3A_4167 = vector.broadcast %broadcast_in_dim3A_2880 : vector<128x1xf32> to vector<128x128xf32>
    %add3A_4168 = vector.broadcast %get3A_4166 : vector<1x128xf32> to vector<128x128xf32>
    %add3A_4169 = arith.addf %add3A_4167, %add3A_4168 : vector<128x128xf32>
    %mul3A_4170 = arith.constant 2.000000e+00 : f32
    %mul3A_4171 = vector.broadcast %mul3A_4170 : f32 to vector<128x128xf32>
    %mul3A_4172 = arith.mulf %mul3A_4171, %get3A_4163 : vector<128x128xf32>
    %sub3A_4173 = arith.subf %add3A_4169, %mul3A_4172 : vector<128x128xf32>
    %max3A_4174 = arith.constant 0.000000e+00 : f32
    %max3A_4175 = vector.broadcast %max3A_4174 : f32 to vector<128x128xf32>
    %max3A_4176 = arith.maximumf %sub3A_4173, %max3A_4175 : vector<128x128xf32>
    %sqrt3A_4177 = math.sqrt %max3A_4176 : vector<128x128xf32>
    %lt3A_4178 = arith.cmpf olt, %sqrt3A_4177, %select_n3A_4157 : vector<128x128xf32>
    %select_n3A_4179 = arith.select %lt3A_4178, %sqrt3A_4177, %select_n3A_4157 : vector<128x128xi1>, vector<128x128xf32>
    %jit3A_4180 = arith.constant 58 : i32
    %broadcast_in_dim3A_4181 = vector.broadcast %jit3A_4180 : i32 to vector<128x128xi32>
    %select_n3A_4182 = arith.select %lt3A_4178, %broadcast_in_dim3A_4181, %select_n3A_4160 : vector<128x128xi1>, vector<128x128xi32>
    %get3A_4183 = arith.constant 256 : index
    %get3A_4184 = arith.constant 7552 : index
    %get3A_4185 = vector.load %arg4[%get3A_4183, %get3A_4184] : memref<512x8192xf32, #tpu.memory_space<vmem>>, vector<128x128xf32>
    %get3A_4186 = arith.constant 0 : index
    %get3A_4187 = arith.constant 7552 : index
    %get3A_4188 = vector.load %arg5[%get3A_4186, %get3A_4187] : memref<1x8192xf32, #tpu.memory_space<vmem>>, vector<1x128xf32>
    %add3A_4189 = vector.broadcast %broadcast_in_dim3A_2880 : vector<128x1xf32> to vector<128x128xf32>
    %add3A_4190 = vector.broadcast %get3A_4188 : vector<1x128xf32> to vector<128x128xf32>
    %add3A_4191 = arith.addf %add3A_4189, %add3A_4190 : vector<128x128xf32>
    %mul3A_4192 = arith.constant 2.000000e+00 : f32
    %mul3A_4193 = vector.broadcast %mul3A_4192 : f32 to vector<128x128xf32>
    %mul3A_4194 = arith.mulf %mul3A_4193, %get3A_4185 : vector<128x128xf32>
    %sub3A_4195 = arith.subf %add3A_4191, %mul3A_4194 : vector<128x128xf32>
    %max3A_4196 = arith.constant 0.000000e+00 : f32
    %max3A_4197 = vector.broadcast %max3A_4196 : f32 to vector<128x128xf32>
    %max3A_4198 = arith.maximumf %sub3A_4195, %max3A_4197 : vector<128x128xf32>
    %sqrt3A_4199 = math.sqrt %max3A_4198 : vector<128x128xf32>
    %lt3A_4200 = arith.cmpf olt, %sqrt3A_4199, %select_n3A_4179 : vector<128x128xf32>
    %select_n3A_4201 = arith.select %lt3A_4200, %sqrt3A_4199, %select_n3A_4179 : vector<128x128xi1>, vector<128x128xf32>
    %jit3A_4202 = arith.constant 59 : i32
    %broadcast_in_dim3A_4203 = vector.broadcast %jit3A_4202 : i32 to vector<128x128xi32>
    %select_n3A_4204 = arith.select %lt3A_4200, %broadcast_in_dim3A_4203, %select_n3A_4182 : vector<128x128xi1>, vector<128x128xi32>
    %get3A_4205 = arith.constant 256 : index
    %get3A_4206 = arith.constant 7680 : index
    %get3A_4207 = vector.load %arg4[%get3A_4205, %get3A_4206] : memref<512x8192xf32, #tpu.memory_space<vmem>>, vector<128x128xf32>
    %get3A_4208 = arith.constant 0 : index
    %get3A_4209 = arith.constant 7680 : index
    %get3A_4210 = vector.load %arg5[%get3A_4208, %get3A_4209] : memref<1x8192xf32, #tpu.memory_space<vmem>>, vector<1x128xf32>
    %add3A_4211 = vector.broadcast %broadcast_in_dim3A_2880 : vector<128x1xf32> to vector<128x128xf32>
    %add3A_4212 = vector.broadcast %get3A_4210 : vector<1x128xf32> to vector<128x128xf32>
    %add3A_4213 = arith.addf %add3A_4211, %add3A_4212 : vector<128x128xf32>
    %mul3A_4214 = arith.constant 2.000000e+00 : f32
    %mul3A_4215 = vector.broadcast %mul3A_4214 : f32 to vector<128x128xf32>
    %mul3A_4216 = arith.mulf %mul3A_4215, %get3A_4207 : vector<128x128xf32>
    %sub3A_4217 = arith.subf %add3A_4213, %mul3A_4216 : vector<128x128xf32>
    %max3A_4218 = arith.constant 0.000000e+00 : f32
    %max3A_4219 = vector.broadcast %max3A_4218 : f32 to vector<128x128xf32>
    %max3A_4220 = arith.maximumf %sub3A_4217, %max3A_4219 : vector<128x128xf32>
    %sqrt3A_4221 = math.sqrt %max3A_4220 : vector<128x128xf32>
    %lt3A_4222 = arith.cmpf olt, %sqrt3A_4221, %select_n3A_4201 : vector<128x128xf32>
    %select_n3A_4223 = arith.select %lt3A_4222, %sqrt3A_4221, %select_n3A_4201 : vector<128x128xi1>, vector<128x128xf32>
    %jit3A_4224 = arith.constant 60 : i32
    %broadcast_in_dim3A_4225 = vector.broadcast %jit3A_4224 : i32 to vector<128x128xi32>
    %select_n3A_4226 = arith.select %lt3A_4222, %broadcast_in_dim3A_4225, %select_n3A_4204 : vector<128x128xi1>, vector<128x128xi32>
    %get3A_4227 = arith.constant 256 : index
    %get3A_4228 = arith.constant 7808 : index
    %get3A_4229 = vector.load %arg4[%get3A_4227, %get3A_4228] : memref<512x8192xf32, #tpu.memory_space<vmem>>, vector<128x128xf32>
    %get3A_4230 = arith.constant 0 : index
    %get3A_4231 = arith.constant 7808 : index
    %get3A_4232 = vector.load %arg5[%get3A_4230, %get3A_4231] : memref<1x8192xf32, #tpu.memory_space<vmem>>, vector<1x128xf32>
    %add3A_4233 = vector.broadcast %broadcast_in_dim3A_2880 : vector<128x1xf32> to vector<128x128xf32>
    %add3A_4234 = vector.broadcast %get3A_4232 : vector<1x128xf32> to vector<128x128xf32>
    %add3A_4235 = arith.addf %add3A_4233, %add3A_4234 : vector<128x128xf32>
    %mul3A_4236 = arith.constant 2.000000e+00 : f32
    %mul3A_4237 = vector.broadcast %mul3A_4236 : f32 to vector<128x128xf32>
    %mul3A_4238 = arith.mulf %mul3A_4237, %get3A_4229 : vector<128x128xf32>
    %sub3A_4239 = arith.subf %add3A_4235, %mul3A_4238 : vector<128x128xf32>
    %max3A_4240 = arith.constant 0.000000e+00 : f32
    %max3A_4241 = vector.broadcast %max3A_4240 : f32 to vector<128x128xf32>
    %max3A_4242 = arith.maximumf %sub3A_4239, %max3A_4241 : vector<128x128xf32>
    %sqrt3A_4243 = math.sqrt %max3A_4242 : vector<128x128xf32>
    %lt3A_4244 = arith.cmpf olt, %sqrt3A_4243, %select_n3A_4223 : vector<128x128xf32>
    %select_n3A_4245 = arith.select %lt3A_4244, %sqrt3A_4243, %select_n3A_4223 : vector<128x128xi1>, vector<128x128xf32>
    %jit3A_4246 = arith.constant 61 : i32
    %broadcast_in_dim3A_4247 = vector.broadcast %jit3A_4246 : i32 to vector<128x128xi32>
    %select_n3A_4248 = arith.select %lt3A_4244, %broadcast_in_dim3A_4247, %select_n3A_4226 : vector<128x128xi1>, vector<128x128xi32>
    %get3A_4249 = arith.constant 256 : index
    %get3A_4250 = arith.constant 7936 : index
    %get3A_4251 = vector.load %arg4[%get3A_4249, %get3A_4250] : memref<512x8192xf32, #tpu.memory_space<vmem>>, vector<128x128xf32>
    %get3A_4252 = arith.constant 0 : index
    %get3A_4253 = arith.constant 7936 : index
    %get3A_4254 = vector.load %arg5[%get3A_4252, %get3A_4253] : memref<1x8192xf32, #tpu.memory_space<vmem>>, vector<1x128xf32>
    %add3A_4255 = vector.broadcast %broadcast_in_dim3A_2880 : vector<128x1xf32> to vector<128x128xf32>
    %add3A_4256 = vector.broadcast %get3A_4254 : vector<1x128xf32> to vector<128x128xf32>
    %add3A_4257 = arith.addf %add3A_4255, %add3A_4256 : vector<128x128xf32>
    %mul3A_4258 = arith.constant 2.000000e+00 : f32
    %mul3A_4259 = vector.broadcast %mul3A_4258 : f32 to vector<128x128xf32>
    %mul3A_4260 = arith.mulf %mul3A_4259, %get3A_4251 : vector<128x128xf32>
    %sub3A_4261 = arith.subf %add3A_4257, %mul3A_4260 : vector<128x128xf32>
    %max3A_4262 = arith.constant 0.000000e+00 : f32
    %max3A_4263 = vector.broadcast %max3A_4262 : f32 to vector<128x128xf32>
    %max3A_4264 = arith.maximumf %sub3A_4261, %max3A_4263 : vector<128x128xf32>
    %sqrt3A_4265 = math.sqrt %max3A_4264 : vector<128x128xf32>
    %lt3A_4266 = arith.cmpf olt, %sqrt3A_4265, %select_n3A_4245 : vector<128x128xf32>
    %select_n3A_4267 = arith.select %lt3A_4266, %sqrt3A_4265, %select_n3A_4245 : vector<128x128xi1>, vector<128x128xf32>
    %jit3A_4268 = arith.constant 62 : i32
    %broadcast_in_dim3A_4269 = vector.broadcast %jit3A_4268 : i32 to vector<128x128xi32>
    %select_n3A_4270 = arith.select %lt3A_4266, %broadcast_in_dim3A_4269, %select_n3A_4248 : vector<128x128xi1>, vector<128x128xi32>
    %get3A_4271 = arith.constant 256 : index
    %get3A_4272 = arith.constant 8064 : index
    %get3A_4273 = vector.load %arg4[%get3A_4271, %get3A_4272] : memref<512x8192xf32, #tpu.memory_space<vmem>>, vector<128x128xf32>
    %get3A_4274 = arith.constant 0 : index
    %get3A_4275 = arith.constant 8064 : index
    %get3A_4276 = vector.load %arg5[%get3A_4274, %get3A_4275] : memref<1x8192xf32, #tpu.memory_space<vmem>>, vector<1x128xf32>
    %add3A_4277 = vector.broadcast %broadcast_in_dim3A_2880 : vector<128x1xf32> to vector<128x128xf32>
    %add3A_4278 = vector.broadcast %get3A_4276 : vector<1x128xf32> to vector<128x128xf32>
    %add3A_4279 = arith.addf %add3A_4277, %add3A_4278 : vector<128x128xf32>
    %mul3A_4280 = arith.constant 2.000000e+00 : f32
    %mul3A_4281 = vector.broadcast %mul3A_4280 : f32 to vector<128x128xf32>
    %mul3A_4282 = arith.mulf %mul3A_4281, %get3A_4273 : vector<128x128xf32>
    %sub3A_4283 = arith.subf %add3A_4279, %mul3A_4282 : vector<128x128xf32>
    %max3A_4284 = arith.constant 0.000000e+00 : f32
    %max3A_4285 = vector.broadcast %max3A_4284 : f32 to vector<128x128xf32>
    %max3A_4286 = arith.maximumf %sub3A_4283, %max3A_4285 : vector<128x128xf32>
    %sqrt3A_4287 = math.sqrt %max3A_4286 : vector<128x128xf32>
    %lt3A_4288 = arith.cmpf olt, %sqrt3A_4287, %select_n3A_4267 : vector<128x128xf32>
    %select_n3A_4289 = arith.select %lt3A_4288, %sqrt3A_4287, %select_n3A_4267 : vector<128x128xi1>, vector<128x128xf32>
    %jit3A_4290 = arith.constant 63 : i32
    %broadcast_in_dim3A_4291 = vector.broadcast %jit3A_4290 : i32 to vector<128x128xi32>
    %select_n3A_4292 = arith.select %lt3A_4288, %broadcast_in_dim3A_4291, %select_n3A_4270 : vector<128x128xi1>, vector<128x128xi32>
    %reduce_min3A_4293 = arith.constant dense<0x7F800000> : vector<128xf32>
    %reduce_min3A_4294 = vector.multi_reduction <minimumf>, %select_n3A_4289, %reduce_min3A_4293 [1] : vector<128x128xf32> to vector<128xf32>
    %broadcast_in_dim3A_4295 = vector.shape_cast %reduce_min3A_4294 : vector<128xf32> to vector<128x1xf32>
    %iota3A_4296 = tpu.iota {dimensions = array<i32: 1>} : vector<128x128xi32>
    %eq3A_4297 = vector.broadcast %broadcast_in_dim3A_4295 : vector<128x1xf32> to vector<128x128xf32>
    %eq3A_4298 = arith.cmpf oeq, %select_n3A_4289, %eq3A_4297 : vector<128x128xf32>
    %mul3A_4299 = arith.constant 128 : i32
    %mul3A_4300 = vector.broadcast %mul3A_4299 : i32 to vector<128x128xi32>
    %mul3A_4301 = arith.muli %select_n3A_4292, %mul3A_4300 : vector<128x128xi32>
    %add3A_4302 = arith.addi %mul3A_4301, %iota3A_4296 : vector<128x128xi32>
    %jit3A_4303 = arith.constant 1073741824 : i32
    %broadcast_in_dim3A_4304 = vector.broadcast %jit3A_4303 : i32 to vector<128x128xi32>
    %select_n3A_4305 = arith.select %eq3A_4298, %add3A_4302, %broadcast_in_dim3A_4304 : vector<128x128xi1>, vector<128x128xi32>
    %reduce_min3A_4306 = arith.constant dense<2147483647> : vector<128xi32>
    %reduce_min3A_4307 = vector.multi_reduction <minsi>, %select_n3A_4305, %reduce_min3A_4306 [1] : vector<128x128xi32> to vector<128xi32>
    %broadcast_in_dim3A_4308 = vector.shape_cast %reduce_min3A_4307 : vector<128xi32> to vector<128x1xi32>
    %swap3A_4309 = arith.constant 256 : index
    %swap3A_4310 = arith.constant 0 : index
    %swap3A_4311 = vector.load %arg3[%swap3A_4309, %swap3A_4310] : memref<512x1xi32, #tpu.memory_space<vmem>>, vector<128x1xi32>
    tpu.vector_store %arg3[%swap3A_4309, %swap3A_4310], %broadcast_in_dim3A_4308 {strides = array<i32>} : memref<512x1xi32, #tpu.memory_space<vmem>>, vector<128x1xi32>,
    %get3A_4312 = arith.constant 384 : index
    %get3A_4313 = arith.constant 0 : index
    %get3A_4314 = vector.load %arg1[%get3A_4312, %get3A_4313] : memref<512x192xf32, #tpu.memory_space<vmem>>, vector<128x192xf32>
    %mul3A_4315 = arith.mulf %get3A_4314, %get3A_4314 : vector<128x192xf32>
    %reduce_sum3A_4316 = arith.constant dense<0.000000e+00> : vector<128xf32>
    %reduce_sum3A_4317 = vector.multi_reduction <add>, %mul3A_4315, %reduce_sum3A_4316 [1] : vector<128x192xf32> to vector<128xf32>
    %broadcast_in_dim3A_4318 = vector.shape_cast %reduce_sum3A_4317 : vector<128xf32> to vector<128x1xf32>
    %broadcast_in_dim3A_4319 = arith.constant 0x7F800000 : f32
    %broadcast_in_dim3A_4320 = vector.broadcast %broadcast_in_dim3A_4319 : f32 to vector<128x128xf32>
    %broadcast_in_dim3A_4321 = arith.constant 0 : i32
    %broadcast_in_dim3A_4322 = vector.broadcast %broadcast_in_dim3A_4321 : i32 to vector<128x128xi32>
    %get3A_4323 = arith.constant 384 : index
    %get3A_4324 = arith.constant 0 : index
    %get3A_4325 = vector.load %arg4[%get3A_4323, %get3A_4324] : memref<512x8192xf32, #tpu.memory_space<vmem>>, vector<128x128xf32>
    %get3A_4326 = arith.constant 0 : index
    %get3A_4327 = arith.constant 0 : index
    %get3A_4328 = vector.load %arg5[%get3A_4326, %get3A_4327] : memref<1x8192xf32, #tpu.memory_space<vmem>>, vector<1x128xf32>
    %add3A_4329 = vector.broadcast %broadcast_in_dim3A_4318 : vector<128x1xf32> to vector<128x128xf32>
    %add3A_4330 = vector.broadcast %get3A_4328 : vector<1x128xf32> to vector<128x128xf32>
    %add3A_4331 = arith.addf %add3A_4329, %add3A_4330 : vector<128x128xf32>
    %mul3A_4332 = arith.constant 2.000000e+00 : f32
    %mul3A_4333 = vector.broadcast %mul3A_4332 : f32 to vector<128x128xf32>
    %mul3A_4334 = arith.mulf %mul3A_4333, %get3A_4325 : vector<128x128xf32>
    %sub3A_4335 = arith.subf %add3A_4331, %mul3A_4334 : vector<128x128xf32>
    %max3A_4336 = arith.constant 0.000000e+00 : f32
    %max3A_4337 = vector.broadcast %max3A_4336 : f32 to vector<128x128xf32>
    %max3A_4338 = arith.maximumf %sub3A_4335, %max3A_4337 : vector<128x128xf32>
    %sqrt3A_4339 = math.sqrt %max3A_4338 : vector<128x128xf32>
    %lt3A_4340 = arith.cmpf olt, %sqrt3A_4339, %broadcast_in_dim3A_4320 : vector<128x128xf32>
    %select_n3A_4341 = arith.select %lt3A_4340, %sqrt3A_4339, %broadcast_in_dim3A_4320 : vector<128x128xi1>, vector<128x128xf32>
    %jit3A_4342 = arith.constant 0 : i32
    %broadcast_in_dim3A_4343 = vector.broadcast %jit3A_4342 : i32 to vector<128x128xi32>
    %select_n3A_4344 = arith.select %lt3A_4340, %broadcast_in_dim3A_4343, %broadcast_in_dim3A_4322 : vector<128x128xi1>, vector<128x128xi32>
    %get3A_4345 = arith.constant 384 : index
    %get3A_4346 = arith.constant 128 : index
    %get3A_4347 = vector.load %arg4[%get3A_4345, %get3A_4346] : memref<512x8192xf32, #tpu.memory_space<vmem>>, vector<128x128xf32>
    %get3A_4348 = arith.constant 0 : index
    %get3A_4349 = arith.constant 128 : index
    %get3A_4350 = vector.load %arg5[%get3A_4348, %get3A_4349] : memref<1x8192xf32, #tpu.memory_space<vmem>>, vector<1x128xf32>
    %add3A_4351 = vector.broadcast %broadcast_in_dim3A_4318 : vector<128x1xf32> to vector<128x128xf32>
    %add3A_4352 = vector.broadcast %get3A_4350 : vector<1x128xf32> to vector<128x128xf32>
    %add3A_4353 = arith.addf %add3A_4351, %add3A_4352 : vector<128x128xf32>
    %mul3A_4354 = arith.constant 2.000000e+00 : f32
    %mul3A_4355 = vector.broadcast %mul3A_4354 : f32 to vector<128x128xf32>
    %mul3A_4356 = arith.mulf %mul3A_4355, %get3A_4347 : vector<128x128xf32>
    %sub3A_4357 = arith.subf %add3A_4353, %mul3A_4356 : vector<128x128xf32>
    %max3A_4358 = arith.constant 0.000000e+00 : f32
    %max3A_4359 = vector.broadcast %max3A_4358 : f32 to vector<128x128xf32>
    %max3A_4360 = arith.maximumf %sub3A_4357, %max3A_4359 : vector<128x128xf32>
    %sqrt3A_4361 = math.sqrt %max3A_4360 : vector<128x128xf32>
    %lt3A_4362 = arith.cmpf olt, %sqrt3A_4361, %select_n3A_4341 : vector<128x128xf32>
    %select_n3A_4363 = arith.select %lt3A_4362, %sqrt3A_4361, %select_n3A_4341 : vector<128x128xi1>, vector<128x128xf32>
    %jit3A_4364 = arith.constant 1 : i32
    %broadcast_in_dim3A_4365 = vector.broadcast %jit3A_4364 : i32 to vector<128x128xi32>
    %select_n3A_4366 = arith.select %lt3A_4362, %broadcast_in_dim3A_4365, %select_n3A_4344 : vector<128x128xi1>, vector<128x128xi32>
    %get3A_4367 = arith.constant 384 : index
    %get3A_4368 = arith.constant 256 : index
    %get3A_4369 = vector.load %arg4[%get3A_4367, %get3A_4368] : memref<512x8192xf32, #tpu.memory_space<vmem>>, vector<128x128xf32>
    %get3A_4370 = arith.constant 0 : index
    %get3A_4371 = arith.constant 256 : index
    %get3A_4372 = vector.load %arg5[%get3A_4370, %get3A_4371] : memref<1x8192xf32, #tpu.memory_space<vmem>>, vector<1x128xf32>
    %add3A_4373 = vector.broadcast %broadcast_in_dim3A_4318 : vector<128x1xf32> to vector<128x128xf32>
    %add3A_4374 = vector.broadcast %get3A_4372 : vector<1x128xf32> to vector<128x128xf32>
    %add3A_4375 = arith.addf %add3A_4373, %add3A_4374 : vector<128x128xf32>
    %mul3A_4376 = arith.constant 2.000000e+00 : f32
    %mul3A_4377 = vector.broadcast %mul3A_4376 : f32 to vector<128x128xf32>
    %mul3A_4378 = arith.mulf %mul3A_4377, %get3A_4369 : vector<128x128xf32>
    %sub3A_4379 = arith.subf %add3A_4375, %mul3A_4378 : vector<128x128xf32>
    %max3A_4380 = arith.constant 0.000000e+00 : f32
    %max3A_4381 = vector.broadcast %max3A_4380 : f32 to vector<128x128xf32>
    %max3A_4382 = arith.maximumf %sub3A_4379, %max3A_4381 : vector<128x128xf32>
    %sqrt3A_4383 = math.sqrt %max3A_4382 : vector<128x128xf32>
    %lt3A_4384 = arith.cmpf olt, %sqrt3A_4383, %select_n3A_4363 : vector<128x128xf32>
    %select_n3A_4385 = arith.select %lt3A_4384, %sqrt3A_4383, %select_n3A_4363 : vector<128x128xi1>, vector<128x128xf32>
    %jit3A_4386 = arith.constant 2 : i32
    %broadcast_in_dim3A_4387 = vector.broadcast %jit3A_4386 : i32 to vector<128x128xi32>
    %select_n3A_4388 = arith.select %lt3A_4384, %broadcast_in_dim3A_4387, %select_n3A_4366 : vector<128x128xi1>, vector<128x128xi32>
    %get3A_4389 = arith.constant 384 : index
    %get3A_4390 = arith.constant 384 : index
    %get3A_4391 = vector.load %arg4[%get3A_4389, %get3A_4390] : memref<512x8192xf32, #tpu.memory_space<vmem>>, vector<128x128xf32>
    %get3A_4392 = arith.constant 0 : index
    %get3A_4393 = arith.constant 384 : index
    %get3A_4394 = vector.load %arg5[%get3A_4392, %get3A_4393] : memref<1x8192xf32, #tpu.memory_space<vmem>>, vector<1x128xf32>
    %add3A_4395 = vector.broadcast %broadcast_in_dim3A_4318 : vector<128x1xf32> to vector<128x128xf32>
    %add3A_4396 = vector.broadcast %get3A_4394 : vector<1x128xf32> to vector<128x128xf32>
    %add3A_4397 = arith.addf %add3A_4395, %add3A_4396 : vector<128x128xf32>
    %mul3A_4398 = arith.constant 2.000000e+00 : f32
    %mul3A_4399 = vector.broadcast %mul3A_4398 : f32 to vector<128x128xf32>
    %mul3A_4400 = arith.mulf %mul3A_4399, %get3A_4391 : vector<128x128xf32>
    %sub3A_4401 = arith.subf %add3A_4397, %mul3A_4400 : vector<128x128xf32>
    %max3A_4402 = arith.constant 0.000000e+00 : f32
    %max3A_4403 = vector.broadcast %max3A_4402 : f32 to vector<128x128xf32>
    %max3A_4404 = arith.maximumf %sub3A_4401, %max3A_4403 : vector<128x128xf32>
    %sqrt3A_4405 = math.sqrt %max3A_4404 : vector<128x128xf32>
    %lt3A_4406 = arith.cmpf olt, %sqrt3A_4405, %select_n3A_4385 : vector<128x128xf32>
    %select_n3A_4407 = arith.select %lt3A_4406, %sqrt3A_4405, %select_n3A_4385 : vector<128x128xi1>, vector<128x128xf32>
    %jit3A_4408 = arith.constant 3 : i32
    %broadcast_in_dim3A_4409 = vector.broadcast %jit3A_4408 : i32 to vector<128x128xi32>
    %select_n3A_4410 = arith.select %lt3A_4406, %broadcast_in_dim3A_4409, %select_n3A_4388 : vector<128x128xi1>, vector<128x128xi32>
    %get3A_4411 = arith.constant 384 : index
    %get3A_4412 = arith.constant 512 : index
    %get3A_4413 = vector.load %arg4[%get3A_4411, %get3A_4412] : memref<512x8192xf32, #tpu.memory_space<vmem>>, vector<128x128xf32>
    %get3A_4414 = arith.constant 0 : index
    %get3A_4415 = arith.constant 512 : index
    %get3A_4416 = vector.load %arg5[%get3A_4414, %get3A_4415] : memref<1x8192xf32, #tpu.memory_space<vmem>>, vector<1x128xf32>
    %add3A_4417 = vector.broadcast %broadcast_in_dim3A_4318 : vector<128x1xf32> to vector<128x128xf32>
    %add3A_4418 = vector.broadcast %get3A_4416 : vector<1x128xf32> to vector<128x128xf32>
    %add3A_4419 = arith.addf %add3A_4417, %add3A_4418 : vector<128x128xf32>
    %mul3A_4420 = arith.constant 2.000000e+00 : f32
    %mul3A_4421 = vector.broadcast %mul3A_4420 : f32 to vector<128x128xf32>
    %mul3A_4422 = arith.mulf %mul3A_4421, %get3A_4413 : vector<128x128xf32>
    %sub3A_4423 = arith.subf %add3A_4419, %mul3A_4422 : vector<128x128xf32>
    %max3A_4424 = arith.constant 0.000000e+00 : f32
    %max3A_4425 = vector.broadcast %max3A_4424 : f32 to vector<128x128xf32>
    %max3A_4426 = arith.maximumf %sub3A_4423, %max3A_4425 : vector<128x128xf32>
    %sqrt3A_4427 = math.sqrt %max3A_4426 : vector<128x128xf32>
    %lt3A_4428 = arith.cmpf olt, %sqrt3A_4427, %select_n3A_4407 : vector<128x128xf32>
    %select_n3A_4429 = arith.select %lt3A_4428, %sqrt3A_4427, %select_n3A_4407 : vector<128x128xi1>, vector<128x128xf32>
    %jit3A_4430 = arith.constant 4 : i32
    %broadcast_in_dim3A_4431 = vector.broadcast %jit3A_4430 : i32 to vector<128x128xi32>
    %select_n3A_4432 = arith.select %lt3A_4428, %broadcast_in_dim3A_4431, %select_n3A_4410 : vector<128x128xi1>, vector<128x128xi32>
    %get3A_4433 = arith.constant 384 : index
    %get3A_4434 = arith.constant 640 : index
    %get3A_4435 = vector.load %arg4[%get3A_4433, %get3A_4434] : memref<512x8192xf32, #tpu.memory_space<vmem>>, vector<128x128xf32>
    %get3A_4436 = arith.constant 0 : index
    %get3A_4437 = arith.constant 640 : index
    %get3A_4438 = vector.load %arg5[%get3A_4436, %get3A_4437] : memref<1x8192xf32, #tpu.memory_space<vmem>>, vector<1x128xf32>
    %add3A_4439 = vector.broadcast %broadcast_in_dim3A_4318 : vector<128x1xf32> to vector<128x128xf32>
    %add3A_4440 = vector.broadcast %get3A_4438 : vector<1x128xf32> to vector<128x128xf32>
    %add3A_4441 = arith.addf %add3A_4439, %add3A_4440 : vector<128x128xf32>
    %mul3A_4442 = arith.constant 2.000000e+00 : f32
    %mul3A_4443 = vector.broadcast %mul3A_4442 : f32 to vector<128x128xf32>
    %mul3A_4444 = arith.mulf %mul3A_4443, %get3A_4435 : vector<128x128xf32>
    %sub3A_4445 = arith.subf %add3A_4441, %mul3A_4444 : vector<128x128xf32>
    %max3A_4446 = arith.constant 0.000000e+00 : f32
    %max3A_4447 = vector.broadcast %max3A_4446 : f32 to vector<128x128xf32>
    %max3A_4448 = arith.maximumf %sub3A_4445, %max3A_4447 : vector<128x128xf32>
    %sqrt3A_4449 = math.sqrt %max3A_4448 : vector<128x128xf32>
    %lt3A_4450 = arith.cmpf olt, %sqrt3A_4449, %select_n3A_4429 : vector<128x128xf32>
    %select_n3A_4451 = arith.select %lt3A_4450, %sqrt3A_4449, %select_n3A_4429 : vector<128x128xi1>, vector<128x128xf32>
    %jit3A_4452 = arith.constant 5 : i32
    %broadcast_in_dim3A_4453 = vector.broadcast %jit3A_4452 : i32 to vector<128x128xi32>
    %select_n3A_4454 = arith.select %lt3A_4450, %broadcast_in_dim3A_4453, %select_n3A_4432 : vector<128x128xi1>, vector<128x128xi32>
    %get3A_4455 = arith.constant 384 : index
    %get3A_4456 = arith.constant 768 : index
    %get3A_4457 = vector.load %arg4[%get3A_4455, %get3A_4456] : memref<512x8192xf32, #tpu.memory_space<vmem>>, vector<128x128xf32>
    %get3A_4458 = arith.constant 0 : index
    %get3A_4459 = arith.constant 768 : index
    %get3A_4460 = vector.load %arg5[%get3A_4458, %get3A_4459] : memref<1x8192xf32, #tpu.memory_space<vmem>>, vector<1x128xf32>
    %add3A_4461 = vector.broadcast %broadcast_in_dim3A_4318 : vector<128x1xf32> to vector<128x128xf32>
    %add3A_4462 = vector.broadcast %get3A_4460 : vector<1x128xf32> to vector<128x128xf32>
    %add3A_4463 = arith.addf %add3A_4461, %add3A_4462 : vector<128x128xf32>
    %mul3A_4464 = arith.constant 2.000000e+00 : f32
    %mul3A_4465 = vector.broadcast %mul3A_4464 : f32 to vector<128x128xf32>
    %mul3A_4466 = arith.mulf %mul3A_4465, %get3A_4457 : vector<128x128xf32>
    %sub3A_4467 = arith.subf %add3A_4463, %mul3A_4466 : vector<128x128xf32>
    %max3A_4468 = arith.constant 0.000000e+00 : f32
    %max3A_4469 = vector.broadcast %max3A_4468 : f32 to vector<128x128xf32>
    %max3A_4470 = arith.maximumf %sub3A_4467, %max3A_4469 : vector<128x128xf32>
    %sqrt3A_4471 = math.sqrt %max3A_4470 : vector<128x128xf32>
    %lt3A_4472 = arith.cmpf olt, %sqrt3A_4471, %select_n3A_4451 : vector<128x128xf32>
    %select_n3A_4473 = arith.select %lt3A_4472, %sqrt3A_4471, %select_n3A_4451 : vector<128x128xi1>, vector<128x128xf32>
    %jit3A_4474 = arith.constant 6 : i32
    %broadcast_in_dim3A_4475 = vector.broadcast %jit3A_4474 : i32 to vector<128x128xi32>
    %select_n3A_4476 = arith.select %lt3A_4472, %broadcast_in_dim3A_4475, %select_n3A_4454 : vector<128x128xi1>, vector<128x128xi32>
    %get3A_4477 = arith.constant 384 : index
    %get3A_4478 = arith.constant 896 : index
    %get3A_4479 = vector.load %arg4[%get3A_4477, %get3A_4478] : memref<512x8192xf32, #tpu.memory_space<vmem>>, vector<128x128xf32>
    %get3A_4480 = arith.constant 0 : index
    %get3A_4481 = arith.constant 896 : index
    %get3A_4482 = vector.load %arg5[%get3A_4480, %get3A_4481] : memref<1x8192xf32, #tpu.memory_space<vmem>>, vector<1x128xf32>
    %add3A_4483 = vector.broadcast %broadcast_in_dim3A_4318 : vector<128x1xf32> to vector<128x128xf32>
    %add3A_4484 = vector.broadcast %get3A_4482 : vector<1x128xf32> to vector<128x128xf32>
    %add3A_4485 = arith.addf %add3A_4483, %add3A_4484 : vector<128x128xf32>
    %mul3A_4486 = arith.constant 2.000000e+00 : f32
    %mul3A_4487 = vector.broadcast %mul3A_4486 : f32 to vector<128x128xf32>
    %mul3A_4488 = arith.mulf %mul3A_4487, %get3A_4479 : vector<128x128xf32>
    %sub3A_4489 = arith.subf %add3A_4485, %mul3A_4488 : vector<128x128xf32>
    %max3A_4490 = arith.constant 0.000000e+00 : f32
    %max3A_4491 = vector.broadcast %max3A_4490 : f32 to vector<128x128xf32>
    %max3A_4492 = arith.maximumf %sub3A_4489, %max3A_4491 : vector<128x128xf32>
    %sqrt3A_4493 = math.sqrt %max3A_4492 : vector<128x128xf32>
    %lt3A_4494 = arith.cmpf olt, %sqrt3A_4493, %select_n3A_4473 : vector<128x128xf32>
    %select_n3A_4495 = arith.select %lt3A_4494, %sqrt3A_4493, %select_n3A_4473 : vector<128x128xi1>, vector<128x128xf32>
    %jit3A_4496 = arith.constant 7 : i32
    %broadcast_in_dim3A_4497 = vector.broadcast %jit3A_4496 : i32 to vector<128x128xi32>
    %select_n3A_4498 = arith.select %lt3A_4494, %broadcast_in_dim3A_4497, %select_n3A_4476 : vector<128x128xi1>, vector<128x128xi32>
    %get3A_4499 = arith.constant 384 : index
    %get3A_4500 = arith.constant 1024 : index
    %get3A_4501 = vector.load %arg4[%get3A_4499, %get3A_4500] : memref<512x8192xf32, #tpu.memory_space<vmem>>, vector<128x128xf32>
    %get3A_4502 = arith.constant 0 : index
    %get3A_4503 = arith.constant 1024 : index
    %get3A_4504 = vector.load %arg5[%get3A_4502, %get3A_4503] : memref<1x8192xf32, #tpu.memory_space<vmem>>, vector<1x128xf32>
    %add3A_4505 = vector.broadcast %broadcast_in_dim3A_4318 : vector<128x1xf32> to vector<128x128xf32>
    %add3A_4506 = vector.broadcast %get3A_4504 : vector<1x128xf32> to vector<128x128xf32>
    %add3A_4507 = arith.addf %add3A_4505, %add3A_4506 : vector<128x128xf32>
    %mul3A_4508 = arith.constant 2.000000e+00 : f32
    %mul3A_4509 = vector.broadcast %mul3A_4508 : f32 to vector<128x128xf32>
    %mul3A_4510 = arith.mulf %mul3A_4509, %get3A_4501 : vector<128x128xf32>
    %sub3A_4511 = arith.subf %add3A_4507, %mul3A_4510 : vector<128x128xf32>
    %max3A_4512 = arith.constant 0.000000e+00 : f32
    %max3A_4513 = vector.broadcast %max3A_4512 : f32 to vector<128x128xf32>
    %max3A_4514 = arith.maximumf %sub3A_4511, %max3A_4513 : vector<128x128xf32>
    %sqrt3A_4515 = math.sqrt %max3A_4514 : vector<128x128xf32>
    %lt3A_4516 = arith.cmpf olt, %sqrt3A_4515, %select_n3A_4495 : vector<128x128xf32>
    %select_n3A_4517 = arith.select %lt3A_4516, %sqrt3A_4515, %select_n3A_4495 : vector<128x128xi1>, vector<128x128xf32>
    %jit3A_4518 = arith.constant 8 : i32
    %broadcast_in_dim3A_4519 = vector.broadcast %jit3A_4518 : i32 to vector<128x128xi32>
    %select_n3A_4520 = arith.select %lt3A_4516, %broadcast_in_dim3A_4519, %select_n3A_4498 : vector<128x128xi1>, vector<128x128xi32>
    %get3A_4521 = arith.constant 384 : index
    %get3A_4522 = arith.constant 1152 : index
    %get3A_4523 = vector.load %arg4[%get3A_4521, %get3A_4522] : memref<512x8192xf32, #tpu.memory_space<vmem>>, vector<128x128xf32>
    %get3A_4524 = arith.constant 0 : index
    %get3A_4525 = arith.constant 1152 : index
    %get3A_4526 = vector.load %arg5[%get3A_4524, %get3A_4525] : memref<1x8192xf32, #tpu.memory_space<vmem>>, vector<1x128xf32>
    %add3A_4527 = vector.broadcast %broadcast_in_dim3A_4318 : vector<128x1xf32> to vector<128x128xf32>
    %add3A_4528 = vector.broadcast %get3A_4526 : vector<1x128xf32> to vector<128x128xf32>
    %add3A_4529 = arith.addf %add3A_4527, %add3A_4528 : vector<128x128xf32>
    %mul3A_4530 = arith.constant 2.000000e+00 : f32
    %mul3A_4531 = vector.broadcast %mul3A_4530 : f32 to vector<128x128xf32>
    %mul3A_4532 = arith.mulf %mul3A_4531, %get3A_4523 : vector<128x128xf32>
    %sub3A_4533 = arith.subf %add3A_4529, %mul3A_4532 : vector<128x128xf32>
    %max3A_4534 = arith.constant 0.000000e+00 : f32
    %max3A_4535 = vector.broadcast %max3A_4534 : f32 to vector<128x128xf32>
    %max3A_4536 = arith.maximumf %sub3A_4533, %max3A_4535 : vector<128x128xf32>
    %sqrt3A_4537 = math.sqrt %max3A_4536 : vector<128x128xf32>
    %lt3A_4538 = arith.cmpf olt, %sqrt3A_4537, %select_n3A_4517 : vector<128x128xf32>
    %select_n3A_4539 = arith.select %lt3A_4538, %sqrt3A_4537, %select_n3A_4517 : vector<128x128xi1>, vector<128x128xf32>
    %jit3A_4540 = arith.constant 9 : i32
    %broadcast_in_dim3A_4541 = vector.broadcast %jit3A_4540 : i32 to vector<128x128xi32>
    %select_n3A_4542 = arith.select %lt3A_4538, %broadcast_in_dim3A_4541, %select_n3A_4520 : vector<128x128xi1>, vector<128x128xi32>
    %get3A_4543 = arith.constant 384 : index
    %get3A_4544 = arith.constant 1280 : index
    %get3A_4545 = vector.load %arg4[%get3A_4543, %get3A_4544] : memref<512x8192xf32, #tpu.memory_space<vmem>>, vector<128x128xf32>
    %get3A_4546 = arith.constant 0 : index
    %get3A_4547 = arith.constant 1280 : index
    %get3A_4548 = vector.load %arg5[%get3A_4546, %get3A_4547] : memref<1x8192xf32, #tpu.memory_space<vmem>>, vector<1x128xf32>
    %add3A_4549 = vector.broadcast %broadcast_in_dim3A_4318 : vector<128x1xf32> to vector<128x128xf32>
    %add3A_4550 = vector.broadcast %get3A_4548 : vector<1x128xf32> to vector<128x128xf32>
    %add3A_4551 = arith.addf %add3A_4549, %add3A_4550 : vector<128x128xf32>
    %mul3A_4552 = arith.constant 2.000000e+00 : f32
    %mul3A_4553 = vector.broadcast %mul3A_4552 : f32 to vector<128x128xf32>
    %mul3A_4554 = arith.mulf %mul3A_4553, %get3A_4545 : vector<128x128xf32>
    %sub3A_4555 = arith.subf %add3A_4551, %mul3A_4554 : vector<128x128xf32>
    %max3A_4556 = arith.constant 0.000000e+00 : f32
    %max3A_4557 = vector.broadcast %max3A_4556 : f32 to vector<128x128xf32>
    %max3A_4558 = arith.maximumf %sub3A_4555, %max3A_4557 : vector<128x128xf32>
    %sqrt3A_4559 = math.sqrt %max3A_4558 : vector<128x128xf32>
    %lt3A_4560 = arith.cmpf olt, %sqrt3A_4559, %select_n3A_4539 : vector<128x128xf32>
    %select_n3A_4561 = arith.select %lt3A_4560, %sqrt3A_4559, %select_n3A_4539 : vector<128x128xi1>, vector<128x128xf32>
    %jit3A_4562 = arith.constant 10 : i32
    %broadcast_in_dim3A_4563 = vector.broadcast %jit3A_4562 : i32 to vector<128x128xi32>
    %select_n3A_4564 = arith.select %lt3A_4560, %broadcast_in_dim3A_4563, %select_n3A_4542 : vector<128x128xi1>, vector<128x128xi32>
    %get3A_4565 = arith.constant 384 : index
    %get3A_4566 = arith.constant 1408 : index
    %get3A_4567 = vector.load %arg4[%get3A_4565, %get3A_4566] : memref<512x8192xf32, #tpu.memory_space<vmem>>, vector<128x128xf32>
    %get3A_4568 = arith.constant 0 : index
    %get3A_4569 = arith.constant 1408 : index
    %get3A_4570 = vector.load %arg5[%get3A_4568, %get3A_4569] : memref<1x8192xf32, #tpu.memory_space<vmem>>, vector<1x128xf32>
    %add3A_4571 = vector.broadcast %broadcast_in_dim3A_4318 : vector<128x1xf32> to vector<128x128xf32>
    %add3A_4572 = vector.broadcast %get3A_4570 : vector<1x128xf32> to vector<128x128xf32>
    %add3A_4573 = arith.addf %add3A_4571, %add3A_4572 : vector<128x128xf32>
    %mul3A_4574 = arith.constant 2.000000e+00 : f32
    %mul3A_4575 = vector.broadcast %mul3A_4574 : f32 to vector<128x128xf32>
    %mul3A_4576 = arith.mulf %mul3A_4575, %get3A_4567 : vector<128x128xf32>
    %sub3A_4577 = arith.subf %add3A_4573, %mul3A_4576 : vector<128x128xf32>
    %max3A_4578 = arith.constant 0.000000e+00 : f32
    %max3A_4579 = vector.broadcast %max3A_4578 : f32 to vector<128x128xf32>
    %max3A_4580 = arith.maximumf %sub3A_4577, %max3A_4579 : vector<128x128xf32>
    %sqrt3A_4581 = math.sqrt %max3A_4580 : vector<128x128xf32>
    %lt3A_4582 = arith.cmpf olt, %sqrt3A_4581, %select_n3A_4561 : vector<128x128xf32>
    %select_n3A_4583 = arith.select %lt3A_4582, %sqrt3A_4581, %select_n3A_4561 : vector<128x128xi1>, vector<128x128xf32>
    %jit3A_4584 = arith.constant 11 : i32
    %broadcast_in_dim3A_4585 = vector.broadcast %jit3A_4584 : i32 to vector<128x128xi32>
    %select_n3A_4586 = arith.select %lt3A_4582, %broadcast_in_dim3A_4585, %select_n3A_4564 : vector<128x128xi1>, vector<128x128xi32>
    %get3A_4587 = arith.constant 384 : index
    %get3A_4588 = arith.constant 1536 : index
    %get3A_4589 = vector.load %arg4[%get3A_4587, %get3A_4588] : memref<512x8192xf32, #tpu.memory_space<vmem>>, vector<128x128xf32>
    %get3A_4590 = arith.constant 0 : index
    %get3A_4591 = arith.constant 1536 : index
    %get3A_4592 = vector.load %arg5[%get3A_4590, %get3A_4591] : memref<1x8192xf32, #tpu.memory_space<vmem>>, vector<1x128xf32>
    %add3A_4593 = vector.broadcast %broadcast_in_dim3A_4318 : vector<128x1xf32> to vector<128x128xf32>
    %add3A_4594 = vector.broadcast %get3A_4592 : vector<1x128xf32> to vector<128x128xf32>
    %add3A_4595 = arith.addf %add3A_4593, %add3A_4594 : vector<128x128xf32>
    %mul3A_4596 = arith.constant 2.000000e+00 : f32
    %mul3A_4597 = vector.broadcast %mul3A_4596 : f32 to vector<128x128xf32>
    %mul3A_4598 = arith.mulf %mul3A_4597, %get3A_4589 : vector<128x128xf32>
    %sub3A_4599 = arith.subf %add3A_4595, %mul3A_4598 : vector<128x128xf32>
    %max3A_4600 = arith.constant 0.000000e+00 : f32
    %max3A_4601 = vector.broadcast %max3A_4600 : f32 to vector<128x128xf32>
    %max3A_4602 = arith.maximumf %sub3A_4599, %max3A_4601 : vector<128x128xf32>
    %sqrt3A_4603 = math.sqrt %max3A_4602 : vector<128x128xf32>
    %lt3A_4604 = arith.cmpf olt, %sqrt3A_4603, %select_n3A_4583 : vector<128x128xf32>
    %select_n3A_4605 = arith.select %lt3A_4604, %sqrt3A_4603, %select_n3A_4583 : vector<128x128xi1>, vector<128x128xf32>
    %jit3A_4606 = arith.constant 12 : i32
    %broadcast_in_dim3A_4607 = vector.broadcast %jit3A_4606 : i32 to vector<128x128xi32>
    %select_n3A_4608 = arith.select %lt3A_4604, %broadcast_in_dim3A_4607, %select_n3A_4586 : vector<128x128xi1>, vector<128x128xi32>
    %get3A_4609 = arith.constant 384 : index
    %get3A_4610 = arith.constant 1664 : index
    %get3A_4611 = vector.load %arg4[%get3A_4609, %get3A_4610] : memref<512x8192xf32, #tpu.memory_space<vmem>>, vector<128x128xf32>
    %get3A_4612 = arith.constant 0 : index
    %get3A_4613 = arith.constant 1664 : index
    %get3A_4614 = vector.load %arg5[%get3A_4612, %get3A_4613] : memref<1x8192xf32, #tpu.memory_space<vmem>>, vector<1x128xf32>
    %add3A_4615 = vector.broadcast %broadcast_in_dim3A_4318 : vector<128x1xf32> to vector<128x128xf32>
    %add3A_4616 = vector.broadcast %get3A_4614 : vector<1x128xf32> to vector<128x128xf32>
    %add3A_4617 = arith.addf %add3A_4615, %add3A_4616 : vector<128x128xf32>
    %mul3A_4618 = arith.constant 2.000000e+00 : f32
    %mul3A_4619 = vector.broadcast %mul3A_4618 : f32 to vector<128x128xf32>
    %mul3A_4620 = arith.mulf %mul3A_4619, %get3A_4611 : vector<128x128xf32>
    %sub3A_4621 = arith.subf %add3A_4617, %mul3A_4620 : vector<128x128xf32>
    %max3A_4622 = arith.constant 0.000000e+00 : f32
    %max3A_4623 = vector.broadcast %max3A_4622 : f32 to vector<128x128xf32>
    %max3A_4624 = arith.maximumf %sub3A_4621, %max3A_4623 : vector<128x128xf32>
    %sqrt3A_4625 = math.sqrt %max3A_4624 : vector<128x128xf32>
    %lt3A_4626 = arith.cmpf olt, %sqrt3A_4625, %select_n3A_4605 : vector<128x128xf32>
    %select_n3A_4627 = arith.select %lt3A_4626, %sqrt3A_4625, %select_n3A_4605 : vector<128x128xi1>, vector<128x128xf32>
    %jit3A_4628 = arith.constant 13 : i32
    %broadcast_in_dim3A_4629 = vector.broadcast %jit3A_4628 : i32 to vector<128x128xi32>
    %select_n3A_4630 = arith.select %lt3A_4626, %broadcast_in_dim3A_4629, %select_n3A_4608 : vector<128x128xi1>, vector<128x128xi32>
    %get3A_4631 = arith.constant 384 : index
    %get3A_4632 = arith.constant 1792 : index
    %get3A_4633 = vector.load %arg4[%get3A_4631, %get3A_4632] : memref<512x8192xf32, #tpu.memory_space<vmem>>, vector<128x128xf32>
    %get3A_4634 = arith.constant 0 : index
    %get3A_4635 = arith.constant 1792 : index
    %get3A_4636 = vector.load %arg5[%get3A_4634, %get3A_4635] : memref<1x8192xf32, #tpu.memory_space<vmem>>, vector<1x128xf32>
    %add3A_4637 = vector.broadcast %broadcast_in_dim3A_4318 : vector<128x1xf32> to vector<128x128xf32>
    %add3A_4638 = vector.broadcast %get3A_4636 : vector<1x128xf32> to vector<128x128xf32>
    %add3A_4639 = arith.addf %add3A_4637, %add3A_4638 : vector<128x128xf32>
    %mul3A_4640 = arith.constant 2.000000e+00 : f32
    %mul3A_4641 = vector.broadcast %mul3A_4640 : f32 to vector<128x128xf32>
    %mul3A_4642 = arith.mulf %mul3A_4641, %get3A_4633 : vector<128x128xf32>
    %sub3A_4643 = arith.subf %add3A_4639, %mul3A_4642 : vector<128x128xf32>
    %max3A_4644 = arith.constant 0.000000e+00 : f32
    %max3A_4645 = vector.broadcast %max3A_4644 : f32 to vector<128x128xf32>
    %max3A_4646 = arith.maximumf %sub3A_4643, %max3A_4645 : vector<128x128xf32>
    %sqrt3A_4647 = math.sqrt %max3A_4646 : vector<128x128xf32>
    %lt3A_4648 = arith.cmpf olt, %sqrt3A_4647, %select_n3A_4627 : vector<128x128xf32>
    %select_n3A_4649 = arith.select %lt3A_4648, %sqrt3A_4647, %select_n3A_4627 : vector<128x128xi1>, vector<128x128xf32>
    %jit3A_4650 = arith.constant 14 : i32
    %broadcast_in_dim3A_4651 = vector.broadcast %jit3A_4650 : i32 to vector<128x128xi32>
    %select_n3A_4652 = arith.select %lt3A_4648, %broadcast_in_dim3A_4651, %select_n3A_4630 : vector<128x128xi1>, vector<128x128xi32>
    %get3A_4653 = arith.constant 384 : index
    %get3A_4654 = arith.constant 1920 : index
    %get3A_4655 = vector.load %arg4[%get3A_4653, %get3A_4654] : memref<512x8192xf32, #tpu.memory_space<vmem>>, vector<128x128xf32>
    %get3A_4656 = arith.constant 0 : index
    %get3A_4657 = arith.constant 1920 : index
    %get3A_4658 = vector.load %arg5[%get3A_4656, %get3A_4657] : memref<1x8192xf32, #tpu.memory_space<vmem>>, vector<1x128xf32>
    %add3A_4659 = vector.broadcast %broadcast_in_dim3A_4318 : vector<128x1xf32> to vector<128x128xf32>
    %add3A_4660 = vector.broadcast %get3A_4658 : vector<1x128xf32> to vector<128x128xf32>
    %add3A_4661 = arith.addf %add3A_4659, %add3A_4660 : vector<128x128xf32>
    %mul3A_4662 = arith.constant 2.000000e+00 : f32
    %mul3A_4663 = vector.broadcast %mul3A_4662 : f32 to vector<128x128xf32>
    %mul3A_4664 = arith.mulf %mul3A_4663, %get3A_4655 : vector<128x128xf32>
    %sub3A_4665 = arith.subf %add3A_4661, %mul3A_4664 : vector<128x128xf32>
    %max3A_4666 = arith.constant 0.000000e+00 : f32
    %max3A_4667 = vector.broadcast %max3A_4666 : f32 to vector<128x128xf32>
    %max3A_4668 = arith.maximumf %sub3A_4665, %max3A_4667 : vector<128x128xf32>
    %sqrt3A_4669 = math.sqrt %max3A_4668 : vector<128x128xf32>
    %lt3A_4670 = arith.cmpf olt, %sqrt3A_4669, %select_n3A_4649 : vector<128x128xf32>
    %select_n3A_4671 = arith.select %lt3A_4670, %sqrt3A_4669, %select_n3A_4649 : vector<128x128xi1>, vector<128x128xf32>
    %jit3A_4672 = arith.constant 15 : i32
    %broadcast_in_dim3A_4673 = vector.broadcast %jit3A_4672 : i32 to vector<128x128xi32>
    %select_n3A_4674 = arith.select %lt3A_4670, %broadcast_in_dim3A_4673, %select_n3A_4652 : vector<128x128xi1>, vector<128x128xi32>
    %get3A_4675 = arith.constant 384 : index
    %get3A_4676 = arith.constant 2048 : index
    %get3A_4677 = vector.load %arg4[%get3A_4675, %get3A_4676] : memref<512x8192xf32, #tpu.memory_space<vmem>>, vector<128x128xf32>
    %get3A_4678 = arith.constant 0 : index
    %get3A_4679 = arith.constant 2048 : index
    %get3A_4680 = vector.load %arg5[%get3A_4678, %get3A_4679] : memref<1x8192xf32, #tpu.memory_space<vmem>>, vector<1x128xf32>
    %add3A_4681 = vector.broadcast %broadcast_in_dim3A_4318 : vector<128x1xf32> to vector<128x128xf32>
    %add3A_4682 = vector.broadcast %get3A_4680 : vector<1x128xf32> to vector<128x128xf32>
    %add3A_4683 = arith.addf %add3A_4681, %add3A_4682 : vector<128x128xf32>
    %mul3A_4684 = arith.constant 2.000000e+00 : f32
    %mul3A_4685 = vector.broadcast %mul3A_4684 : f32 to vector<128x128xf32>
    %mul3A_4686 = arith.mulf %mul3A_4685, %get3A_4677 : vector<128x128xf32>
    %sub3A_4687 = arith.subf %add3A_4683, %mul3A_4686 : vector<128x128xf32>
    %max3A_4688 = arith.constant 0.000000e+00 : f32
    %max3A_4689 = vector.broadcast %max3A_4688 : f32 to vector<128x128xf32>
    %max3A_4690 = arith.maximumf %sub3A_4687, %max3A_4689 : vector<128x128xf32>
    %sqrt3A_4691 = math.sqrt %max3A_4690 : vector<128x128xf32>
    %lt3A_4692 = arith.cmpf olt, %sqrt3A_4691, %select_n3A_4671 : vector<128x128xf32>
    %select_n3A_4693 = arith.select %lt3A_4692, %sqrt3A_4691, %select_n3A_4671 : vector<128x128xi1>, vector<128x128xf32>
    %jit3A_4694 = arith.constant 16 : i32
    %broadcast_in_dim3A_4695 = vector.broadcast %jit3A_4694 : i32 to vector<128x128xi32>
    %select_n3A_4696 = arith.select %lt3A_4692, %broadcast_in_dim3A_4695, %select_n3A_4674 : vector<128x128xi1>, vector<128x128xi32>
    %get3A_4697 = arith.constant 384 : index
    %get3A_4698 = arith.constant 2176 : index
    %get3A_4699 = vector.load %arg4[%get3A_4697, %get3A_4698] : memref<512x8192xf32, #tpu.memory_space<vmem>>, vector<128x128xf32>
    %get3A_4700 = arith.constant 0 : index
    %get3A_4701 = arith.constant 2176 : index
    %get3A_4702 = vector.load %arg5[%get3A_4700, %get3A_4701] : memref<1x8192xf32, #tpu.memory_space<vmem>>, vector<1x128xf32>
    %add3A_4703 = vector.broadcast %broadcast_in_dim3A_4318 : vector<128x1xf32> to vector<128x128xf32>
    %add3A_4704 = vector.broadcast %get3A_4702 : vector<1x128xf32> to vector<128x128xf32>
    %add3A_4705 = arith.addf %add3A_4703, %add3A_4704 : vector<128x128xf32>
    %mul3A_4706 = arith.constant 2.000000e+00 : f32
    %mul3A_4707 = vector.broadcast %mul3A_4706 : f32 to vector<128x128xf32>
    %mul3A_4708 = arith.mulf %mul3A_4707, %get3A_4699 : vector<128x128xf32>
    %sub3A_4709 = arith.subf %add3A_4705, %mul3A_4708 : vector<128x128xf32>
    %max3A_4710 = arith.constant 0.000000e+00 : f32
    %max3A_4711 = vector.broadcast %max3A_4710 : f32 to vector<128x128xf32>
    %max3A_4712 = arith.maximumf %sub3A_4709, %max3A_4711 : vector<128x128xf32>
    %sqrt3A_4713 = math.sqrt %max3A_4712 : vector<128x128xf32>
    %lt3A_4714 = arith.cmpf olt, %sqrt3A_4713, %select_n3A_4693 : vector<128x128xf32>
    %select_n3A_4715 = arith.select %lt3A_4714, %sqrt3A_4713, %select_n3A_4693 : vector<128x128xi1>, vector<128x128xf32>
    %jit3A_4716 = arith.constant 17 : i32
    %broadcast_in_dim3A_4717 = vector.broadcast %jit3A_4716 : i32 to vector<128x128xi32>
    %select_n3A_4718 = arith.select %lt3A_4714, %broadcast_in_dim3A_4717, %select_n3A_4696 : vector<128x128xi1>, vector<128x128xi32>
    %get3A_4719 = arith.constant 384 : index
    %get3A_4720 = arith.constant 2304 : index
    %get3A_4721 = vector.load %arg4[%get3A_4719, %get3A_4720] : memref<512x8192xf32, #tpu.memory_space<vmem>>, vector<128x128xf32>
    %get3A_4722 = arith.constant 0 : index
    %get3A_4723 = arith.constant 2304 : index
    %get3A_4724 = vector.load %arg5[%get3A_4722, %get3A_4723] : memref<1x8192xf32, #tpu.memory_space<vmem>>, vector<1x128xf32>
    %add3A_4725 = vector.broadcast %broadcast_in_dim3A_4318 : vector<128x1xf32> to vector<128x128xf32>
    %add3A_4726 = vector.broadcast %get3A_4724 : vector<1x128xf32> to vector<128x128xf32>
    %add3A_4727 = arith.addf %add3A_4725, %add3A_4726 : vector<128x128xf32>
    %mul3A_4728 = arith.constant 2.000000e+00 : f32
    %mul3A_4729 = vector.broadcast %mul3A_4728 : f32 to vector<128x128xf32>
    %mul3A_4730 = arith.mulf %mul3A_4729, %get3A_4721 : vector<128x128xf32>
    %sub3A_4731 = arith.subf %add3A_4727, %mul3A_4730 : vector<128x128xf32>
    %max3A_4732 = arith.constant 0.000000e+00 : f32
    %max3A_4733 = vector.broadcast %max3A_4732 : f32 to vector<128x128xf32>
    %max3A_4734 = arith.maximumf %sub3A_4731, %max3A_4733 : vector<128x128xf32>
    %sqrt3A_4735 = math.sqrt %max3A_4734 : vector<128x128xf32>
    %lt3A_4736 = arith.cmpf olt, %sqrt3A_4735, %select_n3A_4715 : vector<128x128xf32>
    %select_n3A_4737 = arith.select %lt3A_4736, %sqrt3A_4735, %select_n3A_4715 : vector<128x128xi1>, vector<128x128xf32>
    %jit3A_4738 = arith.constant 18 : i32
    %broadcast_in_dim3A_4739 = vector.broadcast %jit3A_4738 : i32 to vector<128x128xi32>
    %select_n3A_4740 = arith.select %lt3A_4736, %broadcast_in_dim3A_4739, %select_n3A_4718 : vector<128x128xi1>, vector<128x128xi32>
    %get3A_4741 = arith.constant 384 : index
    %get3A_4742 = arith.constant 2432 : index
    %get3A_4743 = vector.load %arg4[%get3A_4741, %get3A_4742] : memref<512x8192xf32, #tpu.memory_space<vmem>>, vector<128x128xf32>
    %get3A_4744 = arith.constant 0 : index
    %get3A_4745 = arith.constant 2432 : index
    %get3A_4746 = vector.load %arg5[%get3A_4744, %get3A_4745] : memref<1x8192xf32, #tpu.memory_space<vmem>>, vector<1x128xf32>
    %add3A_4747 = vector.broadcast %broadcast_in_dim3A_4318 : vector<128x1xf32> to vector<128x128xf32>
    %add3A_4748 = vector.broadcast %get3A_4746 : vector<1x128xf32> to vector<128x128xf32>
    %add3A_4749 = arith.addf %add3A_4747, %add3A_4748 : vector<128x128xf32>
    %mul3A_4750 = arith.constant 2.000000e+00 : f32
    %mul3A_4751 = vector.broadcast %mul3A_4750 : f32 to vector<128x128xf32>
    %mul3A_4752 = arith.mulf %mul3A_4751, %get3A_4743 : vector<128x128xf32>
    %sub3A_4753 = arith.subf %add3A_4749, %mul3A_4752 : vector<128x128xf32>
    %max3A_4754 = arith.constant 0.000000e+00 : f32
    %max3A_4755 = vector.broadcast %max3A_4754 : f32 to vector<128x128xf32>
    %max3A_4756 = arith.maximumf %sub3A_4753, %max3A_4755 : vector<128x128xf32>
    %sqrt3A_4757 = math.sqrt %max3A_4756 : vector<128x128xf32>
    %lt3A_4758 = arith.cmpf olt, %sqrt3A_4757, %select_n3A_4737 : vector<128x128xf32>
    %select_n3A_4759 = arith.select %lt3A_4758, %sqrt3A_4757, %select_n3A_4737 : vector<128x128xi1>, vector<128x128xf32>
    %jit3A_4760 = arith.constant 19 : i32
    %broadcast_in_dim3A_4761 = vector.broadcast %jit3A_4760 : i32 to vector<128x128xi32>
    %select_n3A_4762 = arith.select %lt3A_4758, %broadcast_in_dim3A_4761, %select_n3A_4740 : vector<128x128xi1>, vector<128x128xi32>
    %get3A_4763 = arith.constant 384 : index
    %get3A_4764 = arith.constant 2560 : index
    %get3A_4765 = vector.load %arg4[%get3A_4763, %get3A_4764] : memref<512x8192xf32, #tpu.memory_space<vmem>>, vector<128x128xf32>
    %get3A_4766 = arith.constant 0 : index
    %get3A_4767 = arith.constant 2560 : index
    %get3A_4768 = vector.load %arg5[%get3A_4766, %get3A_4767] : memref<1x8192xf32, #tpu.memory_space<vmem>>, vector<1x128xf32>
    %add3A_4769 = vector.broadcast %broadcast_in_dim3A_4318 : vector<128x1xf32> to vector<128x128xf32>
    %add3A_4770 = vector.broadcast %get3A_4768 : vector<1x128xf32> to vector<128x128xf32>
    %add3A_4771 = arith.addf %add3A_4769, %add3A_4770 : vector<128x128xf32>
    %mul3A_4772 = arith.constant 2.000000e+00 : f32
    %mul3A_4773 = vector.broadcast %mul3A_4772 : f32 to vector<128x128xf32>
    %mul3A_4774 = arith.mulf %mul3A_4773, %get3A_4765 : vector<128x128xf32>
    %sub3A_4775 = arith.subf %add3A_4771, %mul3A_4774 : vector<128x128xf32>
    %max3A_4776 = arith.constant 0.000000e+00 : f32
    %max3A_4777 = vector.broadcast %max3A_4776 : f32 to vector<128x128xf32>
    %max3A_4778 = arith.maximumf %sub3A_4775, %max3A_4777 : vector<128x128xf32>
    %sqrt3A_4779 = math.sqrt %max3A_4778 : vector<128x128xf32>
    %lt3A_4780 = arith.cmpf olt, %sqrt3A_4779, %select_n3A_4759 : vector<128x128xf32>
    %select_n3A_4781 = arith.select %lt3A_4780, %sqrt3A_4779, %select_n3A_4759 : vector<128x128xi1>, vector<128x128xf32>
    %jit3A_4782 = arith.constant 20 : i32
    %broadcast_in_dim3A_4783 = vector.broadcast %jit3A_4782 : i32 to vector<128x128xi32>
    %select_n3A_4784 = arith.select %lt3A_4780, %broadcast_in_dim3A_4783, %select_n3A_4762 : vector<128x128xi1>, vector<128x128xi32>
    %get3A_4785 = arith.constant 384 : index
    %get3A_4786 = arith.constant 2688 : index
    %get3A_4787 = vector.load %arg4[%get3A_4785, %get3A_4786] : memref<512x8192xf32, #tpu.memory_space<vmem>>, vector<128x128xf32>
    %get3A_4788 = arith.constant 0 : index
    %get3A_4789 = arith.constant 2688 : index
    %get3A_4790 = vector.load %arg5[%get3A_4788, %get3A_4789] : memref<1x8192xf32, #tpu.memory_space<vmem>>, vector<1x128xf32>
    %add3A_4791 = vector.broadcast %broadcast_in_dim3A_4318 : vector<128x1xf32> to vector<128x128xf32>
    %add3A_4792 = vector.broadcast %get3A_4790 : vector<1x128xf32> to vector<128x128xf32>
    %add3A_4793 = arith.addf %add3A_4791, %add3A_4792 : vector<128x128xf32>
    %mul3A_4794 = arith.constant 2.000000e+00 : f32
    %mul3A_4795 = vector.broadcast %mul3A_4794 : f32 to vector<128x128xf32>
    %mul3A_4796 = arith.mulf %mul3A_4795, %get3A_4787 : vector<128x128xf32>
    %sub3A_4797 = arith.subf %add3A_4793, %mul3A_4796 : vector<128x128xf32>
    %max3A_4798 = arith.constant 0.000000e+00 : f32
    %max3A_4799 = vector.broadcast %max3A_4798 : f32 to vector<128x128xf32>
    %max3A_4800 = arith.maximumf %sub3A_4797, %max3A_4799 : vector<128x128xf32>
    %sqrt3A_4801 = math.sqrt %max3A_4800 : vector<128x128xf32>
    %lt3A_4802 = arith.cmpf olt, %sqrt3A_4801, %select_n3A_4781 : vector<128x128xf32>
    %select_n3A_4803 = arith.select %lt3A_4802, %sqrt3A_4801, %select_n3A_4781 : vector<128x128xi1>, vector<128x128xf32>
    %jit3A_4804 = arith.constant 21 : i32
    %broadcast_in_dim3A_4805 = vector.broadcast %jit3A_4804 : i32 to vector<128x128xi32>
    %select_n3A_4806 = arith.select %lt3A_4802, %broadcast_in_dim3A_4805, %select_n3A_4784 : vector<128x128xi1>, vector<128x128xi32>
    %get3A_4807 = arith.constant 384 : index
    %get3A_4808 = arith.constant 2816 : index
    %get3A_4809 = vector.load %arg4[%get3A_4807, %get3A_4808] : memref<512x8192xf32, #tpu.memory_space<vmem>>, vector<128x128xf32>
    %get3A_4810 = arith.constant 0 : index
    %get3A_4811 = arith.constant 2816 : index
    %get3A_4812 = vector.load %arg5[%get3A_4810, %get3A_4811] : memref<1x8192xf32, #tpu.memory_space<vmem>>, vector<1x128xf32>
    %add3A_4813 = vector.broadcast %broadcast_in_dim3A_4318 : vector<128x1xf32> to vector<128x128xf32>
    %add3A_4814 = vector.broadcast %get3A_4812 : vector<1x128xf32> to vector<128x128xf32>
    %add3A_4815 = arith.addf %add3A_4813, %add3A_4814 : vector<128x128xf32>
    %mul3A_4816 = arith.constant 2.000000e+00 : f32
    %mul3A_4817 = vector.broadcast %mul3A_4816 : f32 to vector<128x128xf32>
    %mul3A_4818 = arith.mulf %mul3A_4817, %get3A_4809 : vector<128x128xf32>
    %sub3A_4819 = arith.subf %add3A_4815, %mul3A_4818 : vector<128x128xf32>
    %max3A_4820 = arith.constant 0.000000e+00 : f32
    %max3A_4821 = vector.broadcast %max3A_4820 : f32 to vector<128x128xf32>
    %max3A_4822 = arith.maximumf %sub3A_4819, %max3A_4821 : vector<128x128xf32>
    %sqrt3A_4823 = math.sqrt %max3A_4822 : vector<128x128xf32>
    %lt3A_4824 = arith.cmpf olt, %sqrt3A_4823, %select_n3A_4803 : vector<128x128xf32>
    %select_n3A_4825 = arith.select %lt3A_4824, %sqrt3A_4823, %select_n3A_4803 : vector<128x128xi1>, vector<128x128xf32>
    %jit3A_4826 = arith.constant 22 : i32
    %broadcast_in_dim3A_4827 = vector.broadcast %jit3A_4826 : i32 to vector<128x128xi32>
    %select_n3A_4828 = arith.select %lt3A_4824, %broadcast_in_dim3A_4827, %select_n3A_4806 : vector<128x128xi1>, vector<128x128xi32>
    %get3A_4829 = arith.constant 384 : index
    %get3A_4830 = arith.constant 2944 : index
    %get3A_4831 = vector.load %arg4[%get3A_4829, %get3A_4830] : memref<512x8192xf32, #tpu.memory_space<vmem>>, vector<128x128xf32>
    %get3A_4832 = arith.constant 0 : index
    %get3A_4833 = arith.constant 2944 : index
    %get3A_4834 = vector.load %arg5[%get3A_4832, %get3A_4833] : memref<1x8192xf32, #tpu.memory_space<vmem>>, vector<1x128xf32>
    %add3A_4835 = vector.broadcast %broadcast_in_dim3A_4318 : vector<128x1xf32> to vector<128x128xf32>
    %add3A_4836 = vector.broadcast %get3A_4834 : vector<1x128xf32> to vector<128x128xf32>
    %add3A_4837 = arith.addf %add3A_4835, %add3A_4836 : vector<128x128xf32>
    %mul3A_4838 = arith.constant 2.000000e+00 : f32
    %mul3A_4839 = vector.broadcast %mul3A_4838 : f32 to vector<128x128xf32>
    %mul3A_4840 = arith.mulf %mul3A_4839, %get3A_4831 : vector<128x128xf32>
    %sub3A_4841 = arith.subf %add3A_4837, %mul3A_4840 : vector<128x128xf32>
    %max3A_4842 = arith.constant 0.000000e+00 : f32
    %max3A_4843 = vector.broadcast %max3A_4842 : f32 to vector<128x128xf32>
    %max3A_4844 = arith.maximumf %sub3A_4841, %max3A_4843 : vector<128x128xf32>
    %sqrt3A_4845 = math.sqrt %max3A_4844 : vector<128x128xf32>
    %lt3A_4846 = arith.cmpf olt, %sqrt3A_4845, %select_n3A_4825 : vector<128x128xf32>
    %select_n3A_4847 = arith.select %lt3A_4846, %sqrt3A_4845, %select_n3A_4825 : vector<128x128xi1>, vector<128x128xf32>
    %jit3A_4848 = arith.constant 23 : i32
    %broadcast_in_dim3A_4849 = vector.broadcast %jit3A_4848 : i32 to vector<128x128xi32>
    %select_n3A_4850 = arith.select %lt3A_4846, %broadcast_in_dim3A_4849, %select_n3A_4828 : vector<128x128xi1>, vector<128x128xi32>
    %get3A_4851 = arith.constant 384 : index
    %get3A_4852 = arith.constant 3072 : index
    %get3A_4853 = vector.load %arg4[%get3A_4851, %get3A_4852] : memref<512x8192xf32, #tpu.memory_space<vmem>>, vector<128x128xf32>
    %get3A_4854 = arith.constant 0 : index
    %get3A_4855 = arith.constant 3072 : index
    %get3A_4856 = vector.load %arg5[%get3A_4854, %get3A_4855] : memref<1x8192xf32, #tpu.memory_space<vmem>>, vector<1x128xf32>
    %add3A_4857 = vector.broadcast %broadcast_in_dim3A_4318 : vector<128x1xf32> to vector<128x128xf32>
    %add3A_4858 = vector.broadcast %get3A_4856 : vector<1x128xf32> to vector<128x128xf32>
    %add3A_4859 = arith.addf %add3A_4857, %add3A_4858 : vector<128x128xf32>
    %mul3A_4860 = arith.constant 2.000000e+00 : f32
    %mul3A_4861 = vector.broadcast %mul3A_4860 : f32 to vector<128x128xf32>
    %mul3A_4862 = arith.mulf %mul3A_4861, %get3A_4853 : vector<128x128xf32>
    %sub3A_4863 = arith.subf %add3A_4859, %mul3A_4862 : vector<128x128xf32>
    %max3A_4864 = arith.constant 0.000000e+00 : f32
    %max3A_4865 = vector.broadcast %max3A_4864 : f32 to vector<128x128xf32>
    %max3A_4866 = arith.maximumf %sub3A_4863, %max3A_4865 : vector<128x128xf32>
    %sqrt3A_4867 = math.sqrt %max3A_4866 : vector<128x128xf32>
    %lt3A_4868 = arith.cmpf olt, %sqrt3A_4867, %select_n3A_4847 : vector<128x128xf32>
    %select_n3A_4869 = arith.select %lt3A_4868, %sqrt3A_4867, %select_n3A_4847 : vector<128x128xi1>, vector<128x128xf32>
    %jit3A_4870 = arith.constant 24 : i32
    %broadcast_in_dim3A_4871 = vector.broadcast %jit3A_4870 : i32 to vector<128x128xi32>
    %select_n3A_4872 = arith.select %lt3A_4868, %broadcast_in_dim3A_4871, %select_n3A_4850 : vector<128x128xi1>, vector<128x128xi32>
    %get3A_4873 = arith.constant 384 : index
    %get3A_4874 = arith.constant 3200 : index
    %get3A_4875 = vector.load %arg4[%get3A_4873, %get3A_4874] : memref<512x8192xf32, #tpu.memory_space<vmem>>, vector<128x128xf32>
    %get3A_4876 = arith.constant 0 : index
    %get3A_4877 = arith.constant 3200 : index
    %get3A_4878 = vector.load %arg5[%get3A_4876, %get3A_4877] : memref<1x8192xf32, #tpu.memory_space<vmem>>, vector<1x128xf32>
    %add3A_4879 = vector.broadcast %broadcast_in_dim3A_4318 : vector<128x1xf32> to vector<128x128xf32>
    %add3A_4880 = vector.broadcast %get3A_4878 : vector<1x128xf32> to vector<128x128xf32>
    %add3A_4881 = arith.addf %add3A_4879, %add3A_4880 : vector<128x128xf32>
    %mul3A_4882 = arith.constant 2.000000e+00 : f32
    %mul3A_4883 = vector.broadcast %mul3A_4882 : f32 to vector<128x128xf32>
    %mul3A_4884 = arith.mulf %mul3A_4883, %get3A_4875 : vector<128x128xf32>
    %sub3A_4885 = arith.subf %add3A_4881, %mul3A_4884 : vector<128x128xf32>
    %max3A_4886 = arith.constant 0.000000e+00 : f32
    %max3A_4887 = vector.broadcast %max3A_4886 : f32 to vector<128x128xf32>
    %max3A_4888 = arith.maximumf %sub3A_4885, %max3A_4887 : vector<128x128xf32>
    %sqrt3A_4889 = math.sqrt %max3A_4888 : vector<128x128xf32>
    %lt3A_4890 = arith.cmpf olt, %sqrt3A_4889, %select_n3A_4869 : vector<128x128xf32>
    %select_n3A_4891 = arith.select %lt3A_4890, %sqrt3A_4889, %select_n3A_4869 : vector<128x128xi1>, vector<128x128xf32>
    %jit3A_4892 = arith.constant 25 : i32
    %broadcast_in_dim3A_4893 = vector.broadcast %jit3A_4892 : i32 to vector<128x128xi32>
    %select_n3A_4894 = arith.select %lt3A_4890, %broadcast_in_dim3A_4893, %select_n3A_4872 : vector<128x128xi1>, vector<128x128xi32>
    %get3A_4895 = arith.constant 384 : index
    %get3A_4896 = arith.constant 3328 : index
    %get3A_4897 = vector.load %arg4[%get3A_4895, %get3A_4896] : memref<512x8192xf32, #tpu.memory_space<vmem>>, vector<128x128xf32>
    %get3A_4898 = arith.constant 0 : index
    %get3A_4899 = arith.constant 3328 : index
    %get3A_4900 = vector.load %arg5[%get3A_4898, %get3A_4899] : memref<1x8192xf32, #tpu.memory_space<vmem>>, vector<1x128xf32>
    %add3A_4901 = vector.broadcast %broadcast_in_dim3A_4318 : vector<128x1xf32> to vector<128x128xf32>
    %add3A_4902 = vector.broadcast %get3A_4900 : vector<1x128xf32> to vector<128x128xf32>
    %add3A_4903 = arith.addf %add3A_4901, %add3A_4902 : vector<128x128xf32>
    %mul3A_4904 = arith.constant 2.000000e+00 : f32
    %mul3A_4905 = vector.broadcast %mul3A_4904 : f32 to vector<128x128xf32>
    %mul3A_4906 = arith.mulf %mul3A_4905, %get3A_4897 : vector<128x128xf32>
    %sub3A_4907 = arith.subf %add3A_4903, %mul3A_4906 : vector<128x128xf32>
    %max3A_4908 = arith.constant 0.000000e+00 : f32
    %max3A_4909 = vector.broadcast %max3A_4908 : f32 to vector<128x128xf32>
    %max3A_4910 = arith.maximumf %sub3A_4907, %max3A_4909 : vector<128x128xf32>
    %sqrt3A_4911 = math.sqrt %max3A_4910 : vector<128x128xf32>
    %lt3A_4912 = arith.cmpf olt, %sqrt3A_4911, %select_n3A_4891 : vector<128x128xf32>
    %select_n3A_4913 = arith.select %lt3A_4912, %sqrt3A_4911, %select_n3A_4891 : vector<128x128xi1>, vector<128x128xf32>
    %jit3A_4914 = arith.constant 26 : i32
    %broadcast_in_dim3A_4915 = vector.broadcast %jit3A_4914 : i32 to vector<128x128xi32>
    %select_n3A_4916 = arith.select %lt3A_4912, %broadcast_in_dim3A_4915, %select_n3A_4894 : vector<128x128xi1>, vector<128x128xi32>
    %get3A_4917 = arith.constant 384 : index
    %get3A_4918 = arith.constant 3456 : index
    %get3A_4919 = vector.load %arg4[%get3A_4917, %get3A_4918] : memref<512x8192xf32, #tpu.memory_space<vmem>>, vector<128x128xf32>
    %get3A_4920 = arith.constant 0 : index
    %get3A_4921 = arith.constant 3456 : index
    %get3A_4922 = vector.load %arg5[%get3A_4920, %get3A_4921] : memref<1x8192xf32, #tpu.memory_space<vmem>>, vector<1x128xf32>
    %add3A_4923 = vector.broadcast %broadcast_in_dim3A_4318 : vector<128x1xf32> to vector<128x128xf32>
    %add3A_4924 = vector.broadcast %get3A_4922 : vector<1x128xf32> to vector<128x128xf32>
    %add3A_4925 = arith.addf %add3A_4923, %add3A_4924 : vector<128x128xf32>
    %mul3A_4926 = arith.constant 2.000000e+00 : f32
    %mul3A_4927 = vector.broadcast %mul3A_4926 : f32 to vector<128x128xf32>
    %mul3A_4928 = arith.mulf %mul3A_4927, %get3A_4919 : vector<128x128xf32>
    %sub3A_4929 = arith.subf %add3A_4925, %mul3A_4928 : vector<128x128xf32>
    %max3A_4930 = arith.constant 0.000000e+00 : f32
    %max3A_4931 = vector.broadcast %max3A_4930 : f32 to vector<128x128xf32>
    %max3A_4932 = arith.maximumf %sub3A_4929, %max3A_4931 : vector<128x128xf32>
    %sqrt3A_4933 = math.sqrt %max3A_4932 : vector<128x128xf32>
    %lt3A_4934 = arith.cmpf olt, %sqrt3A_4933, %select_n3A_4913 : vector<128x128xf32>
    %select_n3A_4935 = arith.select %lt3A_4934, %sqrt3A_4933, %select_n3A_4913 : vector<128x128xi1>, vector<128x128xf32>
    %jit3A_4936 = arith.constant 27 : i32
    %broadcast_in_dim3A_4937 = vector.broadcast %jit3A_4936 : i32 to vector<128x128xi32>
    %select_n3A_4938 = arith.select %lt3A_4934, %broadcast_in_dim3A_4937, %select_n3A_4916 : vector<128x128xi1>, vector<128x128xi32>
    %get3A_4939 = arith.constant 384 : index
    %get3A_4940 = arith.constant 3584 : index
    %get3A_4941 = vector.load %arg4[%get3A_4939, %get3A_4940] : memref<512x8192xf32, #tpu.memory_space<vmem>>, vector<128x128xf32>
    %get3A_4942 = arith.constant 0 : index
    %get3A_4943 = arith.constant 3584 : index
    %get3A_4944 = vector.load %arg5[%get3A_4942, %get3A_4943] : memref<1x8192xf32, #tpu.memory_space<vmem>>, vector<1x128xf32>
    %add3A_4945 = vector.broadcast %broadcast_in_dim3A_4318 : vector<128x1xf32> to vector<128x128xf32>
    %add3A_4946 = vector.broadcast %get3A_4944 : vector<1x128xf32> to vector<128x128xf32>
    %add3A_4947 = arith.addf %add3A_4945, %add3A_4946 : vector<128x128xf32>
    %mul3A_4948 = arith.constant 2.000000e+00 : f32
    %mul3A_4949 = vector.broadcast %mul3A_4948 : f32 to vector<128x128xf32>
    %mul3A_4950 = arith.mulf %mul3A_4949, %get3A_4941 : vector<128x128xf32>
    %sub3A_4951 = arith.subf %add3A_4947, %mul3A_4950 : vector<128x128xf32>
    %max3A_4952 = arith.constant 0.000000e+00 : f32
    %max3A_4953 = vector.broadcast %max3A_4952 : f32 to vector<128x128xf32>
    %max3A_4954 = arith.maximumf %sub3A_4951, %max3A_4953 : vector<128x128xf32>
    %sqrt3A_4955 = math.sqrt %max3A_4954 : vector<128x128xf32>
    %lt3A_4956 = arith.cmpf olt, %sqrt3A_4955, %select_n3A_4935 : vector<128x128xf32>
    %select_n3A_4957 = arith.select %lt3A_4956, %sqrt3A_4955, %select_n3A_4935 : vector<128x128xi1>, vector<128x128xf32>
    %jit3A_4958 = arith.constant 28 : i32
    %broadcast_in_dim3A_4959 = vector.broadcast %jit3A_4958 : i32 to vector<128x128xi32>
    %select_n3A_4960 = arith.select %lt3A_4956, %broadcast_in_dim3A_4959, %select_n3A_4938 : vector<128x128xi1>, vector<128x128xi32>
    %get3A_4961 = arith.constant 384 : index
    %get3A_4962 = arith.constant 3712 : index
    %get3A_4963 = vector.load %arg4[%get3A_4961, %get3A_4962] : memref<512x8192xf32, #tpu.memory_space<vmem>>, vector<128x128xf32>
    %get3A_4964 = arith.constant 0 : index
    %get3A_4965 = arith.constant 3712 : index
    %get3A_4966 = vector.load %arg5[%get3A_4964, %get3A_4965] : memref<1x8192xf32, #tpu.memory_space<vmem>>, vector<1x128xf32>
    %add3A_4967 = vector.broadcast %broadcast_in_dim3A_4318 : vector<128x1xf32> to vector<128x128xf32>
    %add3A_4968 = vector.broadcast %get3A_4966 : vector<1x128xf32> to vector<128x128xf32>
    %add3A_4969 = arith.addf %add3A_4967, %add3A_4968 : vector<128x128xf32>
    %mul3A_4970 = arith.constant 2.000000e+00 : f32
    %mul3A_4971 = vector.broadcast %mul3A_4970 : f32 to vector<128x128xf32>
    %mul3A_4972 = arith.mulf %mul3A_4971, %get3A_4963 : vector<128x128xf32>
    %sub3A_4973 = arith.subf %add3A_4969, %mul3A_4972 : vector<128x128xf32>
    %max3A_4974 = arith.constant 0.000000e+00 : f32
    %max3A_4975 = vector.broadcast %max3A_4974 : f32 to vector<128x128xf32>
    %max3A_4976 = arith.maximumf %sub3A_4973, %max3A_4975 : vector<128x128xf32>
    %sqrt3A_4977 = math.sqrt %max3A_4976 : vector<128x128xf32>
    %lt3A_4978 = arith.cmpf olt, %sqrt3A_4977, %select_n3A_4957 : vector<128x128xf32>
    %select_n3A_4979 = arith.select %lt3A_4978, %sqrt3A_4977, %select_n3A_4957 : vector<128x128xi1>, vector<128x128xf32>
    %jit3A_4980 = arith.constant 29 : i32
    %broadcast_in_dim3A_4981 = vector.broadcast %jit3A_4980 : i32 to vector<128x128xi32>
    %select_n3A_4982 = arith.select %lt3A_4978, %broadcast_in_dim3A_4981, %select_n3A_4960 : vector<128x128xi1>, vector<128x128xi32>
    %get3A_4983 = arith.constant 384 : index
    %get3A_4984 = arith.constant 3840 : index
    %get3A_4985 = vector.load %arg4[%get3A_4983, %get3A_4984] : memref<512x8192xf32, #tpu.memory_space<vmem>>, vector<128x128xf32>
    %get3A_4986 = arith.constant 0 : index
    %get3A_4987 = arith.constant 3840 : index
    %get3A_4988 = vector.load %arg5[%get3A_4986, %get3A_4987] : memref<1x8192xf32, #tpu.memory_space<vmem>>, vector<1x128xf32>
    %add3A_4989 = vector.broadcast %broadcast_in_dim3A_4318 : vector<128x1xf32> to vector<128x128xf32>
    %add3A_4990 = vector.broadcast %get3A_4988 : vector<1x128xf32> to vector<128x128xf32>
    %add3A_4991 = arith.addf %add3A_4989, %add3A_4990 : vector<128x128xf32>
    %mul3A_4992 = arith.constant 2.000000e+00 : f32
    %mul3A_4993 = vector.broadcast %mul3A_4992 : f32 to vector<128x128xf32>
    %mul3A_4994 = arith.mulf %mul3A_4993, %get3A_4985 : vector<128x128xf32>
    %sub3A_4995 = arith.subf %add3A_4991, %mul3A_4994 : vector<128x128xf32>
    %max3A_4996 = arith.constant 0.000000e+00 : f32
    %max3A_4997 = vector.broadcast %max3A_4996 : f32 to vector<128x128xf32>
    %max3A_4998 = arith.maximumf %sub3A_4995, %max3A_4997 : vector<128x128xf32>
    %sqrt3A_4999 = math.sqrt %max3A_4998 : vector<128x128xf32>
    %lt3A_5000 = arith.cmpf olt, %sqrt3A_4999, %select_n3A_4979 : vector<128x128xf32>
    %select_n3A_5001 = arith.select %lt3A_5000, %sqrt3A_4999, %select_n3A_4979 : vector<128x128xi1>, vector<128x128xf32>
    %jit3A_5002 = arith.constant 30 : i32
    %broadcast_in_dim3A_5003 = vector.broadcast %jit3A_5002 : i32 to vector<128x128xi32>
    %select_n3A_5004 = arith.select %lt3A_5000, %broadcast_in_dim3A_5003, %select_n3A_4982 : vector<128x128xi1>, vector<128x128xi32>
    %get3A_5005 = arith.constant 384 : index
    %get3A_5006 = arith.constant 3968 : index
    %get3A_5007 = vector.load %arg4[%get3A_5005, %get3A_5006] : memref<512x8192xf32, #tpu.memory_space<vmem>>, vector<128x128xf32>
    %get3A_5008 = arith.constant 0 : index
    %get3A_5009 = arith.constant 3968 : index
    %get3A_5010 = vector.load %arg5[%get3A_5008, %get3A_5009] : memref<1x8192xf32, #tpu.memory_space<vmem>>, vector<1x128xf32>
    %add3A_5011 = vector.broadcast %broadcast_in_dim3A_4318 : vector<128x1xf32> to vector<128x128xf32>
    %add3A_5012 = vector.broadcast %get3A_5010 : vector<1x128xf32> to vector<128x128xf32>
    %add3A_5013 = arith.addf %add3A_5011, %add3A_5012 : vector<128x128xf32>
    %mul3A_5014 = arith.constant 2.000000e+00 : f32
    %mul3A_5015 = vector.broadcast %mul3A_5014 : f32 to vector<128x128xf32>
    %mul3A_5016 = arith.mulf %mul3A_5015, %get3A_5007 : vector<128x128xf32>
    %sub3A_5017 = arith.subf %add3A_5013, %mul3A_5016 : vector<128x128xf32>
    %max3A_5018 = arith.constant 0.000000e+00 : f32
    %max3A_5019 = vector.broadcast %max3A_5018 : f32 to vector<128x128xf32>
    %max3A_5020 = arith.maximumf %sub3A_5017, %max3A_5019 : vector<128x128xf32>
    %sqrt3A_5021 = math.sqrt %max3A_5020 : vector<128x128xf32>
    %lt3A_5022 = arith.cmpf olt, %sqrt3A_5021, %select_n3A_5001 : vector<128x128xf32>
    %select_n3A_5023 = arith.select %lt3A_5022, %sqrt3A_5021, %select_n3A_5001 : vector<128x128xi1>, vector<128x128xf32>
    %jit3A_5024 = arith.constant 31 : i32
    %broadcast_in_dim3A_5025 = vector.broadcast %jit3A_5024 : i32 to vector<128x128xi32>
    %select_n3A_5026 = arith.select %lt3A_5022, %broadcast_in_dim3A_5025, %select_n3A_5004 : vector<128x128xi1>, vector<128x128xi32>
    %get3A_5027 = arith.constant 384 : index
    %get3A_5028 = arith.constant 4096 : index
    %get3A_5029 = vector.load %arg4[%get3A_5027, %get3A_5028] : memref<512x8192xf32, #tpu.memory_space<vmem>>, vector<128x128xf32>
    %get3A_5030 = arith.constant 0 : index
    %get3A_5031 = arith.constant 4096 : index
    %get3A_5032 = vector.load %arg5[%get3A_5030, %get3A_5031] : memref<1x8192xf32, #tpu.memory_space<vmem>>, vector<1x128xf32>
    %add3A_5033 = vector.broadcast %broadcast_in_dim3A_4318 : vector<128x1xf32> to vector<128x128xf32>
    %add3A_5034 = vector.broadcast %get3A_5032 : vector<1x128xf32> to vector<128x128xf32>
    %add3A_5035 = arith.addf %add3A_5033, %add3A_5034 : vector<128x128xf32>
    %mul3A_5036 = arith.constant 2.000000e+00 : f32
    %mul3A_5037 = vector.broadcast %mul3A_5036 : f32 to vector<128x128xf32>
    %mul3A_5038 = arith.mulf %mul3A_5037, %get3A_5029 : vector<128x128xf32>
    %sub3A_5039 = arith.subf %add3A_5035, %mul3A_5038 : vector<128x128xf32>
    %max3A_5040 = arith.constant 0.000000e+00 : f32
    %max3A_5041 = vector.broadcast %max3A_5040 : f32 to vector<128x128xf32>
    %max3A_5042 = arith.maximumf %sub3A_5039, %max3A_5041 : vector<128x128xf32>
    %sqrt3A_5043 = math.sqrt %max3A_5042 : vector<128x128xf32>
    %lt3A_5044 = arith.cmpf olt, %sqrt3A_5043, %select_n3A_5023 : vector<128x128xf32>
    %select_n3A_5045 = arith.select %lt3A_5044, %sqrt3A_5043, %select_n3A_5023 : vector<128x128xi1>, vector<128x128xf32>
    %jit3A_5046 = arith.constant 32 : i32
    %broadcast_in_dim3A_5047 = vector.broadcast %jit3A_5046 : i32 to vector<128x128xi32>
    %select_n3A_5048 = arith.select %lt3A_5044, %broadcast_in_dim3A_5047, %select_n3A_5026 : vector<128x128xi1>, vector<128x128xi32>
    %get3A_5049 = arith.constant 384 : index
    %get3A_5050 = arith.constant 4224 : index
    %get3A_5051 = vector.load %arg4[%get3A_5049, %get3A_5050] : memref<512x8192xf32, #tpu.memory_space<vmem>>, vector<128x128xf32>
    %get3A_5052 = arith.constant 0 : index
    %get3A_5053 = arith.constant 4224 : index
    %get3A_5054 = vector.load %arg5[%get3A_5052, %get3A_5053] : memref<1x8192xf32, #tpu.memory_space<vmem>>, vector<1x128xf32>
    %add3A_5055 = vector.broadcast %broadcast_in_dim3A_4318 : vector<128x1xf32> to vector<128x128xf32>
    %add3A_5056 = vector.broadcast %get3A_5054 : vector<1x128xf32> to vector<128x128xf32>
    %add3A_5057 = arith.addf %add3A_5055, %add3A_5056 : vector<128x128xf32>
    %mul3A_5058 = arith.constant 2.000000e+00 : f32
    %mul3A_5059 = vector.broadcast %mul3A_5058 : f32 to vector<128x128xf32>
    %mul3A_5060 = arith.mulf %mul3A_5059, %get3A_5051 : vector<128x128xf32>
    %sub3A_5061 = arith.subf %add3A_5057, %mul3A_5060 : vector<128x128xf32>
    %max3A_5062 = arith.constant 0.000000e+00 : f32
    %max3A_5063 = vector.broadcast %max3A_5062 : f32 to vector<128x128xf32>
    %max3A_5064 = arith.maximumf %sub3A_5061, %max3A_5063 : vector<128x128xf32>
    %sqrt3A_5065 = math.sqrt %max3A_5064 : vector<128x128xf32>
    %lt3A_5066 = arith.cmpf olt, %sqrt3A_5065, %select_n3A_5045 : vector<128x128xf32>
    %select_n3A_5067 = arith.select %lt3A_5066, %sqrt3A_5065, %select_n3A_5045 : vector<128x128xi1>, vector<128x128xf32>
    %jit3A_5068 = arith.constant 33 : i32
    %broadcast_in_dim3A_5069 = vector.broadcast %jit3A_5068 : i32 to vector<128x128xi32>
    %select_n3A_5070 = arith.select %lt3A_5066, %broadcast_in_dim3A_5069, %select_n3A_5048 : vector<128x128xi1>, vector<128x128xi32>
    %get3A_5071 = arith.constant 384 : index
    %get3A_5072 = arith.constant 4352 : index
    %get3A_5073 = vector.load %arg4[%get3A_5071, %get3A_5072] : memref<512x8192xf32, #tpu.memory_space<vmem>>, vector<128x128xf32>
    %get3A_5074 = arith.constant 0 : index
    %get3A_5075 = arith.constant 4352 : index
    %get3A_5076 = vector.load %arg5[%get3A_5074, %get3A_5075] : memref<1x8192xf32, #tpu.memory_space<vmem>>, vector<1x128xf32>
    %add3A_5077 = vector.broadcast %broadcast_in_dim3A_4318 : vector<128x1xf32> to vector<128x128xf32>
    %add3A_5078 = vector.broadcast %get3A_5076 : vector<1x128xf32> to vector<128x128xf32>
    %add3A_5079 = arith.addf %add3A_5077, %add3A_5078 : vector<128x128xf32>
    %mul3A_5080 = arith.constant 2.000000e+00 : f32
    %mul3A_5081 = vector.broadcast %mul3A_5080 : f32 to vector<128x128xf32>
    %mul3A_5082 = arith.mulf %mul3A_5081, %get3A_5073 : vector<128x128xf32>
    %sub3A_5083 = arith.subf %add3A_5079, %mul3A_5082 : vector<128x128xf32>
    %max3A_5084 = arith.constant 0.000000e+00 : f32
    %max3A_5085 = vector.broadcast %max3A_5084 : f32 to vector<128x128xf32>
    %max3A_5086 = arith.maximumf %sub3A_5083, %max3A_5085 : vector<128x128xf32>
    %sqrt3A_5087 = math.sqrt %max3A_5086 : vector<128x128xf32>
    %lt3A_5088 = arith.cmpf olt, %sqrt3A_5087, %select_n3A_5067 : vector<128x128xf32>
    %select_n3A_5089 = arith.select %lt3A_5088, %sqrt3A_5087, %select_n3A_5067 : vector<128x128xi1>, vector<128x128xf32>
    %jit3A_5090 = arith.constant 34 : i32
    %broadcast_in_dim3A_5091 = vector.broadcast %jit3A_5090 : i32 to vector<128x128xi32>
    %select_n3A_5092 = arith.select %lt3A_5088, %broadcast_in_dim3A_5091, %select_n3A_5070 : vector<128x128xi1>, vector<128x128xi32>
    %get3A_5093 = arith.constant 384 : index
    %get3A_5094 = arith.constant 4480 : index
    %get3A_5095 = vector.load %arg4[%get3A_5093, %get3A_5094] : memref<512x8192xf32, #tpu.memory_space<vmem>>, vector<128x128xf32>
    %get3A_5096 = arith.constant 0 : index
    %get3A_5097 = arith.constant 4480 : index
    %get3A_5098 = vector.load %arg5[%get3A_5096, %get3A_5097] : memref<1x8192xf32, #tpu.memory_space<vmem>>, vector<1x128xf32>
    %add3A_5099 = vector.broadcast %broadcast_in_dim3A_4318 : vector<128x1xf32> to vector<128x128xf32>
    %add3A_5100 = vector.broadcast %get3A_5098 : vector<1x128xf32> to vector<128x128xf32>
    %add3A_5101 = arith.addf %add3A_5099, %add3A_5100 : vector<128x128xf32>
    %mul3A_5102 = arith.constant 2.000000e+00 : f32
    %mul3A_5103 = vector.broadcast %mul3A_5102 : f32 to vector<128x128xf32>
    %mul3A_5104 = arith.mulf %mul3A_5103, %get3A_5095 : vector<128x128xf32>
    %sub3A_5105 = arith.subf %add3A_5101, %mul3A_5104 : vector<128x128xf32>
    %max3A_5106 = arith.constant 0.000000e+00 : f32
    %max3A_5107 = vector.broadcast %max3A_5106 : f32 to vector<128x128xf32>
    %max3A_5108 = arith.maximumf %sub3A_5105, %max3A_5107 : vector<128x128xf32>
    %sqrt3A_5109 = math.sqrt %max3A_5108 : vector<128x128xf32>
    %lt3A_5110 = arith.cmpf olt, %sqrt3A_5109, %select_n3A_5089 : vector<128x128xf32>
    %select_n3A_5111 = arith.select %lt3A_5110, %sqrt3A_5109, %select_n3A_5089 : vector<128x128xi1>, vector<128x128xf32>
    %jit3A_5112 = arith.constant 35 : i32
    %broadcast_in_dim3A_5113 = vector.broadcast %jit3A_5112 : i32 to vector<128x128xi32>
    %select_n3A_5114 = arith.select %lt3A_5110, %broadcast_in_dim3A_5113, %select_n3A_5092 : vector<128x128xi1>, vector<128x128xi32>
    %get3A_5115 = arith.constant 384 : index
    %get3A_5116 = arith.constant 4608 : index
    %get3A_5117 = vector.load %arg4[%get3A_5115, %get3A_5116] : memref<512x8192xf32, #tpu.memory_space<vmem>>, vector<128x128xf32>
    %get3A_5118 = arith.constant 0 : index
    %get3A_5119 = arith.constant 4608 : index
    %get3A_5120 = vector.load %arg5[%get3A_5118, %get3A_5119] : memref<1x8192xf32, #tpu.memory_space<vmem>>, vector<1x128xf32>
    %add3A_5121 = vector.broadcast %broadcast_in_dim3A_4318 : vector<128x1xf32> to vector<128x128xf32>
    %add3A_5122 = vector.broadcast %get3A_5120 : vector<1x128xf32> to vector<128x128xf32>
    %add3A_5123 = arith.addf %add3A_5121, %add3A_5122 : vector<128x128xf32>
    %mul3A_5124 = arith.constant 2.000000e+00 : f32
    %mul3A_5125 = vector.broadcast %mul3A_5124 : f32 to vector<128x128xf32>
    %mul3A_5126 = arith.mulf %mul3A_5125, %get3A_5117 : vector<128x128xf32>
    %sub3A_5127 = arith.subf %add3A_5123, %mul3A_5126 : vector<128x128xf32>
    %max3A_5128 = arith.constant 0.000000e+00 : f32
    %max3A_5129 = vector.broadcast %max3A_5128 : f32 to vector<128x128xf32>
    %max3A_5130 = arith.maximumf %sub3A_5127, %max3A_5129 : vector<128x128xf32>
    %sqrt3A_5131 = math.sqrt %max3A_5130 : vector<128x128xf32>
    %lt3A_5132 = arith.cmpf olt, %sqrt3A_5131, %select_n3A_5111 : vector<128x128xf32>
    %select_n3A_5133 = arith.select %lt3A_5132, %sqrt3A_5131, %select_n3A_5111 : vector<128x128xi1>, vector<128x128xf32>
    %jit3A_5134 = arith.constant 36 : i32
    %broadcast_in_dim3A_5135 = vector.broadcast %jit3A_5134 : i32 to vector<128x128xi32>
    %select_n3A_5136 = arith.select %lt3A_5132, %broadcast_in_dim3A_5135, %select_n3A_5114 : vector<128x128xi1>, vector<128x128xi32>
    %get3A_5137 = arith.constant 384 : index
    %get3A_5138 = arith.constant 4736 : index
    %get3A_5139 = vector.load %arg4[%get3A_5137, %get3A_5138] : memref<512x8192xf32, #tpu.memory_space<vmem>>, vector<128x128xf32>
    %get3A_5140 = arith.constant 0 : index
    %get3A_5141 = arith.constant 4736 : index
    %get3A_5142 = vector.load %arg5[%get3A_5140, %get3A_5141] : memref<1x8192xf32, #tpu.memory_space<vmem>>, vector<1x128xf32>
    %add3A_5143 = vector.broadcast %broadcast_in_dim3A_4318 : vector<128x1xf32> to vector<128x128xf32>
    %add3A_5144 = vector.broadcast %get3A_5142 : vector<1x128xf32> to vector<128x128xf32>
    %add3A_5145 = arith.addf %add3A_5143, %add3A_5144 : vector<128x128xf32>
    %mul3A_5146 = arith.constant 2.000000e+00 : f32
    %mul3A_5147 = vector.broadcast %mul3A_5146 : f32 to vector<128x128xf32>
    %mul3A_5148 = arith.mulf %mul3A_5147, %get3A_5139 : vector<128x128xf32>
    %sub3A_5149 = arith.subf %add3A_5145, %mul3A_5148 : vector<128x128xf32>
    %max3A_5150 = arith.constant 0.000000e+00 : f32
    %max3A_5151 = vector.broadcast %max3A_5150 : f32 to vector<128x128xf32>
    %max3A_5152 = arith.maximumf %sub3A_5149, %max3A_5151 : vector<128x128xf32>
    %sqrt3A_5153 = math.sqrt %max3A_5152 : vector<128x128xf32>
    %lt3A_5154 = arith.cmpf olt, %sqrt3A_5153, %select_n3A_5133 : vector<128x128xf32>
    %select_n3A_5155 = arith.select %lt3A_5154, %sqrt3A_5153, %select_n3A_5133 : vector<128x128xi1>, vector<128x128xf32>
    %jit3A_5156 = arith.constant 37 : i32
    %broadcast_in_dim3A_5157 = vector.broadcast %jit3A_5156 : i32 to vector<128x128xi32>
    %select_n3A_5158 = arith.select %lt3A_5154, %broadcast_in_dim3A_5157, %select_n3A_5136 : vector<128x128xi1>, vector<128x128xi32>
    %get3A_5159 = arith.constant 384 : index
    %get3A_5160 = arith.constant 4864 : index
    %get3A_5161 = vector.load %arg4[%get3A_5159, %get3A_5160] : memref<512x8192xf32, #tpu.memory_space<vmem>>, vector<128x128xf32>
    %get3A_5162 = arith.constant 0 : index
    %get3A_5163 = arith.constant 4864 : index
    %get3A_5164 = vector.load %arg5[%get3A_5162, %get3A_5163] : memref<1x8192xf32, #tpu.memory_space<vmem>>, vector<1x128xf32>
    %add3A_5165 = vector.broadcast %broadcast_in_dim3A_4318 : vector<128x1xf32> to vector<128x128xf32>
    %add3A_5166 = vector.broadcast %get3A_5164 : vector<1x128xf32> to vector<128x128xf32>
    %add3A_5167 = arith.addf %add3A_5165, %add3A_5166 : vector<128x128xf32>
    %mul3A_5168 = arith.constant 2.000000e+00 : f32
    %mul3A_5169 = vector.broadcast %mul3A_5168 : f32 to vector<128x128xf32>
    %mul3A_5170 = arith.mulf %mul3A_5169, %get3A_5161 : vector<128x128xf32>
    %sub3A_5171 = arith.subf %add3A_5167, %mul3A_5170 : vector<128x128xf32>
    %max3A_5172 = arith.constant 0.000000e+00 : f32
    %max3A_5173 = vector.broadcast %max3A_5172 : f32 to vector<128x128xf32>
    %max3A_5174 = arith.maximumf %sub3A_5171, %max3A_5173 : vector<128x128xf32>
    %sqrt3A_5175 = math.sqrt %max3A_5174 : vector<128x128xf32>
    %lt3A_5176 = arith.cmpf olt, %sqrt3A_5175, %select_n3A_5155 : vector<128x128xf32>
    %select_n3A_5177 = arith.select %lt3A_5176, %sqrt3A_5175, %select_n3A_5155 : vector<128x128xi1>, vector<128x128xf32>
    %jit3A_5178 = arith.constant 38 : i32
    %broadcast_in_dim3A_5179 = vector.broadcast %jit3A_5178 : i32 to vector<128x128xi32>
    %select_n3A_5180 = arith.select %lt3A_5176, %broadcast_in_dim3A_5179, %select_n3A_5158 : vector<128x128xi1>, vector<128x128xi32>
    %get3A_5181 = arith.constant 384 : index
    %get3A_5182 = arith.constant 4992 : index
    %get3A_5183 = vector.load %arg4[%get3A_5181, %get3A_5182] : memref<512x8192xf32, #tpu.memory_space<vmem>>, vector<128x128xf32>
    %get3A_5184 = arith.constant 0 : index
    %get3A_5185 = arith.constant 4992 : index
    %get3A_5186 = vector.load %arg5[%get3A_5184, %get3A_5185] : memref<1x8192xf32, #tpu.memory_space<vmem>>, vector<1x128xf32>
    %add3A_5187 = vector.broadcast %broadcast_in_dim3A_4318 : vector<128x1xf32> to vector<128x128xf32>
    %add3A_5188 = vector.broadcast %get3A_5186 : vector<1x128xf32> to vector<128x128xf32>
    %add3A_5189 = arith.addf %add3A_5187, %add3A_5188 : vector<128x128xf32>
    %mul3A_5190 = arith.constant 2.000000e+00 : f32
    %mul3A_5191 = vector.broadcast %mul3A_5190 : f32 to vector<128x128xf32>
    %mul3A_5192 = arith.mulf %mul3A_5191, %get3A_5183 : vector<128x128xf32>
    %sub3A_5193 = arith.subf %add3A_5189, %mul3A_5192 : vector<128x128xf32>
    %max3A_5194 = arith.constant 0.000000e+00 : f32
    %max3A_5195 = vector.broadcast %max3A_5194 : f32 to vector<128x128xf32>
    %max3A_5196 = arith.maximumf %sub3A_5193, %max3A_5195 : vector<128x128xf32>
    %sqrt3A_5197 = math.sqrt %max3A_5196 : vector<128x128xf32>
    %lt3A_5198 = arith.cmpf olt, %sqrt3A_5197, %select_n3A_5177 : vector<128x128xf32>
    %select_n3A_5199 = arith.select %lt3A_5198, %sqrt3A_5197, %select_n3A_5177 : vector<128x128xi1>, vector<128x128xf32>
    %jit3A_5200 = arith.constant 39 : i32
    %broadcast_in_dim3A_5201 = vector.broadcast %jit3A_5200 : i32 to vector<128x128xi32>
    %select_n3A_5202 = arith.select %lt3A_5198, %broadcast_in_dim3A_5201, %select_n3A_5180 : vector<128x128xi1>, vector<128x128xi32>
    %get3A_5203 = arith.constant 384 : index
    %get3A_5204 = arith.constant 5120 : index
    %get3A_5205 = vector.load %arg4[%get3A_5203, %get3A_5204] : memref<512x8192xf32, #tpu.memory_space<vmem>>, vector<128x128xf32>
    %get3A_5206 = arith.constant 0 : index
    %get3A_5207 = arith.constant 5120 : index
    %get3A_5208 = vector.load %arg5[%get3A_5206, %get3A_5207] : memref<1x8192xf32, #tpu.memory_space<vmem>>, vector<1x128xf32>
    %add3A_5209 = vector.broadcast %broadcast_in_dim3A_4318 : vector<128x1xf32> to vector<128x128xf32>
    %add3A_5210 = vector.broadcast %get3A_5208 : vector<1x128xf32> to vector<128x128xf32>
    %add3A_5211 = arith.addf %add3A_5209, %add3A_5210 : vector<128x128xf32>
    %mul3A_5212 = arith.constant 2.000000e+00 : f32
    %mul3A_5213 = vector.broadcast %mul3A_5212 : f32 to vector<128x128xf32>
    %mul3A_5214 = arith.mulf %mul3A_5213, %get3A_5205 : vector<128x128xf32>
    %sub3A_5215 = arith.subf %add3A_5211, %mul3A_5214 : vector<128x128xf32>
    %max3A_5216 = arith.constant 0.000000e+00 : f32
    %max3A_5217 = vector.broadcast %max3A_5216 : f32 to vector<128x128xf32>
    %max3A_5218 = arith.maximumf %sub3A_5215, %max3A_5217 : vector<128x128xf32>
    %sqrt3A_5219 = math.sqrt %max3A_5218 : vector<128x128xf32>
    %lt3A_5220 = arith.cmpf olt, %sqrt3A_5219, %select_n3A_5199 : vector<128x128xf32>
    %select_n3A_5221 = arith.select %lt3A_5220, %sqrt3A_5219, %select_n3A_5199 : vector<128x128xi1>, vector<128x128xf32>
    %jit3A_5222 = arith.constant 40 : i32
    %broadcast_in_dim3A_5223 = vector.broadcast %jit3A_5222 : i32 to vector<128x128xi32>
    %select_n3A_5224 = arith.select %lt3A_5220, %broadcast_in_dim3A_5223, %select_n3A_5202 : vector<128x128xi1>, vector<128x128xi32>
    %get3A_5225 = arith.constant 384 : index
    %get3A_5226 = arith.constant 5248 : index
    %get3A_5227 = vector.load %arg4[%get3A_5225, %get3A_5226] : memref<512x8192xf32, #tpu.memory_space<vmem>>, vector<128x128xf32>
    %get3A_5228 = arith.constant 0 : index
    %get3A_5229 = arith.constant 5248 : index
    %get3A_5230 = vector.load %arg5[%get3A_5228, %get3A_5229] : memref<1x8192xf32, #tpu.memory_space<vmem>>, vector<1x128xf32>
    %add3A_5231 = vector.broadcast %broadcast_in_dim3A_4318 : vector<128x1xf32> to vector<128x128xf32>
    %add3A_5232 = vector.broadcast %get3A_5230 : vector<1x128xf32> to vector<128x128xf32>
    %add3A_5233 = arith.addf %add3A_5231, %add3A_5232 : vector<128x128xf32>
    %mul3A_5234 = arith.constant 2.000000e+00 : f32
    %mul3A_5235 = vector.broadcast %mul3A_5234 : f32 to vector<128x128xf32>
    %mul3A_5236 = arith.mulf %mul3A_5235, %get3A_5227 : vector<128x128xf32>
    %sub3A_5237 = arith.subf %add3A_5233, %mul3A_5236 : vector<128x128xf32>
    %max3A_5238 = arith.constant 0.000000e+00 : f32
    %max3A_5239 = vector.broadcast %max3A_5238 : f32 to vector<128x128xf32>
    %max3A_5240 = arith.maximumf %sub3A_5237, %max3A_5239 : vector<128x128xf32>
    %sqrt3A_5241 = math.sqrt %max3A_5240 : vector<128x128xf32>
    %lt3A_5242 = arith.cmpf olt, %sqrt3A_5241, %select_n3A_5221 : vector<128x128xf32>
    %select_n3A_5243 = arith.select %lt3A_5242, %sqrt3A_5241, %select_n3A_5221 : vector<128x128xi1>, vector<128x128xf32>
    %jit3A_5244 = arith.constant 41 : i32
    %broadcast_in_dim3A_5245 = vector.broadcast %jit3A_5244 : i32 to vector<128x128xi32>
    %select_n3A_5246 = arith.select %lt3A_5242, %broadcast_in_dim3A_5245, %select_n3A_5224 : vector<128x128xi1>, vector<128x128xi32>
    %get3A_5247 = arith.constant 384 : index
    %get3A_5248 = arith.constant 5376 : index
    %get3A_5249 = vector.load %arg4[%get3A_5247, %get3A_5248] : memref<512x8192xf32, #tpu.memory_space<vmem>>, vector<128x128xf32>
    %get3A_5250 = arith.constant 0 : index
    %get3A_5251 = arith.constant 5376 : index
    %get3A_5252 = vector.load %arg5[%get3A_5250, %get3A_5251] : memref<1x8192xf32, #tpu.memory_space<vmem>>, vector<1x128xf32>
    %add3A_5253 = vector.broadcast %broadcast_in_dim3A_4318 : vector<128x1xf32> to vector<128x128xf32>
    %add3A_5254 = vector.broadcast %get3A_5252 : vector<1x128xf32> to vector<128x128xf32>
    %add3A_5255 = arith.addf %add3A_5253, %add3A_5254 : vector<128x128xf32>
    %mul3A_5256 = arith.constant 2.000000e+00 : f32
    %mul3A_5257 = vector.broadcast %mul3A_5256 : f32 to vector<128x128xf32>
    %mul3A_5258 = arith.mulf %mul3A_5257, %get3A_5249 : vector<128x128xf32>
    %sub3A_5259 = arith.subf %add3A_5255, %mul3A_5258 : vector<128x128xf32>
    %max3A_5260 = arith.constant 0.000000e+00 : f32
    %max3A_5261 = vector.broadcast %max3A_5260 : f32 to vector<128x128xf32>
    %max3A_5262 = arith.maximumf %sub3A_5259, %max3A_5261 : vector<128x128xf32>
    %sqrt3A_5263 = math.sqrt %max3A_5262 : vector<128x128xf32>
    %lt3A_5264 = arith.cmpf olt, %sqrt3A_5263, %select_n3A_5243 : vector<128x128xf32>
    %select_n3A_5265 = arith.select %lt3A_5264, %sqrt3A_5263, %select_n3A_5243 : vector<128x128xi1>, vector<128x128xf32>
    %jit3A_5266 = arith.constant 42 : i32
    %broadcast_in_dim3A_5267 = vector.broadcast %jit3A_5266 : i32 to vector<128x128xi32>
    %select_n3A_5268 = arith.select %lt3A_5264, %broadcast_in_dim3A_5267, %select_n3A_5246 : vector<128x128xi1>, vector<128x128xi32>
    %get3A_5269 = arith.constant 384 : index
    %get3A_5270 = arith.constant 5504 : index
    %get3A_5271 = vector.load %arg4[%get3A_5269, %get3A_5270] : memref<512x8192xf32, #tpu.memory_space<vmem>>, vector<128x128xf32>
    %get3A_5272 = arith.constant 0 : index
    %get3A_5273 = arith.constant 5504 : index
    %get3A_5274 = vector.load %arg5[%get3A_5272, %get3A_5273] : memref<1x8192xf32, #tpu.memory_space<vmem>>, vector<1x128xf32>
    %add3A_5275 = vector.broadcast %broadcast_in_dim3A_4318 : vector<128x1xf32> to vector<128x128xf32>
    %add3A_5276 = vector.broadcast %get3A_5274 : vector<1x128xf32> to vector<128x128xf32>
    %add3A_5277 = arith.addf %add3A_5275, %add3A_5276 : vector<128x128xf32>
    %mul3A_5278 = arith.constant 2.000000e+00 : f32
    %mul3A_5279 = vector.broadcast %mul3A_5278 : f32 to vector<128x128xf32>
    %mul3A_5280 = arith.mulf %mul3A_5279, %get3A_5271 : vector<128x128xf32>
    %sub3A_5281 = arith.subf %add3A_5277, %mul3A_5280 : vector<128x128xf32>
    %max3A_5282 = arith.constant 0.000000e+00 : f32
    %max3A_5283 = vector.broadcast %max3A_5282 : f32 to vector<128x128xf32>
    %max3A_5284 = arith.maximumf %sub3A_5281, %max3A_5283 : vector<128x128xf32>
    %sqrt3A_5285 = math.sqrt %max3A_5284 : vector<128x128xf32>
    %lt3A_5286 = arith.cmpf olt, %sqrt3A_5285, %select_n3A_5265 : vector<128x128xf32>
    %select_n3A_5287 = arith.select %lt3A_5286, %sqrt3A_5285, %select_n3A_5265 : vector<128x128xi1>, vector<128x128xf32>
    %jit3A_5288 = arith.constant 43 : i32
    %broadcast_in_dim3A_5289 = vector.broadcast %jit3A_5288 : i32 to vector<128x128xi32>
    %select_n3A_5290 = arith.select %lt3A_5286, %broadcast_in_dim3A_5289, %select_n3A_5268 : vector<128x128xi1>, vector<128x128xi32>
    %get3A_5291 = arith.constant 384 : index
    %get3A_5292 = arith.constant 5632 : index
    %get3A_5293 = vector.load %arg4[%get3A_5291, %get3A_5292] : memref<512x8192xf32, #tpu.memory_space<vmem>>, vector<128x128xf32>
    %get3A_5294 = arith.constant 0 : index
    %get3A_5295 = arith.constant 5632 : index
    %get3A_5296 = vector.load %arg5[%get3A_5294, %get3A_5295] : memref<1x8192xf32, #tpu.memory_space<vmem>>, vector<1x128xf32>
    %add3A_5297 = vector.broadcast %broadcast_in_dim3A_4318 : vector<128x1xf32> to vector<128x128xf32>
    %add3A_5298 = vector.broadcast %get3A_5296 : vector<1x128xf32> to vector<128x128xf32>
    %add3A_5299 = arith.addf %add3A_5297, %add3A_5298 : vector<128x128xf32>
    %mul3A_5300 = arith.constant 2.000000e+00 : f32
    %mul3A_5301 = vector.broadcast %mul3A_5300 : f32 to vector<128x128xf32>
    %mul3A_5302 = arith.mulf %mul3A_5301, %get3A_5293 : vector<128x128xf32>
    %sub3A_5303 = arith.subf %add3A_5299, %mul3A_5302 : vector<128x128xf32>
    %max3A_5304 = arith.constant 0.000000e+00 : f32
    %max3A_5305 = vector.broadcast %max3A_5304 : f32 to vector<128x128xf32>
    %max3A_5306 = arith.maximumf %sub3A_5303, %max3A_5305 : vector<128x128xf32>
    %sqrt3A_5307 = math.sqrt %max3A_5306 : vector<128x128xf32>
    %lt3A_5308 = arith.cmpf olt, %sqrt3A_5307, %select_n3A_5287 : vector<128x128xf32>
    %select_n3A_5309 = arith.select %lt3A_5308, %sqrt3A_5307, %select_n3A_5287 : vector<128x128xi1>, vector<128x128xf32>
    %jit3A_5310 = arith.constant 44 : i32
    %broadcast_in_dim3A_5311 = vector.broadcast %jit3A_5310 : i32 to vector<128x128xi32>
    %select_n3A_5312 = arith.select %lt3A_5308, %broadcast_in_dim3A_5311, %select_n3A_5290 : vector<128x128xi1>, vector<128x128xi32>
    %get3A_5313 = arith.constant 384 : index
    %get3A_5314 = arith.constant 5760 : index
    %get3A_5315 = vector.load %arg4[%get3A_5313, %get3A_5314] : memref<512x8192xf32, #tpu.memory_space<vmem>>, vector<128x128xf32>
    %get3A_5316 = arith.constant 0 : index
    %get3A_5317 = arith.constant 5760 : index
    %get3A_5318 = vector.load %arg5[%get3A_5316, %get3A_5317] : memref<1x8192xf32, #tpu.memory_space<vmem>>, vector<1x128xf32>
    %add3A_5319 = vector.broadcast %broadcast_in_dim3A_4318 : vector<128x1xf32> to vector<128x128xf32>
    %add3A_5320 = vector.broadcast %get3A_5318 : vector<1x128xf32> to vector<128x128xf32>
    %add3A_5321 = arith.addf %add3A_5319, %add3A_5320 : vector<128x128xf32>
    %mul3A_5322 = arith.constant 2.000000e+00 : f32
    %mul3A_5323 = vector.broadcast %mul3A_5322 : f32 to vector<128x128xf32>
    %mul3A_5324 = arith.mulf %mul3A_5323, %get3A_5315 : vector<128x128xf32>
    %sub3A_5325 = arith.subf %add3A_5321, %mul3A_5324 : vector<128x128xf32>
    %max3A_5326 = arith.constant 0.000000e+00 : f32
    %max3A_5327 = vector.broadcast %max3A_5326 : f32 to vector<128x128xf32>
    %max3A_5328 = arith.maximumf %sub3A_5325, %max3A_5327 : vector<128x128xf32>
    %sqrt3A_5329 = math.sqrt %max3A_5328 : vector<128x128xf32>
    %lt3A_5330 = arith.cmpf olt, %sqrt3A_5329, %select_n3A_5309 : vector<128x128xf32>
    %select_n3A_5331 = arith.select %lt3A_5330, %sqrt3A_5329, %select_n3A_5309 : vector<128x128xi1>, vector<128x128xf32>
    %jit3A_5332 = arith.constant 45 : i32
    %broadcast_in_dim3A_5333 = vector.broadcast %jit3A_5332 : i32 to vector<128x128xi32>
    %select_n3A_5334 = arith.select %lt3A_5330, %broadcast_in_dim3A_5333, %select_n3A_5312 : vector<128x128xi1>, vector<128x128xi32>
    %get3A_5335 = arith.constant 384 : index
    %get3A_5336 = arith.constant 5888 : index
    %get3A_5337 = vector.load %arg4[%get3A_5335, %get3A_5336] : memref<512x8192xf32, #tpu.memory_space<vmem>>, vector<128x128xf32>
    %get3A_5338 = arith.constant 0 : index
    %get3A_5339 = arith.constant 5888 : index
    %get3A_5340 = vector.load %arg5[%get3A_5338, %get3A_5339] : memref<1x8192xf32, #tpu.memory_space<vmem>>, vector<1x128xf32>
    %add3A_5341 = vector.broadcast %broadcast_in_dim3A_4318 : vector<128x1xf32> to vector<128x128xf32>
    %add3A_5342 = vector.broadcast %get3A_5340 : vector<1x128xf32> to vector<128x128xf32>
    %add3A_5343 = arith.addf %add3A_5341, %add3A_5342 : vector<128x128xf32>
    %mul3A_5344 = arith.constant 2.000000e+00 : f32
    %mul3A_5345 = vector.broadcast %mul3A_5344 : f32 to vector<128x128xf32>
    %mul3A_5346 = arith.mulf %mul3A_5345, %get3A_5337 : vector<128x128xf32>
    %sub3A_5347 = arith.subf %add3A_5343, %mul3A_5346 : vector<128x128xf32>
    %max3A_5348 = arith.constant 0.000000e+00 : f32
    %max3A_5349 = vector.broadcast %max3A_5348 : f32 to vector<128x128xf32>
    %max3A_5350 = arith.maximumf %sub3A_5347, %max3A_5349 : vector<128x128xf32>
    %sqrt3A_5351 = math.sqrt %max3A_5350 : vector<128x128xf32>
    %lt3A_5352 = arith.cmpf olt, %sqrt3A_5351, %select_n3A_5331 : vector<128x128xf32>
    %select_n3A_5353 = arith.select %lt3A_5352, %sqrt3A_5351, %select_n3A_5331 : vector<128x128xi1>, vector<128x128xf32>
    %jit3A_5354 = arith.constant 46 : i32
    %broadcast_in_dim3A_5355 = vector.broadcast %jit3A_5354 : i32 to vector<128x128xi32>
    %select_n3A_5356 = arith.select %lt3A_5352, %broadcast_in_dim3A_5355, %select_n3A_5334 : vector<128x128xi1>, vector<128x128xi32>
    %get3A_5357 = arith.constant 384 : index
    %get3A_5358 = arith.constant 6016 : index
    %get3A_5359 = vector.load %arg4[%get3A_5357, %get3A_5358] : memref<512x8192xf32, #tpu.memory_space<vmem>>, vector<128x128xf32>
    %get3A_5360 = arith.constant 0 : index
    %get3A_5361 = arith.constant 6016 : index
    %get3A_5362 = vector.load %arg5[%get3A_5360, %get3A_5361] : memref<1x8192xf32, #tpu.memory_space<vmem>>, vector<1x128xf32>
    %add3A_5363 = vector.broadcast %broadcast_in_dim3A_4318 : vector<128x1xf32> to vector<128x128xf32>
    %add3A_5364 = vector.broadcast %get3A_5362 : vector<1x128xf32> to vector<128x128xf32>
    %add3A_5365 = arith.addf %add3A_5363, %add3A_5364 : vector<128x128xf32>
    %mul3A_5366 = arith.constant 2.000000e+00 : f32
    %mul3A_5367 = vector.broadcast %mul3A_5366 : f32 to vector<128x128xf32>
    %mul3A_5368 = arith.mulf %mul3A_5367, %get3A_5359 : vector<128x128xf32>
    %sub3A_5369 = arith.subf %add3A_5365, %mul3A_5368 : vector<128x128xf32>
    %max3A_5370 = arith.constant 0.000000e+00 : f32
    %max3A_5371 = vector.broadcast %max3A_5370 : f32 to vector<128x128xf32>
    %max3A_5372 = arith.maximumf %sub3A_5369, %max3A_5371 : vector<128x128xf32>
    %sqrt3A_5373 = math.sqrt %max3A_5372 : vector<128x128xf32>
    %lt3A_5374 = arith.cmpf olt, %sqrt3A_5373, %select_n3A_5353 : vector<128x128xf32>
    %select_n3A_5375 = arith.select %lt3A_5374, %sqrt3A_5373, %select_n3A_5353 : vector<128x128xi1>, vector<128x128xf32>
    %jit3A_5376 = arith.constant 47 : i32
    %broadcast_in_dim3A_5377 = vector.broadcast %jit3A_5376 : i32 to vector<128x128xi32>
    %select_n3A_5378 = arith.select %lt3A_5374, %broadcast_in_dim3A_5377, %select_n3A_5356 : vector<128x128xi1>, vector<128x128xi32>
    %get3A_5379 = arith.constant 384 : index
    %get3A_5380 = arith.constant 6144 : index
    %get3A_5381 = vector.load %arg4[%get3A_5379, %get3A_5380] : memref<512x8192xf32, #tpu.memory_space<vmem>>, vector<128x128xf32>
    %get3A_5382 = arith.constant 0 : index
    %get3A_5383 = arith.constant 6144 : index
    %get3A_5384 = vector.load %arg5[%get3A_5382, %get3A_5383] : memref<1x8192xf32, #tpu.memory_space<vmem>>, vector<1x128xf32>
    %add3A_5385 = vector.broadcast %broadcast_in_dim3A_4318 : vector<128x1xf32> to vector<128x128xf32>
    %add3A_5386 = vector.broadcast %get3A_5384 : vector<1x128xf32> to vector<128x128xf32>
    %add3A_5387 = arith.addf %add3A_5385, %add3A_5386 : vector<128x128xf32>
    %mul3A_5388 = arith.constant 2.000000e+00 : f32
    %mul3A_5389 = vector.broadcast %mul3A_5388 : f32 to vector<128x128xf32>
    %mul3A_5390 = arith.mulf %mul3A_5389, %get3A_5381 : vector<128x128xf32>
    %sub3A_5391 = arith.subf %add3A_5387, %mul3A_5390 : vector<128x128xf32>
    %max3A_5392 = arith.constant 0.000000e+00 : f32
    %max3A_5393 = vector.broadcast %max3A_5392 : f32 to vector<128x128xf32>
    %max3A_5394 = arith.maximumf %sub3A_5391, %max3A_5393 : vector<128x128xf32>
    %sqrt3A_5395 = math.sqrt %max3A_5394 : vector<128x128xf32>
    %lt3A_5396 = arith.cmpf olt, %sqrt3A_5395, %select_n3A_5375 : vector<128x128xf32>
    %select_n3A_5397 = arith.select %lt3A_5396, %sqrt3A_5395, %select_n3A_5375 : vector<128x128xi1>, vector<128x128xf32>
    %jit3A_5398 = arith.constant 48 : i32
    %broadcast_in_dim3A_5399 = vector.broadcast %jit3A_5398 : i32 to vector<128x128xi32>
    %select_n3A_5400 = arith.select %lt3A_5396, %broadcast_in_dim3A_5399, %select_n3A_5378 : vector<128x128xi1>, vector<128x128xi32>
    %get3A_5401 = arith.constant 384 : index
    %get3A_5402 = arith.constant 6272 : index
    %get3A_5403 = vector.load %arg4[%get3A_5401, %get3A_5402] : memref<512x8192xf32, #tpu.memory_space<vmem>>, vector<128x128xf32>
    %get3A_5404 = arith.constant 0 : index
    %get3A_5405 = arith.constant 6272 : index
    %get3A_5406 = vector.load %arg5[%get3A_5404, %get3A_5405] : memref<1x8192xf32, #tpu.memory_space<vmem>>, vector<1x128xf32>
    %add3A_5407 = vector.broadcast %broadcast_in_dim3A_4318 : vector<128x1xf32> to vector<128x128xf32>
    %add3A_5408 = vector.broadcast %get3A_5406 : vector<1x128xf32> to vector<128x128xf32>
    %add3A_5409 = arith.addf %add3A_5407, %add3A_5408 : vector<128x128xf32>
    %mul3A_5410 = arith.constant 2.000000e+00 : f32
    %mul3A_5411 = vector.broadcast %mul3A_5410 : f32 to vector<128x128xf32>
    %mul3A_5412 = arith.mulf %mul3A_5411, %get3A_5403 : vector<128x128xf32>
    %sub3A_5413 = arith.subf %add3A_5409, %mul3A_5412 : vector<128x128xf32>
    %max3A_5414 = arith.constant 0.000000e+00 : f32
    %max3A_5415 = vector.broadcast %max3A_5414 : f32 to vector<128x128xf32>
    %max3A_5416 = arith.maximumf %sub3A_5413, %max3A_5415 : vector<128x128xf32>
    %sqrt3A_5417 = math.sqrt %max3A_5416 : vector<128x128xf32>
    %lt3A_5418 = arith.cmpf olt, %sqrt3A_5417, %select_n3A_5397 : vector<128x128xf32>
    %select_n3A_5419 = arith.select %lt3A_5418, %sqrt3A_5417, %select_n3A_5397 : vector<128x128xi1>, vector<128x128xf32>
    %jit3A_5420 = arith.constant 49 : i32
    %broadcast_in_dim3A_5421 = vector.broadcast %jit3A_5420 : i32 to vector<128x128xi32>
    %select_n3A_5422 = arith.select %lt3A_5418, %broadcast_in_dim3A_5421, %select_n3A_5400 : vector<128x128xi1>, vector<128x128xi32>
    %get3A_5423 = arith.constant 384 : index
    %get3A_5424 = arith.constant 6400 : index
    %get3A_5425 = vector.load %arg4[%get3A_5423, %get3A_5424] : memref<512x8192xf32, #tpu.memory_space<vmem>>, vector<128x128xf32>
    %get3A_5426 = arith.constant 0 : index
    %get3A_5427 = arith.constant 6400 : index
    %get3A_5428 = vector.load %arg5[%get3A_5426, %get3A_5427] : memref<1x8192xf32, #tpu.memory_space<vmem>>, vector<1x128xf32>
    %add3A_5429 = vector.broadcast %broadcast_in_dim3A_4318 : vector<128x1xf32> to vector<128x128xf32>
    %add3A_5430 = vector.broadcast %get3A_5428 : vector<1x128xf32> to vector<128x128xf32>
    %add3A_5431 = arith.addf %add3A_5429, %add3A_5430 : vector<128x128xf32>
    %mul3A_5432 = arith.constant 2.000000e+00 : f32
    %mul3A_5433 = vector.broadcast %mul3A_5432 : f32 to vector<128x128xf32>
    %mul3A_5434 = arith.mulf %mul3A_5433, %get3A_5425 : vector<128x128xf32>
    %sub3A_5435 = arith.subf %add3A_5431, %mul3A_5434 : vector<128x128xf32>
    %max3A_5436 = arith.constant 0.000000e+00 : f32
    %max3A_5437 = vector.broadcast %max3A_5436 : f32 to vector<128x128xf32>
    %max3A_5438 = arith.maximumf %sub3A_5435, %max3A_5437 : vector<128x128xf32>
    %sqrt3A_5439 = math.sqrt %max3A_5438 : vector<128x128xf32>
    %lt3A_5440 = arith.cmpf olt, %sqrt3A_5439, %select_n3A_5419 : vector<128x128xf32>
    %select_n3A_5441 = arith.select %lt3A_5440, %sqrt3A_5439, %select_n3A_5419 : vector<128x128xi1>, vector<128x128xf32>
    %jit3A_5442 = arith.constant 50 : i32
    %broadcast_in_dim3A_5443 = vector.broadcast %jit3A_5442 : i32 to vector<128x128xi32>
    %select_n3A_5444 = arith.select %lt3A_5440, %broadcast_in_dim3A_5443, %select_n3A_5422 : vector<128x128xi1>, vector<128x128xi32>
    %get3A_5445 = arith.constant 384 : index
    %get3A_5446 = arith.constant 6528 : index
    %get3A_5447 = vector.load %arg4[%get3A_5445, %get3A_5446] : memref<512x8192xf32, #tpu.memory_space<vmem>>, vector<128x128xf32>
    %get3A_5448 = arith.constant 0 : index
    %get3A_5449 = arith.constant 6528 : index
    %get3A_5450 = vector.load %arg5[%get3A_5448, %get3A_5449] : memref<1x8192xf32, #tpu.memory_space<vmem>>, vector<1x128xf32>
    %add3A_5451 = vector.broadcast %broadcast_in_dim3A_4318 : vector<128x1xf32> to vector<128x128xf32>
    %add3A_5452 = vector.broadcast %get3A_5450 : vector<1x128xf32> to vector<128x128xf32>
    %add3A_5453 = arith.addf %add3A_5451, %add3A_5452 : vector<128x128xf32>
    %mul3A_5454 = arith.constant 2.000000e+00 : f32
    %mul3A_5455 = vector.broadcast %mul3A_5454 : f32 to vector<128x128xf32>
    %mul3A_5456 = arith.mulf %mul3A_5455, %get3A_5447 : vector<128x128xf32>
    %sub3A_5457 = arith.subf %add3A_5453, %mul3A_5456 : vector<128x128xf32>
    %max3A_5458 = arith.constant 0.000000e+00 : f32
    %max3A_5459 = vector.broadcast %max3A_5458 : f32 to vector<128x128xf32>
    %max3A_5460 = arith.maximumf %sub3A_5457, %max3A_5459 : vector<128x128xf32>
    %sqrt3A_5461 = math.sqrt %max3A_5460 : vector<128x128xf32>
    %lt3A_5462 = arith.cmpf olt, %sqrt3A_5461, %select_n3A_5441 : vector<128x128xf32>
    %select_n3A_5463 = arith.select %lt3A_5462, %sqrt3A_5461, %select_n3A_5441 : vector<128x128xi1>, vector<128x128xf32>
    %jit3A_5464 = arith.constant 51 : i32
    %broadcast_in_dim3A_5465 = vector.broadcast %jit3A_5464 : i32 to vector<128x128xi32>
    %select_n3A_5466 = arith.select %lt3A_5462, %broadcast_in_dim3A_5465, %select_n3A_5444 : vector<128x128xi1>, vector<128x128xi32>
    %get3A_5467 = arith.constant 384 : index
    %get3A_5468 = arith.constant 6656 : index
    %get3A_5469 = vector.load %arg4[%get3A_5467, %get3A_5468] : memref<512x8192xf32, #tpu.memory_space<vmem>>, vector<128x128xf32>
    %get3A_5470 = arith.constant 0 : index
    %get3A_5471 = arith.constant 6656 : index
    %get3A_5472 = vector.load %arg5[%get3A_5470, %get3A_5471] : memref<1x8192xf32, #tpu.memory_space<vmem>>, vector<1x128xf32>
    %add3A_5473 = vector.broadcast %broadcast_in_dim3A_4318 : vector<128x1xf32> to vector<128x128xf32>
    %add3A_5474 = vector.broadcast %get3A_5472 : vector<1x128xf32> to vector<128x128xf32>
    %add3A_5475 = arith.addf %add3A_5473, %add3A_5474 : vector<128x128xf32>
    %mul3A_5476 = arith.constant 2.000000e+00 : f32
    %mul3A_5477 = vector.broadcast %mul3A_5476 : f32 to vector<128x128xf32>
    %mul3A_5478 = arith.mulf %mul3A_5477, %get3A_5469 : vector<128x128xf32>
    %sub3A_5479 = arith.subf %add3A_5475, %mul3A_5478 : vector<128x128xf32>
    %max3A_5480 = arith.constant 0.000000e+00 : f32
    %max3A_5481 = vector.broadcast %max3A_5480 : f32 to vector<128x128xf32>
    %max3A_5482 = arith.maximumf %sub3A_5479, %max3A_5481 : vector<128x128xf32>
    %sqrt3A_5483 = math.sqrt %max3A_5482 : vector<128x128xf32>
    %lt3A_5484 = arith.cmpf olt, %sqrt3A_5483, %select_n3A_5463 : vector<128x128xf32>
    %select_n3A_5485 = arith.select %lt3A_5484, %sqrt3A_5483, %select_n3A_5463 : vector<128x128xi1>, vector<128x128xf32>
    %jit3A_5486 = arith.constant 52 : i32
    %broadcast_in_dim3A_5487 = vector.broadcast %jit3A_5486 : i32 to vector<128x128xi32>
    %select_n3A_5488 = arith.select %lt3A_5484, %broadcast_in_dim3A_5487, %select_n3A_5466 : vector<128x128xi1>, vector<128x128xi32>
    %get3A_5489 = arith.constant 384 : index
    %get3A_5490 = arith.constant 6784 : index
    %get3A_5491 = vector.load %arg4[%get3A_5489, %get3A_5490] : memref<512x8192xf32, #tpu.memory_space<vmem>>, vector<128x128xf32>
    %get3A_5492 = arith.constant 0 : index
    %get3A_5493 = arith.constant 6784 : index
    %get3A_5494 = vector.load %arg5[%get3A_5492, %get3A_5493] : memref<1x8192xf32, #tpu.memory_space<vmem>>, vector<1x128xf32>
    %add3A_5495 = vector.broadcast %broadcast_in_dim3A_4318 : vector<128x1xf32> to vector<128x128xf32>
    %add3A_5496 = vector.broadcast %get3A_5494 : vector<1x128xf32> to vector<128x128xf32>
    %add3A_5497 = arith.addf %add3A_5495, %add3A_5496 : vector<128x128xf32>
    %mul3A_5498 = arith.constant 2.000000e+00 : f32
    %mul3A_5499 = vector.broadcast %mul3A_5498 : f32 to vector<128x128xf32>
    %mul3A_5500 = arith.mulf %mul3A_5499, %get3A_5491 : vector<128x128xf32>
    %sub3A_5501 = arith.subf %add3A_5497, %mul3A_5500 : vector<128x128xf32>
    %max3A_5502 = arith.constant 0.000000e+00 : f32
    %max3A_5503 = vector.broadcast %max3A_5502 : f32 to vector<128x128xf32>
    %max3A_5504 = arith.maximumf %sub3A_5501, %max3A_5503 : vector<128x128xf32>
    %sqrt3A_5505 = math.sqrt %max3A_5504 : vector<128x128xf32>
    %lt3A_5506 = arith.cmpf olt, %sqrt3A_5505, %select_n3A_5485 : vector<128x128xf32>
    %select_n3A_5507 = arith.select %lt3A_5506, %sqrt3A_5505, %select_n3A_5485 : vector<128x128xi1>, vector<128x128xf32>
    %jit3A_5508 = arith.constant 53 : i32
    %broadcast_in_dim3A_5509 = vector.broadcast %jit3A_5508 : i32 to vector<128x128xi32>
    %select_n3A_5510 = arith.select %lt3A_5506, %broadcast_in_dim3A_5509, %select_n3A_5488 : vector<128x128xi1>, vector<128x128xi32>
    %get3A_5511 = arith.constant 384 : index
    %get3A_5512 = arith.constant 6912 : index
    %get3A_5513 = vector.load %arg4[%get3A_5511, %get3A_5512] : memref<512x8192xf32, #tpu.memory_space<vmem>>, vector<128x128xf32>
    %get3A_5514 = arith.constant 0 : index
    %get3A_5515 = arith.constant 6912 : index
    %get3A_5516 = vector.load %arg5[%get3A_5514, %get3A_5515] : memref<1x8192xf32, #tpu.memory_space<vmem>>, vector<1x128xf32>
    %add3A_5517 = vector.broadcast %broadcast_in_dim3A_4318 : vector<128x1xf32> to vector<128x128xf32>
    %add3A_5518 = vector.broadcast %get3A_5516 : vector<1x128xf32> to vector<128x128xf32>
    %add3A_5519 = arith.addf %add3A_5517, %add3A_5518 : vector<128x128xf32>
    %mul3A_5520 = arith.constant 2.000000e+00 : f32
    %mul3A_5521 = vector.broadcast %mul3A_5520 : f32 to vector<128x128xf32>
    %mul3A_5522 = arith.mulf %mul3A_5521, %get3A_5513 : vector<128x128xf32>
    %sub3A_5523 = arith.subf %add3A_5519, %mul3A_5522 : vector<128x128xf32>
    %max3A_5524 = arith.constant 0.000000e+00 : f32
    %max3A_5525 = vector.broadcast %max3A_5524 : f32 to vector<128x128xf32>
    %max3A_5526 = arith.maximumf %sub3A_5523, %max3A_5525 : vector<128x128xf32>
    %sqrt3A_5527 = math.sqrt %max3A_5526 : vector<128x128xf32>
    %lt3A_5528 = arith.cmpf olt, %sqrt3A_5527, %select_n3A_5507 : vector<128x128xf32>
    %select_n3A_5529 = arith.select %lt3A_5528, %sqrt3A_5527, %select_n3A_5507 : vector<128x128xi1>, vector<128x128xf32>
    %jit3A_5530 = arith.constant 54 : i32
    %broadcast_in_dim3A_5531 = vector.broadcast %jit3A_5530 : i32 to vector<128x128xi32>
    %select_n3A_5532 = arith.select %lt3A_5528, %broadcast_in_dim3A_5531, %select_n3A_5510 : vector<128x128xi1>, vector<128x128xi32>
    %get3A_5533 = arith.constant 384 : index
    %get3A_5534 = arith.constant 7040 : index
    %get3A_5535 = vector.load %arg4[%get3A_5533, %get3A_5534] : memref<512x8192xf32, #tpu.memory_space<vmem>>, vector<128x128xf32>
    %get3A_5536 = arith.constant 0 : index
    %get3A_5537 = arith.constant 7040 : index
    %get3A_5538 = vector.load %arg5[%get3A_5536, %get3A_5537] : memref<1x8192xf32, #tpu.memory_space<vmem>>, vector<1x128xf32>
    %add3A_5539 = vector.broadcast %broadcast_in_dim3A_4318 : vector<128x1xf32> to vector<128x128xf32>
    %add3A_5540 = vector.broadcast %get3A_5538 : vector<1x128xf32> to vector<128x128xf32>
    %add3A_5541 = arith.addf %add3A_5539, %add3A_5540 : vector<128x128xf32>
    %mul3A_5542 = arith.constant 2.000000e+00 : f32
    %mul3A_5543 = vector.broadcast %mul3A_5542 : f32 to vector<128x128xf32>
    %mul3A_5544 = arith.mulf %mul3A_5543, %get3A_5535 : vector<128x128xf32>
    %sub3A_5545 = arith.subf %add3A_5541, %mul3A_5544 : vector<128x128xf32>
    %max3A_5546 = arith.constant 0.000000e+00 : f32
    %max3A_5547 = vector.broadcast %max3A_5546 : f32 to vector<128x128xf32>
    %max3A_5548 = arith.maximumf %sub3A_5545, %max3A_5547 : vector<128x128xf32>
    %sqrt3A_5549 = math.sqrt %max3A_5548 : vector<128x128xf32>
    %lt3A_5550 = arith.cmpf olt, %sqrt3A_5549, %select_n3A_5529 : vector<128x128xf32>
    %select_n3A_5551 = arith.select %lt3A_5550, %sqrt3A_5549, %select_n3A_5529 : vector<128x128xi1>, vector<128x128xf32>
    %jit3A_5552 = arith.constant 55 : i32
    %broadcast_in_dim3A_5553 = vector.broadcast %jit3A_5552 : i32 to vector<128x128xi32>
    %select_n3A_5554 = arith.select %lt3A_5550, %broadcast_in_dim3A_5553, %select_n3A_5532 : vector<128x128xi1>, vector<128x128xi32>
    %get3A_5555 = arith.constant 384 : index
    %get3A_5556 = arith.constant 7168 : index
    %get3A_5557 = vector.load %arg4[%get3A_5555, %get3A_5556] : memref<512x8192xf32, #tpu.memory_space<vmem>>, vector<128x128xf32>
    %get3A_5558 = arith.constant 0 : index
    %get3A_5559 = arith.constant 7168 : index
    %get3A_5560 = vector.load %arg5[%get3A_5558, %get3A_5559] : memref<1x8192xf32, #tpu.memory_space<vmem>>, vector<1x128xf32>
    %add3A_5561 = vector.broadcast %broadcast_in_dim3A_4318 : vector<128x1xf32> to vector<128x128xf32>
    %add3A_5562 = vector.broadcast %get3A_5560 : vector<1x128xf32> to vector<128x128xf32>
    %add3A_5563 = arith.addf %add3A_5561, %add3A_5562 : vector<128x128xf32>
    %mul3A_5564 = arith.constant 2.000000e+00 : f32
    %mul3A_5565 = vector.broadcast %mul3A_5564 : f32 to vector<128x128xf32>
    %mul3A_5566 = arith.mulf %mul3A_5565, %get3A_5557 : vector<128x128xf32>
    %sub3A_5567 = arith.subf %add3A_5563, %mul3A_5566 : vector<128x128xf32>
    %max3A_5568 = arith.constant 0.000000e+00 : f32
    %max3A_5569 = vector.broadcast %max3A_5568 : f32 to vector<128x128xf32>
    %max3A_5570 = arith.maximumf %sub3A_5567, %max3A_5569 : vector<128x128xf32>
    %sqrt3A_5571 = math.sqrt %max3A_5570 : vector<128x128xf32>
    %lt3A_5572 = arith.cmpf olt, %sqrt3A_5571, %select_n3A_5551 : vector<128x128xf32>
    %select_n3A_5573 = arith.select %lt3A_5572, %sqrt3A_5571, %select_n3A_5551 : vector<128x128xi1>, vector<128x128xf32>
    %jit3A_5574 = arith.constant 56 : i32
    %broadcast_in_dim3A_5575 = vector.broadcast %jit3A_5574 : i32 to vector<128x128xi32>
    %select_n3A_5576 = arith.select %lt3A_5572, %broadcast_in_dim3A_5575, %select_n3A_5554 : vector<128x128xi1>, vector<128x128xi32>
    %get3A_5577 = arith.constant 384 : index
    %get3A_5578 = arith.constant 7296 : index
    %get3A_5579 = vector.load %arg4[%get3A_5577, %get3A_5578] : memref<512x8192xf32, #tpu.memory_space<vmem>>, vector<128x128xf32>
    %get3A_5580 = arith.constant 0 : index
    %get3A_5581 = arith.constant 7296 : index
    %get3A_5582 = vector.load %arg5[%get3A_5580, %get3A_5581] : memref<1x8192xf32, #tpu.memory_space<vmem>>, vector<1x128xf32>
    %add3A_5583 = vector.broadcast %broadcast_in_dim3A_4318 : vector<128x1xf32> to vector<128x128xf32>
    %add3A_5584 = vector.broadcast %get3A_5582 : vector<1x128xf32> to vector<128x128xf32>
    %add3A_5585 = arith.addf %add3A_5583, %add3A_5584 : vector<128x128xf32>
    %mul3A_5586 = arith.constant 2.000000e+00 : f32
    %mul3A_5587 = vector.broadcast %mul3A_5586 : f32 to vector<128x128xf32>
    %mul3A_5588 = arith.mulf %mul3A_5587, %get3A_5579 : vector<128x128xf32>
    %sub3A_5589 = arith.subf %add3A_5585, %mul3A_5588 : vector<128x128xf32>
    %max3A_5590 = arith.constant 0.000000e+00 : f32
    %max3A_5591 = vector.broadcast %max3A_5590 : f32 to vector<128x128xf32>
    %max3A_5592 = arith.maximumf %sub3A_5589, %max3A_5591 : vector<128x128xf32>
    %sqrt3A_5593 = math.sqrt %max3A_5592 : vector<128x128xf32>
    %lt3A_5594 = arith.cmpf olt, %sqrt3A_5593, %select_n3A_5573 : vector<128x128xf32>
    %select_n3A_5595 = arith.select %lt3A_5594, %sqrt3A_5593, %select_n3A_5573 : vector<128x128xi1>, vector<128x128xf32>
    %jit3A_5596 = arith.constant 57 : i32
    %broadcast_in_dim3A_5597 = vector.broadcast %jit3A_5596 : i32 to vector<128x128xi32>
    %select_n3A_5598 = arith.select %lt3A_5594, %broadcast_in_dim3A_5597, %select_n3A_5576 : vector<128x128xi1>, vector<128x128xi32>
    %get3A_5599 = arith.constant 384 : index
    %get3A_5600 = arith.constant 7424 : index
    %get3A_5601 = vector.load %arg4[%get3A_5599, %get3A_5600] : memref<512x8192xf32, #tpu.memory_space<vmem>>, vector<128x128xf32>
    %get3A_5602 = arith.constant 0 : index
    %get3A_5603 = arith.constant 7424 : index
    %get3A_5604 = vector.load %arg5[%get3A_5602, %get3A_5603] : memref<1x8192xf32, #tpu.memory_space<vmem>>, vector<1x128xf32>
    %add3A_5605 = vector.broadcast %broadcast_in_dim3A_4318 : vector<128x1xf32> to vector<128x128xf32>
    %add3A_5606 = vector.broadcast %get3A_5604 : vector<1x128xf32> to vector<128x128xf32>
    %add3A_5607 = arith.addf %add3A_5605, %add3A_5606 : vector<128x128xf32>
    %mul3A_5608 = arith.constant 2.000000e+00 : f32
    %mul3A_5609 = vector.broadcast %mul3A_5608 : f32 to vector<128x128xf32>
    %mul3A_5610 = arith.mulf %mul3A_5609, %get3A_5601 : vector<128x128xf32>
    %sub3A_5611 = arith.subf %add3A_5607, %mul3A_5610 : vector<128x128xf32>
    %max3A_5612 = arith.constant 0.000000e+00 : f32
    %max3A_5613 = vector.broadcast %max3A_5612 : f32 to vector<128x128xf32>
    %max3A_5614 = arith.maximumf %sub3A_5611, %max3A_5613 : vector<128x128xf32>
    %sqrt3A_5615 = math.sqrt %max3A_5614 : vector<128x128xf32>
    %lt3A_5616 = arith.cmpf olt, %sqrt3A_5615, %select_n3A_5595 : vector<128x128xf32>
    %select_n3A_5617 = arith.select %lt3A_5616, %sqrt3A_5615, %select_n3A_5595 : vector<128x128xi1>, vector<128x128xf32>
    %jit3A_5618 = arith.constant 58 : i32
    %broadcast_in_dim3A_5619 = vector.broadcast %jit3A_5618 : i32 to vector<128x128xi32>
    %select_n3A_5620 = arith.select %lt3A_5616, %broadcast_in_dim3A_5619, %select_n3A_5598 : vector<128x128xi1>, vector<128x128xi32>
    %get3A_5621 = arith.constant 384 : index
    %get3A_5622 = arith.constant 7552 : index
    %get3A_5623 = vector.load %arg4[%get3A_5621, %get3A_5622] : memref<512x8192xf32, #tpu.memory_space<vmem>>, vector<128x128xf32>
    %get3A_5624 = arith.constant 0 : index
    %get3A_5625 = arith.constant 7552 : index
    %get3A_5626 = vector.load %arg5[%get3A_5624, %get3A_5625] : memref<1x8192xf32, #tpu.memory_space<vmem>>, vector<1x128xf32>
    %add3A_5627 = vector.broadcast %broadcast_in_dim3A_4318 : vector<128x1xf32> to vector<128x128xf32>
    %add3A_5628 = vector.broadcast %get3A_5626 : vector<1x128xf32> to vector<128x128xf32>
    %add3A_5629 = arith.addf %add3A_5627, %add3A_5628 : vector<128x128xf32>
    %mul3A_5630 = arith.constant 2.000000e+00 : f32
    %mul3A_5631 = vector.broadcast %mul3A_5630 : f32 to vector<128x128xf32>
    %mul3A_5632 = arith.mulf %mul3A_5631, %get3A_5623 : vector<128x128xf32>
    %sub3A_5633 = arith.subf %add3A_5629, %mul3A_5632 : vector<128x128xf32>
    %max3A_5634 = arith.constant 0.000000e+00 : f32
    %max3A_5635 = vector.broadcast %max3A_5634 : f32 to vector<128x128xf32>
    %max3A_5636 = arith.maximumf %sub3A_5633, %max3A_5635 : vector<128x128xf32>
    %sqrt3A_5637 = math.sqrt %max3A_5636 : vector<128x128xf32>
    %lt3A_5638 = arith.cmpf olt, %sqrt3A_5637, %select_n3A_5617 : vector<128x128xf32>
    %select_n3A_5639 = arith.select %lt3A_5638, %sqrt3A_5637, %select_n3A_5617 : vector<128x128xi1>, vector<128x128xf32>
    %jit3A_5640 = arith.constant 59 : i32
    %broadcast_in_dim3A_5641 = vector.broadcast %jit3A_5640 : i32 to vector<128x128xi32>
    %select_n3A_5642 = arith.select %lt3A_5638, %broadcast_in_dim3A_5641, %select_n3A_5620 : vector<128x128xi1>, vector<128x128xi32>
    %get3A_5643 = arith.constant 384 : index
    %get3A_5644 = arith.constant 7680 : index
    %get3A_5645 = vector.load %arg4[%get3A_5643, %get3A_5644] : memref<512x8192xf32, #tpu.memory_space<vmem>>, vector<128x128xf32>
    %get3A_5646 = arith.constant 0 : index
    %get3A_5647 = arith.constant 7680 : index
    %get3A_5648 = vector.load %arg5[%get3A_5646, %get3A_5647] : memref<1x8192xf32, #tpu.memory_space<vmem>>, vector<1x128xf32>
    %add3A_5649 = vector.broadcast %broadcast_in_dim3A_4318 : vector<128x1xf32> to vector<128x128xf32>
    %add3A_5650 = vector.broadcast %get3A_5648 : vector<1x128xf32> to vector<128x128xf32>
    %add3A_5651 = arith.addf %add3A_5649, %add3A_5650 : vector<128x128xf32>
    %mul3A_5652 = arith.constant 2.000000e+00 : f32
    %mul3A_5653 = vector.broadcast %mul3A_5652 : f32 to vector<128x128xf32>
    %mul3A_5654 = arith.mulf %mul3A_5653, %get3A_5645 : vector<128x128xf32>
    %sub3A_5655 = arith.subf %add3A_5651, %mul3A_5654 : vector<128x128xf32>
    %max3A_5656 = arith.constant 0.000000e+00 : f32
    %max3A_5657 = vector.broadcast %max3A_5656 : f32 to vector<128x128xf32>
    %max3A_5658 = arith.maximumf %sub3A_5655, %max3A_5657 : vector<128x128xf32>
    %sqrt3A_5659 = math.sqrt %max3A_5658 : vector<128x128xf32>
    %lt3A_5660 = arith.cmpf olt, %sqrt3A_5659, %select_n3A_5639 : vector<128x128xf32>
    %select_n3A_5661 = arith.select %lt3A_5660, %sqrt3A_5659, %select_n3A_5639 : vector<128x128xi1>, vector<128x128xf32>
    %jit3A_5662 = arith.constant 60 : i32
    %broadcast_in_dim3A_5663 = vector.broadcast %jit3A_5662 : i32 to vector<128x128xi32>
    %select_n3A_5664 = arith.select %lt3A_5660, %broadcast_in_dim3A_5663, %select_n3A_5642 : vector<128x128xi1>, vector<128x128xi32>
    %get3A_5665 = arith.constant 384 : index
    %get3A_5666 = arith.constant 7808 : index
    %get3A_5667 = vector.load %arg4[%get3A_5665, %get3A_5666] : memref<512x8192xf32, #tpu.memory_space<vmem>>, vector<128x128xf32>
    %get3A_5668 = arith.constant 0 : index
    %get3A_5669 = arith.constant 7808 : index
    %get3A_5670 = vector.load %arg5[%get3A_5668, %get3A_5669] : memref<1x8192xf32, #tpu.memory_space<vmem>>, vector<1x128xf32>
    %add3A_5671 = vector.broadcast %broadcast_in_dim3A_4318 : vector<128x1xf32> to vector<128x128xf32>
    %add3A_5672 = vector.broadcast %get3A_5670 : vector<1x128xf32> to vector<128x128xf32>
    %add3A_5673 = arith.addf %add3A_5671, %add3A_5672 : vector<128x128xf32>
    %mul3A_5674 = arith.constant 2.000000e+00 : f32
    %mul3A_5675 = vector.broadcast %mul3A_5674 : f32 to vector<128x128xf32>
    %mul3A_5676 = arith.mulf %mul3A_5675, %get3A_5667 : vector<128x128xf32>
    %sub3A_5677 = arith.subf %add3A_5673, %mul3A_5676 : vector<128x128xf32>
    %max3A_5678 = arith.constant 0.000000e+00 : f32
    %max3A_5679 = vector.broadcast %max3A_5678 : f32 to vector<128x128xf32>
    %max3A_5680 = arith.maximumf %sub3A_5677, %max3A_5679 : vector<128x128xf32>
    %sqrt3A_5681 = math.sqrt %max3A_5680 : vector<128x128xf32>
    %lt3A_5682 = arith.cmpf olt, %sqrt3A_5681, %select_n3A_5661 : vector<128x128xf32>
    %select_n3A_5683 = arith.select %lt3A_5682, %sqrt3A_5681, %select_n3A_5661 : vector<128x128xi1>, vector<128x128xf32>
    %jit3A_5684 = arith.constant 61 : i32
    %broadcast_in_dim3A_5685 = vector.broadcast %jit3A_5684 : i32 to vector<128x128xi32>
    %select_n3A_5686 = arith.select %lt3A_5682, %broadcast_in_dim3A_5685, %select_n3A_5664 : vector<128x128xi1>, vector<128x128xi32>
    %get3A_5687 = arith.constant 384 : index
    %get3A_5688 = arith.constant 7936 : index
    %get3A_5689 = vector.load %arg4[%get3A_5687, %get3A_5688] : memref<512x8192xf32, #tpu.memory_space<vmem>>, vector<128x128xf32>
    %get3A_5690 = arith.constant 0 : index
    %get3A_5691 = arith.constant 7936 : index
    %get3A_5692 = vector.load %arg5[%get3A_5690, %get3A_5691] : memref<1x8192xf32, #tpu.memory_space<vmem>>, vector<1x128xf32>
    %add3A_5693 = vector.broadcast %broadcast_in_dim3A_4318 : vector<128x1xf32> to vector<128x128xf32>
    %add3A_5694 = vector.broadcast %get3A_5692 : vector<1x128xf32> to vector<128x128xf32>
    %add3A_5695 = arith.addf %add3A_5693, %add3A_5694 : vector<128x128xf32>
    %mul3A_5696 = arith.constant 2.000000e+00 : f32
    %mul3A_5697 = vector.broadcast %mul3A_5696 : f32 to vector<128x128xf32>
    %mul3A_5698 = arith.mulf %mul3A_5697, %get3A_5689 : vector<128x128xf32>
    %sub3A_5699 = arith.subf %add3A_5695, %mul3A_5698 : vector<128x128xf32>
    %max3A_5700 = arith.constant 0.000000e+00 : f32
    %max3A_5701 = vector.broadcast %max3A_5700 : f32 to vector<128x128xf32>
    %max3A_5702 = arith.maximumf %sub3A_5699, %max3A_5701 : vector<128x128xf32>
    %sqrt3A_5703 = math.sqrt %max3A_5702 : vector<128x128xf32>
    %lt3A_5704 = arith.cmpf olt, %sqrt3A_5703, %select_n3A_5683 : vector<128x128xf32>
    %select_n3A_5705 = arith.select %lt3A_5704, %sqrt3A_5703, %select_n3A_5683 : vector<128x128xi1>, vector<128x128xf32>
    %jit3A_5706 = arith.constant 62 : i32
    %broadcast_in_dim3A_5707 = vector.broadcast %jit3A_5706 : i32 to vector<128x128xi32>
    %select_n3A_5708 = arith.select %lt3A_5704, %broadcast_in_dim3A_5707, %select_n3A_5686 : vector<128x128xi1>, vector<128x128xi32>
    %get3A_5709 = arith.constant 384 : index
    %get3A_5710 = arith.constant 8064 : index
    %get3A_5711 = vector.load %arg4[%get3A_5709, %get3A_5710] : memref<512x8192xf32, #tpu.memory_space<vmem>>, vector<128x128xf32>
    %get3A_5712 = arith.constant 0 : index
    %get3A_5713 = arith.constant 8064 : index
    %get3A_5714 = vector.load %arg5[%get3A_5712, %get3A_5713] : memref<1x8192xf32, #tpu.memory_space<vmem>>, vector<1x128xf32>
    %add3A_5715 = vector.broadcast %broadcast_in_dim3A_4318 : vector<128x1xf32> to vector<128x128xf32>
    %add3A_5716 = vector.broadcast %get3A_5714 : vector<1x128xf32> to vector<128x128xf32>
    %add3A_5717 = arith.addf %add3A_5715, %add3A_5716 : vector<128x128xf32>
    %mul3A_5718 = arith.constant 2.000000e+00 : f32
    %mul3A_5719 = vector.broadcast %mul3A_5718 : f32 to vector<128x128xf32>
    %mul3A_5720 = arith.mulf %mul3A_5719, %get3A_5711 : vector<128x128xf32>
    %sub3A_5721 = arith.subf %add3A_5717, %mul3A_5720 : vector<128x128xf32>
    %max3A_5722 = arith.constant 0.000000e+00 : f32
    %max3A_5723 = vector.broadcast %max3A_5722 : f32 to vector<128x128xf32>
    %max3A_5724 = arith.maximumf %sub3A_5721, %max3A_5723 : vector<128x128xf32>
    %sqrt3A_5725 = math.sqrt %max3A_5724 : vector<128x128xf32>
    %lt3A_5726 = arith.cmpf olt, %sqrt3A_5725, %select_n3A_5705 : vector<128x128xf32>
    %select_n3A_5727 = arith.select %lt3A_5726, %sqrt3A_5725, %select_n3A_5705 : vector<128x128xi1>, vector<128x128xf32>
    %jit3A_5728 = arith.constant 63 : i32
    %broadcast_in_dim3A_5729 = vector.broadcast %jit3A_5728 : i32 to vector<128x128xi32>
    %select_n3A_5730 = arith.select %lt3A_5726, %broadcast_in_dim3A_5729, %select_n3A_5708 : vector<128x128xi1>, vector<128x128xi32>
    %reduce_min3A_5731 = arith.constant dense<0x7F800000> : vector<128xf32>
    %reduce_min3A_5732 = vector.multi_reduction <minimumf>, %select_n3A_5727, %reduce_min3A_5731 [1] : vector<128x128xf32> to vector<128xf32>
    %broadcast_in_dim3A_5733 = vector.shape_cast %reduce_min3A_5732 : vector<128xf32> to vector<128x1xf32>
    %iota3A_5734 = tpu.iota {dimensions = array<i32: 1>} : vector<128x128xi32>
    %eq3A_5735 = vector.broadcast %broadcast_in_dim3A_5733 : vector<128x1xf32> to vector<128x128xf32>
    %eq3A_5736 = arith.cmpf oeq, %select_n3A_5727, %eq3A_5735 : vector<128x128xf32>
    %mul3A_5737 = arith.constant 128 : i32
    %mul3A_5738 = vector.broadcast %mul3A_5737 : i32 to vector<128x128xi32>
    %mul3A_5739 = arith.muli %select_n3A_5730, %mul3A_5738 : vector<128x128xi32>
    %add3A_5740 = arith.addi %mul3A_5739, %iota3A_5734 : vector<128x128xi32>
    %jit3A_5741 = arith.constant 1073741824 : i32
    %broadcast_in_dim3A_5742 = vector.broadcast %jit3A_5741 : i32 to vector<128x128xi32>
    %select_n3A_5743 = arith.select %eq3A_5736, %add3A_5740, %broadcast_in_dim3A_5742 : vector<128x128xi1>, vector<128x128xi32>
    %reduce_min3A_5744 = arith.constant dense<2147483647> : vector<128xi32>
    %reduce_min3A_5745 = vector.multi_reduction <minsi>, %select_n3A_5743, %reduce_min3A_5744 [1] : vector<128x128xi32> to vector<128xi32>
    %broadcast_in_dim3A_5746 = vector.shape_cast %reduce_min3A_5745 : vector<128xi32> to vector<128x1xi32>
    %swap3A_5747 = arith.constant 384 : index
    %swap3A_5748 = arith.constant 0 : index
    %swap3A_5749 = vector.load %arg3[%swap3A_5747, %swap3A_5748] : memref<512x1xi32, #tpu.memory_space<vmem>>, vector<128x1xi32>
    tpu.vector_store %arg3[%swap3A_5747, %swap3A_5748], %broadcast_in_dim3A_5746 {strides = array<i32>} : memref<512x1xi32, #tpu.memory_space<vmem>>, vector<128x1xi32>,
    return
  }
  func.func @transform_0(%arg0: i32) -> (i32, i32) {
    %c0_i32 = arith.constant 0 : i32
    %c0_i32_0 = arith.constant 0 : i32
    return %arg0, %c0_i32 : i32, i32
  }
  func.func @transform_1(%arg0: i32) -> (i32, i32) {
    %c0_i32 = arith.constant 0 : i32
    %c0_i32_0 = arith.constant 0 : i32
    %c0_i32_1 = arith.constant 0 : i32
    return %c0_i32, %c0_i32_0 : i32, i32
  }
  func.func @transform_2(%arg0: i32) -> (i32, i32) {
    %c0_i32 = arith.constant 0 : i32
    %c0_i32_0 = arith.constant 0 : i32
    return %arg0, %c0_i32 : i32, i32
  }
}

</mosaic_0001>

<sc_bundles>
// kernel: kernel.5.cloned.1.call-start
scs
__scs_entry_jumppad:
0x0: {  	(pc) =	sbr.rel $0x88, $3  }
0x1: {  	(tag) =	ssettag $0x0;
	lr =	simm.s32 $0x1  }
0x2: {  	[smem:$0x3F9F] =	sst lr;
	_ =	strace $0xD0000000  }
0x3: {  	_ = 	snop  }
0x4: {  	_ = 	snop  }
0x5: {  	_ = 	snop  }
0x6: {  	_ = 	snop  }
0x7: {  	_ = 	snop  }
__scs_overlays_trampoline_lowered:
0x8: {  	[smem:$0x3FAE] =	sst s0  }
0x9: {  	[smem:$0x3FAF] =	sst s1  }
0xa: {  	[smem:$0x3FB0] =	sst s2  }
0xb: {  	[smem:$0x3FB1] =	sst s3  }
0xc: {  	[smem:$0x3FB2] =	sst s4  }
0xd: {  	[smem:$0x3FB3] =	sst s5  }
0xe: {  	[smem:$0x3FB4] =	sst s6  }
0xf: {  	[smem:$0x3FB5] =	sst s7  }
0x10: {  	[smem:$0x3FB6] =	sst s8  }
0x11: {  	[smem:$0x3FB7] =	sst s9;
	s0 =	simm.s32 @!p0 $0x0  }
0x12: {  	s1 =	sld [smem:$0x3F9D];
	s0 =	simm.s32 @p0 $0x1  }
0x13: {  	[smem:$0x3FB8] =	sst s0;
	s0 =	simm.s32 @!p1 $0x0  }
0x14: {  	s2 =	sld [smem:$0x3F9C];
	s0 =	simm.s32 @p1 $0x1  }
0x15: {  	[smem:$0x3FB9] =	sst s0;
	s0 =	simm.s32 @!p2 $0x0  }
0x16: {  	s3 =	sld [smem:$0x3FDB];
	s0 =	simm.s32 @p2 $0x1  }
0x17: {  	s4 =	simm.s32 $0x1BF5;
	[smem:$0x3FBB] =	sst s0  }
0x18: {  	s0 =	sld [smem:$0x3F9E];
	_ =	swait.ge [sflag:s4], $0x0  }
0x19: {  	s7 =	sld [smem:$0x3F9F]  }
0x1a: {  	s8 =	sadd.s32 $0xFFFFE003, lr  }
0x1b: {  	s9 =	sadd.s32 $0xFFFFFEF7, lr;
	s5 =	simm.s32 $0xFFFFFFFF;
	p2 =	slt.u32 s8, $0xFFFFF086  }
0x1c: {  	p1 =	slt.u32 s9, $0xF7A;
	s5 =	simm.s32 @!p2 $0x0  }
0x1d: {  	s5 =	simm.s32 @p1 $0x1;
	p0 =	seq.s32 s7, s2  }
0x1e: {  	s7 =	smul.u32 @!p0 $0xF7A, s2;
	p2 =	seq.s32 @!p0 s5, $0x0  }
0x1f: {  	s9 =	smul.u32 $0xF7A, s1;
	s8 =	simm.s32 @!p0 $0x1BF5;
	p2 =	por !p2, p0  }
0x20: {  	[sflag:s8] =	ssyncset.s32 @!p0 $0xFFFFF086;
	s6 =	sadd.s32 @!p0 s3, s7;
	s7 =	simm.s32 @!p0 $0x108  }
0x21: {  	s3 =	sadd.s32 s3, s9;
	s6 =	sadd.s32 @!p0 $0x88, s6;
	s7 =	simm.s32 @p2 $0x1082  }
0x22: {  	[simem:s7], [sflag:s8] =	dma.local @!p0 [hbm:s6], $0xF7A  }
0x23: {  	s9 =	sor.u32 $0xD0000000, s2;
	s6 =	simm.s32 $0x108;
	_ =	swait.ge @!p0 [sflag:s8], $0x0  }
0x24: {  	s3 =	sadd.s32 $0x88, s3;
	s6 =	simm.s32 @!p1 $0x1082;
	[sflag:s4] =	ssyncset.s32 $0xFFFFF086  }
0x25: {  	[simem:s6], [sflag:s4] =	dma.local [hbm:s3], $0xF7A  }
0x26: {  	[smem:$0x3F9F] =	sst s1;
	(tag) =	ssettag s2;
	_ =	strace s9  }
0x27: {  	s1 =	sld [smem:$0x3FAF]  }
0x28: {  	s2 =	sld [smem:$0x3FB0]  }
0x29: {  	s4 =	sld [smem:$0x3FB2]  }
0x2a: {  	p0 =	seq.s32 s5, $0x0;
	s5 =	sld [smem:$0x3FB3]  }
0x2b: {  	s6 =	sld [smem:$0x3FB4]  }
0x2c: {  	s7 =	sld [smem:$0x3FB5]  }
0x2d: {  	s3 =	simm.s32 $0x108;
	s8 =	sld [smem:$0x3FB6]  }
0x2e: {  	s3 =	simm.s32 @!p0 $0x1082;
	s9 =	sld [smem:$0x3FB7]  }
0x2f: {  	lr =	sadd.s32 s0, s3;
	s0 =	sld [smem:$0x3FAE]  }
0x30: {  	s3 =	sld [smem:$0x3FB1]  }
0x31: {  	[smem:$0x3FBA] =	sst s10  }
0x32: {  	s10 =	sld [smem:$0x3FB8];
	_ =	sdelay $0x3  }
0x33: {  	p0 =	seq.s32 s10, $0x1;
	s10 =	sld [smem:$0x3FBA];
	_ =	sdelay $0x3  }
0x34: {  	[smem:$0x3FBA] =	sst s10  }
0x35: {  	s10 =	sld [smem:$0x3FB9];
	_ =	sdelay $0x3  }
0x36: {  	p1 =	seq.s32 s10, $0x1;
	s10 =	sld [smem:$0x3FBA];
	_ =	sdelay $0x3  }
0x37: {  	[smem:$0x3FBA] =	sst s10  }
0x38: {  	s10 =	sld [smem:$0x3FBB]  }
0x39: {  	_ = 	snop;
	(pc) =	sbr.ind lr, $3  }
0x3a: {  	_ = 	snop  }
0x3b: {  	_ = 	snop  }
0x3c: {  	p2 =	seq.s32 s10, $0x1;
	s10 =	sld [smem:$0x3FBA]  }
0x3d: {  	_ =	shalt  }
0x3e: {  	_ =	shalt  }
0x3f: {  	_ =	shalt  }
0x40: {  	_ =	shalt  }
0x41: {  	_ =	shalt  }
0x42: {  	_ =	shalt  }
0x43: {  	_ =	shalt  }
0x44: {  	_ =	shalt  }
0x45: {  	_ =	shalt  }
0x46: {  	_ =	shalt  }
0x47: {  	_ =	shalt  }
0x48: {  	_ =	shalt  }
0x49: {  	_ =	shalt  }
0x4a: {  	_ =	shalt  }
0x4b: {  	_ =	shalt  }
0x4c: {  	_ =	shalt  }
0x4d: {  	_ =	shalt  }
0x4e: {  	_ =	shalt  }
0x4f: {  	_ =	shalt  }
0x50: {  	_ =	shalt  }
0x51: {  	_ =	shalt  }
0x52: {  	_ =	shalt  }
0x53: {  	_ =	shalt  }
0x54: {  	_ =	shalt  }
0x55: {  	_ =	shalt  }
0x56: {  	_ =	shalt  }
0x57: {  	_ =	shalt  }
0x58: {  	_ =	shalt  }
0x59: {  	_ =	shalt  }
0x5a: {  	_ =	shalt  }
0x5b: {  	_ =	shalt  }
0x5c: {  	_ =	shalt  }
0x5d: {  	_ =	shalt  }
0x5e: {  	_ =	shalt  }
0x5f: {  	_ =	shalt  }
0x60: {  	_ =	shalt  }
0x61: {  	_ =	shalt  }
0x62: {  	_ =	shalt  }
0x63: {  	_ =	shalt  }
0x64: {  	_ =	shalt  }
0x65: {  	_ =	shalt  }
0x66: {  	_ =	shalt  }
0x67: {  	_ =	shalt  }
0x68: {  	_ =	shalt  }
0x69: {  	_ =	shalt  }
0x6a: {  	_ =	shalt  }
0x6b: {  	_ =	shalt  }
0x6c: {  	_ =	shalt  }
0x6d: {  	_ =	shalt  }
0x6e: {  	_ =	shalt  }
0x6f: {  	_ =	shalt  }
0x70: {  	_ =	shalt  }
0x71: {  	_ =	shalt  }
0x72: {  	_ =	shalt  }
0x73: {  	_ =	shalt  }
0x74: {  	_ =	shalt  }
0x75: {  	_ =	shalt  }
0x76: {  	_ =	shalt  }
0x77: {  	_ =	shalt  }
0x78: {  	_ =	shalt  }
0x79: {  	_ =	shalt  }
0x7a: {  	_ =	shalt  }
0x7b: {  	_ =	shalt  }
0x7c: {  	_ =	shalt  }
0x7d: {  	_ =	shalt  }
0x7e: {  	_ =	shalt  }
0x7f: {  	_ =	shalt  }
0x80: {  	_ =	shalt  }
0x81: {  	_ =	shalt  }
0x82: {  	_ =	shalt  }
0x83: {  	_ =	shalt  }
0x84: {  	_ =	shalt  }
0x85: {  	_ =	shalt  }
0x86: {  	_ =	shalt  }
0x87: {  	_ =	shalt  }
.Lfunc_end0:
.L_simem_size_0:
called_computation_lowered:
.L_overlay_start_0:
0x88: {  	s2 =	sld [smem:$0x3FD9]  }
0x89: {  	s3 =	sld [smem:$0x3FFE];
	_ =	sdelay $0x1  }
0x8a: {  	s1 =	srdreg.scid  }
0x8b: {  	s0 =	sand.u32 $0x1, s1  }
0x8c: {  	s17 =	sshll.u32 s0, $0xA;
	s2 =	sadd.s32 s3, s2  }
0x8d: {  	s2 =	sadd.s32 s2, s17  }
0x8e: {  	[smem:$0x3FC6] =	sst s2  }
0x8f: {  	_ = 	snop  }
0x90: {  	s2 =	sld [smem:$0x3FD0];
	(tm) =	ssettm $0x1  }
0x91: {  	s18 =	sld [smem:$0x3FFB];
	_ =	sdelay $0x3  }
0x92: {  	_ =	strace s18  }
0x93: {  	s3 =	sld [smem:$0x3FFC];
	_ =	sdelay $0x3  }
0x94: {  	_ =	strace s3  }
0x95: {  	s3 =	sld [smem:$0x3FFD];
	_ =	sdelay $0x3  }
0x96: {  	_ =	strace s3  }
0x97: {  	_ =	strace $0x8FFFFFFF  }
0x98: {  	s19 =	sld [smem:$0x3FDB];
	_ =	sdelay $0x1  }
0x99: {  	s4 =	simm.s32 $_scs_section_size  }
0x9a: {  	s5 =	simm.s32 $_size__tile_overlayer_lowered;
	s6 =	simm.s32 $_tile_overlayer_lowered  }
0x9b: {  	s22 =	simm.s32 $0x1BFF;
	s21 =	sshll.u32 s6, $0x1;
	s3 =	sadd.s32 s4, s19  }
0x9c: {  	s7 =	simm.s32 $0x0;
	s20 =	sshll.u32 s5, $0x1;
	s5 =	sadd.s32 s21, s3  }
0x9d: {  	[timem:s7], [sflag:s22] =	dma.local [hbm:s5], s20  }
0x9e: {  	_ =	swait.ge [sflag:s22], s20  }
0x9f: {  	s4 =	ssub.s32 $0x0, s20;
	[sflag:s22] =	ssyncset.done $0x0  }
0xa0: {  	[sflag:s22] =	ssyncadd.s32 s4;
	_ =	sdelay $0x1  }
0xa1: {  	s23 =	simm.s32 $0x1B8B  }
0xa2: {  	_ =	swait.ge [sflag:s23], $0x1  }
0xa3: {  	[sflag:s23] =	ssyncset.done $0x0  }
0xa4: {  	s25 =	simm.s32 $0x1B8E;
	s24 =	sld [smem:$0x3FFE];
	[sflag:s23] =	ssyncadd.s32 $0xFFFFFFFF  }
0xa5: {  	s26 =	simm.s32 $execute0_lowered;
	[smem:$0x3FD2] =	sst s25  }
0xa6: {  	s5 =	sshll.u32 s26, $0x1;
	_ =	strace $0x80000046;
	[dreg:$0x1] =	wrdreg $0xFFFFFFFF  }
0xa7: {  	s28 =	simm.s32 $_size_execute0_lowered;
	s3 =	sadd.s32 s3, s5;
	[dreg:$0x0] =	wrdreg $0x0  }
0xa8: {  	s5 =	sshll.u32 s28, $0x1;
	[dreg:$0x2] =	wrdreg s3  }
0xa9: {  	[dreg:$0x3] =	wrdreg s5  }
0xaa: {  	[dreg:$0x4] =	wrdreg $0xC0  }
0xab: {  	_ =	task [dreg:s7], $0x5FFFF  }
0xac: {  	[dreg:$0x1] =	wrdreg $0xFFFFFFFF  }
0xad: {  	[dreg:$0x0] =	wrdreg $0x60  }
0xae: {  	[dreg:$0x2] =	wrdreg s2  }
0xaf: {  	[dreg:$0x3] =	wrdreg s24  }
0xb0: {  	[dreg:$0x4] =	wrdreg $0x9  }
0xb1: {  	_ =	task.clear_ibuf [dreg:s7], $0x5FFFF;
	_ =	strace $0x90000046  }
0xb2: {  	s29 =	simm.s32 $0x9;
	_ =	strace $0x80000048  }
0xb3: {  	_ =	swait.ge [sflag:s29], $0x1  }
0xb4: {  	[sflag:s29] =	ssyncadd.s32 $0xFFFFFFFF  }
0xb5: {  	_ =	strace $0x90000048  }
0xb6: {  	_ =	sfence  }
0xb7: {  	s30 =	sld [smem:$0x0];
	_ =	sdelay $0x2  }
0xb8: {  	s31 =	sshll.u32 s1, $0xD;
	s1 =	sshrl.u32 s1, $0x2  }
0xb9: {  	s3 =	sand.u32 $0x4000, s31;
	s1 =	sadd.s32 s1, s30  }
0xba: {  	s0 =	sor.u32 s3, s0;
	s1 =	sshll.u32 s1, $0x11  }
0xbb: {  	s0 =	sor.u32 s1, s0  }
0xbc: {  	s0 =	sadd.s32 $0x8F2B, s0  }
0xbd: {  	[sflag:s0] =	ssyncadd.remote.s32 $0x1  }
0xbe: {  	_ =	sfence.sel $0xFFFF  }
0xbf: {  	[dreg:$0x0] =	wrdreg $0xFFFFFFFF;
	(pc) =	sbr.abs _section_cstart, $3  }
0xc0: {  	[dreg:$0x1] =	wrdreg $0xFFFFFFFF  }
0xc1: {  	_ =	task.clear_ibuf [dreg:s7], $0x2FFFF;
	_ =	strace $0x9FFFFFFF  }
0xc2: {  	(tm) =	ssettm $0x7FFFFFFF  }
0xc3: {  	_ =	shalt  }
tec
execute0_lowered:
.L_overlay_start_1:
0x0: {  	(tag) =	ssettag $0x1  }
0x1: {  	s6 =	rddreg [dreg:$0x0];
	s1 =	srdreg.scid  }
0x2: {  	s0 =	stileid.u32;
	s4 =	rddreg [dreg:$0x1];
	s2 =	simm.s32 $0x0  }
0x3: {  	s11 =	simm.s32 $0x6000;
	s5 =	sand.u32 $0x1, s1;
	s3 =	sshll.u32 s0, $0x1  }
0x4: {  	s12 =	simm.s32 $0x0;
	s1 =	rddreg [dreg:$0x2];
	s7 =	sor.u32 s5, s3  }
0x5: {  	[smem:$0x7FF] =	sst s2;
	s10 =	sadd.s32 $0x1400, s4;
	s8 =	smul.u32 $0x6000, s7  }
0x6: {  	_ =	strace $0x80000047;
	s5 =	ssub.s32 $0x2, s5;
	s7 =	smul.u32 $0xC00, s7  }
0x7: {  	s3 =	sadd.s32 $0xE00, s4;
	s9 =	sshrl.u32 s5, $0x1;
	s8 =	sshrl.u32 s8, $0x3  }
0x8: {  	s9 =	ssub.s32 s5, s9;
	s4 =	sadd.s32 s6, s7;
	s8 =	sadd.s32 $0x600, s8  }
0x9: {  	s5 =	sadd.s32 s10, s7;
	s6 =	sadd.s32 s6, s8;
	s7 =	sadd.s32 s10, s8  }
0xa: {  	s8 =	smax.u32 s9, $0x1;
	s9 =	simm.s32 $0x3000;
	s10 =	simm.s32 $0x1  }
.LBB2_1:
0xb: {  	[tilespmem:s9], [sflag:$0x1] =	stream.linear.gather [hbm4b:s3+s2], $0x3000, $0x38;
	[tilespmem:$0x9000] =	vst v63  }
0xc: {  	_ =	swait.ge [sflag:s10], $0x3000  }
0xd: {  	[sflag:s10] =	ssyncset.done $0x0  }
0xe: {  	[sflag:s10] =	ssyncadd.s32 $0xFFFFD000  }
0xf: {  	[tilespmem:s2], [sflag:$0x1] =	stream.linear.gather [hbm4b:s4+s2], $0x3000, $0x38;
	[tilespmem:$0x9000] =	vst v63  }
0x10: {  	_ =	swait.ge [sflag:s10], $0x3000  }
0x11: {  	[sflag:s10] =	ssyncset.done $0x0  }
0x12: {  	s13 =	simm.s32 $0x0;
	[sflag:s10] =	ssyncadd.s32 $0xFFFFD000  }
0x13: {  	v0 =	vld [tilespmem:s13+$0x3000];
	_ =	sdelay $0x5  }
0x14: {  	v1 =	vld [tilespmem:s13+$0x3010];
	_ =	sdelay $0x1  }
0x15: {  	v0 =	vld.idx.msk [tilespmem:v0+s2+$0x0], $0xffff;
	_ =	sdelay $0x4  }
0x16: {  	[tilespmem:s13+$0x6000] =	vst v0;
	v0 =	vld [tilespmem:s13+$0x3020]  }
0x17: {  	v1 =	vld.idx.msk [tilespmem:v1+s2+$0x0], $0xffff;
	_ =	sdelay $0x4  }
0x18: {  	[tilespmem:s13+$0x6010] =	vst v1;
	v1 =	vld [tilespmem:s13+$0x3030];
	_ =	sdelay $0x1  }
0x19: {  	v0 =	vld.idx.msk [tilespmem:v0+s2+$0x0], $0xffff;
	_ =	sdelay $0x4  }
0x1a: {  	[tilespmem:s13+$0x6020] =	vst v0;
	v0 =	vld [tilespmem:s13+$0x3040]  }
0x1b: {  	v1 =	vld.idx.msk [tilespmem:v1+s2+$0x0], $0xffff;
	_ =	sdelay $0x4  }
0x1c: {  	[tilespmem:s13+$0x6030] =	vst v1;
	v1 =	vld [tilespmem:s13+$0x3050];
	_ =	sdelay $0x1  }
0x1d: {  	v0 =	vld.idx.msk [tilespmem:v0+s2+$0x0], $0xffff;
	_ =	sdelay $0x4  }
0x1e: {  	v2 =	vld [tilespmem:s13+$0x3060];
	[tilespmem:s13+$0x6040] =	vst v0  }
0x1f: {  	v0 =	vld.idx.msk [tilespmem:v1+s2+$0x0], $0xffff;
	_ =	sdelay $0x4  }
0x20: {  	[tilespmem:s13+$0x6050] =	vst v0;
	v0 =	vld [tilespmem:s13+$0x3070];
	_ =	sdelay $0x1  }
0x21: {  	v1 =	vld.idx.msk [tilespmem:v2+s2+$0x0], $0xffff;
	_ =	sdelay $0x3  }
0x22: {  	s15 =	simm.s32 $0x80;
	s14 =	simm.s32 $0x400  }
.LBB2_2:
0x23: {  	p0 =	sne.s32 s14, $0xBE00;
	v2 =	vld [tilespmem:s15+$0x3000];
	[tilespmem:s13+$0x6060] =	vst v1  }
0x24: {  	v0 =	vld.idx.msk [tilespmem:v0+s2+$0x0], $0xffff;
	_ =	sdelay $0x5  }
0x25: {  	v1 =	vld [tilespmem:s15+$0x3010];
	[tilespmem:s13+$0x6070] =	vst v0;
	s13 =	smov.u32 s15  }
0x26: {  	v0 =	vld.idx.msk [tilespmem:v2+s2+$0x0], $0xffff;
	_ =	sdelay $0x5  }
0x27: {  	[tilespmem:s13+$0x6000] =	vst v0;
	v0 =	vld [tilespmem:s13+$0x3020]  }
0x28: {  	v1 =	vld.idx.msk [tilespmem:v1+s2+$0x0], $0xffff;
	_ =	sdelay $0x5  }
0x29: {  	[tilespmem:s13+$0x6010] =	vst v1;
	v1 =	vld [tilespmem:s13+$0x3030]  }
0x2a: {  	v0 =	vld.idx.msk [tilespmem:v0+s2+$0x0], $0xffff;
	_ =	sdelay $0x5  }
0x2b: {  	[tilespmem:s13+$0x6020] =	vst v0;
	v0 =	vld [tilespmem:s13+$0x3040]  }
0x2c: {  	v1 =	vld.idx.msk [tilespmem:v1+s2+$0x0], $0xffff;
	_ =	sdelay $0x5  }
0x2d: {  	[tilespmem:s13+$0x6030] =	vst v1;
	v1 =	vld [tilespmem:s13+$0x3050]  }
0x2e: {  	v0 =	vld.idx.msk [tilespmem:v0+s2+$0x0], $0xffff;
	_ =	sdelay $0x5  }
0x2f: {  	[tilespmem:s13+$0x6040] =	vst v0;
	v2 =	vld [tilespmem:s13+$0x3060]  }
0x30: {  	v0 =	vld.idx.msk [tilespmem:v1+s2+$0x0], $0xffff;
	_ =	sdelay $0x5  }
0x31: {  	[tilespmem:s13+$0x6050] =	vst v0;
	v0 =	vld [tilespmem:s13+$0x3070]  }
0x32: {  	v1 =	vld.idx.msk [tilespmem:v2+s2+$0x0], $0xffff  }
.Ltmp0:
0x33: {  	(pc) =	sbr.rel @p0 .LBB2_2-.Ltmp0, $2  }
0x34: {  	_ =	sdelay $0x2  }
0x35: {  	s15 =	sshra.s32 s14, $0x2;
	s14 =	sadd.s32 $0x200, s14  }
0x36: {  	_ =	sdelay $0x1  }
0x37: {  	v2 =	vld [tilespmem:s15+$0x3000]  }
0x38: {  	[tilespmem:s13+$0x6060] =	vst v1  }
0x39: {  	v0 =	vld.idx.msk [tilespmem:v0+s2+$0x0], $0xffff;
	_ =	sdelay $0x3  }
0x3a: {  	v1 =	vld [tilespmem:s15+$0x3010]  }
0x3b: {  	[tilespmem:s13+$0x6070] =	vst v0  }
0x3c: {  	v0 =	vld.idx.msk [tilespmem:v2+s2+$0x0], $0xffff;
	_ =	sdelay $0x4  }
0x3d: {  	[tilespmem:s15+$0x6000] =	vst v0;
	v0 =	vld [tilespmem:s15+$0x3020]  }
0x3e: {  	v1 =	vld.idx.msk [tilespmem:v1+s2+$0x0], $0xffff;
	_ =	sdelay $0x4  }
0x3f: {  	[tilespmem:s15+$0x6010] =	vst v1;
	v1 =	vld [tilespmem:s15+$0x3030];
	_ =	sdelay $0x1  }
0x40: {  	v0 =	vld.idx.msk [tilespmem:v0+s2+$0x0], $0xffff;
	_ =	sdelay $0x4  }
0x41: {  	[tilespmem:s15+$0x6020] =	vst v0;
	v0 =	vld [tilespmem:s15+$0x3040]  }
0x42: {  	v1 =	vld.idx.msk [tilespmem:v1+s2+$0x0], $0xffff;
	_ =	sdelay $0x4  }
0x43: {  	[tilespmem:s15+$0x6030] =	vst v1;
	v1 =	vld [tilespmem:s15+$0x3050];
	_ =	sdelay $0x1  }
0x44: {  	v0 =	vld.idx.msk [tilespmem:v0+s2+$0x0], $0xffff;
	_ =	sdelay $0x4  }
0x45: {  	[tilespmem:s15+$0x6040] =	vst v0;
	v0 =	vld [tilespmem:s15+$0x3060]  }
0x46: {  	v1 =	vld.idx.msk [tilespmem:v1+s2+$0x0], $0xffff;
	_ =	sdelay $0x4  }
0x47: {  	[tilespmem:s15+$0x6050] =	vst v1;
	v1 =	vld [tilespmem:s15+$0x3070];
	_ =	sdelay $0x1  }
0x48: {  	v0 =	vld.idx.msk [tilespmem:v0+s2+$0x0], $0xffff;
	_ =	sdelay $0x4  }
0x49: {  	[tilespmem:s15+$0x6060] =	vst v0  }
0x4a: {  	v0 =	vld.idx.msk [tilespmem:v1+s2+$0x0], $0xffff;
	_ =	sdelay $0x4  }
0x4b: {  	s31 =	simm.s32 $0x0;
	[tilespmem:s15+$0x6070] =	vst v0  }
0x4c: {  	[hbm4b:s5+s31] =	stream.linear.scatter [tilespmem:s11], [sflag:$0x1], $0x3000, $0x38;
	[tilespmem:$0x9000] =	vst v63  }
0x4d: {  	_ =	swait.ge [sflag:s10], $0x3000  }
0x4e: {  	[sflag:s10] =	ssyncset.done $0x0  }
0x4f: {  	[sflag:s10] =	ssyncadd.s32 $0xFFFFD000  }
0x50: {  	[tilespmem:s31], [sflag:$0x1] =	stream.linear.gather [hbm4b:s6+s31], $0x3000, $0x38;
	[tilespmem:$0x9000] =	vst v63  }
0x51: {  	_ =	swait.ge [sflag:s10], $0x3000  }
0x52: {  	[sflag:s10] =	ssyncset.done $0x0  }
0x53: {  	s13 =	simm.s32 $0x0;
	[sflag:s10] =	ssyncadd.s32 $0xFFFFD000  }
0x54: {  	v0 =	vld [tilespmem:s13+$0x3000];
	_ =	sdelay $0x5  }
0x55: {  	v1 =	vld [tilespmem:s13+$0x3010];
	_ =	sdelay $0x1  }
0x56: {  	v0 =	vld.idx.msk [tilespmem:v0+s2+$0x0], $0xffff;
	_ =	sdelay $0x4  }
0x57: {  	[tilespmem:s13+$0x6000] =	vst v0;
	v0 =	vld [tilespmem:s13+$0x3020]  }
0x58: {  	v1 =	vld.idx.msk [tilespmem:v1+s2+$0x0], $0xffff;
	_ =	sdelay $0x4  }
0x59: {  	[tilespmem:s13+$0x6010] =	vst v1;
	v1 =	vld [tilespmem:s13+$0x3030];
	_ =	sdelay $0x1  }
0x5a: {  	v0 =	vld.idx.msk [tilespmem:v0+s2+$0x0], $0xffff;
	_ =	sdelay $0x4  }
0x5b: {  	[tilespmem:s13+$0x6020] =	vst v0;
	v0 =	vld [tilespmem:s13+$0x3040]  }
0x5c: {  	v1 =	vld.idx.msk [tilespmem:v1+s2+$0x0], $0xffff;
	_ =	sdelay $0x4  }
0x5d: {  	[tilespmem:s13+$0x6030] =	vst v1;
	v1 =	vld [tilespmem:s13+$0x3050];
	_ =	sdelay $0x1  }
0x5e: {  	v0 =	vld.idx.msk [tilespmem:v0+s2+$0x0], $0xffff;
	_ =	sdelay $0x4  }
0x5f: {  	v2 =	vld [tilespmem:s13+$0x3060];
	[tilespmem:s13+$0x6040] =	vst v0  }
0x60: {  	v0 =	vld.idx.msk [tilespmem:v1+s2+$0x0], $0xffff;
	_ =	sdelay $0x4  }
0x61: {  	[tilespmem:s13+$0x6050] =	vst v0;
	v0 =	vld [tilespmem:s13+$0x3070];
	_ =	sdelay $0x1  }
0x62: {  	v1 =	vld.idx.msk [tilespmem:v2+s2+$0x0], $0xffff;
	_ =	sdelay $0x3  }
0x63: {  	s14 =	simm.s32 $0x400;
	s15 =	simm.s32 $0x80  }
.LBB2_4:
0x64: {  	p0 =	sne.s32 s14, $0xBE00;
	v2 =	vld [tilespmem:s15+$0x3000];
	[tilespmem:s13+$0x6060] =	vst v1  }
0x65: {  	v0 =	vld.idx.msk [tilespmem:v0+s2+$0x0], $0xffff;
	_ =	sdelay $0x5  }
0x66: {  	v1 =	vld [tilespmem:s15+$0x3010];
	[tilespmem:s13+$0x6070] =	vst v0;
	s13 =	smov.u32 s15  }
0x67: {  	v0 =	vld.idx.msk [tilespmem:v2+s2+$0x0], $0xffff;
	_ =	sdelay $0x5  }
0x68: {  	[tilespmem:s13+$0x6000] =	vst v0;
	v0 =	vld [tilespmem:s13+$0x3020]  }
0x69: {  	v1 =	vld.idx.msk [tilespmem:v1+s2+$0x0], $0xffff;
	_ =	sdelay $0x5  }
0x6a: {  	[tilespmem:s13+$0x6010] =	vst v1;
	v1 =	vld [tilespmem:s13+$0x3030]  }
0x6b: {  	v0 =	vld.idx.msk [tilespmem:v0+s2+$0x0], $0xffff;
	_ =	sdelay $0x5  }
0x6c: {  	[tilespmem:s13+$0x6020] =	vst v0;
	v0 =	vld [tilespmem:s13+$0x3040]  }
0x6d: {  	v1 =	vld.idx.msk [tilespmem:v1+s2+$0x0], $0xffff;
	_ =	sdelay $0x5  }
0x6e: {  	[tilespmem:s13+$0x6030] =	vst v1;
	v1 =	vld [tilespmem:s13+$0x3050]  }
0x6f: {  	v0 =	vld.idx.msk [tilespmem:v0+s2+$0x0], $0xffff;
	_ =	sdelay $0x5  }
0x70: {  	[tilespmem:s13+$0x6040] =	vst v0;
	v2 =	vld [tilespmem:s13+$0x3060]  }
0x71: {  	v0 =	vld.idx.msk [tilespmem:v1+s2+$0x0], $0xffff;
	_ =	sdelay $0x5  }
0x72: {  	[tilespmem:s13+$0x6050] =	vst v0;
	v0 =	vld [tilespmem:s13+$0x3070]  }
0x73: {  	v1 =	vld.idx.msk [tilespmem:v2+s2+$0x0], $0xffff  }
.Ltmp1:
0x74: {  	(pc) =	sbr.rel @p0 .LBB2_4-.Ltmp1, $2  }
0x75: {  	_ =	sdelay $0x2  }
0x76: {  	s15 =	sshra.s32 s14, $0x2;
	s14 =	sadd.s32 $0x200, s14  }
0x77: {  	_ =	sdelay $0x1  }
0x78: {  	v2 =	vld [tilespmem:s15+$0x3000]  }
0x79: {  	[tilespmem:s13+$0x6060] =	vst v1  }
0x7a: {  	v0 =	vld.idx.msk [tilespmem:v0+s2+$0x0], $0xffff;
	_ =	sdelay $0x3  }
0x7b: {  	v1 =	vld [tilespmem:s15+$0x3010]  }
0x7c: {  	[tilespmem:s13+$0x6070] =	vst v0  }
0x7d: {  	v0 =	vld.idx.msk [tilespmem:v2+s2+$0x0], $0xffff;
	_ =	sdelay $0x3  }
0x7e: {  	v58 =	vld [tilespmem:s15+$0x3020]  }
0x7f: {  	[tilespmem:s15+$0x6000] =	vst v0  }
0x80: {  	v1 =	vld.idx.msk [tilespmem:v1+s2+$0x0], $0xffff;
	_ =	sdelay $0x3  }
0x81: {  	v59 =	vld [tilespmem:s15+$0x3030]  }
0x82: {  	[tilespmem:s15+$0x6010] =	vst v1  }
0x83: {  	v0 =	vld.idx.msk [tilespmem:v58+s2+$0x0], $0xffff;
	_ =	sdelay $0x3  }
0x84: {  	v60 =	vld [tilespmem:s15+$0x3040]  }
0x85: {  	[tilespmem:s15+$0x6020] =	vst v0  }
0x86: {  	v1 =	vld.idx.msk [tilespmem:v59+s2+$0x0], $0xffff;
	_ =	sdelay $0x3  }
0x87: {  	v61 =	vld [tilespmem:s15+$0x3050]  }
0x88: {  	[tilespmem:s15+$0x6030] =	vst v1  }
0x89: {  	v0 =	vld.idx.msk [tilespmem:v60+s2+$0x0], $0xffff;
	_ =	sdelay $0x3  }
0x8a: {  	v62 =	vld [tilespmem:s15+$0x3060]  }
0x8b: {  	[tilespmem:s15+$0x6040] =	vst v0  }
0x8c: {  	v1 =	vld.idx.msk [tilespmem:v61+s2+$0x0], $0xffff;
	_ =	sdelay $0x3  }
0x8d: {  	v63 =	vld [tilespmem:s15+$0x3070]  }
0x8e: {  	[tilespmem:s15+$0x6050] =	vst v1  }
0x8f: {  	v0 =	vld.idx.msk [tilespmem:v62+s2+$0x0], $0xffff;
	_ =	sdelay $0x4  }
0x90: {  	[tilespmem:s15+$0x6060] =	vst v0  }
0x91: {  	v0 =	vld.idx.msk [tilespmem:v63+s2+$0x0], $0xffff;
	_ =	sdelay $0x2  }
0x92: {  	s12 =	sadd.s32 $0x1, s12  }
0x93: {  	p0 =	sne.s32 s12, s8  }
.Ltmp2:
0x94: {  	[tilespmem:s15+$0x6070] =	vst v0;
	(pc) =	sbr.rel @p0 .LBB2_1-.Ltmp2, $4  }
0x95: {  	[hbm4b:s7+s2] =	stream.linear.scatter [tilespmem:s11], [sflag:$0x1], $0x3000, $0x38;
	[tilespmem:$0x9000] =	vst v63  }
0x96: {  	_ =	swait.ge [sflag:s10], $0x3000  }
0x97: {  	[sflag:s10] =	ssyncset.done $0x0  }
0x98: {  	[sflag:s10] =	ssyncadd.s32 $0xFFFFD000  }
0x99: {  	_ =	sfence.sel $0x180000  }
0x9a: {  	[bflag:$0x0] =	sbarrier.arrive $0xFFFF  }
0x9b: {  	p0 =	sne.s32 s0, $0x0;
	_ =	strace $0x90000047  }
0x9c: {  	s0 =	sadd.s32 @!p0 $0x100000, s1;
	[bflag:$0x2] =	sbarrier.arrive $0xFFFF  }
0x9d: {  	[sflag:s0] =	ssyncadd.tile.s32 @!p0 $0x1;
	_ =	shalt  }
.Lfunc_end2:
_tile_overlayer_lowered:
.L_overlay_start_2:
0x9e: {  	(tag) =	ssettag $0x2  }
0x9f: {  	s0 =	rddreg [dreg:$0x0];
	s2 =	stileid.u32  }
0xa0: {  	s1 =	rddreg [dreg:$0x1];
	p0 =	sne.s32 s2, $0x0  }
0xa1: {  	s3 =	rddreg [dreg:$0x2];
	[bflag:$0x3] =	sbarrier.arrive $0xFFFF;
	s2 =	simm.s32 @!p0 $0x1C01  }
0xa2: {  	[timem:s3], [sflag:s2] =	dma.local @!p0 [hbm:s0], s1  }
0xa3: {  	s0 =	simm.s32 @!p0 $0x1  }
0xa4: {  	_ =	swait.ge @!p0 [sflag:s0], s1  }
0xa5: {  	s1 =	ssub.s32 @!p0 $0x0, s1;
	[sflag:s0] =	ssyncset.done @!p0 $0x0  }
0xa6: {  	[sflag:s0] =	ssyncadd.s32 @!p0 s1  }
0xa7: {  	[bflag:$0x3] =	sbarrier.arrive $0xFFFF  }
0xa8: {  	_ =	shalt  }

// kernel: kernel.8.cloned.1.call-start
scs
__scs_entry_jumppad:
0x0: {  	(pc) =	sbr.rel $0x88, $3  }
0x1: {  	(tag) =	ssettag $0x0;
	lr =	simm.s32 $0x1  }
0x2: {  	[smem:$0x3F9F] =	sst lr;
	_ =	strace $0xD0000000  }
0x3: {  	_ = 	snop  }
0x4: {  	_ = 	snop  }
0x5: {  	_ = 	snop  }
0x6: {  	_ = 	snop  }
0x7: {  	_ = 	snop  }
__scs_overlays_trampoline_lowered:
0x8: {  	[smem:$0x3FAE] =	sst s0  }
0x9: {  	[smem:$0x3FAF] =	sst s1  }
0xa: {  	[smem:$0x3FB0] =	sst s2  }
0xb: {  	[smem:$0x3FB1] =	sst s3  }
0xc: {  	[smem:$0x3FB2] =	sst s4  }
0xd: {  	[smem:$0x3FB3] =	sst s5  }
0xe: {  	[smem:$0x3FB4] =	sst s6  }
0xf: {  	[smem:$0x3FB5] =	sst s7  }
0x10: {  	[smem:$0x3FB6] =	sst s8  }
0x11: {  	[smem:$0x3FB7] =	sst s9;
	s0 =	simm.s32 @!p0 $0x0  }
0x12: {  	s1 =	sld [smem:$0x3F9D];
	s0 =	simm.s32 @p0 $0x1  }
0x13: {  	[smem:$0x3FB8] =	sst s0;
	s0 =	simm.s32 @!p1 $0x0  }
0x14: {  	s2 =	sld [smem:$0x3F9C];
	s0 =	simm.s32 @p1 $0x1  }
0x15: {  	[smem:$0x3FB9] =	sst s0;
	s0 =	simm.s32 @!p2 $0x0  }
0x16: {  	s3 =	sld [smem:$0x3FDB];
	s0 =	simm.s32 @p2 $0x1  }
0x17: {  	s4 =	simm.s32 $0x1BF5;
	[smem:$0x3FBB] =	sst s0  }
0x18: {  	s0 =	sld [smem:$0x3F9E];
	_ =	swait.ge [sflag:s4], $0x0  }
0x19: {  	s7 =	sld [smem:$0x3F9F]  }
0x1a: {  	s8 =	sadd.s32 $0xFFFFE003, lr  }
0x1b: {  	s9 =	sadd.s32 $0xFFFFFEF7, lr;
	s5 =	simm.s32 $0xFFFFFFFF;
	p2 =	slt.u32 s8, $0xFFFFF086  }
0x1c: {  	p1 =	slt.u32 s9, $0xF7A;
	s5 =	simm.s32 @!p2 $0x0  }
0x1d: {  	s5 =	simm.s32 @p1 $0x1;
	p0 =	seq.s32 s7, s2  }
0x1e: {  	s7 =	smul.u32 @!p0 $0xF7A, s2;
	p2 =	seq.s32 @!p0 s5, $0x0  }
0x1f: {  	s9 =	smul.u32 $0xF7A, s1;
	s8 =	simm.s32 @!p0 $0x1BF5;
	p2 =	por !p2, p0  }
0x20: {  	[sflag:s8] =	ssyncset.s32 @!p0 $0xFFFFF086;
	s6 =	sadd.s32 @!p0 s3, s7;
	s7 =	simm.s32 @!p0 $0x108  }
0x21: {  	s3 =	sadd.s32 s3, s9;
	s6 =	sadd.s32 @!p0 $0x88, s6;
	s7 =	simm.s32 @p2 $0x1082  }
0x22: {  	[simem:s7], [sflag:s8] =	dma.local @!p0 [hbm:s6], $0xF7A  }
0x23: {  	s9 =	sor.u32 $0xD0000000, s2;
	s6 =	simm.s32 $0x108;
	_ =	swait.ge @!p0 [sflag:s8], $0x0  }
0x24: {  	s3 =	sadd.s32 $0x88, s3;
	s6 =	simm.s32 @!p1 $0x1082;
	[sflag:s4] =	ssyncset.s32 $0xFFFFF086  }
0x25: {  	[simem:s6], [sflag:s4] =	dma.local [hbm:s3], $0xF7A  }
0x26: {  	[smem:$0x3F9F] =	sst s1;
	(tag) =	ssettag s2;
	_ =	strace s9  }
0x27: {  	s1 =	sld [smem:$0x3FAF]  }
0x28: {  	s2 =	sld [smem:$0x3FB0]  }
0x29: {  	s4 =	sld [smem:$0x3FB2]  }
0x2a: {  	p0 =	seq.s32 s5, $0x0;
	s5 =	sld [smem:$0x3FB3]  }
0x2b: {  	s6 =	sld [smem:$0x3FB4]  }
0x2c: {  	s7 =	sld [smem:$0x3FB5]  }
0x2d: {  	s3 =	simm.s32 $0x108;
	s8 =	sld [smem:$0x3FB6]  }
0x2e: {  	s3 =	simm.s32 @!p0 $0x1082;
	s9 =	sld [smem:$0x3FB7]  }
0x2f: {  	lr =	sadd.s32 s0, s3;
	s0 =	sld [smem:$0x3FAE]  }
0x30: {  	s3 =	sld [smem:$0x3FB1]  }
0x31: {  	[smem:$0x3FBA] =	sst s10  }
0x32: {  	s10 =	sld [smem:$0x3FB8];
	_ =	sdelay $0x3  }
0x33: {  	p0 =	seq.s32 s10, $0x1;
	s10 =	sld [smem:$0x3FBA];
	_ =	sdelay $0x3  }
0x34: {  	[smem:$0x3FBA] =	sst s10  }
0x35: {  	s10 =	sld [smem:$0x3FB9];
	_ =	sdelay $0x3  }
0x36: {  	p1 =	seq.s32 s10, $0x1;
	s10 =	sld [smem:$0x3FBA];
	_ =	sdelay $0x3  }
0x37: {  	[smem:$0x3FBA] =	sst s10  }
0x38: {  	s10 =	sld [smem:$0x3FBB]  }
0x39: {  	_ = 	snop;
	(pc) =	sbr.ind lr, $3  }
0x3a: {  	_ = 	snop  }
0x3b: {  	_ = 	snop  }
0x3c: {  	p2 =	seq.s32 s10, $0x1;
	s10 =	sld [smem:$0x3FBA]  }
0x3d: {  	_ =	shalt  }
0x3e: {  	_ =	shalt  }
0x3f: {  	_ =	shalt  }
0x40: {  	_ =	shalt  }
0x41: {  	_ =	shalt  }
0x42: {  	_ =	shalt  }
0x43: {  	_ =	shalt  }
0x44: {  	_ =	shalt  }
0x45: {  	_ =	shalt  }
0x46: {  	_ =	shalt  }
0x47: {  	_ =	shalt  }
0x48: {  	_ =	shalt  }
0x49: {  	_ =	shalt  }
0x4a: {  	_ =	shalt  }
0x4b: {  	_ =	shalt  }
0x4c: {  	_ =	shalt  }
0x4d: {  	_ =	shalt  }
0x4e: {  	_ =	shalt  }
0x4f: {  	_ =	shalt  }
0x50: {  	_ =	shalt  }
0x51: {  	_ =	shalt  }
0x52: {  	_ =	shalt  }
0x53: {  	_ =	shalt  }
0x54: {  	_ =	shalt  }
0x55: {  	_ =	shalt  }
0x56: {  	_ =	shalt  }
0x57: {  	_ =	shalt  }
0x58: {  	_ =	shalt  }
0x59: {  	_ =	shalt  }
0x5a: {  	_ =	shalt  }
0x5b: {  	_ =	shalt  }
0x5c: {  	_ =	shalt  }
0x5d: {  	_ =	shalt  }
0x5e: {  	_ =	shalt  }
0x5f: {  	_ =	shalt  }
0x60: {  	_ =	shalt  }
0x61: {  	_ =	shalt  }
0x62: {  	_ =	shalt  }
0x63: {  	_ =	shalt  }
0x64: {  	_ =	shalt  }
0x65: {  	_ =	shalt  }
0x66: {  	_ =	shalt  }
0x67: {  	_ =	shalt  }
0x68: {  	_ =	shalt  }
0x69: {  	_ =	shalt  }
0x6a: {  	_ =	shalt  }
0x6b: {  	_ =	shalt  }
0x6c: {  	_ =	shalt  }
0x6d: {  	_ =	shalt  }
0x6e: {  	_ =	shalt  }
0x6f: {  	_ =	shalt  }
0x70: {  	_ =	shalt  }
0x71: {  	_ =	shalt  }
0x72: {  	_ =	shalt  }
0x73: {  	_ =	shalt  }
0x74: {  	_ =	shalt  }
0x75: {  	_ =	shalt  }
0x76: {  	_ =	shalt  }
0x77: {  	_ =	shalt  }
0x78: {  	_ =	shalt  }
0x79: {  	_ =	shalt  }
0x7a: {  	_ =	shalt  }
0x7b: {  	_ =	shalt  }
0x7c: {  	_ =	shalt  }
0x7d: {  	_ =	shalt  }
0x7e: {  	_ =	shalt  }
0x7f: {  	_ =	shalt  }
0x80: {  	_ =	shalt  }
0x81: {  	_ =	shalt  }
0x82: {  	_ =	shalt  }
0x83: {  	_ =	shalt  }
0x84: {  	_ =	shalt  }
0x85: {  	_ =	shalt  }
0x86: {  	_ =	shalt  }
0x87: {  	_ =	shalt  }
.Lfunc_end0:
.L_simem_size_0:
called_computation.1_lowered:
.L_overlay_start_0:
0x88: {  	s2 =	sld [smem:$0x3FD9]  }
0x89: {  	s3 =	sld [smem:$0x3FFE];
	_ =	sdelay $0x1  }
0x8a: {  	s1 =	srdreg.scid  }
0x8b: {  	s0 =	sand.u32 $0x1, s1  }
0x8c: {  	s17 =	sshll.u32 s0, $0xA;
	s2 =	sadd.s32 s3, s2  }
0x8d: {  	s2 =	sadd.s32 s2, s17  }
0x8e: {  	[smem:$0x3FC6] =	sst s2  }
0x8f: {  	_ = 	snop  }
0x90: {  	s2 =	sld [smem:$0x3FD0];
	(tm) =	ssettm $0x1  }
0x91: {  	s18 =	sld [smem:$0x3FFB];
	_ =	sdelay $0x3  }
0x92: {  	_ =	strace s18  }
0x93: {  	s3 =	sld [smem:$0x3FFC];
	_ =	sdelay $0x3  }
0x94: {  	_ =	strace s3  }
0x95: {  	s3 =	sld [smem:$0x3FFD];
	_ =	sdelay $0x3  }
0x96: {  	_ =	strace s3  }
0x97: {  	_ =	strace $0x8FFFFFFF  }
0x98: {  	s19 =	sld [smem:$0x3FDB];
	_ =	sdelay $0x1  }
0x99: {  	s4 =	simm.s32 $_scs_section_size  }
0x9a: {  	s5 =	simm.s32 $_size__tile_overlayer_lowered;
	s6 =	simm.s32 $_tile_overlayer_lowered  }
0x9b: {  	s22 =	simm.s32 $0x1BFF;
	s21 =	sshll.u32 s6, $0x1;
	s3 =	sadd.s32 s4, s19  }
0x9c: {  	s7 =	simm.s32 $0x0;
	s20 =	sshll.u32 s5, $0x1;
	s5 =	sadd.s32 s21, s3  }
0x9d: {  	[timem:s7], [sflag:s22] =	dma.local [hbm:s5], s20  }
0x9e: {  	_ =	swait.ge [sflag:s22], s20  }
0x9f: {  	s4 =	ssub.s32 $0x0, s20;
	[sflag:s22] =	ssyncset.done $0x0  }
0xa0: {  	[sflag:s22] =	ssyncadd.s32 s4;
	_ =	sdelay $0x1  }
0xa1: {  	s23 =	simm.s32 $0x1B8B  }
0xa2: {  	_ =	swait.ge [sflag:s23], $0x1  }
0xa3: {  	[sflag:s23] =	ssyncset.done $0x0  }
0xa4: {  	s25 =	simm.s32 $0x1B8E;
	s24 =	sld [smem:$0x3FFE];
	[sflag:s23] =	ssyncadd.s32 $0xFFFFFFFF  }
0xa5: {  	s26 =	simm.s32 $execute0_lowered;
	[smem:$0x3FD2] =	sst s25  }
0xa6: {  	s5 =	sshll.u32 s26, $0x1;
	_ =	strace $0x80000049;
	[dreg:$0x1] =	wrdreg $0xFFFFFFFF  }
0xa7: {  	s28 =	simm.s32 $_size_execute0_lowered;
	s3 =	sadd.s32 s3, s5;
	[dreg:$0x0] =	wrdreg $0x0  }
0xa8: {  	s5 =	sshll.u32 s28, $0x1;
	[dreg:$0x2] =	wrdreg s3  }
0xa9: {  	[dreg:$0x3] =	wrdreg s5  }
0xaa: {  	[dreg:$0x4] =	wrdreg $0xC0  }
0xab: {  	_ =	task [dreg:s7], $0x5FFFF  }
0xac: {  	[dreg:$0x1] =	wrdreg $0xFFFFFFFF  }
0xad: {  	[dreg:$0x0] =	wrdreg $0x60  }
0xae: {  	[dreg:$0x2] =	wrdreg s24  }
0xaf: {  	[dreg:$0x3] =	wrdreg s2  }
0xb0: {  	[dreg:$0x4] =	wrdreg $0x9  }
0xb1: {  	_ =	task.clear_ibuf [dreg:s7], $0x5FFFF;
	_ =	strace $0x90000049  }
0xb2: {  	s29 =	simm.s32 $0x9;
	_ =	strace $0x8000004B  }
0xb3: {  	_ =	swait.ge [sflag:s29], $0x1  }
0xb4: {  	[sflag:s29] =	ssyncadd.s32 $0xFFFFFFFF  }
0xb5: {  	_ =	strace $0x9000004B  }
0xb6: {  	_ =	sfence  }
0xb7: {  	s30 =	sld [smem:$0x0];
	_ =	sdelay $0x2  }
0xb8: {  	s31 =	sshll.u32 s1, $0xD;
	s1 =	sshrl.u32 s1, $0x2  }
0xb9: {  	s3 =	sand.u32 $0x4000, s31;
	s1 =	sadd.s32 s1, s30  }
0xba: {  	s0 =	sor.u32 s3, s0;
	s1 =	sshll.u32 s1, $0x11  }
0xbb: {  	s0 =	sor.u32 s1, s0  }
0xbc: {  	s0 =	sadd.s32 $0x8F2B, s0  }
0xbd: {  	[sflag:s0] =	ssyncadd.remote.s32 $0x1  }
0xbe: {  	_ =	sfence.sel $0xFFFF  }
0xbf: {  	[dreg:$0x0] =	wrdreg $0xFFFFFFFF;
	(pc) =	sbr.abs _section_cstart, $3  }
0xc0: {  	[dreg:$0x1] =	wrdreg $0xFFFFFFFF  }
0xc1: {  	_ =	task.clear_ibuf [dreg:s7], $0x2FFFF;
	_ =	strace $0x9FFFFFFF  }
0xc2: {  	(tm) =	ssettm $0x7FFFFFFF  }
0xc3: {  	_ =	shalt  }
tec
execute0_lowered:
.L_overlay_start_1:
0x0: {  	(tag) =	ssettag $0x1  }
0x1: {  	s4 =	rddreg [dreg:$0x0]  }
0x2: {  	s5 =	rddreg [dreg:$0x1]  }
0x3: {  	s0 =	rddreg [dreg:$0x2];
	s3 =	srdreg.scid  }
0x4: {  	s2 =	simm.s32 $0x0;
	s1 =	stileid.u32;
	s10 =	simm.s32 $0x1080  }
0x5: {  	s11 =	simm.s32 $0x1880;
	s12 =	simm.s32 $0x2080;
	s13 =	simm.s32 $0x2880  }
0x6: {  	s14 =	simm.s32 $0x3080;
	s15 =	simm.s32 $0x3880;
	s16 =	simm.s32 $0x4080  }
0x7: {  	s17 =	simm.s32 $0x4880;
	s18 =	simm.s32 $0x5080;
	s19 =	simm.s32 $0x5880  }
0x8: {  	s20 =	simm.s32 $0x6080;
	s21 =	simm.s32 $0x6880;
	s22 =	simm.s32 $0x7080  }
0x9: {  	s23 =	simm.s32 $0x7880;
	s24 =	simm.s32 $0x1;
	s3 =	sand.u32 $0x1, s3  }
0xa: {  	[smem:$0x7FF] =	sst s2;
	s6 =	sshll.u32 s1, $0x8;
	s7 =	sshll.u32 s3, $0x7  }
0xb: {  	_ =	strace $0x8000004A;
	s30 =	ssub.s32 $0x2, s3;
	s6 =	sor.u32 s7, s6  }
0xc: {  	s3 =	sadd.s32 $0x19400, s4;
	s9 =	sshrl.u32 s30, $0x1;
	s8 =	sshll.u32 s6, $0x5  }
0xd: {  	v2 =	vlaneseq.u32;
	s7 =	ssub.s32 s30, s9;
	s31 =	sshrl.u32 s6, $0x3;
	s9 =	simm.s32 $0x880  }
0xe: {  	vm0 =	vmmov $0xffff;
	v1 =	vshrl.u32 v2, $0x3;
	s8 =	sadd.s32 s8, s4;
	s4 =	sadd.s32 s5, s31;
	s6 =	smax.u32 s7, $0x1  }
0xf: {  	v0 =	vand.u32 $0x7, v2;
	v2 =	vor.u32 $0x8, v2;
	v1 =	vmul.u32 $0x8, v1;
	s7 =	simm.s32 $0x2;
	s5 =	sadd.s32 $0x59400, s8;
	s8 =	simm.s32 $0x80  }
.LBB2_1:
0x10: {  	[tilespmem:s2], [sflag:$0x2] =	stream.linear.gather [hbm4b:s4+s2], $0x80, $0x38;
	[tilespmem:$0x8080] =	vst v63  }
0x11: {  	_ =	swait.ge [sflag:s7], $0x80  }
0x12: {  	[sflag:s7] =	ssyncset.done $0x0  }
0x13: {  	[sflag:s7] =	ssyncadd.s32 $0xFFFFFF80  }
0x14: {  	v3 =	vld [tilespmem:$0x0];
	_ =	sdelay $0x4  }
0x15: {  	v4 =	vshll.u32 v3, $0x1  }
0x16: {  	v3 =	vand.u32 $0x7, v3;
	v4 =	vand.u32 $0xFFFFFFF0, v4  }
0x17: {  	v3 =	vor.u32 v3, v4  }
0x18: {  	v4 =	vperm.xlane v3, v0;
	_ =	sdelay $0x1  }
0x19: {  	v3 =	vperm.xlane v3, v2;
	v4 =	vadd.s32 v1, v4;
	_ =	sdelay $0x1  }
0x1a: {  	v3 =	vadd.s32 v1, v3;
	_ =	sdelay $0x2  }
0x1b: {  	[tilespmem:s8], [sflag:$0x1] =	stream.indirect_vreg.gather [hbm4b:s3+s2], $0x80, v4, vm0, $0xb8;
	[tilespmem:$0x8080] =	vst v63  }
0x1c: {  	_ = 	snop  }
0x1d: {  	[tilespmem:s9], [sflag:$0x1] =	stream.indirect_vreg.gather [hbm4b:s3+s2], $0x80, v3, vm0, $0xb8;
	[tilespmem:$0x8080] =	vst v63  }
0x1e: {  	v3 =	vld [tilespmem:$0x10];
	_ =	sdelay $0x4  }
0x1f: {  	v57 =	vshll.u32 v3, $0x1  }
0x20: {  	v3 =	vand.u32 $0x7, v3;
	v4 =	vand.u32 $0xFFFFFFF0, v57  }
0x21: {  	v3 =	vor.u32 v3, v4  }
0x22: {  	v4 =	vperm.xlane v3, v0;
	_ =	sdelay $0x1  }
0x23: {  	v3 =	vperm.xlane v3, v2;
	v4 =	vadd.s32 v1, v4;
	_ =	sdelay $0x1  }
0x24: {  	v3 =	vadd.s32 v1, v3;
	_ =	sdelay $0x2  }
0x25: {  	[tilespmem:s10], [sflag:$0x1] =	stream.indirect_vreg.gather [hbm4b:s3+s2], $0x80, v4, vm0, $0xb8;
	[tilespmem:$0x8080] =	vst v63  }
0x26: {  	_ = 	snop  }
0x27: {  	[tilespmem:s11], [sflag:$0x1] =	stream.indirect_vreg.gather [hbm4b:s3+s2], $0x80, v3, vm0, $0xb8;
	[tilespmem:$0x8080] =	vst v63  }
0x28: {  	v3 =	vld [tilespmem:$0x20];
	_ =	sdelay $0x4  }
0x29: {  	v58 =	vshll.u32 v3, $0x1  }
0x2a: {  	v3 =	vand.u32 $0x7, v3;
	v4 =	vand.u32 $0xFFFFFFF0, v58  }
0x2b: {  	v3 =	vor.u32 v3, v4  }
0x2c: {  	v4 =	vperm.xlane v3, v0;
	_ =	sdelay $0x1  }
0x2d: {  	v3 =	vperm.xlane v3, v2;
	v4 =	vadd.s32 v1, v4;
	_ =	sdelay $0x1  }
0x2e: {  	v3 =	vadd.s32 v1, v3;
	_ =	sdelay $0x2  }
0x2f: {  	[tilespmem:s12], [sflag:$0x1] =	stream.indirect_vreg.gather [hbm4b:s3+s2], $0x80, v4, vm0, $0xb8;
	[tilespmem:$0x8080] =	vst v63  }
0x30: {  	_ = 	snop  }
0x31: {  	[tilespmem:s13], [sflag:$0x1] =	stream.indirect_vreg.gather [hbm4b:s3+s2], $0x80, v3, vm0, $0xb8;
	[tilespmem:$0x8080] =	vst v63  }
0x32: {  	v3 =	vld [tilespmem:$0x30];
	_ =	sdelay $0x4  }
0x33: {  	v59 =	vshll.u32 v3, $0x1  }
0x34: {  	v3 =	vand.u32 $0x7, v3;
	v4 =	vand.u32 $0xFFFFFFF0, v59  }
0x35: {  	v3 =	vor.u32 v3, v4  }
0x36: {  	v4 =	vperm.xlane v3, v0;
	_ =	sdelay $0x1  }
0x37: {  	v3 =	vperm.xlane v3, v2;
	v4 =	vadd.s32 v1, v4;
	_ =	sdelay $0x1  }
0x38: {  	v3 =	vadd.s32 v1, v3;
	_ =	sdelay $0x2  }
0x39: {  	[tilespmem:s14], [sflag:$0x1] =	stream.indirect_vreg.gather [hbm4b:s3+s2], $0x80, v4, vm0, $0xb8;
	[tilespmem:$0x8080] =	vst v63  }
0x3a: {  	_ = 	snop  }
0x3b: {  	[tilespmem:s15], [sflag:$0x1] =	stream.indirect_vreg.gather [hbm4b:s3+s2], $0x80, v3, vm0, $0xb8;
	[tilespmem:$0x8080] =	vst v63  }
0x3c: {  	v3 =	vld [tilespmem:$0x40];
	_ =	sdelay $0x4  }
0x3d: {  	v60 =	vshll.u32 v3, $0x1  }
0x3e: {  	v3 =	vand.u32 $0x7, v3;
	v4 =	vand.u32 $0xFFFFFFF0, v60  }
0x3f: {  	v3 =	vor.u32 v3, v4  }
0x40: {  	v4 =	vperm.xlane v3, v0;
	_ =	sdelay $0x1  }
0x41: {  	v3 =	vperm.xlane v3, v2;
	v4 =	vadd.s32 v1, v4;
	_ =	sdelay $0x1  }
0x42: {  	v3 =	vadd.s32 v1, v3;
	_ =	sdelay $0x2  }
0x43: {  	[tilespmem:s16], [sflag:$0x1] =	stream.indirect_vreg.gather [hbm4b:s3+s2], $0x80, v4, vm0, $0xb8;
	[tilespmem:$0x8080] =	vst v63  }
0x44: {  	_ = 	snop  }
0x45: {  	[tilespmem:s17], [sflag:$0x1] =	stream.indirect_vreg.gather [hbm4b:s3+s2], $0x80, v3, vm0, $0xb8;
	[tilespmem:$0x8080] =	vst v63  }
0x46: {  	v3 =	vld [tilespmem:$0x50];
	_ =	sdelay $0x4  }
0x47: {  	v61 =	vshll.u32 v3, $0x1  }
0x48: {  	v3 =	vand.u32 $0x7, v3;
	v4 =	vand.u32 $0xFFFFFFF0, v61  }
0x49: {  	v3 =	vor.u32 v3, v4  }
0x4a: {  	v4 =	vperm.xlane v3, v0;
	_ =	sdelay $0x1  }
0x4b: {  	v3 =	vperm.xlane v3, v2;
	v4 =	vadd.s32 v1, v4;
	_ =	sdelay $0x1  }
0x4c: {  	v3 =	vadd.s32 v1, v3;
	_ =	sdelay $0x2  }
0x4d: {  	[tilespmem:s18], [sflag:$0x1] =	stream.indirect_vreg.gather [hbm4b:s3+s2], $0x80, v4, vm0, $0xb8;
	[tilespmem:$0x8080] =	vst v63  }
0x4e: {  	_ = 	snop  }
0x4f: {  	[tilespmem:s19], [sflag:$0x1] =	stream.indirect_vreg.gather [hbm4b:s3+s2], $0x80, v3, vm0, $0xb8;
	[tilespmem:$0x8080] =	vst v63  }
0x50: {  	v3 =	vld [tilespmem:$0x60];
	_ =	sdelay $0x4  }
0x51: {  	v62 =	vshll.u32 v3, $0x1  }
0x52: {  	v3 =	vand.u32 $0x7, v3;
	v4 =	vand.u32 $0xFFFFFFF0, v62  }
0x53: {  	v3 =	vor.u32 v3, v4  }
0x54: {  	v4 =	vperm.xlane v3, v0;
	_ =	sdelay $0x1  }
0x55: {  	v3 =	vperm.xlane v3, v2;
	v4 =	vadd.s32 v1, v4;
	_ =	sdelay $0x1  }
0x56: {  	v3 =	vadd.s32 v1, v3;
	_ =	sdelay $0x2  }
0x57: {  	[tilespmem:s20], [sflag:$0x1] =	stream.indirect_vreg.gather [hbm4b:s3+s2], $0x80, v4, vm0, $0xb8;
	[tilespmem:$0x8080] =	vst v63  }
0x58: {  	_ = 	snop  }
0x59: {  	[tilespmem:s21], [sflag:$0x1] =	stream.indirect_vreg.gather [hbm4b:s3+s2], $0x80, v3, vm0, $0xb8;
	[tilespmem:$0x8080] =	vst v63  }
0x5a: {  	v3 =	vld [tilespmem:$0x70];
	_ =	sdelay $0x4  }
0x5b: {  	v63 =	vshll.u32 v3, $0x1  }
0x5c: {  	v3 =	vand.u32 $0x7, v3;
	v4 =	vand.u32 $0xFFFFFFF0, v63  }
0x5d: {  	v3 =	vor.u32 v3, v4  }
0x5e: {  	v4 =	vperm.xlane v3, v0;
	_ =	sdelay $0x1  }
0x5f: {  	v3 =	vperm.xlane v3, v2;
	v4 =	vadd.s32 v1, v4;
	_ =	sdelay $0x1  }
0x60: {  	v3 =	vadd.s32 v1, v3;
	_ =	sdelay $0x2  }
0x61: {  	[tilespmem:s22], [sflag:$0x1] =	stream.indirect_vreg.gather [hbm4b:s3+s2], $0x80, v4, vm0, $0xb8;
	[tilespmem:$0x8080] =	vst v63  }
0x62: {  	_ = 	snop  }
0x63: {  	[tilespmem:s23], [sflag:$0x1] =	stream.indirect_vreg.gather [hbm4b:s3+s2], $0x80, v3, vm0, $0xb8;
	[tilespmem:$0x8080] =	vst v63  }
0x64: {  	_ =	swait.ge [sflag:s24], $0x8000  }
0x65: {  	p0 =	sne.s32 s6, $0x1;
	[sflag:s24] =	ssyncset.done $0x0  }
.Ltmp0:
0x66: {  	[sflag:s24] =	ssyncadd.s32 $0xFFFF8000;
	(pc) =	sbr.rel @p0 .LBB2_1-.Ltmp0, $4  }
0x67: {  	[hbm4b:s5+s2] =	stream.linear.scatter [tilespmem:s8], [sflag:$0x2], $0x8000, $0x38;
	[tilespmem:$0x8080] =	vst v63  }
0x68: {  	_ =	swait.ge [sflag:s7], $0x8000  }
0x69: {  	[sflag:s7] =	ssyncset.done $0x0  }
0x6a: {  	s6 =	sadd.s32 $0xFFFFFFFF, s6;
	[sflag:s7] =	ssyncadd.s32 $0xFFFF8000  }
0x6b: {  	_ =	sfence.sel $0x180000  }
0x6c: {  	[bflag:$0x0] =	sbarrier.arrive $0xFFFF  }
0x6d: {  	p0 =	sne.s32 s1, $0x0;
	_ =	strace $0x9000004A  }
0x6e: {  	s0 =	sadd.s32 @!p0 $0x100000, s0;
	[bflag:$0x2] =	sbarrier.arrive $0xFFFF  }
0x6f: {  	[sflag:s0] =	ssyncadd.tile.s32 @!p0 $0x1;
	_ =	shalt  }
.Lfunc_end2:
_tile_overlayer_lowered:
.L_overlay_start_2:
0x70: {  	(tag) =	ssettag $0x2  }
0x71: {  	s0 =	rddreg [dreg:$0x0];
	s2 =	stileid.u32  }
0x72: {  	s1 =	rddreg [dreg:$0x1];
	p0 =	sne.s32 s2, $0x0  }
0x73: {  	s3 =	rddreg [dreg:$0x2];
	[bflag:$0x3] =	sbarrier.arrive $0xFFFF;
	s2 =	simm.s32 @!p0 $0x1C02  }
0x74: {  	[timem:s3], [sflag:s2] =	dma.local @!p0 [hbm:s0], s1  }
0x75: {  	s0 =	simm.s32 @!p0 $0x2  }
0x76: {  	_ =	swait.ge @!p0 [sflag:s0], s1  }
0x77: {  	s1 =	ssub.s32 @!p0 $0x0, s1;
	[sflag:s0] =	ssyncset.done @!p0 $0x0  }
0x78: {  	[sflag:s0] =	ssyncadd.s32 @!p0 s1  }
0x79: {  	[bflag:$0x3] =	sbarrier.arrive $0xFFFF  }
0x7a: {  	_ =	shalt  }

</sc_bundles>
